<compile_context>
chip_gen: v7x
topology: tpu7x:2x2x1
jax: 0.10.2.dev20260603
libtpu: 0.0.44.dev20260713+nightly
codegen_flags: <defaults>
</compile_context>

<pallas_src>
import functools

import jax
import jax.numpy as jnp
from jax import lax
from jax.experimental import pallas as pl
from jax.experimental.pallas import tpu as pltpu
from jax.experimental.pallas import tpu_sc as plsc

B = 256
NCHUNK = 4


def _routing(species, n_species, n_pad, nblk):
    n = species.shape[0]
    oh = (species[:, None] == jnp.arange(n_species, dtype=species.dtype)[None, :]
          ).astype(jnp.int32)
    counts = jnp.sum(oh, axis=0)
    pad_counts = ((counts + B - 1) // B) * B
    ends = jnp.cumsum(pad_counts)
    offs = ends - pad_counts
    rstarts = jnp.cumsum(counts) - counts
    sorted_ids = jnp.argsort(species, stable=True).astype(jnp.int32)
    block_start = jnp.arange(nblk, dtype=jnp.int32) * B
    bspec = jnp.sum((block_start[:, None] >= ends[None, :]).astype(jnp.int32),
                    axis=1)
    bspec = jnp.minimum(bspec, n_species - 1).astype(jnp.int32)
    valid = jnp.clip((offs + counts)[bspec] - block_start, 0, B).astype(jnp.int32)
    p = jnp.arange(n_pad, dtype=jnp.int32)
    s_of_p = jnp.repeat(bspec, B)
    local = p - offs[s_of_p]
    validp = local < counts[s_of_p]
    r = rstarts[s_of_p] + local
    r = jnp.where(validp, r, p % n)
    gidx = jnp.take(sorted_ids, jnp.minimum(r, n - 1))
    return gidx, bspec, valid


def _sc_gather(aev, gidx_slice, n_rows, d, dtype=jnp.float32):
    info = plsc.get_sparse_core_info()
    nw = info.num_cores * info.num_subcores
    b_per_w = n_rows // nw
    ch = 24
    nch = b_per_w // ch
    assert b_per_w % ch == 0
    mesh = plsc.VectorSubcoreMesh(core_axis_name="c", subcore_axis_name="s")

    @functools.partial(
        pl.kernel, mesh=mesh,
        out_type=jax.ShapeDtypeStruct((n_rows, d), dtype),
        scratch_types=[
            pltpu.VMEM((b_per_w,), jnp.int32),
            pltpu.VMEM((ch, d), dtype),
            pltpu.VMEM((ch, d), dtype),
            pltpu.VMEM((ch, d), dtype),
            pltpu.SemaphoreType.DMA,
            pltpu.SemaphoreType.DMA,
            pltpu.SemaphoreType.DMA,
            pltpu.SemaphoreType.DMA,
            pltpu.SemaphoreType.DMA,
            pltpu.SemaphoreType.DMA,
        ],
    )
    def gather_k(aev_hbm, gidx_hbm, out_hbm, idx_v, b0, b1, b2,
                 gs0, gs1, gs2, ws0, ws1, ws2):
        bufs = (b0, b1, b2)
        gsems = (gs0, gs1, gs2)
        wsems = (ws0, ws1, ws2)
        wid = lax.axis_index("s") * info.num_cores + lax.axis_index("c")
        base = wid * b_per_w
        pltpu.sync_copy(gidx_hbm.at[pl.ds(base, b_per_w)], idx_v)

        def g_start(j, buf, sem):
            pltpu.async_copy(aev_hbm.at[idx_v.at[pl.ds(j * ch, ch)]], buf, sem)

        def g_wait(buf, sem):
            pltpu.make_async_copy(aev_hbm.at[pl.ds(0, ch)], buf, sem).wait()

        def w_start(j, buf, sem):
            pltpu.async_copy(buf, out_hbm.at[pl.ds(base + j * ch, ch)], sem)

        def w_wait(buf, sem):
            pltpu.make_async_copy(buf, out_hbm.at[pl.ds(base, ch)], sem).wait()

        for j in range(min(3, nch)):
            g_start(j, bufs[j % 3], gsems[j % 3])
        for j in range(nch):
            b = j % 3
            g_wait(bufs[b], gsems[b])
            w_start(j, bufs[b], wsems[b])
            if j + 3 < nch:
                w_wait(bufs[b], wsems[b])
                g_start(j + 3, bufs[b], gsems[b])
        for j in range(max(0, nch - 3), nch):
            w_wait(bufs[j % 3], wsems[j % 3])

    return gather_k(aev, gidx_slice)


def _tc_mlp(sorted_aev, bspec, valid, W1h, W1l, b1, W2h, W2l, b2, W3r, b3, nblk):
    kh = W1h.shape[1]
    h1 = W1h.shape[2]
    h2 = W2h.shape[2]

    dn = (((1,), (0,)), ((), ()))

    def dot3(a, wh_ref, wl_ref):
        ah = lax.bitcast_convert_type(
            lax.bitwise_and(lax.bitcast_convert_type(a, jnp.int32),
                            jnp.int32(-65536)),
            jnp.float32).astype(jnp.bfloat16)
        del wl_ref
        return lax.dot_general(ah, wh_ref[0], dn,
                               preferred_element_type=jnp.float32)

    def body(bs_ref, valid_ref, x_ref, w1h_ref, w1l_ref, b1_ref, w2h_ref,
             w2l_ref, b2_ref, w3_ref, b3_ref, out_ref):
        i = pl.program_id(0)
        v = valid_ref[i]
        x = x_ref[...]
        h = dot3(x, w1h_ref, w1l_ref) + b1_ref[0]
        h = jnp.where(h > 0, h, jnp.exp(h) - 1.0)
        g = dot3(h, w2h_ref, w2l_ref) + b2_ref[0]
        g = jnp.where(g > 0, g, jnp.exp(g) - 1.0)
        rows = lax.broadcasted_iota(jnp.int32, (B, h2), 0)
        maskw = jnp.where(rows < v, 1.0, 0.0)
        g = g * maskw
        colsum = jnp.sum(g, axis=0, keepdims=True)
        cnt = jnp.sum(maskw, axis=0, keepdims=True)
        es = jnp.sum(colsum * w3_ref[0] + cnt * b3_ref[0], axis=1,
                     keepdims=True)

        @pl.when(i == 0)
        def _():
            out_ref[...] = jnp.zeros_like(out_ref)

        out_ref[...] += es

    grid_spec = pltpu.PrefetchScalarGridSpec(
        num_scalar_prefetch=2,
        grid=(nblk,),
        in_specs=[
            pl.BlockSpec((B, kh), lambda i, bs, vl: (i, 0)),
            pl.BlockSpec((1, kh, h1), lambda i, bs, vl: (bs[i], 0, 0)),
            pl.BlockSpec((1, kh, h1), lambda i, bs, vl: (bs[i], 0, 0)),
            pl.BlockSpec((1, 1, h1), lambda i, bs, vl: (bs[i], 0, 0)),
            pl.BlockSpec((1, h1, h2), lambda i, bs, vl: (bs[i], 0, 0)),
            pl.BlockSpec((1, h1, h2), lambda i, bs, vl: (bs[i], 0, 0)),
            pl.BlockSpec((1, 1, h2), lambda i, bs, vl: (bs[i], 0, 0)),
            pl.BlockSpec((1, 1, h2), lambda i, bs, vl: (bs[i], 0, 0)),
            pl.BlockSpec((1, 1, h2), lambda i, bs, vl: (bs[i], 0, 0)),
        ],
        out_specs=pl.BlockSpec((1, 1), lambda i, bs, vl: (0, 0)),
    )
    return pl.pallas_call(
        body,
        grid_spec=grid_spec,
        out_shape=jax.ShapeDtypeStruct((1, 1), jnp.float32),
        compiler_params=pltpu.CompilerParams(
            dimension_semantics=("arbitrary",)),
    )(bspec, valid, sorted_aev, W1h, W1l, b1, W2h, W2l, b2, W3r, b3)


def kernel(aev, W1, b1, W2, b2, W3, b3, species):
    n, d = aev.shape
    n_species = W1.shape[0]
    nblk = n // B + n_species
    if nblk == 132:
        chunks = [33, 33, 33, 33]
    else:
        nblk += (-nblk) % NCHUNK
        chunks = [nblk // NCHUNK] * NCHUNK
    n_pad = nblk * B
    gidx, bspec, valid = _routing(species, n_species, n_pad, nblk)
    def _trunc_bf16(w):
        return lax.bitcast_convert_type(
            lax.bitwise_and(lax.bitcast_convert_type(w, jnp.int32),
                            jnp.int32(-65536)),
            jnp.float32).astype(jnp.bfloat16)
    W1h = _trunc_bf16(W1)
    W1l = W1h
    W2h = _trunc_bf16(W2)
    W2l = W2h
    b1r = b1.reshape(n_species, 1, -1)
    b2r = b2.reshape(n_species, 1, -1)
    W3r = W3.reshape(n_species, 1, -1)
    h2 = W2.shape[2]
    b3r = jnp.broadcast_to(b3.reshape(n_species, 1, 1) / h2,
                           (n_species, 1, h2))
    total = None
    blk0 = 0
    for nb in chunks:
        gslice = lax.slice_in_dim(gidx, blk0 * B, (blk0 + nb) * B)
        sorted_c = _sc_gather(aev, gslice, nb * B, d)
        bs_c = lax.slice_in_dim(bspec, blk0, blk0 + nb)
        vl_c = lax.slice_in_dim(valid, blk0, blk0 + nb)
        out_c = _tc_mlp(sorted_c, bs_c, vl_c, W1h, W1l, b1r, W2h, W2l,
                        b2r, W3r, b3r, nb)
        total = out_c if total is None else total + out_c
        blk0 += nb
    return total.reshape(1)

# --- scband reference (transcript-rebuilt; emitter-appended) ---
"""Pipeline reference for scband-static-atomic-module-48885317763465 (READ-ONLY COPY).

The authoritative reference and input builder live on the scoring server;
editing this copy changes nothing except your own understanding.
"""

import jax, jax.numpy as jnp
import numpy as np

N_ATOMS = 32768
AEV_DIM = 1024
H1 = 512
H2 = 256
N_SPECIES = 4


def setup_inputs(seed: int = 0) -> dict:
    key = jax.random.key(seed)
    k_aev, k_sp, k_w1, k_w2, k_w3 = jax.random.split(key, 5)
    aev = jax.random.normal(k_aev, (N_ATOMS, AEV_DIM), dtype=jnp.float32)
    species = jax.random.randint(k_sp, (N_ATOMS,), 0, N_SPECIES).astype(jnp.int32)
    # stacked per-species MLP params (one expert network per species: H, C, N, O)
    W1 = jax.random.normal(k_w1, (N_SPECIES, AEV_DIM, H1), dtype=jnp.float32) * 0.02
    b1 = jnp.zeros((N_SPECIES, H1), dtype=jnp.float32)
    W2 = jax.random.normal(k_w2, (N_SPECIES, H1, H2), dtype=jnp.float32) * 0.02
    b2 = jnp.zeros((N_SPECIES, H2), dtype=jnp.float32)
    W3 = jax.random.normal(k_w3, (N_SPECIES, H2, 1), dtype=jnp.float32) * 0.02
    b3 = jnp.zeros((N_SPECIES, 1), dtype=jnp.float32)
    return {"aev": aev, "W1": W1, "b1": b1, "W2": W2, "b2": b2, "W3": W3, "b3": b3, "species": species}


def reference(aev, W1, b1, W2, b2, W3, b3, species):
    # StaticAtomicModule: gather atoms of each species, run that species' MLP,
    # scatter-add per-atom energies back, then sum over atoms -> molecular energy.
    output = jnp.zeros((aev.shape[0],), dtype=aev.dtype)
    for s in range(N_SPECIES):
        mask = species == s
        h = jax.nn.celu(aev @ W1[s] + b1[s])
        h = jax.nn.celu(h @ W2[s] + b2[s])
        e = (h @ W3[s] + b3[s]).reshape(-1)
        output = output + jnp.where(mask, e, jnp.zeros((), dtype=aev.dtype))
    return output[None, :].sum(axis=1)

if __name__ == "__main__":
    import jax
    _d = setup_inputs()
    print(jax.jit(kernel)(*tuple(_d.values())))

</pallas_src>

<mosaic_0001>
#map = affine_map<(d0, d1) -> (0, 0)>
#map1 = affine_map<(d0, d1) -> (0)>
module attributes {stable_mosaic.version = 14 : i64} {
  func.func @gather_k(%arg0: i32, %arg1: i32, %arg2: memref<32768x1024xf32, #tpu.memory_space<hbm>>, %arg3: memref<8448xi32, #tpu.memory_space<hbm>>, %arg4: memref<8448x1024xf32, #tpu.memory_space<hbm>>, %arg5: memref<264xi32, #tpu.memory_space<vmem>>, %arg6: memref<24x1024xf32, #tpu.memory_space<vmem>>, %arg7: memref<24x1024xf32, #tpu.memory_space<vmem>>, %arg8: memref<24x1024xf32, #tpu.memory_space<vmem>>, %arg9: memref<!tpu.dma_semaphore, #tpu.memory_space<semaphore_mem>>, %arg10: memref<!tpu.dma_semaphore, #tpu.memory_space<semaphore_mem>>, %arg11: memref<!tpu.dma_semaphore, #tpu.memory_space<semaphore_mem>>, %arg12: memref<!tpu.dma_semaphore, #tpu.memory_space<semaphore_mem>>, %arg13: memref<!tpu.dma_semaphore, #tpu.memory_space<semaphore_mem>>, %arg14: memref<!tpu.dma_semaphore, #tpu.memory_space<semaphore_mem>>) attributes {dimension_semantics = [#tpu.dimension_semantics<core_parallel>, #tpu.dimension_semantics<subcore_parallel>], iteration_bounds = array<i64: 2, 16>, scalar_prefetch = 0 : i64, scratch_operands = 10 : i64, tpu.core_type = #tpu.core_type<sc_vector_subcore>, window_params = [{transform_indices = #map}, {transform_indices = #map1}, {transform_indices = #map}]} {
    %mul3A = arith.constant 2 : i32
    %mul3A_0 = arith.muli %arg1, %mul3A : i32
    %add3A = arith.addi %mul3A_0, %arg0 : i32
    %mul3A_1 = arith.constant 264 : i32
    %mul3A_2 = arith.muli %add3A, %mul3A_1 : i32
    "tpu.region"() ({
      %run_scoped3A = tpu.sem_alloc : memref<!tpu.dma_semaphore, #tpu.memory_space<semaphore_mem>>
      %dma_start3A_232 = tpu.memref_slice %arg3[%mul3A_2] : memref<8448xi32, #tpu.memory_space<hbm>> -> memref<264xi32, #tpu.memory_space<hbm>>
      %dma_start3A_233 = tpu.memref_slice %arg3[%mul3A_2] : memref<8448xi32, #tpu.memory_space<hbm>> -> memref<264xi32, #tpu.memory_space<hbm>>
      tpu.enqueue_dma source(%dma_start3A_233 : memref<264xi32, #tpu.memory_space<hbm>>) target(%arg5 : memref<264xi32, #tpu.memory_space<vmem>>) target_semaphore(%run_scoped3A : memref<!tpu.dma_semaphore, #tpu.memory_space<semaphore_mem>>)
      %dma_wait3A_234 = tpu.memref_slice %arg3[%mul3A_2] : memref<8448xi32, #tpu.memory_space<hbm>> -> memref<264xi32, #tpu.memory_space<hbm>>
      %dma_wait3A_235 = tpu.memref_slice %arg3[%mul3A_2] : memref<8448xi32, #tpu.memory_space<hbm>> -> memref<264xi32, #tpu.memory_space<hbm>>
      tpu.wait_dma2 semaphore(%run_scoped3A : memref<!tpu.dma_semaphore, #tpu.memory_space<semaphore_mem>>) src(%dma_wait3A_235 : memref<264xi32, #tpu.memory_space<hbm>>) dst(%arg5 : memref<264xi32, #tpu.memory_space<vmem>>)
      tpu.yield
    }) : () -> ()
    %dma_start3A = arith.constant 0 : i32
    %dma_start3A_3 = tpu.memref_slice %arg5[%dma_start3A] : memref<264xi32, #tpu.memory_space<vmem>> -> memref<24xi32, #tpu.memory_space<vmem>>
    %dma_start3A_4 = arith.constant 0 : i32
    %dma_start3A_5 = arith.constant 0 : i32
    %dma_start3A_6 = tpu.memref_slice %arg2[%dma_start3A_4, %dma_start3A_5] : memref<32768x1024xf32, #tpu.memory_space<hbm>> -> memref<32768x1024xf32, #tpu.memory_space<hbm>>
    tpu.enqueue_indirect_dma source(%dma_start3A_6 : memref<32768x1024xf32, #tpu.memory_space<hbm>>) target(%arg6 : memref<24x1024xf32, #tpu.memory_space<vmem>>) offsets(%dma_start3A_3 : memref<24xi32, #tpu.memory_space<vmem>>) semaphore(%arg9 : memref<!tpu.dma_semaphore, #tpu.memory_space<semaphore_mem>>)
    %dma_start3A_7 = arith.constant 24 : i32
    %dma_start3A_8 = tpu.memref_slice %arg5[%dma_start3A_7] : memref<264xi32, #tpu.memory_space<vmem>> -> memref<24xi32, #tpu.memory_space<vmem>>
    %dma_start3A_9 = arith.constant 0 : i32
    %dma_start3A_10 = arith.constant 0 : i32
    %dma_start3A_11 = tpu.memref_slice %arg2[%dma_start3A_9, %dma_start3A_10] : memref<32768x1024xf32, #tpu.memory_space<hbm>> -> memref<32768x1024xf32, #tpu.memory_space<hbm>>
    tpu.enqueue_indirect_dma source(%dma_start3A_11 : memref<32768x1024xf32, #tpu.memory_space<hbm>>) target(%arg7 : memref<24x1024xf32, #tpu.memory_space<vmem>>) offsets(%dma_start3A_8 : memref<24xi32, #tpu.memory_space<vmem>>) semaphore(%arg10 : memref<!tpu.dma_semaphore, #tpu.memory_space<semaphore_mem>>)
    %dma_start3A_12 = arith.constant 48 : i32
    %dma_start3A_13 = tpu.memref_slice %arg5[%dma_start3A_12] : memref<264xi32, #tpu.memory_space<vmem>> -> memref<24xi32, #tpu.memory_space<vmem>>
    %dma_start3A_14 = arith.constant 0 : i32
    %dma_start3A_15 = arith.constant 0 : i32
    %dma_start3A_16 = tpu.memref_slice %arg2[%dma_start3A_14, %dma_start3A_15] : memref<32768x1024xf32, #tpu.memory_space<hbm>> -> memref<32768x1024xf32, #tpu.memory_space<hbm>>
    tpu.enqueue_indirect_dma source(%dma_start3A_16 : memref<32768x1024xf32, #tpu.memory_space<hbm>>) target(%arg8 : memref<24x1024xf32, #tpu.memory_space<vmem>>) offsets(%dma_start3A_13 : memref<24xi32, #tpu.memory_space<vmem>>) semaphore(%arg11 : memref<!tpu.dma_semaphore, #tpu.memory_space<semaphore_mem>>)
    %dma_wait3A = arith.constant 0 : i32
    %dma_wait3A_17 = arith.constant 0 : i32
    %dma_wait3A_18 = tpu.memref_slice %arg2[%dma_wait3A, %dma_wait3A_17] : memref<32768x1024xf32, #tpu.memory_space<hbm>> -> memref<24x1024xf32, #tpu.memory_space<hbm>>
    %dma_wait3A_19 = arith.constant 0 : i32
    %dma_wait3A_20 = arith.constant 0 : i32
    %dma_wait3A_21 = tpu.memref_slice %arg2[%dma_wait3A_19, %dma_wait3A_20] : memref<32768x1024xf32, #tpu.memory_space<hbm>> -> memref<24x1024xf32, #tpu.memory_space<hbm>>
    tpu.wait_dma2 semaphore(%arg9 : memref<!tpu.dma_semaphore, #tpu.memory_space<semaphore_mem>>) src(%dma_wait3A_21 : memref<24x1024xf32, #tpu.memory_space<hbm>>) dst(%arg6 : memref<24x1024xf32, #tpu.memory_space<vmem>>)
    %add3A_22 = arith.constant 0 : i32
    %add3A_23 = arith.addi %mul3A_2, %add3A_22 : i32
    %dma_start3A_24 = arith.constant 0 : i32
    %dma_start3A_25 = tpu.memref_slice %arg4[%add3A_23, %dma_start3A_24] : memref<8448x1024xf32, #tpu.memory_space<hbm>> -> memref<24x1024xf32, #tpu.memory_space<hbm>>
    %dma_start3A_26 = arith.constant 0 : i32
    %dma_start3A_27 = tpu.memref_slice %arg4[%add3A_23, %dma_start3A_26] : memref<8448x1024xf32, #tpu.memory_space<hbm>> -> memref<24x1024xf32, #tpu.memory_space<hbm>>
    tpu.enqueue_dma source(%arg6 : memref<24x1024xf32, #tpu.memory_space<vmem>>) target(%dma_start3A_27 : memref<24x1024xf32, #tpu.memory_space<hbm>>) target_semaphore(%arg12 : memref<!tpu.dma_semaphore, #tpu.memory_space<semaphore_mem>>)
    %dma_wait3A_28 = arith.constant 0 : i32
    %dma_wait3A_29 = tpu.memref_slice %arg4[%mul3A_2, %dma_wait3A_28] : memref<8448x1024xf32, #tpu.memory_space<hbm>> -> memref<24x1024xf32, #tpu.memory_space<hbm>>
    %dma_wait3A_30 = arith.constant 0 : i32
    %dma_wait3A_31 = tpu.memref_slice %arg4[%mul3A_2, %dma_wait3A_30] : memref<8448x1024xf32, #tpu.memory_space<hbm>> -> memref<24x1024xf32, #tpu.memory_space<hbm>>
    tpu.wait_dma2 semaphore(%arg12 : memref<!tpu.dma_semaphore, #tpu.memory_space<semaphore_mem>>) src(%arg6 : memref<24x1024xf32, #tpu.memory_space<vmem>>) dst(%dma_wait3A_31 : memref<24x1024xf32, #tpu.memory_space<hbm>>)
    %dma_start3A_32 = arith.constant 72 : i32
    %dma_start3A_33 = tpu.memref_slice %arg5[%dma_start3A_32] : memref<264xi32, #tpu.memory_space<vmem>> -> memref<24xi32, #tpu.memory_space<vmem>>
    %dma_start3A_34 = arith.constant 0 : i32
    %dma_start3A_35 = arith.constant 0 : i32
    %dma_start3A_36 = tpu.memref_slice %arg2[%dma_start3A_34, %dma_start3A_35] : memref<32768x1024xf32, #tpu.memory_space<hbm>> -> memref<32768x1024xf32, #tpu.memory_space<hbm>>
    tpu.enqueue_indirect_dma source(%dma_start3A_36 : memref<32768x1024xf32, #tpu.memory_space<hbm>>) target(%arg6 : memref<24x1024xf32, #tpu.memory_space<vmem>>) offsets(%dma_start3A_33 : memref<24xi32, #tpu.memory_space<vmem>>) semaphore(%arg9 : memref<!tpu.dma_semaphore, #tpu.memory_space<semaphore_mem>>)
    %dma_wait3A_37 = arith.constant 0 : i32
    %dma_wait3A_38 = arith.constant 0 : i32
    %dma_wait3A_39 = tpu.memref_slice %arg2[%dma_wait3A_37, %dma_wait3A_38] : memref<32768x1024xf32, #tpu.memory_space<hbm>> -> memref<24x1024xf32, #tpu.memory_space<hbm>>
    %dma_wait3A_40 = arith.constant 0 : i32
    %dma_wait3A_41 = arith.constant 0 : i32
    %dma_wait3A_42 = tpu.memref_slice %arg2[%dma_wait3A_40, %dma_wait3A_41] : memref<32768x1024xf32, #tpu.memory_space<hbm>> -> memref<24x1024xf32, #tpu.memory_space<hbm>>
    tpu.wait_dma2 semaphore(%arg10 : memref<!tpu.dma_semaphore, #tpu.memory_space<semaphore_mem>>) src(%dma_wait3A_42 : memref<24x1024xf32, #tpu.memory_space<hbm>>) dst(%arg7 : memref<24x1024xf32, #tpu.memory_space<vmem>>)
    %add3A_43 = arith.constant 24 : i32
    %add3A_44 = arith.addi %mul3A_2, %add3A_43 : i32
    %dma_start3A_45 = arith.constant 0 : i32
    %dma_start3A_46 = tpu.memref_slice %arg4[%add3A_44, %dma_start3A_45] : memref<8448x1024xf32, #tpu.memory_space<hbm>> -> memref<24x1024xf32, #tpu.memory_space<hbm>>
    %dma_start3A_47 = arith.constant 0 : i32
    %dma_start3A_48 = tpu.memref_slice %arg4[%add3A_44, %dma_start3A_47] : memref<8448x1024xf32, #tpu.memory_space<hbm>> -> memref<24x1024xf32, #tpu.memory_space<hbm>>
    tpu.enqueue_dma source(%arg7 : memref<24x1024xf32, #tpu.memory_space<vmem>>) target(%dma_start3A_48 : memref<24x1024xf32, #tpu.memory_space<hbm>>) target_semaphore(%arg13 : memref<!tpu.dma_semaphore, #tpu.memory_space<semaphore_mem>>)
    %dma_wait3A_49 = arith.constant 0 : i32
    %dma_wait3A_50 = tpu.memref_slice %arg4[%mul3A_2, %dma_wait3A_49] : memref<8448x1024xf32, #tpu.memory_space<hbm>> -> memref<24x1024xf32, #tpu.memory_space<hbm>>
    %dma_wait3A_51 = arith.constant 0 : i32
    %dma_wait3A_52 = tpu.memref_slice %arg4[%mul3A_2, %dma_wait3A_51] : memref<8448x1024xf32, #tpu.memory_space<hbm>> -> memref<24x1024xf32, #tpu.memory_space<hbm>>
    tpu.wait_dma2 semaphore(%arg13 : memref<!tpu.dma_semaphore, #tpu.memory_space<semaphore_mem>>) src(%arg7 : memref<24x1024xf32, #tpu.memory_space<vmem>>) dst(%dma_wait3A_52 : memref<24x1024xf32, #tpu.memory_space<hbm>>)
    %dma_start3A_53 = arith.constant 96 : i32
    %dma_start3A_54 = tpu.memref_slice %arg5[%dma_start3A_53] : memref<264xi32, #tpu.memory_space<vmem>> -> memref<24xi32, #tpu.memory_space<vmem>>
    %dma_start3A_55 = arith.constant 0 : i32
    %dma_start3A_56 = arith.constant 0 : i32
    %dma_start3A_57 = tpu.memref_slice %arg2[%dma_start3A_55, %dma_start3A_56] : memref<32768x1024xf32, #tpu.memory_space<hbm>> -> memref<32768x1024xf32, #tpu.memory_space<hbm>>
    tpu.enqueue_indirect_dma source(%dma_start3A_57 : memref<32768x1024xf32, #tpu.memory_space<hbm>>) target(%arg7 : memref<24x1024xf32, #tpu.memory_space<vmem>>) offsets(%dma_start3A_54 : memref<24xi32, #tpu.memory_space<vmem>>) semaphore(%arg10 : memref<!tpu.dma_semaphore, #tpu.memory_space<semaphore_mem>>)
    %dma_wait3A_58 = arith.constant 0 : i32
    %dma_wait3A_59 = arith.constant 0 : i32
    %dma_wait3A_60 = tpu.memref_slice %arg2[%dma_wait3A_58, %dma_wait3A_59] : memref<32768x1024xf32, #tpu.memory_space<hbm>> -> memref<24x1024xf32, #tpu.memory_space<hbm>>
    %dma_wait3A_61 = arith.constant 0 : i32
    %dma_wait3A_62 = arith.constant 0 : i32
    %dma_wait3A_63 = tpu.memref_slice %arg2[%dma_wait3A_61, %dma_wait3A_62] : memref<32768x1024xf32, #tpu.memory_space<hbm>> -> memref<24x1024xf32, #tpu.memory_space<hbm>>
    tpu.wait_dma2 semaphore(%arg11 : memref<!tpu.dma_semaphore, #tpu.memory_space<semaphore_mem>>) src(%dma_wait3A_63 : memref<24x1024xf32, #tpu.memory_space<hbm>>) dst(%arg8 : memref<24x1024xf32, #tpu.memory_space<vmem>>)
    %add3A_64 = arith.constant 48 : i32
    %add3A_65 = arith.addi %mul3A_2, %add3A_64 : i32
    %dma_start3A_66 = arith.constant 0 : i32
    %dma_start3A_67 = tpu.memref_slice %arg4[%add3A_65, %dma_start3A_66] : memref<8448x1024xf32, #tpu.memory_space<hbm>> -> memref<24x1024xf32, #tpu.memory_space<hbm>>
    %dma_start3A_68 = arith.constant 0 : i32
    %dma_start3A_69 = tpu.memref_slice %arg4[%add3A_65, %dma_start3A_68] : memref<8448x1024xf32, #tpu.memory_space<hbm>> -> memref<24x1024xf32, #tpu.memory_space<hbm>>
    tpu.enqueue_dma source(%arg8 : memref<24x1024xf32, #tpu.memory_space<vmem>>) target(%dma_start3A_69 : memref<24x1024xf32, #tpu.memory_space<hbm>>) target_semaphore(%arg14 : memref<!tpu.dma_semaphore, #tpu.memory_space<semaphore_mem>>)
    %dma_wait3A_70 = arith.constant 0 : i32
    %dma_wait3A_71 = tpu.memref_slice %arg4[%mul3A_2, %dma_wait3A_70] : memref<8448x1024xf32, #tpu.memory_space<hbm>> -> memref<24x1024xf32, #tpu.memory_space<hbm>>
    %dma_wait3A_72 = arith.constant 0 : i32
    %dma_wait3A_73 = tpu.memref_slice %arg4[%mul3A_2, %dma_wait3A_72] : memref<8448x1024xf32, #tpu.memory_space<hbm>> -> memref<24x1024xf32, #tpu.memory_space<hbm>>
    tpu.wait_dma2 semaphore(%arg14 : memref<!tpu.dma_semaphore, #tpu.memory_space<semaphore_mem>>) src(%arg8 : memref<24x1024xf32, #tpu.memory_space<vmem>>) dst(%dma_wait3A_73 : memref<24x1024xf32, #tpu.memory_space<hbm>>)
    %dma_start3A_74 = arith.constant 120 : i32
    %dma_start3A_75 = tpu.memref_slice %arg5[%dma_start3A_74] : memref<264xi32, #tpu.memory_space<vmem>> -> memref<24xi32, #tpu.memory_space<vmem>>
    %dma_start3A_76 = arith.constant 0 : i32
    %dma_start3A_77 = arith.constant 0 : i32
    %dma_start3A_78 = tpu.memref_slice %arg2[%dma_start3A_76, %dma_start3A_77] : memref<32768x1024xf32, #tpu.memory_space<hbm>> -> memref<32768x1024xf32, #tpu.memory_space<hbm>>
    tpu.enqueue_indirect_dma source(%dma_start3A_78 : memref<32768x1024xf32, #tpu.memory_space<hbm>>) target(%arg8 : memref<24x1024xf32, #tpu.memory_space<vmem>>) offsets(%dma_start3A_75 : memref<24xi32, #tpu.memory_space<vmem>>) semaphore(%arg11 : memref<!tpu.dma_semaphore, #tpu.memory_space<semaphore_mem>>)
    %dma_wait3A_79 = arith.constant 0 : i32
    %dma_wait3A_80 = arith.constant 0 : i32
    %dma_wait3A_81 = tpu.memref_slice %arg2[%dma_wait3A_79, %dma_wait3A_80] : memref<32768x1024xf32, #tpu.memory_space<hbm>> -> memref<24x1024xf32, #tpu.memory_space<hbm>>
    %dma_wait3A_82 = arith.constant 0 : i32
    %dma_wait3A_83 = arith.constant 0 : i32
    %dma_wait3A_84 = tpu.memref_slice %arg2[%dma_wait3A_82, %dma_wait3A_83] : memref<32768x1024xf32, #tpu.memory_space<hbm>> -> memref<24x1024xf32, #tpu.memory_space<hbm>>
    tpu.wait_dma2 semaphore(%arg9 : memref<!tpu.dma_semaphore, #tpu.memory_space<semaphore_mem>>) src(%dma_wait3A_84 : memref<24x1024xf32, #tpu.memory_space<hbm>>) dst(%arg6 : memref<24x1024xf32, #tpu.memory_space<vmem>>)
    %add3A_85 = arith.constant 72 : i32
    %add3A_86 = arith.addi %mul3A_2, %add3A_85 : i32
    %dma_start3A_87 = arith.constant 0 : i32
    %dma_start3A_88 = tpu.memref_slice %arg4[%add3A_86, %dma_start3A_87] : memref<8448x1024xf32, #tpu.memory_space<hbm>> -> memref<24x1024xf32, #tpu.memory_space<hbm>>
    %dma_start3A_89 = arith.constant 0 : i32
    %dma_start3A_90 = tpu.memref_slice %arg4[%add3A_86, %dma_start3A_89] : memref<8448x1024xf32, #tpu.memory_space<hbm>> -> memref<24x1024xf32, #tpu.memory_space<hbm>>
    tpu.enqueue_dma source(%arg6 : memref<24x1024xf32, #tpu.memory_space<vmem>>) target(%dma_start3A_90 : memref<24x1024xf32, #tpu.memory_space<hbm>>) target_semaphore(%arg12 : memref<!tpu.dma_semaphore, #tpu.memory_space<semaphore_mem>>)
    %dma_wait3A_91 = arith.constant 0 : i32
    %dma_wait3A_92 = tpu.memref_slice %arg4[%mul3A_2, %dma_wait3A_91] : memref<8448x1024xf32, #tpu.memory_space<hbm>> -> memref<24x1024xf32, #tpu.memory_space<hbm>>
    %dma_wait3A_93 = arith.constant 0 : i32
    %dma_wait3A_94 = tpu.memref_slice %arg4[%mul3A_2, %dma_wait3A_93] : memref<8448x1024xf32, #tpu.memory_space<hbm>> -> memref<24x1024xf32, #tpu.memory_space<hbm>>
    tpu.wait_dma2 semaphore(%arg12 : memref<!tpu.dma_semaphore, #tpu.memory_space<semaphore_mem>>) src(%arg6 : memref<24x1024xf32, #tpu.memory_space<vmem>>) dst(%dma_wait3A_94 : memref<24x1024xf32, #tpu.memory_space<hbm>>)
    %dma_start3A_95 = arith.constant 144 : i32
    %dma_start3A_96 = tpu.memref_slice %arg5[%dma_start3A_95] : memref<264xi32, #tpu.memory_space<vmem>> -> memref<24xi32, #tpu.memory_space<vmem>>
    %dma_start3A_97 = arith.constant 0 : i32
    %dma_start3A_98 = arith.constant 0 : i32
    %dma_start3A_99 = tpu.memref_slice %arg2[%dma_start3A_97, %dma_start3A_98] : memref<32768x1024xf32, #tpu.memory_space<hbm>> -> memref<32768x1024xf32, #tpu.memory_space<hbm>>
    tpu.enqueue_indirect_dma source(%dma_start3A_99 : memref<32768x1024xf32, #tpu.memory_space<hbm>>) target(%arg6 : memref<24x1024xf32, #tpu.memory_space<vmem>>) offsets(%dma_start3A_96 : memref<24xi32, #tpu.memory_space<vmem>>) semaphore(%arg9 : memref<!tpu.dma_semaphore, #tpu.memory_space<semaphore_mem>>)
    %dma_wait3A_100 = arith.constant 0 : i32
    %dma_wait3A_101 = arith.constant 0 : i32
    %dma_wait3A_102 = tpu.memref_slice %arg2[%dma_wait3A_100, %dma_wait3A_101] : memref<32768x1024xf32, #tpu.memory_space<hbm>> -> memref<24x1024xf32, #tpu.memory_space<hbm>>
    %dma_wait3A_103 = arith.constant 0 : i32
    %dma_wait3A_104 = arith.constant 0 : i32
    %dma_wait3A_105 = tpu.memref_slice %arg2[%dma_wait3A_103, %dma_wait3A_104] : memref<32768x1024xf32, #tpu.memory_space<hbm>> -> memref<24x1024xf32, #tpu.memory_space<hbm>>
    tpu.wait_dma2 semaphore(%arg10 : memref<!tpu.dma_semaphore, #tpu.memory_space<semaphore_mem>>) src(%dma_wait3A_105 : memref<24x1024xf32, #tpu.memory_space<hbm>>) dst(%arg7 : memref<24x1024xf32, #tpu.memory_space<vmem>>)
    %add3A_106 = arith.constant 96 : i32
    %add3A_107 = arith.addi %mul3A_2, %add3A_106 : i32
    %dma_start3A_108 = arith.constant 0 : i32
    %dma_start3A_109 = tpu.memref_slice %arg4[%add3A_107, %dma_start3A_108] : memref<8448x1024xf32, #tpu.memory_space<hbm>> -> memref<24x1024xf32, #tpu.memory_space<hbm>>
    %dma_start3A_110 = arith.constant 0 : i32
    %dma_start3A_111 = tpu.memref_slice %arg4[%add3A_107, %dma_start3A_110] : memref<8448x1024xf32, #tpu.memory_space<hbm>> -> memref<24x1024xf32, #tpu.memory_space<hbm>>
    tpu.enqueue_dma source(%arg7 : memref<24x1024xf32, #tpu.memory_space<vmem>>) target(%dma_start3A_111 : memref<24x1024xf32, #tpu.memory_space<hbm>>) target_semaphore(%arg13 : memref<!tpu.dma_semaphore, #tpu.memory_space<semaphore_mem>>)
    %dma_wait3A_112 = arith.constant 0 : i32
    %dma_wait3A_113 = tpu.memref_slice %arg4[%mul3A_2, %dma_wait3A_112] : memref<8448x1024xf32, #tpu.memory_space<hbm>> -> memref<24x1024xf32, #tpu.memory_space<hbm>>
    %dma_wait3A_114 = arith.constant 0 : i32
    %dma_wait3A_115 = tpu.memref_slice %arg4[%mul3A_2, %dma_wait3A_114] : memref<8448x1024xf32, #tpu.memory_space<hbm>> -> memref<24x1024xf32, #tpu.memory_space<hbm>>
    tpu.wait_dma2 semaphore(%arg13 : memref<!tpu.dma_semaphore, #tpu.memory_space<semaphore_mem>>) src(%arg7 : memref<24x1024xf32, #tpu.memory_space<vmem>>) dst(%dma_wait3A_115 : memref<24x1024xf32, #tpu.memory_space<hbm>>)
    %dma_start3A_116 = arith.constant 168 : i32
    %dma_start3A_117 = tpu.memref_slice %arg5[%dma_start3A_116] : memref<264xi32, #tpu.memory_space<vmem>> -> memref<24xi32, #tpu.memory_space<vmem>>
    %dma_start3A_118 = arith.constant 0 : i32
    %dma_start3A_119 = arith.constant 0 : i32
    %dma_start3A_120 = tpu.memref_slice %arg2[%dma_start3A_118, %dma_start3A_119] : memref<32768x1024xf32, #tpu.memory_space<hbm>> -> memref<32768x1024xf32, #tpu.memory_space<hbm>>
    tpu.enqueue_indirect_dma source(%dma_start3A_120 : memref<32768x1024xf32, #tpu.memory_space<hbm>>) target(%arg7 : memref<24x1024xf32, #tpu.memory_space<vmem>>) offsets(%dma_start3A_117 : memref<24xi32, #tpu.memory_space<vmem>>) semaphore(%arg10 : memref<!tpu.dma_semaphore, #tpu.memory_space<semaphore_mem>>)
    %dma_wait3A_121 = arith.constant 0 : i32
    %dma_wait3A_122 = arith.constant 0 : i32
    %dma_wait3A_123 = tpu.memref_slice %arg2[%dma_wait3A_121, %dma_wait3A_122] : memref<32768x1024xf32, #tpu.memory_space<hbm>> -> memref<24x1024xf32, #tpu.memory_space<hbm>>
    %dma_wait3A_124 = arith.constant 0 : i32
    %dma_wait3A_125 = arith.constant 0 : i32
    %dma_wait3A_126 = tpu.memref_slice %arg2[%dma_wait3A_124, %dma_wait3A_125] : memref<32768x1024xf32, #tpu.memory_space<hbm>> -> memref<24x1024xf32, #tpu.memory_space<hbm>>
    tpu.wait_dma2 semaphore(%arg11 : memref<!tpu.dma_semaphore, #tpu.memory_space<semaphore_mem>>) src(%dma_wait3A_126 : memref<24x1024xf32, #tpu.memory_space<hbm>>) dst(%arg8 : memref<24x1024xf32, #tpu.memory_space<vmem>>)
    %add3A_127 = arith.constant 120 : i32
    %add3A_128 = arith.addi %mul3A_2, %add3A_127 : i32
    %dma_start3A_129 = arith.constant 0 : i32
    %dma_start3A_130 = tpu.memref_slice %arg4[%add3A_128, %dma_start3A_129] : memref<8448x1024xf32, #tpu.memory_space<hbm>> -> memref<24x1024xf32, #tpu.memory_space<hbm>>
    %dma_start3A_131 = arith.constant 0 : i32
    %dma_start3A_132 = tpu.memref_slice %arg4[%add3A_128, %dma_start3A_131] : memref<8448x1024xf32, #tpu.memory_space<hbm>> -> memref<24x1024xf32, #tpu.memory_space<hbm>>
    tpu.enqueue_dma source(%arg8 : memref<24x1024xf32, #tpu.memory_space<vmem>>) target(%dma_start3A_132 : memref<24x1024xf32, #tpu.memory_space<hbm>>) target_semaphore(%arg14 : memref<!tpu.dma_semaphore, #tpu.memory_space<semaphore_mem>>)
    %dma_wait3A_133 = arith.constant 0 : i32
    %dma_wait3A_134 = tpu.memref_slice %arg4[%mul3A_2, %dma_wait3A_133] : memref<8448x1024xf32, #tpu.memory_space<hbm>> -> memref<24x1024xf32, #tpu.memory_space<hbm>>
    %dma_wait3A_135 = arith.constant 0 : i32
    %dma_wait3A_136 = tpu.memref_slice %arg4[%mul3A_2, %dma_wait3A_135] : memref<8448x1024xf32, #tpu.memory_space<hbm>> -> memref<24x1024xf32, #tpu.memory_space<hbm>>
    tpu.wait_dma2 semaphore(%arg14 : memref<!tpu.dma_semaphore, #tpu.memory_space<semaphore_mem>>) src(%arg8 : memref<24x1024xf32, #tpu.memory_space<vmem>>) dst(%dma_wait3A_136 : memref<24x1024xf32, #tpu.memory_space<hbm>>)
    %dma_start3A_137 = arith.constant 192 : i32
    %dma_start3A_138 = tpu.memref_slice %arg5[%dma_start3A_137] : memref<264xi32, #tpu.memory_space<vmem>> -> memref<24xi32, #tpu.memory_space<vmem>>
    %dma_start3A_139 = arith.constant 0 : i32
    %dma_start3A_140 = arith.constant 0 : i32
    %dma_start3A_141 = tpu.memref_slice %arg2[%dma_start3A_139, %dma_start3A_140] : memref<32768x1024xf32, #tpu.memory_space<hbm>> -> memref<32768x1024xf32, #tpu.memory_space<hbm>>
    tpu.enqueue_indirect_dma source(%dma_start3A_141 : memref<32768x1024xf32, #tpu.memory_space<hbm>>) target(%arg8 : memref<24x1024xf32, #tpu.memory_space<vmem>>) offsets(%dma_start3A_138 : memref<24xi32, #tpu.memory_space<vmem>>) semaphore(%arg11 : memref<!tpu.dma_semaphore, #tpu.memory_space<semaphore_mem>>)
    %dma_wait3A_142 = arith.constant 0 : i32
    %dma_wait3A_143 = arith.constant 0 : i32
    %dma_wait3A_144 = tpu.memref_slice %arg2[%dma_wait3A_142, %dma_wait3A_143] : memref<32768x1024xf32, #tpu.memory_space<hbm>> -> memref<24x1024xf32, #tpu.memory_space<hbm>>
    %dma_wait3A_145 = arith.constant 0 : i32
    %dma_wait3A_146 = arith.constant 0 : i32
    %dma_wait3A_147 = tpu.memref_slice %arg2[%dma_wait3A_145, %dma_wait3A_146] : memref<32768x1024xf32, #tpu.memory_space<hbm>> -> memref<24x1024xf32, #tpu.memory_space<hbm>>
    tpu.wait_dma2 semaphore(%arg9 : memref<!tpu.dma_semaphore, #tpu.memory_space<semaphore_mem>>) src(%dma_wait3A_147 : memref<24x1024xf32, #tpu.memory_space<hbm>>) dst(%arg6 : memref<24x1024xf32, #tpu.memory_space<vmem>>)
    %add3A_148 = arith.constant 144 : i32
    %add3A_149 = arith.addi %mul3A_2, %add3A_148 : i32
    %dma_start3A_150 = arith.constant 0 : i32
    %dma_start3A_151 = tpu.memref_slice %arg4[%add3A_149, %dma_start3A_150] : memref<8448x1024xf32, #tpu.memory_space<hbm>> -> memref<24x1024xf32, #tpu.memory_space<hbm>>
    %dma_start3A_152 = arith.constant 0 : i32
    %dma_start3A_153 = tpu.memref_slice %arg4[%add3A_149, %dma_start3A_152] : memref<8448x1024xf32, #tpu.memory_space<hbm>> -> memref<24x1024xf32, #tpu.memory_space<hbm>>
    tpu.enqueue_dma source(%arg6 : memref<24x1024xf32, #tpu.memory_space<vmem>>) target(%dma_start3A_153 : memref<24x1024xf32, #tpu.memory_space<hbm>>) target_semaphore(%arg12 : memref<!tpu.dma_semaphore, #tpu.memory_space<semaphore_mem>>)
    %dma_wait3A_154 = arith.constant 0 : i32
    %dma_wait3A_155 = tpu.memref_slice %arg4[%mul3A_2, %dma_wait3A_154] : memref<8448x1024xf32, #tpu.memory_space<hbm>> -> memref<24x1024xf32, #tpu.memory_space<hbm>>
    %dma_wait3A_156 = arith.constant 0 : i32
    %dma_wait3A_157 = tpu.memref_slice %arg4[%mul3A_2, %dma_wait3A_156] : memref<8448x1024xf32, #tpu.memory_space<hbm>> -> memref<24x1024xf32, #tpu.memory_space<hbm>>
    tpu.wait_dma2 semaphore(%arg12 : memref<!tpu.dma_semaphore, #tpu.memory_space<semaphore_mem>>) src(%arg6 : memref<24x1024xf32, #tpu.memory_space<vmem>>) dst(%dma_wait3A_157 : memref<24x1024xf32, #tpu.memory_space<hbm>>)
    %dma_start3A_158 = arith.constant 216 : i32
    %dma_start3A_159 = tpu.memref_slice %arg5[%dma_start3A_158] : memref<264xi32, #tpu.memory_space<vmem>> -> memref<24xi32, #tpu.memory_space<vmem>>
    %dma_start3A_160 = arith.constant 0 : i32
    %dma_start3A_161 = arith.constant 0 : i32
    %dma_start3A_162 = tpu.memref_slice %arg2[%dma_start3A_160, %dma_start3A_161] : memref<32768x1024xf32, #tpu.memory_space<hbm>> -> memref<32768x1024xf32, #tpu.memory_space<hbm>>
    tpu.enqueue_indirect_dma source(%dma_start3A_162 : memref<32768x1024xf32, #tpu.memory_space<hbm>>) target(%arg6 : memref<24x1024xf32, #tpu.memory_space<vmem>>) offsets(%dma_start3A_159 : memref<24xi32, #tpu.memory_space<vmem>>) semaphore(%arg9 : memref<!tpu.dma_semaphore, #tpu.memory_space<semaphore_mem>>)
    %dma_wait3A_163 = arith.constant 0 : i32
    %dma_wait3A_164 = arith.constant 0 : i32
    %dma_wait3A_165 = tpu.memref_slice %arg2[%dma_wait3A_163, %dma_wait3A_164] : memref<32768x1024xf32, #tpu.memory_space<hbm>> -> memref<24x1024xf32, #tpu.memory_space<hbm>>
    %dma_wait3A_166 = arith.constant 0 : i32
    %dma_wait3A_167 = arith.constant 0 : i32
    %dma_wait3A_168 = tpu.memref_slice %arg2[%dma_wait3A_166, %dma_wait3A_167] : memref<32768x1024xf32, #tpu.memory_space<hbm>> -> memref<24x1024xf32, #tpu.memory_space<hbm>>
    tpu.wait_dma2 semaphore(%arg10 : memref<!tpu.dma_semaphore, #tpu.memory_space<semaphore_mem>>) src(%dma_wait3A_168 : memref<24x1024xf32, #tpu.memory_space<hbm>>) dst(%arg7 : memref<24x1024xf32, #tpu.memory_space<vmem>>)
    %add3A_169 = arith.constant 168 : i32
    %add3A_170 = arith.addi %mul3A_2, %add3A_169 : i32
    %dma_start3A_171 = arith.constant 0 : i32
    %dma_start3A_172 = tpu.memref_slice %arg4[%add3A_170, %dma_start3A_171] : memref<8448x1024xf32, #tpu.memory_space<hbm>> -> memref<24x1024xf32, #tpu.memory_space<hbm>>
    %dma_start3A_173 = arith.constant 0 : i32
    %dma_start3A_174 = tpu.memref_slice %arg4[%add3A_170, %dma_start3A_173] : memref<8448x1024xf32, #tpu.memory_space<hbm>> -> memref<24x1024xf32, #tpu.memory_space<hbm>>
    tpu.enqueue_dma source(%arg7 : memref<24x1024xf32, #tpu.memory_space<vmem>>) target(%dma_start3A_174 : memref<24x1024xf32, #tpu.memory_space<hbm>>) target_semaphore(%arg13 : memref<!tpu.dma_semaphore, #tpu.memory_space<semaphore_mem>>)
    %dma_wait3A_175 = arith.constant 0 : i32
    %dma_wait3A_176 = tpu.memref_slice %arg4[%mul3A_2, %dma_wait3A_175] : memref<8448x1024xf32, #tpu.memory_space<hbm>> -> memref<24x1024xf32, #tpu.memory_space<hbm>>
    %dma_wait3A_177 = arith.constant 0 : i32
    %dma_wait3A_178 = tpu.memref_slice %arg4[%mul3A_2, %dma_wait3A_177] : memref<8448x1024xf32, #tpu.memory_space<hbm>> -> memref<24x1024xf32, #tpu.memory_space<hbm>>
    tpu.wait_dma2 semaphore(%arg13 : memref<!tpu.dma_semaphore, #tpu.memory_space<semaphore_mem>>) src(%arg7 : memref<24x1024xf32, #tpu.memory_space<vmem>>) dst(%dma_wait3A_178 : memref<24x1024xf32, #tpu.memory_space<hbm>>)
    %dma_start3A_179 = arith.constant 240 : i32
    %dma_start3A_180 = tpu.memref_slice %arg5[%dma_start3A_179] : memref<264xi32, #tpu.memory_space<vmem>> -> memref<24xi32, #tpu.memory_space<vmem>>
    %dma_start3A_181 = arith.constant 0 : i32
    %dma_start3A_182 = arith.constant 0 : i32
    %dma_start3A_183 = tpu.memref_slice %arg2[%dma_start3A_181, %dma_start3A_182] : memref<32768x1024xf32, #tpu.memory_space<hbm>> -> memref<32768x1024xf32, #tpu.memory_space<hbm>>
    tpu.enqueue_indirect_dma source(%dma_start3A_183 : memref<32768x1024xf32, #tpu.memory_space<hbm>>) target(%arg7 : memref<24x1024xf32, #tpu.memory_space<vmem>>) offsets(%dma_start3A_180 : memref<24xi32, #tpu.memory_space<vmem>>) semaphore(%arg10 : memref<!tpu.dma_semaphore, #tpu.memory_space<semaphore_mem>>)
    %dma_wait3A_184 = arith.constant 0 : i32
    %dma_wait3A_185 = arith.constant 0 : i32
    %dma_wait3A_186 = tpu.memref_slice %arg2[%dma_wait3A_184, %dma_wait3A_185] : memref<32768x1024xf32, #tpu.memory_space<hbm>> -> memref<24x1024xf32, #tpu.memory_space<hbm>>
    %dma_wait3A_187 = arith.constant 0 : i32
    %dma_wait3A_188 = arith.constant 0 : i32
    %dma_wait3A_189 = tpu.memref_slice %arg2[%dma_wait3A_187, %dma_wait3A_188] : memref<32768x1024xf32, #tpu.memory_space<hbm>> -> memref<24x1024xf32, #tpu.memory_space<hbm>>
    tpu.wait_dma2 semaphore(%arg11 : memref<!tpu.dma_semaphore, #tpu.memory_space<semaphore_mem>>) src(%dma_wait3A_189 : memref<24x1024xf32, #tpu.memory_space<hbm>>) dst(%arg8 : memref<24x1024xf32, #tpu.memory_space<vmem>>)
    %add3A_190 = arith.constant 192 : i32
    %add3A_191 = arith.addi %mul3A_2, %add3A_190 : i32
    %dma_start3A_192 = arith.constant 0 : i32
    %dma_start3A_193 = tpu.memref_slice %arg4[%add3A_191, %dma_start3A_192] : memref<8448x1024xf32, #tpu.memory_space<hbm>> -> memref<24x1024xf32, #tpu.memory_space<hbm>>
    %dma_start3A_194 = arith.constant 0 : i32
    %dma_start3A_195 = tpu.memref_slice %arg4[%add3A_191, %dma_start3A_194] : memref<8448x1024xf32, #tpu.memory_space<hbm>> -> memref<24x1024xf32, #tpu.memory_space<hbm>>
    tpu.enqueue_dma source(%arg8 : memref<24x1024xf32, #tpu.memory_space<vmem>>) target(%dma_start3A_195 : memref<24x1024xf32, #tpu.memory_space<hbm>>) target_semaphore(%arg14 : memref<!tpu.dma_semaphore, #tpu.memory_space<semaphore_mem>>)
    %dma_wait3A_196 = arith.constant 0 : i32
    %dma_wait3A_197 = arith.constant 0 : i32
    %dma_wait3A_198 = tpu.memref_slice %arg2[%dma_wait3A_196, %dma_wait3A_197] : memref<32768x1024xf32, #tpu.memory_space<hbm>> -> memref<24x1024xf32, #tpu.memory_space<hbm>>
    %dma_wait3A_199 = arith.constant 0 : i32
    %dma_wait3A_200 = arith.constant 0 : i32
    %dma_wait3A_201 = tpu.memref_slice %arg2[%dma_wait3A_199, %dma_wait3A_200] : memref<32768x1024xf32, #tpu.memory_space<hbm>> -> memref<24x1024xf32, #tpu.memory_space<hbm>>
    tpu.wait_dma2 semaphore(%arg9 : memref<!tpu.dma_semaphore, #tpu.memory_space<semaphore_mem>>) src(%dma_wait3A_201 : memref<24x1024xf32, #tpu.memory_space<hbm>>) dst(%arg6 : memref<24x1024xf32, #tpu.memory_space<vmem>>)
    %add3A_202 = arith.constant 216 : i32
    %add3A_203 = arith.addi %mul3A_2, %add3A_202 : i32
    %dma_start3A_204 = arith.constant 0 : i32
    %dma_start3A_205 = tpu.memref_slice %arg4[%add3A_203, %dma_start3A_204] : memref<8448x1024xf32, #tpu.memory_space<hbm>> -> memref<24x1024xf32, #tpu.memory_space<hbm>>
    %dma_start3A_206 = arith.constant 0 : i32
    %dma_start3A_207 = tpu.memref_slice %arg4[%add3A_203, %dma_start3A_206] : memref<8448x1024xf32, #tpu.memory_space<hbm>> -> memref<24x1024xf32, #tpu.memory_space<hbm>>
    tpu.enqueue_dma source(%arg6 : memref<24x1024xf32, #tpu.memory_space<vmem>>) target(%dma_start3A_207 : memref<24x1024xf32, #tpu.memory_space<hbm>>) target_semaphore(%arg12 : memref<!tpu.dma_semaphore, #tpu.memory_space<semaphore_mem>>)
    %dma_wait3A_208 = arith.constant 0 : i32
    %dma_wait3A_209 = arith.constant 0 : i32
    %dma_wait3A_210 = tpu.memref_slice %arg2[%dma_wait3A_208, %dma_wait3A_209] : memref<32768x1024xf32, #tpu.memory_space<hbm>> -> memref<24x1024xf32, #tpu.memory_space<hbm>>
    %dma_wait3A_211 = arith.constant 0 : i32
    %dma_wait3A_212 = arith.constant 0 : i32
    %dma_wait3A_213 = tpu.memref_slice %arg2[%dma_wait3A_211, %dma_wait3A_212] : memref<32768x1024xf32, #tpu.memory_space<hbm>> -> memref<24x1024xf32, #tpu.memory_space<hbm>>
    tpu.wait_dma2 semaphore(%arg10 : memref<!tpu.dma_semaphore, #tpu.memory_space<semaphore_mem>>) src(%dma_wait3A_213 : memref<24x1024xf32, #tpu.memory_space<hbm>>) dst(%arg7 : memref<24x1024xf32, #tpu.memory_space<vmem>>)
    %add3A_214 = arith.constant 240 : i32
    %add3A_215 = arith.addi %mul3A_2, %add3A_214 : i32
    %dma_start3A_216 = arith.constant 0 : i32
    %dma_start3A_217 = tpu.memref_slice %arg4[%add3A_215, %dma_start3A_216] : memref<8448x1024xf32, #tpu.memory_space<hbm>> -> memref<24x1024xf32, #tpu.memory_space<hbm>>
    %dma_start3A_218 = arith.constant 0 : i32
    %dma_start3A_219 = tpu.memref_slice %arg4[%add3A_215, %dma_start3A_218] : memref<8448x1024xf32, #tpu.memory_space<hbm>> -> memref<24x1024xf32, #tpu.memory_space<hbm>>
    tpu.enqueue_dma source(%arg7 : memref<24x1024xf32, #tpu.memory_space<vmem>>) target(%dma_start3A_219 : memref<24x1024xf32, #tpu.memory_space<hbm>>) target_semaphore(%arg13 : memref<!tpu.dma_semaphore, #tpu.memory_space<semaphore_mem>>)
    %dma_wait3A_220 = arith.constant 0 : i32
    %dma_wait3A_221 = tpu.memref_slice %arg4[%mul3A_2, %dma_wait3A_220] : memref<8448x1024xf32, #tpu.memory_space<hbm>> -> memref<24x1024xf32, #tpu.memory_space<hbm>>
    %dma_wait3A_222 = arith.constant 0 : i32
    %dma_wait3A_223 = tpu.memref_slice %arg4[%mul3A_2, %dma_wait3A_222] : memref<8448x1024xf32, #tpu.memory_space<hbm>> -> memref<24x1024xf32, #tpu.memory_space<hbm>>
    tpu.wait_dma2 semaphore(%arg14 : memref<!tpu.dma_semaphore, #tpu.memory_space<semaphore_mem>>) src(%arg8 : memref<24x1024xf32, #tpu.memory_space<vmem>>) dst(%dma_wait3A_223 : memref<24x1024xf32, #tpu.memory_space<hbm>>)
    %dma_wait3A_224 = arith.constant 0 : i32
    %dma_wait3A_225 = tpu.memref_slice %arg4[%mul3A_2, %dma_wait3A_224] : memref<8448x1024xf32, #tpu.memory_space<hbm>> -> memref<24x1024xf32, #tpu.memory_space<hbm>>
    %dma_wait3A_226 = arith.constant 0 : i32
    %dma_wait3A_227 = tpu.memref_slice %arg4[%mul3A_2, %dma_wait3A_226] : memref<8448x1024xf32, #tpu.memory_space<hbm>> -> memref<24x1024xf32, #tpu.memory_space<hbm>>
    tpu.wait_dma2 semaphore(%arg12 : memref<!tpu.dma_semaphore, #tpu.memory_space<semaphore_mem>>) src(%arg6 : memref<24x1024xf32, #tpu.memory_space<vmem>>) dst(%dma_wait3A_227 : memref<24x1024xf32, #tpu.memory_space<hbm>>)
    %dma_wait3A_228 = arith.constant 0 : i32
    %dma_wait3A_229 = tpu.memref_slice %arg4[%mul3A_2, %dma_wait3A_228] : memref<8448x1024xf32, #tpu.memory_space<hbm>> -> memref<24x1024xf32, #tpu.memory_space<hbm>>
    %dma_wait3A_230 = arith.constant 0 : i32
    %dma_wait3A_231 = tpu.memref_slice %arg4[%mul3A_2, %dma_wait3A_230] : memref<8448x1024xf32, #tpu.memory_space<hbm>> -> memref<24x1024xf32, #tpu.memory_space<hbm>>
    tpu.wait_dma2 semaphore(%arg13 : memref<!tpu.dma_semaphore, #tpu.memory_space<semaphore_mem>>) src(%arg7 : memref<24x1024xf32, #tpu.memory_space<vmem>>) dst(%dma_wait3A_231 : memref<24x1024xf32, #tpu.memory_space<hbm>>)
    return
  }
}

#map = affine_map<(d0, d1) -> (0, 0)>
#map1 = affine_map<(d0, d1) -> (0)>
module attributes {stable_mosaic.version = 14 : i64} {
  func.func @gather_k(%arg0: i32, %arg1: i32, %arg2: memref<32768x1024xf32, #tpu.memory_space<hbm>>, %arg3: memref<8448xi32, #tpu.memory_space<hbm>>, %arg4: memref<8448x1024xf32, #tpu.memory_space<hbm>>, %arg5: memref<264xi32, #tpu.memory_space<vmem>>, %arg6: memref<24x1024xf32, #tpu.memory_space<vmem>>, %arg7: memref<24x1024xf32, #tpu.memory_space<vmem>>, %arg8: memref<24x1024xf32, #tpu.memory_space<vmem>>, %arg9: memref<!tpu.dma_semaphore, #tpu.memory_space<semaphore_mem>>, %arg10: memref<!tpu.dma_semaphore, #tpu.memory_space<semaphore_mem>>, %arg11: memref<!tpu.dma_semaphore, #tpu.memory_space<semaphore_mem>>, %arg12: memref<!tpu.dma_semaphore, #tpu.memory_space<semaphore_mem>>, %arg13: memref<!tpu.dma_semaphore, #tpu.memory_space<semaphore_mem>>, %arg14: memref<!tpu.dma_semaphore, #tpu.memory_space<semaphore_mem>>) attributes {dimension_semantics = [#tpu.dimension_semantics<core_parallel>, #tpu.dimension_semantics<subcore_parallel>], iteration_bounds = array<i64: 2, 16>, scalar_prefetch = 0 : i64, scratch_operands = 10 : i64, tpu.core_type = #tpu.core_type<sc_vector_subcore>, window_params = [{transform_indices = #map}, {transform_indices = #map1}, {transform_indices = #map}]} {
    %mul3A = arith.constant 2 : i32
    %mul3A_0 = arith.muli %arg1, %mul3A : i32
    %add3A = arith.addi %mul3A_0, %arg0 : i32
    %mul3A_1 = arith.constant 264 : i32
    %mul3A_2 = arith.muli %add3A, %mul3A_1 : i32
    "tpu.region"() ({
      %run_scoped3A = tpu.sem_alloc : memref<!tpu.dma_semaphore, #tpu.memory_space<semaphore_mem>>
      %dma_start3A_232 = tpu.memref_slice %arg3[%mul3A_2] : memref<8448xi32, #tpu.memory_space<hbm>> -> memref<264xi32, #tpu.memory_space<hbm>>
      %dma_start3A_233 = tpu.memref_slice %arg3[%mul3A_2] : memref<8448xi32, #tpu.memory_space<hbm>> -> memref<264xi32, #tpu.memory_space<hbm>>
      tpu.enqueue_dma source(%dma_start3A_233 : memref<264xi32, #tpu.memory_space<hbm>>) target(%arg5 : memref<264xi32, #tpu.memory_space<vmem>>) target_semaphore(%run_scoped3A : memref<!tpu.dma_semaphore, #tpu.memory_space<semaphore_mem>>)
      %dma_wait3A_234 = tpu.memref_slice %arg3[%mul3A_2] : memref<8448xi32, #tpu.memory_space<hbm>> -> memref<264xi32, #tpu.memory_space<hbm>>
      %dma_wait3A_235 = tpu.memref_slice %arg3[%mul3A_2] : memref<8448xi32, #tpu.memory_space<hbm>> -> memref<264xi32, #tpu.memory_space<hbm>>
      tpu.wait_dma2 semaphore(%run_scoped3A : memref<!tpu.dma_semaphore, #tpu.memory_space<semaphore_mem>>) src(%dma_wait3A_235 : memref<264xi32, #tpu.memory_space<hbm>>) dst(%arg5 : memref<264xi32, #tpu.memory_space<vmem>>)
      tpu.yield
    }) : () -> ()
    %dma_start3A = arith.constant 0 : i32
    %dma_start3A_3 = tpu.memref_slice %arg5[%dma_start3A] : memref<264xi32, #tpu.memory_space<vmem>> -> memref<24xi32, #tpu.memory_space<vmem>>
    %dma_start3A_4 = arith.constant 0 : i32
    %dma_start3A_5 = arith.constant 0 : i32
    %dma_start3A_6 = tpu.memref_slice %arg2[%dma_start3A_4, %dma_start3A_5] : memref<32768x1024xf32, #tpu.memory_space<hbm>> -> memref<32768x1024xf32, #tpu.memory_space<hbm>>
    tpu.enqueue_indirect_dma source(%dma_start3A_6 : memref<32768x1024xf32, #tpu.memory_space<hbm>>) target(%arg6 : memref<24x1024xf32, #tpu.memory_space<vmem>>) offsets(%dma_start3A_3 : memref<24xi32, #tpu.memory_space<vmem>>) semaphore(%arg9 : memref<!tpu.dma_semaphore, #tpu.memory_space<semaphore_mem>>)
    %dma_start3A_7 = arith.constant 24 : i32
    %dma_start3A_8 = tpu.memref_slice %arg5[%dma_start3A_7] : memref<264xi32, #tpu.memory_space<vmem>> -> memref<24xi32, #tpu.memory_space<vmem>>
    %dma_start3A_9 = arith.constant 0 : i32
    %dma_start3A_10 = arith.constant 0 : i32
    %dma_start3A_11 = tpu.memref_slice %arg2[%dma_start3A_9, %dma_start3A_10] : memref<32768x1024xf32, #tpu.memory_space<hbm>> -> memref<32768x1024xf32, #tpu.memory_space<hbm>>
    tpu.enqueue_indirect_dma source(%dma_start3A_11 : memref<32768x1024xf32, #tpu.memory_space<hbm>>) target(%arg7 : memref<24x1024xf32, #tpu.memory_space<vmem>>) offsets(%dma_start3A_8 : memref<24xi32, #tpu.memory_space<vmem>>) semaphore(%arg10 : memref<!tpu.dma_semaphore, #tpu.memory_space<semaphore_mem>>)
    %dma_start3A_12 = arith.constant 48 : i32
    %dma_start3A_13 = tpu.memref_slice %arg5[%dma_start3A_12] : memref<264xi32, #tpu.memory_space<vmem>> -> memref<24xi32, #tpu.memory_space<vmem>>
    %dma_start3A_14 = arith.constant 0 : i32
    %dma_start3A_15 = arith.constant 0 : i32
    %dma_start3A_16 = tpu.memref_slice %arg2[%dma_start3A_14, %dma_start3A_15] : memref<32768x1024xf32, #tpu.memory_space<hbm>> -> memref<32768x1024xf32, #tpu.memory_space<hbm>>
    tpu.enqueue_indirect_dma source(%dma_start3A_16 : memref<32768x1024xf32, #tpu.memory_space<hbm>>) target(%arg8 : memref<24x1024xf32, #tpu.memory_space<vmem>>) offsets(%dma_start3A_13 : memref<24xi32, #tpu.memory_space<vmem>>) semaphore(%arg11 : memref<!tpu.dma_semaphore, #tpu.memory_space<semaphore_mem>>)
    %dma_wait3A = arith.constant 0 : i32
    %dma_wait3A_17 = arith.constant 0 : i32
    %dma_wait3A_18 = tpu.memref_slice %arg2[%dma_wait3A, %dma_wait3A_17] : memref<32768x1024xf32, #tpu.memory_space<hbm>> -> memref<24x1024xf32, #tpu.memory_space<hbm>>
    %dma_wait3A_19 = arith.constant 0 : i32
    %dma_wait3A_20 = arith.constant 0 : i32
    %dma_wait3A_21 = tpu.memref_slice %arg2[%dma_wait3A_19, %dma_wait3A_20] : memref<32768x1024xf32, #tpu.memory_space<hbm>> -> memref<24x1024xf32, #tpu.memory_space<hbm>>
    tpu.wait_dma2 semaphore(%arg9 : memref<!tpu.dma_semaphore, #tpu.memory_space<semaphore_mem>>) src(%dma_wait3A_21 : memref<24x1024xf32, #tpu.memory_space<hbm>>) dst(%arg6 : memref<24x1024xf32, #tpu.memory_space<vmem>>)
    %add3A_22 = arith.constant 0 : i32
    %add3A_23 = arith.addi %mul3A_2, %add3A_22 : i32
    %dma_start3A_24 = arith.constant 0 : i32
    %dma_start3A_25 = tpu.memref_slice %arg4[%add3A_23, %dma_start3A_24] : memref<8448x1024xf32, #tpu.memory_space<hbm>> -> memref<24x1024xf32, #tpu.memory_space<hbm>>
    %dma_start3A_26 = arith.constant 0 : i32
    %dma_start3A_27 = tpu.memref_slice %arg4[%add3A_23, %dma_start3A_26] : memref<8448x1024xf32, #tpu.memory_space<hbm>> -> memref<24x1024xf32, #tpu.memory_space<hbm>>
    tpu.enqueue_dma source(%arg6 : memref<24x1024xf32, #tpu.memory_space<vmem>>) target(%dma_start3A_27 : memref<24x1024xf32, #tpu.memory_space<hbm>>) target_semaphore(%arg12 : memref<!tpu.dma_semaphore, #tpu.memory_space<semaphore_mem>>)
    %dma_wait3A_28 = arith.constant 0 : i32
    %dma_wait3A_29 = tpu.memref_slice %arg4[%mul3A_2, %dma_wait3A_28] : memref<8448x1024xf32, #tpu.memory_space<hbm>> -> memref<24x1024xf32, #tpu.memory_space<hbm>>
    %dma_wait3A_30 = arith.constant 0 : i32
    %dma_wait3A_31 = tpu.memref_slice %arg4[%mul3A_2, %dma_wait3A_30] : memref<8448x1024xf32, #tpu.memory_space<hbm>> -> memref<24x1024xf32, #tpu.memory_space<hbm>>
    tpu.wait_dma2 semaphore(%arg12 : memref<!tpu.dma_semaphore, #tpu.memory_space<semaphore_mem>>) src(%arg6 : memref<24x1024xf32, #tpu.memory_space<vmem>>) dst(%dma_wait3A_31 : memref<24x1024xf32, #tpu.memory_space<hbm>>)
    %dma_start3A_32 = arith.constant 72 : i32
    %dma_start3A_33 = tpu.memref_slice %arg5[%dma_start3A_32] : memref<264xi32, #tpu.memory_space<vmem>> -> memref<24xi32, #tpu.memory_space<vmem>>
    %dma_start3A_34 = arith.constant 0 : i32
    %dma_start3A_35 = arith.constant 0 : i32
    %dma_start3A_36 = tpu.memref_slice %arg2[%dma_start3A_34, %dma_start3A_35] : memref<32768x1024xf32, #tpu.memory_space<hbm>> -> memref<32768x1024xf32, #tpu.memory_space<hbm>>
    tpu.enqueue_indirect_dma source(%dma_start3A_36 : memref<32768x1024xf32, #tpu.memory_space<hbm>>) target(%arg6 : memref<24x1024xf32, #tpu.memory_space<vmem>>) offsets(%dma_start3A_33 : memref<24xi32, #tpu.memory_space<vmem>>) semaphore(%arg9 : memref<!tpu.dma_semaphore, #tpu.memory_space<semaphore_mem>>)
    %dma_wait3A_37 = arith.constant 0 : i32
    %dma_wait3A_38 = arith.constant 0 : i32
    %dma_wait3A_39 = tpu.memref_slice %arg2[%dma_wait3A_37, %dma_wait3A_38] : memref<32768x1024xf32, #tpu.memory_space<hbm>> -> memref<24x1024xf32, #tpu.memory_space<hbm>>
    %dma_wait3A_40 = arith.constant 0 : i32
    %dma_wait3A_41 = arith.constant 0 : i32
    %dma_wait3A_42 = tpu.memref_slice %arg2[%dma_wait3A_40, %dma_wait3A_41] : memref<32768x1024xf32, #tpu.memory_space<hbm>> -> memref<24x1024xf32, #tpu.memory_space<hbm>>
    tpu.wait_dma2 semaphore(%arg10 : memref<!tpu.dma_semaphore, #tpu.memory_space<semaphore_mem>>) src(%dma_wait3A_42 : memref<24x1024xf32, #tpu.memory_space<hbm>>) dst(%arg7 : memref<24x1024xf32, #tpu.memory_space<vmem>>)
    %add3A_43 = arith.constant 24 : i32
    %add3A_44 = arith.addi %mul3A_2, %add3A_43 : i32
    %dma_start3A_45 = arith.constant 0 : i32
    %dma_start3A_46 = tpu.memref_slice %arg4[%add3A_44, %dma_start3A_45] : memref<8448x1024xf32, #tpu.memory_space<hbm>> -> memref<24x1024xf32, #tpu.memory_space<hbm>>
    %dma_start3A_47 = arith.constant 0 : i32
    %dma_start3A_48 = tpu.memref_slice %arg4[%add3A_44, %dma_start3A_47] : memref<8448x1024xf32, #tpu.memory_space<hbm>> -> memref<24x1024xf32, #tpu.memory_space<hbm>>
    tpu.enqueue_dma source(%arg7 : memref<24x1024xf32, #tpu.memory_space<vmem>>) target(%dma_start3A_48 : memref<24x1024xf32, #tpu.memory_space<hbm>>) target_semaphore(%arg13 : memref<!tpu.dma_semaphore, #tpu.memory_space<semaphore_mem>>)
    %dma_wait3A_49 = arith.constant 0 : i32
    %dma_wait3A_50 = tpu.memref_slice %arg4[%mul3A_2, %dma_wait3A_49] : memref<8448x1024xf32, #tpu.memory_space<hbm>> -> memref<24x1024xf32, #tpu.memory_space<hbm>>
    %dma_wait3A_51 = arith.constant 0 : i32
    %dma_wait3A_52 = tpu.memref_slice %arg4[%mul3A_2, %dma_wait3A_51] : memref<8448x1024xf32, #tpu.memory_space<hbm>> -> memref<24x1024xf32, #tpu.memory_space<hbm>>
    tpu.wait_dma2 semaphore(%arg13 : memref<!tpu.dma_semaphore, #tpu.memory_space<semaphore_mem>>) src(%arg7 : memref<24x1024xf32, #tpu.memory_space<vmem>>) dst(%dma_wait3A_52 : memref<24x1024xf32, #tpu.memory_space<hbm>>)
    %dma_start3A_53 = arith.constant 96 : i32
    %dma_start3A_54 = tpu.memref_slice %arg5[%dma_start3A_53] : memref<264xi32, #tpu.memory_space<vmem>> -> memref<24xi32, #tpu.memory_space<vmem>>
    %dma_start3A_55 = arith.constant 0 : i32
    %dma_start3A_56 = arith.constant 0 : i32
    %dma_start3A_57 = tpu.memref_slice %arg2[%dma_start3A_55, %dma_start3A_56] : memref<32768x1024xf32, #tpu.memory_space<hbm>> -> memref<32768x1024xf32, #tpu.memory_space<hbm>>
    tpu.enqueue_indirect_dma source(%dma_start3A_57 : memref<32768x1024xf32, #tpu.memory_space<hbm>>) target(%arg7 : memref<24x1024xf32, #tpu.memory_space<vmem>>) offsets(%dma_start3A_54 : memref<24xi32, #tpu.memory_space<vmem>>) semaphore(%arg10 : memref<!tpu.dma_semaphore, #tpu.memory_space<semaphore_mem>>)
    %dma_wait3A_58 = arith.constant 0 : i32
    %dma_wait3A_59 = arith.constant 0 : i32
    %dma_wait3A_60 = tpu.memref_slice %arg2[%dma_wait3A_58, %dma_wait3A_59] : memref<32768x1024xf32, #tpu.memory_space<hbm>> -> memref<24x1024xf32, #tpu.memory_space<hbm>>
    %dma_wait3A_61 = arith.constant 0 : i32
    %dma_wait3A_62 = arith.constant 0 : i32
    %dma_wait3A_63 = tpu.memref_slice %arg2[%dma_wait3A_61, %dma_wait3A_62] : memref<32768x1024xf32, #tpu.memory_space<hbm>> -> memref<24x1024xf32, #tpu.memory_space<hbm>>
    tpu.wait_dma2 semaphore(%arg11 : memref<!tpu.dma_semaphore, #tpu.memory_space<semaphore_mem>>) src(%dma_wait3A_63 : memref<24x1024xf32, #tpu.memory_space<hbm>>) dst(%arg8 : memref<24x1024xf32, #tpu.memory_space<vmem>>)
    %add3A_64 = arith.constant 48 : i32
    %add3A_65 = arith.addi %mul3A_2, %add3A_64 : i32
    %dma_start3A_66 = arith.constant 0 : i32
    %dma_start3A_67 = tpu.memref_slice %arg4[%add3A_65, %dma_start3A_66] : memref<8448x1024xf32, #tpu.memory_space<hbm>> -> memref<24x1024xf32, #tpu.memory_space<hbm>>
    %dma_start3A_68 = arith.constant 0 : i32
    %dma_start3A_69 = tpu.memref_slice %arg4[%add3A_65, %dma_start3A_68] : memref<8448x1024xf32, #tpu.memory_space<hbm>> -> memref<24x1024xf32, #tpu.memory_space<hbm>>
    tpu.enqueue_dma source(%arg8 : memref<24x1024xf32, #tpu.memory_space<vmem>>) target(%dma_start3A_69 : memref<24x1024xf32, #tpu.memory_space<hbm>>) target_semaphore(%arg14 : memref<!tpu.dma_semaphore, #tpu.memory_space<semaphore_mem>>)
    %dma_wait3A_70 = arith.constant 0 : i32
    %dma_wait3A_71 = tpu.memref_slice %arg4[%mul3A_2, %dma_wait3A_70] : memref<8448x1024xf32, #tpu.memory_space<hbm>> -> memref<24x1024xf32, #tpu.memory_space<hbm>>
    %dma_wait3A_72 = arith.constant 0 : i32
    %dma_wait3A_73 = tpu.memref_slice %arg4[%mul3A_2, %dma_wait3A_72] : memref<8448x1024xf32, #tpu.memory_space<hbm>> -> memref<24x1024xf32, #tpu.memory_space<hbm>>
    tpu.wait_dma2 semaphore(%arg14 : memref<!tpu.dma_semaphore, #tpu.memory_space<semaphore_mem>>) src(%arg8 : memref<24x1024xf32, #tpu.memory_space<vmem>>) dst(%dma_wait3A_73 : memref<24x1024xf32, #tpu.memory_space<hbm>>)
    %dma_start3A_74 = arith.constant 120 : i32
    %dma_start3A_75 = tpu.memref_slice %arg5[%dma_start3A_74] : memref<264xi32, #tpu.memory_space<vmem>> -> memref<24xi32, #tpu.memory_space<vmem>>
    %dma_start3A_76 = arith.constant 0 : i32
    %dma_start3A_77 = arith.constant 0 : i32
    %dma_start3A_78 = tpu.memref_slice %arg2[%dma_start3A_76, %dma_start3A_77] : memref<32768x1024xf32, #tpu.memory_space<hbm>> -> memref<32768x1024xf32, #tpu.memory_space<hbm>>
    tpu.enqueue_indirect_dma source(%dma_start3A_78 : memref<32768x1024xf32, #tpu.memory_space<hbm>>) target(%arg8 : memref<24x1024xf32, #tpu.memory_space<vmem>>) offsets(%dma_start3A_75 : memref<24xi32, #tpu.memory_space<vmem>>) semaphore(%arg11 : memref<!tpu.dma_semaphore, #tpu.memory_space<semaphore_mem>>)
    %dma_wait3A_79 = arith.constant 0 : i32
    %dma_wait3A_80 = arith.constant 0 : i32
    %dma_wait3A_81 = tpu.memref_slice %arg2[%dma_wait3A_79, %dma_wait3A_80] : memref<32768x1024xf32, #tpu.memory_space<hbm>> -> memref<24x1024xf32, #tpu.memory_space<hbm>>
    %dma_wait3A_82 = arith.constant 0 : i32
    %dma_wait3A_83 = arith.constant 0 : i32
    %dma_wait3A_84 = tpu.memref_slice %arg2[%dma_wait3A_82, %dma_wait3A_83] : memref<32768x1024xf32, #tpu.memory_space<hbm>> -> memref<24x1024xf32, #tpu.memory_space<hbm>>
    tpu.wait_dma2 semaphore(%arg9 : memref<!tpu.dma_semaphore, #tpu.memory_space<semaphore_mem>>) src(%dma_wait3A_84 : memref<24x1024xf32, #tpu.memory_space<hbm>>) dst(%arg6 : memref<24x1024xf32, #tpu.memory_space<vmem>>)
    %add3A_85 = arith.constant 72 : i32
    %add3A_86 = arith.addi %mul3A_2, %add3A_85 : i32
    %dma_start3A_87 = arith.constant 0 : i32
    %dma_start3A_88 = tpu.memref_slice %arg4[%add3A_86, %dma_start3A_87] : memref<8448x1024xf32, #tpu.memory_space<hbm>> -> memref<24x1024xf32, #tpu.memory_space<hbm>>
    %dma_start3A_89 = arith.constant 0 : i32
    %dma_start3A_90 = tpu.memref_slice %arg4[%add3A_86, %dma_start3A_89] : memref<8448x1024xf32, #tpu.memory_space<hbm>> -> memref<24x1024xf32, #tpu.memory_space<hbm>>
    tpu.enqueue_dma source(%arg6 : memref<24x1024xf32, #tpu.memory_space<vmem>>) target(%dma_start3A_90 : memref<24x1024xf32, #tpu.memory_space<hbm>>) target_semaphore(%arg12 : memref<!tpu.dma_semaphore, #tpu.memory_space<semaphore_mem>>)
    %dma_wait3A_91 = arith.constant 0 : i32
    %dma_wait3A_92 = tpu.memref_slice %arg4[%mul3A_2, %dma_wait3A_91] : memref<8448x1024xf32, #tpu.memory_space<hbm>> -> memref<24x1024xf32, #tpu.memory_space<hbm>>
    %dma_wait3A_93 = arith.constant 0 : i32
    %dma_wait3A_94 = tpu.memref_slice %arg4[%mul3A_2, %dma_wait3A_93] : memref<8448x1024xf32, #tpu.memory_space<hbm>> -> memref<24x1024xf32, #tpu.memory_space<hbm>>
    tpu.wait_dma2 semaphore(%arg12 : memref<!tpu.dma_semaphore, #tpu.memory_space<semaphore_mem>>) src(%arg6 : memref<24x1024xf32, #tpu.memory_space<vmem>>) dst(%dma_wait3A_94 : memref<24x1024xf32, #tpu.memory_space<hbm>>)
    %dma_start3A_95 = arith.constant 144 : i32
    %dma_start3A_96 = tpu.memref_slice %arg5[%dma_start3A_95] : memref<264xi32, #tpu.memory_space<vmem>> -> memref<24xi32, #tpu.memory_space<vmem>>
    %dma_start3A_97 = arith.constant 0 : i32
    %dma_start3A_98 = arith.constant 0 : i32
    %dma_start3A_99 = tpu.memref_slice %arg2[%dma_start3A_97, %dma_start3A_98] : memref<32768x1024xf32, #tpu.memory_space<hbm>> -> memref<32768x1024xf32, #tpu.memory_space<hbm>>
    tpu.enqueue_indirect_dma source(%dma_start3A_99 : memref<32768x1024xf32, #tpu.memory_space<hbm>>) target(%arg6 : memref<24x1024xf32, #tpu.memory_space<vmem>>) offsets(%dma_start3A_96 : memref<24xi32, #tpu.memory_space<vmem>>) semaphore(%arg9 : memref<!tpu.dma_semaphore, #tpu.memory_space<semaphore_mem>>)
    %dma_wait3A_100 = arith.constant 0 : i32
    %dma_wait3A_101 = arith.constant 0 : i32
    %dma_wait3A_102 = tpu.memref_slice %arg2[%dma_wait3A_100, %dma_wait3A_101] : memref<32768x1024xf32, #tpu.memory_space<hbm>> -> memref<24x1024xf32, #tpu.memory_space<hbm>>
    %dma_wait3A_103 = arith.constant 0 : i32
    %dma_wait3A_104 = arith.constant 0 : i32
    %dma_wait3A_105 = tpu.memref_slice %arg2[%dma_wait3A_103, %dma_wait3A_104] : memref<32768x1024xf32, #tpu.memory_space<hbm>> -> memref<24x1024xf32, #tpu.memory_space<hbm>>
    tpu.wait_dma2 semaphore(%arg10 : memref<!tpu.dma_semaphore, #tpu.memory_space<semaphore_mem>>) src(%dma_wait3A_105 : memref<24x1024xf32, #tpu.memory_space<hbm>>) dst(%arg7 : memref<24x1024xf32, #tpu.memory_space<vmem>>)
    %add3A_106 = arith.constant 96 : i32
    %add3A_107 = arith.addi %mul3A_2, %add3A_106 : i32
    %dma_start3A_108 = arith.constant 0 : i32
    %dma_start3A_109 = tpu.memref_slice %arg4[%add3A_107, %dma_start3A_108] : memref<8448x1024xf32, #tpu.memory_space<hbm>> -> memref<24x1024xf32, #tpu.memory_space<hbm>>
    %dma_start3A_110 = arith.constant 0 : i32
    %dma_start3A_111 = tpu.memref_slice %arg4[%add3A_107, %dma_start3A_110] : memref<8448x1024xf32, #tpu.memory_space<hbm>> -> memref<24x1024xf32, #tpu.memory_space<hbm>>
    tpu.enqueue_dma source(%arg7 : memref<24x1024xf32, #tpu.memory_space<vmem>>) target(%dma_start3A_111 : memref<24x1024xf32, #tpu.memory_space<hbm>>) target_semaphore(%arg13 : memref<!tpu.dma_semaphore, #tpu.memory_space<semaphore_mem>>)
    %dma_wait3A_112 = arith.constant 0 : i32
    %dma_wait3A_113 = tpu.memref_slice %arg4[%mul3A_2, %dma_wait3A_112] : memref<8448x1024xf32, #tpu.memory_space<hbm>> -> memref<24x1024xf32, #tpu.memory_space<hbm>>
    %dma_wait3A_114 = arith.constant 0 : i32
    %dma_wait3A_115 = tpu.memref_slice %arg4[%mul3A_2, %dma_wait3A_114] : memref<8448x1024xf32, #tpu.memory_space<hbm>> -> memref<24x1024xf32, #tpu.memory_space<hbm>>
    tpu.wait_dma2 semaphore(%arg13 : memref<!tpu.dma_semaphore, #tpu.memory_space<semaphore_mem>>) src(%arg7 : memref<24x1024xf32, #tpu.memory_space<vmem>>) dst(%dma_wait3A_115 : memref<24x1024xf32, #tpu.memory_space<hbm>>)
    %dma_start3A_116 = arith.constant 168 : i32
    %dma_start3A_117 = tpu.memref_slice %arg5[%dma_start3A_116] : memref<264xi32, #tpu.memory_space<vmem>> -> memref<24xi32, #tpu.memory_space<vmem>>
    %dma_start3A_118 = arith.constant 0 : i32
    %dma_start3A_119 = arith.constant 0 : i32
    %dma_start3A_120 = tpu.memref_slice %arg2[%dma_start3A_118, %dma_start3A_119] : memref<32768x1024xf32, #tpu.memory_space<hbm>> -> memref<32768x1024xf32, #tpu.memory_space<hbm>>
    tpu.enqueue_indirect_dma source(%dma_start3A_120 : memref<32768x1024xf32, #tpu.memory_space<hbm>>) target(%arg7 : memref<24x1024xf32, #tpu.memory_space<vmem>>) offsets(%dma_start3A_117 : memref<24xi32, #tpu.memory_space<vmem>>) semaphore(%arg10 : memref<!tpu.dma_semaphore, #tpu.memory_space<semaphore_mem>>)
    %dma_wait3A_121 = arith.constant 0 : i32
    %dma_wait3A_122 = arith.constant 0 : i32
    %dma_wait3A_123 = tpu.memref_slice %arg2[%dma_wait3A_121, %dma_wait3A_122] : memref<32768x1024xf32, #tpu.memory_space<hbm>> -> memref<24x1024xf32, #tpu.memory_space<hbm>>
    %dma_wait3A_124 = arith.constant 0 : i32
    %dma_wait3A_125 = arith.constant 0 : i32
    %dma_wait3A_126 = tpu.memref_slice %arg2[%dma_wait3A_124, %dma_wait3A_125] : memref<32768x1024xf32, #tpu.memory_space<hbm>> -> memref<24x1024xf32, #tpu.memory_space<hbm>>
    tpu.wait_dma2 semaphore(%arg11 : memref<!tpu.dma_semaphore, #tpu.memory_space<semaphore_mem>>) src(%dma_wait3A_126 : memref<24x1024xf32, #tpu.memory_space<hbm>>) dst(%arg8 : memref<24x1024xf32, #tpu.memory_space<vmem>>)
    %add3A_127 = arith.constant 120 : i32
    %add3A_128 = arith.addi %mul3A_2, %add3A_127 : i32
    %dma_start3A_129 = arith.constant 0 : i32
    %dma_start3A_130 = tpu.memref_slice %arg4[%add3A_128, %dma_start3A_129] : memref<8448x1024xf32, #tpu.memory_space<hbm>> -> memref<24x1024xf32, #tpu.memory_space<hbm>>
    %dma_start3A_131 = arith.constant 0 : i32
    %dma_start3A_132 = tpu.memref_slice %arg4[%add3A_128, %dma_start3A_131] : memref<8448x1024xf32, #tpu.memory_space<hbm>> -> memref<24x1024xf32, #tpu.memory_space<hbm>>
    tpu.enqueue_dma source(%arg8 : memref<24x1024xf32, #tpu.memory_space<vmem>>) target(%dma_start3A_132 : memref<24x1024xf32, #tpu.memory_space<hbm>>) target_semaphore(%arg14 : memref<!tpu.dma_semaphore, #tpu.memory_space<semaphore_mem>>)
    %dma_wait3A_133 = arith.constant 0 : i32
    %dma_wait3A_134 = tpu.memref_slice %arg4[%mul3A_2, %dma_wait3A_133] : memref<8448x1024xf32, #tpu.memory_space<hbm>> -> memref<24x1024xf32, #tpu.memory_space<hbm>>
    %dma_wait3A_135 = arith.constant 0 : i32
    %dma_wait3A_136 = tpu.memref_slice %arg4[%mul3A_2, %dma_wait3A_135] : memref<8448x1024xf32, #tpu.memory_space<hbm>> -> memref<24x1024xf32, #tpu.memory_space<hbm>>
    tpu.wait_dma2 semaphore(%arg14 : memref<!tpu.dma_semaphore, #tpu.memory_space<semaphore_mem>>) src(%arg8 : memref<24x1024xf32, #tpu.memory_space<vmem>>) dst(%dma_wait3A_136 : memref<24x1024xf32, #tpu.memory_space<hbm>>)
    %dma_start3A_137 = arith.constant 192 : i32
    %dma_start3A_138 = tpu.memref_slice %arg5[%dma_start3A_137] : memref<264xi32, #tpu.memory_space<vmem>> -> memref<24xi32, #tpu.memory_space<vmem>>
    %dma_start3A_139 = arith.constant 0 : i32
    %dma_start3A_140 = arith.constant 0 : i32
    %dma_start3A_141 = tpu.memref_slice %arg2[%dma_start3A_139, %dma_start3A_140] : memref<32768x1024xf32, #tpu.memory_space<hbm>> -> memref<32768x1024xf32, #tpu.memory_space<hbm>>
    tpu.enqueue_indirect_dma source(%dma_start3A_141 : memref<32768x1024xf32, #tpu.memory_space<hbm>>) target(%arg8 : memref<24x1024xf32, #tpu.memory_space<vmem>>) offsets(%dma_start3A_138 : memref<24xi32, #tpu.memory_space<vmem>>) semaphore(%arg11 : memref<!tpu.dma_semaphore, #tpu.memory_space<semaphore_mem>>)
    %dma_wait3A_142 = arith.constant 0 : i32
    %dma_wait3A_143 = arith.constant 0 : i32
    %dma_wait3A_144 = tpu.memref_slice %arg2[%dma_wait3A_142, %dma_wait3A_143] : memref<32768x1024xf32, #tpu.memory_space<hbm>> -> memref<24x1024xf32, #tpu.memory_space<hbm>>
    %dma_wait3A_145 = arith.constant 0 : i32
    %dma_wait3A_146 = arith.constant 0 : i32
    %dma_wait3A_147 = tpu.memref_slice %arg2[%dma_wait3A_145, %dma_wait3A_146] : memref<32768x1024xf32, #tpu.memory_space<hbm>> -> memref<24x1024xf32, #tpu.memory_space<hbm>>
    tpu.wait_dma2 semaphore(%arg9 : memref<!tpu.dma_semaphore, #tpu.memory_space<semaphore_mem>>) src(%dma_wait3A_147 : memref<24x1024xf32, #tpu.memory_space<hbm>>) dst(%arg6 : memref<24x1024xf32, #tpu.memory_space<vmem>>)
    %add3A_148 = arith.constant 144 : i32
    %add3A_149 = arith.addi %mul3A_2, %add3A_148 : i32
    %dma_start3A_150 = arith.constant 0 : i32
    %dma_start3A_151 = tpu.memref_slice %arg4[%add3A_149, %dma_start3A_150] : memref<8448x1024xf32, #tpu.memory_space<hbm>> -> memref<24x1024xf32, #tpu.memory_space<hbm>>
    %dma_start3A_152 = arith.constant 0 : i32
    %dma_start3A_153 = tpu.memref_slice %arg4[%add3A_149, %dma_start3A_152] : memref<8448x1024xf32, #tpu.memory_space<hbm>> -> memref<24x1024xf32, #tpu.memory_space<hbm>>
    tpu.enqueue_dma source(%arg6 : memref<24x1024xf32, #tpu.memory_space<vmem>>) target(%dma_start3A_153 : memref<24x1024xf32, #tpu.memory_space<hbm>>) target_semaphore(%arg12 : memref<!tpu.dma_semaphore, #tpu.memory_space<semaphore_mem>>)
    %dma_wait3A_154 = arith.constant 0 : i32
    %dma_wait3A_155 = tpu.memref_slice %arg4[%mul3A_2, %dma_wait3A_154] : memref<8448x1024xf32, #tpu.memory_space<hbm>> -> memref<24x1024xf32, #tpu.memory_space<hbm>>
    %dma_wait3A_156 = arith.constant 0 : i32
    %dma_wait3A_157 = tpu.memref_slice %arg4[%mul3A_2, %dma_wait3A_156] : memref<8448x1024xf32, #tpu.memory_space<hbm>> -> memref<24x1024xf32, #tpu.memory_space<hbm>>
    tpu.wait_dma2 semaphore(%arg12 : memref<!tpu.dma_semaphore, #tpu.memory_space<semaphore_mem>>) src(%arg6 : memref<24x1024xf32, #tpu.memory_space<vmem>>) dst(%dma_wait3A_157 : memref<24x1024xf32, #tpu.memory_space<hbm>>)
    %dma_start3A_158 = arith.constant 216 : i32
    %dma_start3A_159 = tpu.memref_slice %arg5[%dma_start3A_158] : memref<264xi32, #tpu.memory_space<vmem>> -> memref<24xi32, #tpu.memory_space<vmem>>
    %dma_start3A_160 = arith.constant 0 : i32
    %dma_start3A_161 = arith.constant 0 : i32
    %dma_start3A_162 = tpu.memref_slice %arg2[%dma_start3A_160, %dma_start3A_161] : memref<32768x1024xf32, #tpu.memory_space<hbm>> -> memref<32768x1024xf32, #tpu.memory_space<hbm>>
    tpu.enqueue_indirect_dma source(%dma_start3A_162 : memref<32768x1024xf32, #tpu.memory_space<hbm>>) target(%arg6 : memref<24x1024xf32, #tpu.memory_space<vmem>>) offsets(%dma_start3A_159 : memref<24xi32, #tpu.memory_space<vmem>>) semaphore(%arg9 : memref<!tpu.dma_semaphore, #tpu.memory_space<semaphore_mem>>)
    %dma_wait3A_163 = arith.constant 0 : i32
    %dma_wait3A_164 = arith.constant 0 : i32
    %dma_wait3A_165 = tpu.memref_slice %arg2[%dma_wait3A_163, %dma_wait3A_164] : memref<32768x1024xf32, #tpu.memory_space<hbm>> -> memref<24x1024xf32, #tpu.memory_space<hbm>>
    %dma_wait3A_166 = arith.constant 0 : i32
    %dma_wait3A_167 = arith.constant 0 : i32
    %dma_wait3A_168 = tpu.memref_slice %arg2[%dma_wait3A_166, %dma_wait3A_167] : memref<32768x1024xf32, #tpu.memory_space<hbm>> -> memref<24x1024xf32, #tpu.memory_space<hbm>>
    tpu.wait_dma2 semaphore(%arg10 : memref<!tpu.dma_semaphore, #tpu.memory_space<semaphore_mem>>) src(%dma_wait3A_168 : memref<24x1024xf32, #tpu.memory_space<hbm>>) dst(%arg7 : memref<24x1024xf32, #tpu.memory_space<vmem>>)
    %add3A_169 = arith.constant 168 : i32
    %add3A_170 = arith.addi %mul3A_2, %add3A_169 : i32
    %dma_start3A_171 = arith.constant 0 : i32
    %dma_start3A_172 = tpu.memref_slice %arg4[%add3A_170, %dma_start3A_171] : memref<8448x1024xf32, #tpu.memory_space<hbm>> -> memref<24x1024xf32, #tpu.memory_space<hbm>>
    %dma_start3A_173 = arith.constant 0 : i32
    %dma_start3A_174 = tpu.memref_slice %arg4[%add3A_170, %dma_start3A_173] : memref<8448x1024xf32, #tpu.memory_space<hbm>> -> memref<24x1024xf32, #tpu.memory_space<hbm>>
    tpu.enqueue_dma source(%arg7 : memref<24x1024xf32, #tpu.memory_space<vmem>>) target(%dma_start3A_174 : memref<24x1024xf32, #tpu.memory_space<hbm>>) target_semaphore(%arg13 : memref<!tpu.dma_semaphore, #tpu.memory_space<semaphore_mem>>)
    %dma_wait3A_175 = arith.constant 0 : i32
    %dma_wait3A_176 = tpu.memref_slice %arg4[%mul3A_2, %dma_wait3A_175] : memref<8448x1024xf32, #tpu.memory_space<hbm>> -> memref<24x1024xf32, #tpu.memory_space<hbm>>
    %dma_wait3A_177 = arith.constant 0 : i32
    %dma_wait3A_178 = tpu.memref_slice %arg4[%mul3A_2, %dma_wait3A_177] : memref<8448x1024xf32, #tpu.memory_space<hbm>> -> memref<24x1024xf32, #tpu.memory_space<hbm>>
    tpu.wait_dma2 semaphore(%arg13 : memref<!tpu.dma_semaphore, #tpu.memory_space<semaphore_mem>>) src(%arg7 : memref<24x1024xf32, #tpu.memory_space<vmem>>) dst(%dma_wait3A_178 : memref<24x1024xf32, #tpu.memory_space<hbm>>)
    %dma_start3A_179 = arith.constant 240 : i32
    %dma_start3A_180 = tpu.memref_slice %arg5[%dma_start3A_179] : memref<264xi32, #tpu.memory_space<vmem>> -> memref<24xi32, #tpu.memory_space<vmem>>
    %dma_start3A_181 = arith.constant 0 : i32
    %dma_start3A_182 = arith.constant 0 : i32
    %dma_start3A_183 = tpu.memref_slice %arg2[%dma_start3A_181, %dma_start3A_182] : memref<32768x1024xf32, #tpu.memory_space<hbm>> -> memref<32768x1024xf32, #tpu.memory_space<hbm>>
    tpu.enqueue_indirect_dma source(%dma_start3A_183 : memref<32768x1024xf32, #tpu.memory_space<hbm>>) target(%arg7 : memref<24x1024xf32, #tpu.memory_space<vmem>>) offsets(%dma_start3A_180 : memref<24xi32, #tpu.memory_space<vmem>>) semaphore(%arg10 : memref<!tpu.dma_semaphore, #tpu.memory_space<semaphore_mem>>)
    %dma_wait3A_184 = arith.constant 0 : i32
    %dma_wait3A_185 = arith.constant 0 : i32
    %dma_wait3A_186 = tpu.memref_slice %arg2[%dma_wait3A_184, %dma_wait3A_185] : memref<32768x1024xf32, #tpu.memory_space<hbm>> -> memref<24x1024xf32, #tpu.memory_space<hbm>>
    %dma_wait3A_187 = arith.constant 0 : i32
    %dma_wait3A_188 = arith.constant 0 : i32
    %dma_wait3A_189 = tpu.memref_slice %arg2[%dma_wait3A_187, %dma_wait3A_188] : memref<32768x1024xf32, #tpu.memory_space<hbm>> -> memref<24x1024xf32, #tpu.memory_space<hbm>>
    tpu.wait_dma2 semaphore(%arg11 : memref<!tpu.dma_semaphore, #tpu.memory_space<semaphore_mem>>) src(%dma_wait3A_189 : memref<24x1024xf32, #tpu.memory_space<hbm>>) dst(%arg8 : memref<24x1024xf32, #tpu.memory_space<vmem>>)
    %add3A_190 = arith.constant 192 : i32
    %add3A_191 = arith.addi %mul3A_2, %add3A_190 : i32
    %dma_start3A_192 = arith.constant 0 : i32
    %dma_start3A_193 = tpu.memref_slice %arg4[%add3A_191, %dma_start3A_192] : memref<8448x1024xf32, #tpu.memory_space<hbm>> -> memref<24x1024xf32, #tpu.memory_space<hbm>>
    %dma_start3A_194 = arith.constant 0 : i32
    %dma_start3A_195 = tpu.memref_slice %arg4[%add3A_191, %dma_start3A_194] : memref<8448x1024xf32, #tpu.memory_space<hbm>> -> memref<24x1024xf32, #tpu.memory_space<hbm>>
    tpu.enqueue_dma source(%arg8 : memref<24x1024xf32, #tpu.memory_space<vmem>>) target(%dma_start3A_195 : memref<24x1024xf32, #tpu.memory_space<hbm>>) target_semaphore(%arg14 : memref<!tpu.dma_semaphore, #tpu.memory_space<semaphore_mem>>)
    %dma_wait3A_196 = arith.constant 0 : i32
    %dma_wait3A_197 = arith.constant 0 : i32
    %dma_wait3A_198 = tpu.memref_slice %arg2[%dma_wait3A_196, %dma_wait3A_197] : memref<32768x1024xf32, #tpu.memory_space<hbm>> -> memref<24x1024xf32, #tpu.memory_space<hbm>>
    %dma_wait3A_199 = arith.constant 0 : i32
    %dma_wait3A_200 = arith.constant 0 : i32
    %dma_wait3A_201 = tpu.memref_slice %arg2[%dma_wait3A_199, %dma_wait3A_200] : memref<32768x1024xf32, #tpu.memory_space<hbm>> -> memref<24x1024xf32, #tpu.memory_space<hbm>>
    tpu.wait_dma2 semaphore(%arg9 : memref<!tpu.dma_semaphore, #tpu.memory_space<semaphore_mem>>) src(%dma_wait3A_201 : memref<24x1024xf32, #tpu.memory_space<hbm>>) dst(%arg6 : memref<24x1024xf32, #tpu.memory_space<vmem>>)
    %add3A_202 = arith.constant 216 : i32
    %add3A_203 = arith.addi %mul3A_2, %add3A_202 : i32
    %dma_start3A_204 = arith.constant 0 : i32
    %dma_start3A_205 = tpu.memref_slice %arg4[%add3A_203, %dma_start3A_204] : memref<8448x1024xf32, #tpu.memory_space<hbm>> -> memref<24x1024xf32, #tpu.memory_space<hbm>>
    %dma_start3A_206 = arith.constant 0 : i32
    %dma_start3A_207 = tpu.memref_slice %arg4[%add3A_203, %dma_start3A_206] : memref<8448x1024xf32, #tpu.memory_space<hbm>> -> memref<24x1024xf32, #tpu.memory_space<hbm>>
    tpu.enqueue_dma source(%arg6 : memref<24x1024xf32, #tpu.memory_space<vmem>>) target(%dma_start3A_207 : memref<24x1024xf32, #tpu.memory_space<hbm>>) target_semaphore(%arg12 : memref<!tpu.dma_semaphore, #tpu.memory_space<semaphore_mem>>)
    %dma_wait3A_208 = arith.constant 0 : i32
    %dma_wait3A_209 = arith.constant 0 : i32
    %dma_wait3A_210 = tpu.memref_slice %arg2[%dma_wait3A_208, %dma_wait3A_209] : memref<32768x1024xf32, #tpu.memory_space<hbm>> -> memref<24x1024xf32, #tpu.memory_space<hbm>>
    %dma_wait3A_211 = arith.constant 0 : i32
    %dma_wait3A_212 = arith.constant 0 : i32
    %dma_wait3A_213 = tpu.memref_slice %arg2[%dma_wait3A_211, %dma_wait3A_212] : memref<32768x1024xf32, #tpu.memory_space<hbm>> -> memref<24x1024xf32, #tpu.memory_space<hbm>>
    tpu.wait_dma2 semaphore(%arg10 : memref<!tpu.dma_semaphore, #tpu.memory_space<semaphore_mem>>) src(%dma_wait3A_213 : memref<24x1024xf32, #tpu.memory_space<hbm>>) dst(%arg7 : memref<24x1024xf32, #tpu.memory_space<vmem>>)
    %add3A_214 = arith.constant 240 : i32
    %add3A_215 = arith.addi %mul3A_2, %add3A_214 : i32
    %dma_start3A_216 = arith.constant 0 : i32
    %dma_start3A_217 = tpu.memref_slice %arg4[%add3A_215, %dma_start3A_216] : memref<8448x1024xf32, #tpu.memory_space<hbm>> -> memref<24x1024xf32, #tpu.memory_space<hbm>>
    %dma_start3A_218 = arith.constant 0 : i32
    %dma_start3A_219 = tpu.memref_slice %arg4[%add3A_215, %dma_start3A_218] : memref<8448x1024xf32, #tpu.memory_space<hbm>> -> memref<24x1024xf32, #tpu.memory_space<hbm>>
    tpu.enqueue_dma source(%arg7 : memref<24x1024xf32, #tpu.memory_space<vmem>>) target(%dma_start3A_219 : memref<24x1024xf32, #tpu.memory_space<hbm>>) target_semaphore(%arg13 : memref<!tpu.dma_semaphore, #tpu.memory_space<semaphore_mem>>)
    %dma_wait3A_220 = arith.constant 0 : i32
    %dma_wait3A_221 = tpu.memref_slice %arg4[%mul3A_2, %dma_wait3A_220] : memref<8448x1024xf32, #tpu.memory_space<hbm>> -> memref<24x1024xf32, #tpu.memory_space<hbm>>
    %dma_wait3A_222 = arith.constant 0 : i32
    %dma_wait3A_223 = tpu.memref_slice %arg4[%mul3A_2, %dma_wait3A_222] : memref<8448x1024xf32, #tpu.memory_space<hbm>> -> memref<24x1024xf32, #tpu.memory_space<hbm>>
    tpu.wait_dma2 semaphore(%arg14 : memref<!tpu.dma_semaphore, #tpu.memory_space<semaphore_mem>>) src(%arg8 : memref<24x1024xf32, #tpu.memory_space<vmem>>) dst(%dma_wait3A_223 : memref<24x1024xf32, #tpu.memory_space<hbm>>)
    %dma_wait3A_224 = arith.constant 0 : i32
    %dma_wait3A_225 = tpu.memref_slice %arg4[%mul3A_2, %dma_wait3A_224] : memref<8448x1024xf32, #tpu.memory_space<hbm>> -> memref<24x1024xf32, #tpu.memory_space<hbm>>
    %dma_wait3A_226 = arith.constant 0 : i32
    %dma_wait3A_227 = tpu.memref_slice %arg4[%mul3A_2, %dma_wait3A_226] : memref<8448x1024xf32, #tpu.memory_space<hbm>> -> memref<24x1024xf32, #tpu.memory_space<hbm>>
    tpu.wait_dma2 semaphore(%arg12 : memref<!tpu.dma_semaphore, #tpu.memory_space<semaphore_mem>>) src(%arg6 : memref<24x1024xf32, #tpu.memory_space<vmem>>) dst(%dma_wait3A_227 : memref<24x1024xf32, #tpu.memory_space<hbm>>)
    %dma_wait3A_228 = arith.constant 0 : i32
    %dma_wait3A_229 = tpu.memref_slice %arg4[%mul3A_2, %dma_wait3A_228] : memref<8448x1024xf32, #tpu.memory_space<hbm>> -> memref<24x1024xf32, #tpu.memory_space<hbm>>
    %dma_wait3A_230 = arith.constant 0 : i32
    %dma_wait3A_231 = tpu.memref_slice %arg4[%mul3A_2, %dma_wait3A_230] : memref<8448x1024xf32, #tpu.memory_space<hbm>> -> memref<24x1024xf32, #tpu.memory_space<hbm>>
    tpu.wait_dma2 semaphore(%arg13 : memref<!tpu.dma_semaphore, #tpu.memory_space<semaphore_mem>>) src(%arg7 : memref<24x1024xf32, #tpu.memory_space<vmem>>) dst(%dma_wait3A_231 : memref<24x1024xf32, #tpu.memory_space<hbm>>)
    return
  }
}

#map = affine_map<(d0, d1) -> (0, 0)>
#map1 = affine_map<(d0, d1) -> (0)>
module attributes {stable_mosaic.version = 14 : i64} {
  func.func @gather_k(%arg0: i32, %arg1: i32, %arg2: memref<32768x1024xf32, #tpu.memory_space<hbm>>, %arg3: memref<8448xi32, #tpu.memory_space<hbm>>, %arg4: memref<8448x1024xf32, #tpu.memory_space<hbm>>, %arg5: memref<264xi32, #tpu.memory_space<vmem>>, %arg6: memref<24x1024xf32, #tpu.memory_space<vmem>>, %arg7: memref<24x1024xf32, #tpu.memory_space<vmem>>, %arg8: memref<24x1024xf32, #tpu.memory_space<vmem>>, %arg9: memref<!tpu.dma_semaphore, #tpu.memory_space<semaphore_mem>>, %arg10: memref<!tpu.dma_semaphore, #tpu.memory_space<semaphore_mem>>, %arg11: memref<!tpu.dma_semaphore, #tpu.memory_space<semaphore_mem>>, %arg12: memref<!tpu.dma_semaphore, #tpu.memory_space<semaphore_mem>>, %arg13: memref<!tpu.dma_semaphore, #tpu.memory_space<semaphore_mem>>, %arg14: memref<!tpu.dma_semaphore, #tpu.memory_space<semaphore_mem>>) attributes {dimension_semantics = [#tpu.dimension_semantics<core_parallel>, #tpu.dimension_semantics<subcore_parallel>], iteration_bounds = array<i64: 2, 16>, scalar_prefetch = 0 : i64, scratch_operands = 10 : i64, tpu.core_type = #tpu.core_type<sc_vector_subcore>, window_params = [{transform_indices = #map}, {transform_indices = #map1}, {transform_indices = #map}]} {
    %mul3A = arith.constant 2 : i32
    %mul3A_0 = arith.muli %arg1, %mul3A : i32
    %add3A = arith.addi %mul3A_0, %arg0 : i32
    %mul3A_1 = arith.constant 264 : i32
    %mul3A_2 = arith.muli %add3A, %mul3A_1 : i32
    "tpu.region"() ({
      %run_scoped3A = tpu.sem_alloc : memref<!tpu.dma_semaphore, #tpu.memory_space<semaphore_mem>>
      %dma_start3A_232 = tpu.memref_slice %arg3[%mul3A_2] : memref<8448xi32, #tpu.memory_space<hbm>> -> memref<264xi32, #tpu.memory_space<hbm>>
      %dma_start3A_233 = tpu.memref_slice %arg3[%mul3A_2] : memref<8448xi32, #tpu.memory_space<hbm>> -> memref<264xi32, #tpu.memory_space<hbm>>
      tpu.enqueue_dma source(%dma_start3A_233 : memref<264xi32, #tpu.memory_space<hbm>>) target(%arg5 : memref<264xi32, #tpu.memory_space<vmem>>) target_semaphore(%run_scoped3A : memref<!tpu.dma_semaphore, #tpu.memory_space<semaphore_mem>>)
      %dma_wait3A_234 = tpu.memref_slice %arg3[%mul3A_2] : memref<8448xi32, #tpu.memory_space<hbm>> -> memref<264xi32, #tpu.memory_space<hbm>>
      %dma_wait3A_235 = tpu.memref_slice %arg3[%mul3A_2] : memref<8448xi32, #tpu.memory_space<hbm>> -> memref<264xi32, #tpu.memory_space<hbm>>
      tpu.wait_dma2 semaphore(%run_scoped3A : memref<!tpu.dma_semaphore, #tpu.memory_space<semaphore_mem>>) src(%dma_wait3A_235 : memref<264xi32, #tpu.memory_space<hbm>>) dst(%arg5 : memref<264xi32, #tpu.memory_space<vmem>>)
      tpu.yield
    }) : () -> ()
    %dma_start3A = arith.constant 0 : i32
    %dma_start3A_3 = tpu.memref_slice %arg5[%dma_start3A] : memref<264xi32, #tpu.memory_space<vmem>> -> memref<24xi32, #tpu.memory_space<vmem>>
    %dma_start3A_4 = arith.constant 0 : i32
    %dma_start3A_5 = arith.constant 0 : i32
    %dma_start3A_6 = tpu.memref_slice %arg2[%dma_start3A_4, %dma_start3A_5] : memref<32768x1024xf32, #tpu.memory_space<hbm>> -> memref<32768x1024xf32, #tpu.memory_space<hbm>>
    tpu.enqueue_indirect_dma source(%dma_start3A_6 : memref<32768x1024xf32, #tpu.memory_space<hbm>>) target(%arg6 : memref<24x1024xf32, #tpu.memory_space<vmem>>) offsets(%dma_start3A_3 : memref<24xi32, #tpu.memory_space<vmem>>) semaphore(%arg9 : memref<!tpu.dma_semaphore, #tpu.memory_space<semaphore_mem>>)
    %dma_start3A_7 = arith.constant 24 : i32
    %dma_start3A_8 = tpu.memref_slice %arg5[%dma_start3A_7] : memref<264xi32, #tpu.memory_space<vmem>> -> memref<24xi32, #tpu.memory_space<vmem>>
    %dma_start3A_9 = arith.constant 0 : i32
    %dma_start3A_10 = arith.constant 0 : i32
    %dma_start3A_11 = tpu.memref_slice %arg2[%dma_start3A_9, %dma_start3A_10] : memref<32768x1024xf32, #tpu.memory_space<hbm>> -> memref<32768x1024xf32, #tpu.memory_space<hbm>>
    tpu.enqueue_indirect_dma source(%dma_start3A_11 : memref<32768x1024xf32, #tpu.memory_space<hbm>>) target(%arg7 : memref<24x1024xf32, #tpu.memory_space<vmem>>) offsets(%dma_start3A_8 : memref<24xi32, #tpu.memory_space<vmem>>) semaphore(%arg10 : memref<!tpu.dma_semaphore, #tpu.memory_space<semaphore_mem>>)
    %dma_start3A_12 = arith.constant 48 : i32
    %dma_start3A_13 = tpu.memref_slice %arg5[%dma_start3A_12] : memref<264xi32, #tpu.memory_space<vmem>> -> memref<24xi32, #tpu.memory_space<vmem>>
    %dma_start3A_14 = arith.constant 0 : i32
    %dma_start3A_15 = arith.constant 0 : i32
    %dma_start3A_16 = tpu.memref_slice %arg2[%dma_start3A_14, %dma_start3A_15] : memref<32768x1024xf32, #tpu.memory_space<hbm>> -> memref<32768x1024xf32, #tpu.memory_space<hbm>>
    tpu.enqueue_indirect_dma source(%dma_start3A_16 : memref<32768x1024xf32, #tpu.memory_space<hbm>>) target(%arg8 : memref<24x1024xf32, #tpu.memory_space<vmem>>) offsets(%dma_start3A_13 : memref<24xi32, #tpu.memory_space<vmem>>) semaphore(%arg11 : memref<!tpu.dma_semaphore, #tpu.memory_space<semaphore_mem>>)
    %dma_wait3A = arith.constant 0 : i32
    %dma_wait3A_17 = arith.constant 0 : i32
    %dma_wait3A_18 = tpu.memref_slice %arg2[%dma_wait3A, %dma_wait3A_17] : memref<32768x1024xf32, #tpu.memory_space<hbm>> -> memref<24x1024xf32, #tpu.memory_space<hbm>>
    %dma_wait3A_19 = arith.constant 0 : i32
    %dma_wait3A_20 = arith.constant 0 : i32
    %dma_wait3A_21 = tpu.memref_slice %arg2[%dma_wait3A_19, %dma_wait3A_20] : memref<32768x1024xf32, #tpu.memory_space<hbm>> -> memref<24x1024xf32, #tpu.memory_space<hbm>>
    tpu.wait_dma2 semaphore(%arg9 : memref<!tpu.dma_semaphore, #tpu.memory_space<semaphore_mem>>) src(%dma_wait3A_21 : memref<24x1024xf32, #tpu.memory_space<hbm>>) dst(%arg6 : memref<24x1024xf32, #tpu.memory_space<vmem>>)
    %add3A_22 = arith.constant 0 : i32
    %add3A_23 = arith.addi %mul3A_2, %add3A_22 : i32
    %dma_start3A_24 = arith.constant 0 : i32
    %dma_start3A_25 = tpu.memref_slice %arg4[%add3A_23, %dma_start3A_24] : memref<8448x1024xf32, #tpu.memory_space<hbm>> -> memref<24x1024xf32, #tpu.memory_space<hbm>>
    %dma_start3A_26 = arith.constant 0 : i32
    %dma_start3A_27 = tpu.memref_slice %arg4[%add3A_23, %dma_start3A_26] : memref<8448x1024xf32, #tpu.memory_space<hbm>> -> memref<24x1024xf32, #tpu.memory_space<hbm>>
    tpu.enqueue_dma source(%arg6 : memref<24x1024xf32, #tpu.memory_space<vmem>>) target(%dma_start3A_27 : memref<24x1024xf32, #tpu.memory_space<hbm>>) target_semaphore(%arg12 : memref<!tpu.dma_semaphore, #tpu.memory_space<semaphore_mem>>)
    %dma_wait3A_28 = arith.constant 0 : i32
    %dma_wait3A_29 = tpu.memref_slice %arg4[%mul3A_2, %dma_wait3A_28] : memref<8448x1024xf32, #tpu.memory_space<hbm>> -> memref<24x1024xf32, #tpu.memory_space<hbm>>
    %dma_wait3A_30 = arith.constant 0 : i32
    %dma_wait3A_31 = tpu.memref_slice %arg4[%mul3A_2, %dma_wait3A_30] : memref<8448x1024xf32, #tpu.memory_space<hbm>> -> memref<24x1024xf32, #tpu.memory_space<hbm>>
    tpu.wait_dma2 semaphore(%arg12 : memref<!tpu.dma_semaphore, #tpu.memory_space<semaphore_mem>>) src(%arg6 : memref<24x1024xf32, #tpu.memory_space<vmem>>) dst(%dma_wait3A_31 : memref<24x1024xf32, #tpu.memory_space<hbm>>)
    %dma_start3A_32 = arith.constant 72 : i32
    %dma_start3A_33 = tpu.memref_slice %arg5[%dma_start3A_32] : memref<264xi32, #tpu.memory_space<vmem>> -> memref<24xi32, #tpu.memory_space<vmem>>
    %dma_start3A_34 = arith.constant 0 : i32
    %dma_start3A_35 = arith.constant 0 : i32
    %dma_start3A_36 = tpu.memref_slice %arg2[%dma_start3A_34, %dma_start3A_35] : memref<32768x1024xf32, #tpu.memory_space<hbm>> -> memref<32768x1024xf32, #tpu.memory_space<hbm>>
    tpu.enqueue_indirect_dma source(%dma_start3A_36 : memref<32768x1024xf32, #tpu.memory_space<hbm>>) target(%arg6 : memref<24x1024xf32, #tpu.memory_space<vmem>>) offsets(%dma_start3A_33 : memref<24xi32, #tpu.memory_space<vmem>>) semaphore(%arg9 : memref<!tpu.dma_semaphore, #tpu.memory_space<semaphore_mem>>)
    %dma_wait3A_37 = arith.constant 0 : i32
    %dma_wait3A_38 = arith.constant 0 : i32
    %dma_wait3A_39 = tpu.memref_slice %arg2[%dma_wait3A_37, %dma_wait3A_38] : memref<32768x1024xf32, #tpu.memory_space<hbm>> -> memref<24x1024xf32, #tpu.memory_space<hbm>>
    %dma_wait3A_40 = arith.constant 0 : i32
    %dma_wait3A_41 = arith.constant 0 : i32
    %dma_wait3A_42 = tpu.memref_slice %arg2[%dma_wait3A_40, %dma_wait3A_41] : memref<32768x1024xf32, #tpu.memory_space<hbm>> -> memref<24x1024xf32, #tpu.memory_space<hbm>>
    tpu.wait_dma2 semaphore(%arg10 : memref<!tpu.dma_semaphore, #tpu.memory_space<semaphore_mem>>) src(%dma_wait3A_42 : memref<24x1024xf32, #tpu.memory_space<hbm>>) dst(%arg7 : memref<24x1024xf32, #tpu.memory_space<vmem>>)
    %add3A_43 = arith.constant 24 : i32
    %add3A_44 = arith.addi %mul3A_2, %add3A_43 : i32
    %dma_start3A_45 = arith.constant 0 : i32
    %dma_start3A_46 = tpu.memref_slice %arg4[%add3A_44, %dma_start3A_45] : memref<8448x1024xf32, #tpu.memory_space<hbm>> -> memref<24x1024xf32, #tpu.memory_space<hbm>>
    %dma_start3A_47 = arith.constant 0 : i32
    %dma_start3A_48 = tpu.memref_slice %arg4[%add3A_44, %dma_start3A_47] : memref<8448x1024xf32, #tpu.memory_space<hbm>> -> memref<24x1024xf32, #tpu.memory_space<hbm>>
    tpu.enqueue_dma source(%arg7 : memref<24x1024xf32, #tpu.memory_space<vmem>>) target(%dma_start3A_48 : memref<24x1024xf32, #tpu.memory_space<hbm>>) target_semaphore(%arg13 : memref<!tpu.dma_semaphore, #tpu.memory_space<semaphore_mem>>)
    %dma_wait3A_49 = arith.constant 0 : i32
    %dma_wait3A_50 = tpu.memref_slice %arg4[%mul3A_2, %dma_wait3A_49] : memref<8448x1024xf32, #tpu.memory_space<hbm>> -> memref<24x1024xf32, #tpu.memory_space<hbm>>
    %dma_wait3A_51 = arith.constant 0 : i32
    %dma_wait3A_52 = tpu.memref_slice %arg4[%mul3A_2, %dma_wait3A_51] : memref<8448x1024xf32, #tpu.memory_space<hbm>> -> memref<24x1024xf32, #tpu.memory_space<hbm>>
    tpu.wait_dma2 semaphore(%arg13 : memref<!tpu.dma_semaphore, #tpu.memory_space<semaphore_mem>>) src(%arg7 : memref<24x1024xf32, #tpu.memory_space<vmem>>) dst(%dma_wait3A_52 : memref<24x1024xf32, #tpu.memory_space<hbm>>)
    %dma_start3A_53 = arith.constant 96 : i32
    %dma_start3A_54 = tpu.memref_slice %arg5[%dma_start3A_53] : memref<264xi32, #tpu.memory_space<vmem>> -> memref<24xi32, #tpu.memory_space<vmem>>
    %dma_start3A_55 = arith.constant 0 : i32
    %dma_start3A_56 = arith.constant 0 : i32
    %dma_start3A_57 = tpu.memref_slice %arg2[%dma_start3A_55, %dma_start3A_56] : memref<32768x1024xf32, #tpu.memory_space<hbm>> -> memref<32768x1024xf32, #tpu.memory_space<hbm>>
    tpu.enqueue_indirect_dma source(%dma_start3A_57 : memref<32768x1024xf32, #tpu.memory_space<hbm>>) target(%arg7 : memref<24x1024xf32, #tpu.memory_space<vmem>>) offsets(%dma_start3A_54 : memref<24xi32, #tpu.memory_space<vmem>>) semaphore(%arg10 : memref<!tpu.dma_semaphore, #tpu.memory_space<semaphore_mem>>)
    %dma_wait3A_58 = arith.constant 0 : i32
    %dma_wait3A_59 = arith.constant 0 : i32
    %dma_wait3A_60 = tpu.memref_slice %arg2[%dma_wait3A_58, %dma_wait3A_59] : memref<32768x1024xf32, #tpu.memory_space<hbm>> -> memref<24x1024xf32, #tpu.memory_space<hbm>>
    %dma_wait3A_61 = arith.constant 0 : i32
    %dma_wait3A_62 = arith.constant 0 : i32
    %dma_wait3A_63 = tpu.memref_slice %arg2[%dma_wait3A_61, %dma_wait3A_62] : memref<32768x1024xf32, #tpu.memory_space<hbm>> -> memref<24x1024xf32, #tpu.memory_space<hbm>>
    tpu.wait_dma2 semaphore(%arg11 : memref<!tpu.dma_semaphore, #tpu.memory_space<semaphore_mem>>) src(%dma_wait3A_63 : memref<24x1024xf32, #tpu.memory_space<hbm>>) dst(%arg8 : memref<24x1024xf32, #tpu.memory_space<vmem>>)
    %add3A_64 = arith.constant 48 : i32
    %add3A_65 = arith.addi %mul3A_2, %add3A_64 : i32
    %dma_start3A_66 = arith.constant 0 : i32
    %dma_start3A_67 = tpu.memref_slice %arg4[%add3A_65, %dma_start3A_66] : memref<8448x1024xf32, #tpu.memory_space<hbm>> -> memref<24x1024xf32, #tpu.memory_space<hbm>>
    %dma_start3A_68 = arith.constant 0 : i32
    %dma_start3A_69 = tpu.memref_slice %arg4[%add3A_65, %dma_start3A_68] : memref<8448x1024xf32, #tpu.memory_space<hbm>> -> memref<24x1024xf32, #tpu.memory_space<hbm>>
    tpu.enqueue_dma source(%arg8 : memref<24x1024xf32, #tpu.memory_space<vmem>>) target(%dma_start3A_69 : memref<24x1024xf32, #tpu.memory_space<hbm>>) target_semaphore(%arg14 : memref<!tpu.dma_semaphore, #tpu.memory_space<semaphore_mem>>)
    %dma_wait3A_70 = arith.constant 0 : i32
    %dma_wait3A_71 = tpu.memref_slice %arg4[%mul3A_2, %dma_wait3A_70] : memref<8448x1024xf32, #tpu.memory_space<hbm>> -> memref<24x1024xf32, #tpu.memory_space<hbm>>
    %dma_wait3A_72 = arith.constant 0 : i32
    %dma_wait3A_73 = tpu.memref_slice %arg4[%mul3A_2, %dma_wait3A_72] : memref<8448x1024xf32, #tpu.memory_space<hbm>> -> memref<24x1024xf32, #tpu.memory_space<hbm>>
    tpu.wait_dma2 semaphore(%arg14 : memref<!tpu.dma_semaphore, #tpu.memory_space<semaphore_mem>>) src(%arg8 : memref<24x1024xf32, #tpu.memory_space<vmem>>) dst(%dma_wait3A_73 : memref<24x1024xf32, #tpu.memory_space<hbm>>)
    %dma_start3A_74 = arith.constant 120 : i32
    %dma_start3A_75 = tpu.memref_slice %arg5[%dma_start3A_74] : memref<264xi32, #tpu.memory_space<vmem>> -> memref<24xi32, #tpu.memory_space<vmem>>
    %dma_start3A_76 = arith.constant 0 : i32
    %dma_start3A_77 = arith.constant 0 : i32
    %dma_start3A_78 = tpu.memref_slice %arg2[%dma_start3A_76, %dma_start3A_77] : memref<32768x1024xf32, #tpu.memory_space<hbm>> -> memref<32768x1024xf32, #tpu.memory_space<hbm>>
    tpu.enqueue_indirect_dma source(%dma_start3A_78 : memref<32768x1024xf32, #tpu.memory_space<hbm>>) target(%arg8 : memref<24x1024xf32, #tpu.memory_space<vmem>>) offsets(%dma_start3A_75 : memref<24xi32, #tpu.memory_space<vmem>>) semaphore(%arg11 : memref<!tpu.dma_semaphore, #tpu.memory_space<semaphore_mem>>)
    %dma_wait3A_79 = arith.constant 0 : i32
    %dma_wait3A_80 = arith.constant 0 : i32
    %dma_wait3A_81 = tpu.memref_slice %arg2[%dma_wait3A_79, %dma_wait3A_80] : memref<32768x1024xf32, #tpu.memory_space<hbm>> -> memref<24x1024xf32, #tpu.memory_space<hbm>>
    %dma_wait3A_82 = arith.constant 0 : i32
    %dma_wait3A_83 = arith.constant 0 : i32
    %dma_wait3A_84 = tpu.memref_slice %arg2[%dma_wait3A_82, %dma_wait3A_83] : memref<32768x1024xf32, #tpu.memory_space<hbm>> -> memref<24x1024xf32, #tpu.memory_space<hbm>>
    tpu.wait_dma2 semaphore(%arg9 : memref<!tpu.dma_semaphore, #tpu.memory_space<semaphore_mem>>) src(%dma_wait3A_84 : memref<24x1024xf32, #tpu.memory_space<hbm>>) dst(%arg6 : memref<24x1024xf32, #tpu.memory_space<vmem>>)
    %add3A_85 = arith.constant 72 : i32
    %add3A_86 = arith.addi %mul3A_2, %add3A_85 : i32
    %dma_start3A_87 = arith.constant 0 : i32
    %dma_start3A_88 = tpu.memref_slice %arg4[%add3A_86, %dma_start3A_87] : memref<8448x1024xf32, #tpu.memory_space<hbm>> -> memref<24x1024xf32, #tpu.memory_space<hbm>>
    %dma_start3A_89 = arith.constant 0 : i32
    %dma_start3A_90 = tpu.memref_slice %arg4[%add3A_86, %dma_start3A_89] : memref<8448x1024xf32, #tpu.memory_space<hbm>> -> memref<24x1024xf32, #tpu.memory_space<hbm>>
    tpu.enqueue_dma source(%arg6 : memref<24x1024xf32, #tpu.memory_space<vmem>>) target(%dma_start3A_90 : memref<24x1024xf32, #tpu.memory_space<hbm>>) target_semaphore(%arg12 : memref<!tpu.dma_semaphore, #tpu.memory_space<semaphore_mem>>)
    %dma_wait3A_91 = arith.constant 0 : i32
    %dma_wait3A_92 = tpu.memref_slice %arg4[%mul3A_2, %dma_wait3A_91] : memref<8448x1024xf32, #tpu.memory_space<hbm>> -> memref<24x1024xf32, #tpu.memory_space<hbm>>
    %dma_wait3A_93 = arith.constant 0 : i32
    %dma_wait3A_94 = tpu.memref_slice %arg4[%mul3A_2, %dma_wait3A_93] : memref<8448x1024xf32, #tpu.memory_space<hbm>> -> memref<24x1024xf32, #tpu.memory_space<hbm>>
    tpu.wait_dma2 semaphore(%arg12 : memref<!tpu.dma_semaphore, #tpu.memory_space<semaphore_mem>>) src(%arg6 : memref<24x1024xf32, #tpu.memory_space<vmem>>) dst(%dma_wait3A_94 : memref<24x1024xf32, #tpu.memory_space<hbm>>)
    %dma_start3A_95 = arith.constant 144 : i32
    %dma_start3A_96 = tpu.memref_slice %arg5[%dma_start3A_95] : memref<264xi32, #tpu.memory_space<vmem>> -> memref<24xi32, #tpu.memory_space<vmem>>
    %dma_start3A_97 = arith.constant 0 : i32
    %dma_start3A_98 = arith.constant 0 : i32
    %dma_start3A_99 = tpu.memref_slice %arg2[%dma_start3A_97, %dma_start3A_98] : memref<32768x1024xf32, #tpu.memory_space<hbm>> -> memref<32768x1024xf32, #tpu.memory_space<hbm>>
    tpu.enqueue_indirect_dma source(%dma_start3A_99 : memref<32768x1024xf32, #tpu.memory_space<hbm>>) target(%arg6 : memref<24x1024xf32, #tpu.memory_space<vmem>>) offsets(%dma_start3A_96 : memref<24xi32, #tpu.memory_space<vmem>>) semaphore(%arg9 : memref<!tpu.dma_semaphore, #tpu.memory_space<semaphore_mem>>)
    %dma_wait3A_100 = arith.constant 0 : i32
    %dma_wait3A_101 = arith.constant 0 : i32
    %dma_wait3A_102 = tpu.memref_slice %arg2[%dma_wait3A_100, %dma_wait3A_101] : memref<32768x1024xf32, #tpu.memory_space<hbm>> -> memref<24x1024xf32, #tpu.memory_space<hbm>>
    %dma_wait3A_103 = arith.constant 0 : i32
    %dma_wait3A_104 = arith.constant 0 : i32
    %dma_wait3A_105 = tpu.memref_slice %arg2[%dma_wait3A_103, %dma_wait3A_104] : memref<32768x1024xf32, #tpu.memory_space<hbm>> -> memref<24x1024xf32, #tpu.memory_space<hbm>>
    tpu.wait_dma2 semaphore(%arg10 : memref<!tpu.dma_semaphore, #tpu.memory_space<semaphore_mem>>) src(%dma_wait3A_105 : memref<24x1024xf32, #tpu.memory_space<hbm>>) dst(%arg7 : memref<24x1024xf32, #tpu.memory_space<vmem>>)
    %add3A_106 = arith.constant 96 : i32
    %add3A_107 = arith.addi %mul3A_2, %add3A_106 : i32
    %dma_start3A_108 = arith.constant 0 : i32
    %dma_start3A_109 = tpu.memref_slice %arg4[%add3A_107, %dma_start3A_108] : memref<8448x1024xf32, #tpu.memory_space<hbm>> -> memref<24x1024xf32, #tpu.memory_space<hbm>>
    %dma_start3A_110 = arith.constant 0 : i32
    %dma_start3A_111 = tpu.memref_slice %arg4[%add3A_107, %dma_start3A_110] : memref<8448x1024xf32, #tpu.memory_space<hbm>> -> memref<24x1024xf32, #tpu.memory_space<hbm>>
    tpu.enqueue_dma source(%arg7 : memref<24x1024xf32, #tpu.memory_space<vmem>>) target(%dma_start3A_111 : memref<24x1024xf32, #tpu.memory_space<hbm>>) target_semaphore(%arg13 : memref<!tpu.dma_semaphore, #tpu.memory_space<semaphore_mem>>)
    %dma_wait3A_112 = arith.constant 0 : i32
    %dma_wait3A_113 = tpu.memref_slice %arg4[%mul3A_2, %dma_wait3A_112] : memref<8448x1024xf32, #tpu.memory_space<hbm>> -> memref<24x1024xf32, #tpu.memory_space<hbm>>
    %dma_wait3A_114 = arith.constant 0 : i32
    %dma_wait3A_115 = tpu.memref_slice %arg4[%mul3A_2, %dma_wait3A_114] : memref<8448x1024xf32, #tpu.memory_space<hbm>> -> memref<24x1024xf32, #tpu.memory_space<hbm>>
    tpu.wait_dma2 semaphore(%arg13 : memref<!tpu.dma_semaphore, #tpu.memory_space<semaphore_mem>>) src(%arg7 : memref<24x1024xf32, #tpu.memory_space<vmem>>) dst(%dma_wait3A_115 : memref<24x1024xf32, #tpu.memory_space<hbm>>)
    %dma_start3A_116 = arith.constant 168 : i32
    %dma_start3A_117 = tpu.memref_slice %arg5[%dma_start3A_116] : memref<264xi32, #tpu.memory_space<vmem>> -> memref<24xi32, #tpu.memory_space<vmem>>
    %dma_start3A_118 = arith.constant 0 : i32
    %dma_start3A_119 = arith.constant 0 : i32
    %dma_start3A_120 = tpu.memref_slice %arg2[%dma_start3A_118, %dma_start3A_119] : memref<32768x1024xf32, #tpu.memory_space<hbm>> -> memref<32768x1024xf32, #tpu.memory_space<hbm>>
    tpu.enqueue_indirect_dma source(%dma_start3A_120 : memref<32768x1024xf32, #tpu.memory_space<hbm>>) target(%arg7 : memref<24x1024xf32, #tpu.memory_space<vmem>>) offsets(%dma_start3A_117 : memref<24xi32, #tpu.memory_space<vmem>>) semaphore(%arg10 : memref<!tpu.dma_semaphore, #tpu.memory_space<semaphore_mem>>)
    %dma_wait3A_121 = arith.constant 0 : i32
    %dma_wait3A_122 = arith.constant 0 : i32
    %dma_wait3A_123 = tpu.memref_slice %arg2[%dma_wait3A_121, %dma_wait3A_122] : memref<32768x1024xf32, #tpu.memory_space<hbm>> -> memref<24x1024xf32, #tpu.memory_space<hbm>>
    %dma_wait3A_124 = arith.constant 0 : i32
    %dma_wait3A_125 = arith.constant 0 : i32
    %dma_wait3A_126 = tpu.memref_slice %arg2[%dma_wait3A_124, %dma_wait3A_125] : memref<32768x1024xf32, #tpu.memory_space<hbm>> -> memref<24x1024xf32, #tpu.memory_space<hbm>>
    tpu.wait_dma2 semaphore(%arg11 : memref<!tpu.dma_semaphore, #tpu.memory_space<semaphore_mem>>) src(%dma_wait3A_126 : memref<24x1024xf32, #tpu.memory_space<hbm>>) dst(%arg8 : memref<24x1024xf32, #tpu.memory_space<vmem>>)
    %add3A_127 = arith.constant 120 : i32
    %add3A_128 = arith.addi %mul3A_2, %add3A_127 : i32
    %dma_start3A_129 = arith.constant 0 : i32
    %dma_start3A_130 = tpu.memref_slice %arg4[%add3A_128, %dma_start3A_129] : memref<8448x1024xf32, #tpu.memory_space<hbm>> -> memref<24x1024xf32, #tpu.memory_space<hbm>>
    %dma_start3A_131 = arith.constant 0 : i32
    %dma_start3A_132 = tpu.memref_slice %arg4[%add3A_128, %dma_start3A_131] : memref<8448x1024xf32, #tpu.memory_space<hbm>> -> memref<24x1024xf32, #tpu.memory_space<hbm>>
    tpu.enqueue_dma source(%arg8 : memref<24x1024xf32, #tpu.memory_space<vmem>>) target(%dma_start3A_132 : memref<24x1024xf32, #tpu.memory_space<hbm>>) target_semaphore(%arg14 : memref<!tpu.dma_semaphore, #tpu.memory_space<semaphore_mem>>)
    %dma_wait3A_133 = arith.constant 0 : i32
    %dma_wait3A_134 = tpu.memref_slice %arg4[%mul3A_2, %dma_wait3A_133] : memref<8448x1024xf32, #tpu.memory_space<hbm>> -> memref<24x1024xf32, #tpu.memory_space<hbm>>
    %dma_wait3A_135 = arith.constant 0 : i32
    %dma_wait3A_136 = tpu.memref_slice %arg4[%mul3A_2, %dma_wait3A_135] : memref<8448x1024xf32, #tpu.memory_space<hbm>> -> memref<24x1024xf32, #tpu.memory_space<hbm>>
    tpu.wait_dma2 semaphore(%arg14 : memref<!tpu.dma_semaphore, #tpu.memory_space<semaphore_mem>>) src(%arg8 : memref<24x1024xf32, #tpu.memory_space<vmem>>) dst(%dma_wait3A_136 : memref<24x1024xf32, #tpu.memory_space<hbm>>)
    %dma_start3A_137 = arith.constant 192 : i32
    %dma_start3A_138 = tpu.memref_slice %arg5[%dma_start3A_137] : memref<264xi32, #tpu.memory_space<vmem>> -> memref<24xi32, #tpu.memory_space<vmem>>
    %dma_start3A_139 = arith.constant 0 : i32
    %dma_start3A_140 = arith.constant 0 : i32
    %dma_start3A_141 = tpu.memref_slice %arg2[%dma_start3A_139, %dma_start3A_140] : memref<32768x1024xf32, #tpu.memory_space<hbm>> -> memref<32768x1024xf32, #tpu.memory_space<hbm>>
    tpu.enqueue_indirect_dma source(%dma_start3A_141 : memref<32768x1024xf32, #tpu.memory_space<hbm>>) target(%arg8 : memref<24x1024xf32, #tpu.memory_space<vmem>>) offsets(%dma_start3A_138 : memref<24xi32, #tpu.memory_space<vmem>>) semaphore(%arg11 : memref<!tpu.dma_semaphore, #tpu.memory_space<semaphore_mem>>)
    %dma_wait3A_142 = arith.constant 0 : i32
    %dma_wait3A_143 = arith.constant 0 : i32
    %dma_wait3A_144 = tpu.memref_slice %arg2[%dma_wait3A_142, %dma_wait3A_143] : memref<32768x1024xf32, #tpu.memory_space<hbm>> -> memref<24x1024xf32, #tpu.memory_space<hbm>>
    %dma_wait3A_145 = arith.constant 0 : i32
    %dma_wait3A_146 = arith.constant 0 : i32
    %dma_wait3A_147 = tpu.memref_slice %arg2[%dma_wait3A_145, %dma_wait3A_146] : memref<32768x1024xf32, #tpu.memory_space<hbm>> -> memref<24x1024xf32, #tpu.memory_space<hbm>>
    tpu.wait_dma2 semaphore(%arg9 : memref<!tpu.dma_semaphore, #tpu.memory_space<semaphore_mem>>) src(%dma_wait3A_147 : memref<24x1024xf32, #tpu.memory_space<hbm>>) dst(%arg6 : memref<24x1024xf32, #tpu.memory_space<vmem>>)
    %add3A_148 = arith.constant 144 : i32
    %add3A_149 = arith.addi %mul3A_2, %add3A_148 : i32
    %dma_start3A_150 = arith.constant 0 : i32
    %dma_start3A_151 = tpu.memref_slice %arg4[%add3A_149, %dma_start3A_150] : memref<8448x1024xf32, #tpu.memory_space<hbm>> -> memref<24x1024xf32, #tpu.memory_space<hbm>>
    %dma_start3A_152 = arith.constant 0 : i32
    %dma_start3A_153 = tpu.memref_slice %arg4[%add3A_149, %dma_start3A_152] : memref<8448x1024xf32, #tpu.memory_space<hbm>> -> memref<24x1024xf32, #tpu.memory_space<hbm>>
    tpu.enqueue_dma source(%arg6 : memref<24x1024xf32, #tpu.memory_space<vmem>>) target(%dma_start3A_153 : memref<24x1024xf32, #tpu.memory_space<hbm>>) target_semaphore(%arg12 : memref<!tpu.dma_semaphore, #tpu.memory_space<semaphore_mem>>)
    %dma_wait3A_154 = arith.constant 0 : i32
    %dma_wait3A_155 = tpu.memref_slice %arg4[%mul3A_2, %dma_wait3A_154] : memref<8448x1024xf32, #tpu.memory_space<hbm>> -> memref<24x1024xf32, #tpu.memory_space<hbm>>
    %dma_wait3A_156 = arith.constant 0 : i32
    %dma_wait3A_157 = tpu.memref_slice %arg4[%mul3A_2, %dma_wait3A_156] : memref<8448x1024xf32, #tpu.memory_space<hbm>> -> memref<24x1024xf32, #tpu.memory_space<hbm>>
    tpu.wait_dma2 semaphore(%arg12 : memref<!tpu.dma_semaphore, #tpu.memory_space<semaphore_mem>>) src(%arg6 : memref<24x1024xf32, #tpu.memory_space<vmem>>) dst(%dma_wait3A_157 : memref<24x1024xf32, #tpu.memory_space<hbm>>)
    %dma_start3A_158 = arith.constant 216 : i32
    %dma_start3A_159 = tpu.memref_slice %arg5[%dma_start3A_158] : memref<264xi32, #tpu.memory_space<vmem>> -> memref<24xi32, #tpu.memory_space<vmem>>
    %dma_start3A_160 = arith.constant 0 : i32
    %dma_start3A_161 = arith.constant 0 : i32
    %dma_start3A_162 = tpu.memref_slice %arg2[%dma_start3A_160, %dma_start3A_161] : memref<32768x1024xf32, #tpu.memory_space<hbm>> -> memref<32768x1024xf32, #tpu.memory_space<hbm>>
    tpu.enqueue_indirect_dma source(%dma_start3A_162 : memref<32768x1024xf32, #tpu.memory_space<hbm>>) target(%arg6 : memref<24x1024xf32, #tpu.memory_space<vmem>>) offsets(%dma_start3A_159 : memref<24xi32, #tpu.memory_space<vmem>>) semaphore(%arg9 : memref<!tpu.dma_semaphore, #tpu.memory_space<semaphore_mem>>)
    %dma_wait3A_163 = arith.constant 0 : i32
    %dma_wait3A_164 = arith.constant 0 : i32
    %dma_wait3A_165 = tpu.memref_slice %arg2[%dma_wait3A_163, %dma_wait3A_164] : memref<32768x1024xf32, #tpu.memory_space<hbm>> -> memref<24x1024xf32, #tpu.memory_space<hbm>>
    %dma_wait3A_166 = arith.constant 0 : i32
    %dma_wait3A_167 = arith.constant 0 : i32
    %dma_wait3A_168 = tpu.memref_slice %arg2[%dma_wait3A_166, %dma_wait3A_167] : memref<32768x1024xf32, #tpu.memory_space<hbm>> -> memref<24x1024xf32, #tpu.memory_space<hbm>>
    tpu.wait_dma2 semaphore(%arg10 : memref<!tpu.dma_semaphore, #tpu.memory_space<semaphore_mem>>) src(%dma_wait3A_168 : memref<24x1024xf32, #tpu.memory_space<hbm>>) dst(%arg7 : memref<24x1024xf32, #tpu.memory_space<vmem>>)
    %add3A_169 = arith.constant 168 : i32
    %add3A_170 = arith.addi %mul3A_2, %add3A_169 : i32
    %dma_start3A_171 = arith.constant 0 : i32
    %dma_start3A_172 = tpu.memref_slice %arg4[%add3A_170, %dma_start3A_171] : memref<8448x1024xf32, #tpu.memory_space<hbm>> -> memref<24x1024xf32, #tpu.memory_space<hbm>>
    %dma_start3A_173 = arith.constant 0 : i32
    %dma_start3A_174 = tpu.memref_slice %arg4[%add3A_170, %dma_start3A_173] : memref<8448x1024xf32, #tpu.memory_space<hbm>> -> memref<24x1024xf32, #tpu.memory_space<hbm>>
    tpu.enqueue_dma source(%arg7 : memref<24x1024xf32, #tpu.memory_space<vmem>>) target(%dma_start3A_174 : memref<24x1024xf32, #tpu.memory_space<hbm>>) target_semaphore(%arg13 : memref<!tpu.dma_semaphore, #tpu.memory_space<semaphore_mem>>)
    %dma_wait3A_175 = arith.constant 0 : i32
    %dma_wait3A_176 = tpu.memref_slice %arg4[%mul3A_2, %dma_wait3A_175] : memref<8448x1024xf32, #tpu.memory_space<hbm>> -> memref<24x1024xf32, #tpu.memory_space<hbm>>
    %dma_wait3A_177 = arith.constant 0 : i32
    %dma_wait3A_178 = tpu.memref_slice %arg4[%mul3A_2, %dma_wait3A_177] : memref<8448x1024xf32, #tpu.memory_space<hbm>> -> memref<24x1024xf32, #tpu.memory_space<hbm>>
    tpu.wait_dma2 semaphore(%arg13 : memref<!tpu.dma_semaphore, #tpu.memory_space<semaphore_mem>>) src(%arg7 : memref<24x1024xf32, #tpu.memory_space<vmem>>) dst(%dma_wait3A_178 : memref<24x1024xf32, #tpu.memory_space<hbm>>)
    %dma_start3A_179 = arith.constant 240 : i32
    %dma_start3A_180 = tpu.memref_slice %arg5[%dma_start3A_179] : memref<264xi32, #tpu.memory_space<vmem>> -> memref<24xi32, #tpu.memory_space<vmem>>
    %dma_start3A_181 = arith.constant 0 : i32
    %dma_start3A_182 = arith.constant 0 : i32
    %dma_start3A_183 = tpu.memref_slice %arg2[%dma_start3A_181, %dma_start3A_182] : memref<32768x1024xf32, #tpu.memory_space<hbm>> -> memref<32768x1024xf32, #tpu.memory_space<hbm>>
    tpu.enqueue_indirect_dma source(%dma_start3A_183 : memref<32768x1024xf32, #tpu.memory_space<hbm>>) target(%arg7 : memref<24x1024xf32, #tpu.memory_space<vmem>>) offsets(%dma_start3A_180 : memref<24xi32, #tpu.memory_space<vmem>>) semaphore(%arg10 : memref<!tpu.dma_semaphore, #tpu.memory_space<semaphore_mem>>)
    %dma_wait3A_184 = arith.constant 0 : i32
    %dma_wait3A_185 = arith.constant 0 : i32
    %dma_wait3A_186 = tpu.memref_slice %arg2[%dma_wait3A_184, %dma_wait3A_185] : memref<32768x1024xf32, #tpu.memory_space<hbm>> -> memref<24x1024xf32, #tpu.memory_space<hbm>>
    %dma_wait3A_187 = arith.constant 0 : i32
    %dma_wait3A_188 = arith.constant 0 : i32
    %dma_wait3A_189 = tpu.memref_slice %arg2[%dma_wait3A_187, %dma_wait3A_188] : memref<32768x1024xf32, #tpu.memory_space<hbm>> -> memref<24x1024xf32, #tpu.memory_space<hbm>>
    tpu.wait_dma2 semaphore(%arg11 : memref<!tpu.dma_semaphore, #tpu.memory_space<semaphore_mem>>) src(%dma_wait3A_189 : memref<24x1024xf32, #tpu.memory_space<hbm>>) dst(%arg8 : memref<24x1024xf32, #tpu.memory_space<vmem>>)
    %add3A_190 = arith.constant 192 : i32
    %add3A_191 = arith.addi %mul3A_2, %add3A_190 : i32
    %dma_start3A_192 = arith.constant 0 : i32
    %dma_start3A_193 = tpu.memref_slice %arg4[%add3A_191, %dma_start3A_192] : memref<8448x1024xf32, #tpu.memory_space<hbm>> -> memref<24x1024xf32, #tpu.memory_space<hbm>>
    %dma_start3A_194 = arith.constant 0 : i32
    %dma_start3A_195 = tpu.memref_slice %arg4[%add3A_191, %dma_start3A_194] : memref<8448x1024xf32, #tpu.memory_space<hbm>> -> memref<24x1024xf32, #tpu.memory_space<hbm>>
    tpu.enqueue_dma source(%arg8 : memref<24x1024xf32, #tpu.memory_space<vmem>>) target(%dma_start3A_195 : memref<24x1024xf32, #tpu.memory_space<hbm>>) target_semaphore(%arg14 : memref<!tpu.dma_semaphore, #tpu.memory_space<semaphore_mem>>)
    %dma_wait3A_196 = arith.constant 0 : i32
    %dma_wait3A_197 = arith.constant 0 : i32
    %dma_wait3A_198 = tpu.memref_slice %arg2[%dma_wait3A_196, %dma_wait3A_197] : memref<32768x1024xf32, #tpu.memory_space<hbm>> -> memref<24x1024xf32, #tpu.memory_space<hbm>>
    %dma_wait3A_199 = arith.constant 0 : i32
    %dma_wait3A_200 = arith.constant 0 : i32
    %dma_wait3A_201 = tpu.memref_slice %arg2[%dma_wait3A_199, %dma_wait3A_200] : memref<32768x1024xf32, #tpu.memory_space<hbm>> -> memref<24x1024xf32, #tpu.memory_space<hbm>>
    tpu.wait_dma2 semaphore(%arg9 : memref<!tpu.dma_semaphore, #tpu.memory_space<semaphore_mem>>) src(%dma_wait3A_201 : memref<24x1024xf32, #tpu.memory_space<hbm>>) dst(%arg6 : memref<24x1024xf32, #tpu.memory_space<vmem>>)
    %add3A_202 = arith.constant 216 : i32
    %add3A_203 = arith.addi %mul3A_2, %add3A_202 : i32
    %dma_start3A_204 = arith.constant 0 : i32
    %dma_start3A_205 = tpu.memref_slice %arg4[%add3A_203, %dma_start3A_204] : memref<8448x1024xf32, #tpu.memory_space<hbm>> -> memref<24x1024xf32, #tpu.memory_space<hbm>>
    %dma_start3A_206 = arith.constant 0 : i32
    %dma_start3A_207 = tpu.memref_slice %arg4[%add3A_203, %dma_start3A_206] : memref<8448x1024xf32, #tpu.memory_space<hbm>> -> memref<24x1024xf32, #tpu.memory_space<hbm>>
    tpu.enqueue_dma source(%arg6 : memref<24x1024xf32, #tpu.memory_space<vmem>>) target(%dma_start3A_207 : memref<24x1024xf32, #tpu.memory_space<hbm>>) target_semaphore(%arg12 : memref<!tpu.dma_semaphore, #tpu.memory_space<semaphore_mem>>)
    %dma_wait3A_208 = arith.constant 0 : i32
    %dma_wait3A_209 = arith.constant 0 : i32
    %dma_wait3A_210 = tpu.memref_slice %arg2[%dma_wait3A_208, %dma_wait3A_209] : memref<32768x1024xf32, #tpu.memory_space<hbm>> -> memref<24x1024xf32, #tpu.memory_space<hbm>>
    %dma_wait3A_211 = arith.constant 0 : i32
    %dma_wait3A_212 = arith.constant 0 : i32
    %dma_wait3A_213 = tpu.memref_slice %arg2[%dma_wait3A_211, %dma_wait3A_212] : memref<32768x1024xf32, #tpu.memory_space<hbm>> -> memref<24x1024xf32, #tpu.memory_space<hbm>>
    tpu.wait_dma2 semaphore(%arg10 : memref<!tpu.dma_semaphore, #tpu.memory_space<semaphore_mem>>) src(%dma_wait3A_213 : memref<24x1024xf32, #tpu.memory_space<hbm>>) dst(%arg7 : memref<24x1024xf32, #tpu.memory_space<vmem>>)
    %add3A_214 = arith.constant 240 : i32
    %add3A_215 = arith.addi %mul3A_2, %add3A_214 : i32
    %dma_start3A_216 = arith.constant 0 : i32
    %dma_start3A_217 = tpu.memref_slice %arg4[%add3A_215, %dma_start3A_216] : memref<8448x1024xf32, #tpu.memory_space<hbm>> -> memref<24x1024xf32, #tpu.memory_space<hbm>>
    %dma_start3A_218 = arith.constant 0 : i32
    %dma_start3A_219 = tpu.memref_slice %arg4[%add3A_215, %dma_start3A_218] : memref<8448x1024xf32, #tpu.memory_space<hbm>> -> memref<24x1024xf32, #tpu.memory_space<hbm>>
    tpu.enqueue_dma source(%arg7 : memref<24x1024xf32, #tpu.memory_space<vmem>>) target(%dma_start3A_219 : memref<24x1024xf32, #tpu.memory_space<hbm>>) target_semaphore(%arg13 : memref<!tpu.dma_semaphore, #tpu.memory_space<semaphore_mem>>)
    %dma_wait3A_220 = arith.constant 0 : i32
    %dma_wait3A_221 = tpu.memref_slice %arg4[%mul3A_2, %dma_wait3A_220] : memref<8448x1024xf32, #tpu.memory_space<hbm>> -> memref<24x1024xf32, #tpu.memory_space<hbm>>
    %dma_wait3A_222 = arith.constant 0 : i32
    %dma_wait3A_223 = tpu.memref_slice %arg4[%mul3A_2, %dma_wait3A_222] : memref<8448x1024xf32, #tpu.memory_space<hbm>> -> memref<24x1024xf32, #tpu.memory_space<hbm>>
    tpu.wait_dma2 semaphore(%arg14 : memref<!tpu.dma_semaphore, #tpu.memory_space<semaphore_mem>>) src(%arg8 : memref<24x1024xf32, #tpu.memory_space<vmem>>) dst(%dma_wait3A_223 : memref<24x1024xf32, #tpu.memory_space<hbm>>)
    %dma_wait3A_224 = arith.constant 0 : i32
    %dma_wait3A_225 = tpu.memref_slice %arg4[%mul3A_2, %dma_wait3A_224] : memref<8448x1024xf32, #tpu.memory_space<hbm>> -> memref<24x1024xf32, #tpu.memory_space<hbm>>
    %dma_wait3A_226 = arith.constant 0 : i32
    %dma_wait3A_227 = tpu.memref_slice %arg4[%mul3A_2, %dma_wait3A_226] : memref<8448x1024xf32, #tpu.memory_space<hbm>> -> memref<24x1024xf32, #tpu.memory_space<hbm>>
    tpu.wait_dma2 semaphore(%arg12 : memref<!tpu.dma_semaphore, #tpu.memory_space<semaphore_mem>>) src(%arg6 : memref<24x1024xf32, #tpu.memory_space<vmem>>) dst(%dma_wait3A_227 : memref<24x1024xf32, #tpu.memory_space<hbm>>)
    %dma_wait3A_228 = arith.constant 0 : i32
    %dma_wait3A_229 = tpu.memref_slice %arg4[%mul3A_2, %dma_wait3A_228] : memref<8448x1024xf32, #tpu.memory_space<hbm>> -> memref<24x1024xf32, #tpu.memory_space<hbm>>
    %dma_wait3A_230 = arith.constant 0 : i32
    %dma_wait3A_231 = tpu.memref_slice %arg4[%mul3A_2, %dma_wait3A_230] : memref<8448x1024xf32, #tpu.memory_space<hbm>> -> memref<24x1024xf32, #tpu.memory_space<hbm>>
    tpu.wait_dma2 semaphore(%arg13 : memref<!tpu.dma_semaphore, #tpu.memory_space<semaphore_mem>>) src(%arg7 : memref<24x1024xf32, #tpu.memory_space<vmem>>) dst(%dma_wait3A_231 : memref<24x1024xf32, #tpu.memory_space<hbm>>)
    return
  }
}

#map = affine_map<(d0, d1) -> (0, 0)>
#map1 = affine_map<(d0, d1) -> (0)>
module attributes {stable_mosaic.version = 14 : i64} {
  func.func @gather_k(%arg0: i32, %arg1: i32, %arg2: memref<32768x1024xf32, #tpu.memory_space<hbm>>, %arg3: memref<8448xi32, #tpu.memory_space<hbm>>, %arg4: memref<8448x1024xf32, #tpu.memory_space<hbm>>, %arg5: memref<264xi32, #tpu.memory_space<vmem>>, %arg6: memref<24x1024xf32, #tpu.memory_space<vmem>>, %arg7: memref<24x1024xf32, #tpu.memory_space<vmem>>, %arg8: memref<24x1024xf32, #tpu.memory_space<vmem>>, %arg9: memref<!tpu.dma_semaphore, #tpu.memory_space<semaphore_mem>>, %arg10: memref<!tpu.dma_semaphore, #tpu.memory_space<semaphore_mem>>, %arg11: memref<!tpu.dma_semaphore, #tpu.memory_space<semaphore_mem>>, %arg12: memref<!tpu.dma_semaphore, #tpu.memory_space<semaphore_mem>>, %arg13: memref<!tpu.dma_semaphore, #tpu.memory_space<semaphore_mem>>, %arg14: memref<!tpu.dma_semaphore, #tpu.memory_space<semaphore_mem>>) attributes {dimension_semantics = [#tpu.dimension_semantics<core_parallel>, #tpu.dimension_semantics<subcore_parallel>], iteration_bounds = array<i64: 2, 16>, scalar_prefetch = 0 : i64, scratch_operands = 10 : i64, tpu.core_type = #tpu.core_type<sc_vector_subcore>, window_params = [{transform_indices = #map}, {transform_indices = #map1}, {transform_indices = #map}]} {
    %mul3A = arith.constant 2 : i32
    %mul3A_0 = arith.muli %arg1, %mul3A : i32
    %add3A = arith.addi %mul3A_0, %arg0 : i32
    %mul3A_1 = arith.constant 264 : i32
    %mul3A_2 = arith.muli %add3A, %mul3A_1 : i32
    "tpu.region"() ({
      %run_scoped3A = tpu.sem_alloc : memref<!tpu.dma_semaphore, #tpu.memory_space<semaphore_mem>>
      %dma_start3A_232 = tpu.memref_slice %arg3[%mul3A_2] : memref<8448xi32, #tpu.memory_space<hbm>> -> memref<264xi32, #tpu.memory_space<hbm>>
      %dma_start3A_233 = tpu.memref_slice %arg3[%mul3A_2] : memref<8448xi32, #tpu.memory_space<hbm>> -> memref<264xi32, #tpu.memory_space<hbm>>
      tpu.enqueue_dma source(%dma_start3A_233 : memref<264xi32, #tpu.memory_space<hbm>>) target(%arg5 : memref<264xi32, #tpu.memory_space<vmem>>) target_semaphore(%run_scoped3A : memref<!tpu.dma_semaphore, #tpu.memory_space<semaphore_mem>>)
      %dma_wait3A_234 = tpu.memref_slice %arg3[%mul3A_2] : memref<8448xi32, #tpu.memory_space<hbm>> -> memref<264xi32, #tpu.memory_space<hbm>>
      %dma_wait3A_235 = tpu.memref_slice %arg3[%mul3A_2] : memref<8448xi32, #tpu.memory_space<hbm>> -> memref<264xi32, #tpu.memory_space<hbm>>
      tpu.wait_dma2 semaphore(%run_scoped3A : memref<!tpu.dma_semaphore, #tpu.memory_space<semaphore_mem>>) src(%dma_wait3A_235 : memref<264xi32, #tpu.memory_space<hbm>>) dst(%arg5 : memref<264xi32, #tpu.memory_space<vmem>>)
      tpu.yield
    }) : () -> ()
    %dma_start3A = arith.constant 0 : i32
    %dma_start3A_3 = tpu.memref_slice %arg5[%dma_start3A] : memref<264xi32, #tpu.memory_space<vmem>> -> memref<24xi32, #tpu.memory_space<vmem>>
    %dma_start3A_4 = arith.constant 0 : i32
    %dma_start3A_5 = arith.constant 0 : i32
    %dma_start3A_6 = tpu.memref_slice %arg2[%dma_start3A_4, %dma_start3A_5] : memref<32768x1024xf32, #tpu.memory_space<hbm>> -> memref<32768x1024xf32, #tpu.memory_space<hbm>>
    tpu.enqueue_indirect_dma source(%dma_start3A_6 : memref<32768x1024xf32, #tpu.memory_space<hbm>>) target(%arg6 : memref<24x1024xf32, #tpu.memory_space<vmem>>) offsets(%dma_start3A_3 : memref<24xi32, #tpu.memory_space<vmem>>) semaphore(%arg9 : memref<!tpu.dma_semaphore, #tpu.memory_space<semaphore_mem>>)
    %dma_start3A_7 = arith.constant 24 : i32
    %dma_start3A_8 = tpu.memref_slice %arg5[%dma_start3A_7] : memref<264xi32, #tpu.memory_space<vmem>> -> memref<24xi32, #tpu.memory_space<vmem>>
    %dma_start3A_9 = arith.constant 0 : i32
    %dma_start3A_10 = arith.constant 0 : i32
    %dma_start3A_11 = tpu.memref_slice %arg2[%dma_start3A_9, %dma_start3A_10] : memref<32768x1024xf32, #tpu.memory_space<hbm>> -> memref<32768x1024xf32, #tpu.memory_space<hbm>>
    tpu.enqueue_indirect_dma source(%dma_start3A_11 : memref<32768x1024xf32, #tpu.memory_space<hbm>>) target(%arg7 : memref<24x1024xf32, #tpu.memory_space<vmem>>) offsets(%dma_start3A_8 : memref<24xi32, #tpu.memory_space<vmem>>) semaphore(%arg10 : memref<!tpu.dma_semaphore, #tpu.memory_space<semaphore_mem>>)
    %dma_start3A_12 = arith.constant 48 : i32
    %dma_start3A_13 = tpu.memref_slice %arg5[%dma_start3A_12] : memref<264xi32, #tpu.memory_space<vmem>> -> memref<24xi32, #tpu.memory_space<vmem>>
    %dma_start3A_14 = arith.constant 0 : i32
    %dma_start3A_15 = arith.constant 0 : i32
    %dma_start3A_16 = tpu.memref_slice %arg2[%dma_start3A_14, %dma_start3A_15] : memref<32768x1024xf32, #tpu.memory_space<hbm>> -> memref<32768x1024xf32, #tpu.memory_space<hbm>>
    tpu.enqueue_indirect_dma source(%dma_start3A_16 : memref<32768x1024xf32, #tpu.memory_space<hbm>>) target(%arg8 : memref<24x1024xf32, #tpu.memory_space<vmem>>) offsets(%dma_start3A_13 : memref<24xi32, #tpu.memory_space<vmem>>) semaphore(%arg11 : memref<!tpu.dma_semaphore, #tpu.memory_space<semaphore_mem>>)
    %dma_wait3A = arith.constant 0 : i32
    %dma_wait3A_17 = arith.constant 0 : i32
    %dma_wait3A_18 = tpu.memref_slice %arg2[%dma_wait3A, %dma_wait3A_17] : memref<32768x1024xf32, #tpu.memory_space<hbm>> -> memref<24x1024xf32, #tpu.memory_space<hbm>>
    %dma_wait3A_19 = arith.constant 0 : i32
    %dma_wait3A_20 = arith.constant 0 : i32
    %dma_wait3A_21 = tpu.memref_slice %arg2[%dma_wait3A_19, %dma_wait3A_20] : memref<32768x1024xf32, #tpu.memory_space<hbm>> -> memref<24x1024xf32, #tpu.memory_space<hbm>>
    tpu.wait_dma2 semaphore(%arg9 : memref<!tpu.dma_semaphore, #tpu.memory_space<semaphore_mem>>) src(%dma_wait3A_21 : memref<24x1024xf32, #tpu.memory_space<hbm>>) dst(%arg6 : memref<24x1024xf32, #tpu.memory_space<vmem>>)
    %add3A_22 = arith.constant 0 : i32
    %add3A_23 = arith.addi %mul3A_2, %add3A_22 : i32
    %dma_start3A_24 = arith.constant 0 : i32
    %dma_start3A_25 = tpu.memref_slice %arg4[%add3A_23, %dma_start3A_24] : memref<8448x1024xf32, #tpu.memory_space<hbm>> -> memref<24x1024xf32, #tpu.memory_space<hbm>>
    %dma_start3A_26 = arith.constant 0 : i32
    %dma_start3A_27 = tpu.memref_slice %arg4[%add3A_23, %dma_start3A_26] : memref<8448x1024xf32, #tpu.memory_space<hbm>> -> memref<24x1024xf32, #tpu.memory_space<hbm>>
    tpu.enqueue_dma source(%arg6 : memref<24x1024xf32, #tpu.memory_space<vmem>>) target(%dma_start3A_27 : memref<24x1024xf32, #tpu.memory_space<hbm>>) target_semaphore(%arg12 : memref<!tpu.dma_semaphore, #tpu.memory_space<semaphore_mem>>)
    %dma_wait3A_28 = arith.constant 0 : i32
    %dma_wait3A_29 = tpu.memref_slice %arg4[%mul3A_2, %dma_wait3A_28] : memref<8448x1024xf32, #tpu.memory_space<hbm>> -> memref<24x1024xf32, #tpu.memory_space<hbm>>
    %dma_wait3A_30 = arith.constant 0 : i32
    %dma_wait3A_31 = tpu.memref_slice %arg4[%mul3A_2, %dma_wait3A_30] : memref<8448x1024xf32, #tpu.memory_space<hbm>> -> memref<24x1024xf32, #tpu.memory_space<hbm>>
    tpu.wait_dma2 semaphore(%arg12 : memref<!tpu.dma_semaphore, #tpu.memory_space<semaphore_mem>>) src(%arg6 : memref<24x1024xf32, #tpu.memory_space<vmem>>) dst(%dma_wait3A_31 : memref<24x1024xf32, #tpu.memory_space<hbm>>)
    %dma_start3A_32 = arith.constant 72 : i32
    %dma_start3A_33 = tpu.memref_slice %arg5[%dma_start3A_32] : memref<264xi32, #tpu.memory_space<vmem>> -> memref<24xi32, #tpu.memory_space<vmem>>
    %dma_start3A_34 = arith.constant 0 : i32
    %dma_start3A_35 = arith.constant 0 : i32
    %dma_start3A_36 = tpu.memref_slice %arg2[%dma_start3A_34, %dma_start3A_35] : memref<32768x1024xf32, #tpu.memory_space<hbm>> -> memref<32768x1024xf32, #tpu.memory_space<hbm>>
    tpu.enqueue_indirect_dma source(%dma_start3A_36 : memref<32768x1024xf32, #tpu.memory_space<hbm>>) target(%arg6 : memref<24x1024xf32, #tpu.memory_space<vmem>>) offsets(%dma_start3A_33 : memref<24xi32, #tpu.memory_space<vmem>>) semaphore(%arg9 : memref<!tpu.dma_semaphore, #tpu.memory_space<semaphore_mem>>)
    %dma_wait3A_37 = arith.constant 0 : i32
    %dma_wait3A_38 = arith.constant 0 : i32
    %dma_wait3A_39 = tpu.memref_slice %arg2[%dma_wait3A_37, %dma_wait3A_38] : memref<32768x1024xf32, #tpu.memory_space<hbm>> -> memref<24x1024xf32, #tpu.memory_space<hbm>>
    %dma_wait3A_40 = arith.constant 0 : i32
    %dma_wait3A_41 = arith.constant 0 : i32
    %dma_wait3A_42 = tpu.memref_slice %arg2[%dma_wait3A_40, %dma_wait3A_41] : memref<32768x1024xf32, #tpu.memory_space<hbm>> -> memref<24x1024xf32, #tpu.memory_space<hbm>>
    tpu.wait_dma2 semaphore(%arg10 : memref<!tpu.dma_semaphore, #tpu.memory_space<semaphore_mem>>) src(%dma_wait3A_42 : memref<24x1024xf32, #tpu.memory_space<hbm>>) dst(%arg7 : memref<24x1024xf32, #tpu.memory_space<vmem>>)
    %add3A_43 = arith.constant 24 : i32
    %add3A_44 = arith.addi %mul3A_2, %add3A_43 : i32
    %dma_start3A_45 = arith.constant 0 : i32
    %dma_start3A_46 = tpu.memref_slice %arg4[%add3A_44, %dma_start3A_45] : memref<8448x1024xf32, #tpu.memory_space<hbm>> -> memref<24x1024xf32, #tpu.memory_space<hbm>>
    %dma_start3A_47 = arith.constant 0 : i32
    %dma_start3A_48 = tpu.memref_slice %arg4[%add3A_44, %dma_start3A_47] : memref<8448x1024xf32, #tpu.memory_space<hbm>> -> memref<24x1024xf32, #tpu.memory_space<hbm>>
    tpu.enqueue_dma source(%arg7 : memref<24x1024xf32, #tpu.memory_space<vmem>>) target(%dma_start3A_48 : memref<24x1024xf32, #tpu.memory_space<hbm>>) target_semaphore(%arg13 : memref<!tpu.dma_semaphore, #tpu.memory_space<semaphore_mem>>)
    %dma_wait3A_49 = arith.constant 0 : i32
    %dma_wait3A_50 = tpu.memref_slice %arg4[%mul3A_2, %dma_wait3A_49] : memref<8448x1024xf32, #tpu.memory_space<hbm>> -> memref<24x1024xf32, #tpu.memory_space<hbm>>
    %dma_wait3A_51 = arith.constant 0 : i32
    %dma_wait3A_52 = tpu.memref_slice %arg4[%mul3A_2, %dma_wait3A_51] : memref<8448x1024xf32, #tpu.memory_space<hbm>> -> memref<24x1024xf32, #tpu.memory_space<hbm>>
    tpu.wait_dma2 semaphore(%arg13 : memref<!tpu.dma_semaphore, #tpu.memory_space<semaphore_mem>>) src(%arg7 : memref<24x1024xf32, #tpu.memory_space<vmem>>) dst(%dma_wait3A_52 : memref<24x1024xf32, #tpu.memory_space<hbm>>)
    %dma_start3A_53 = arith.constant 96 : i32
    %dma_start3A_54 = tpu.memref_slice %arg5[%dma_start3A_53] : memref<264xi32, #tpu.memory_space<vmem>> -> memref<24xi32, #tpu.memory_space<vmem>>
    %dma_start3A_55 = arith.constant 0 : i32
    %dma_start3A_56 = arith.constant 0 : i32
    %dma_start3A_57 = tpu.memref_slice %arg2[%dma_start3A_55, %dma_start3A_56] : memref<32768x1024xf32, #tpu.memory_space<hbm>> -> memref<32768x1024xf32, #tpu.memory_space<hbm>>
    tpu.enqueue_indirect_dma source(%dma_start3A_57 : memref<32768x1024xf32, #tpu.memory_space<hbm>>) target(%arg7 : memref<24x1024xf32, #tpu.memory_space<vmem>>) offsets(%dma_start3A_54 : memref<24xi32, #tpu.memory_space<vmem>>) semaphore(%arg10 : memref<!tpu.dma_semaphore, #tpu.memory_space<semaphore_mem>>)
    %dma_wait3A_58 = arith.constant 0 : i32
    %dma_wait3A_59 = arith.constant 0 : i32
    %dma_wait3A_60 = tpu.memref_slice %arg2[%dma_wait3A_58, %dma_wait3A_59] : memref<32768x1024xf32, #tpu.memory_space<hbm>> -> memref<24x1024xf32, #tpu.memory_space<hbm>>
    %dma_wait3A_61 = arith.constant 0 : i32
    %dma_wait3A_62 = arith.constant 0 : i32
    %dma_wait3A_63 = tpu.memref_slice %arg2[%dma_wait3A_61, %dma_wait3A_62] : memref<32768x1024xf32, #tpu.memory_space<hbm>> -> memref<24x1024xf32, #tpu.memory_space<hbm>>
    tpu.wait_dma2 semaphore(%arg11 : memref<!tpu.dma_semaphore, #tpu.memory_space<semaphore_mem>>) src(%dma_wait3A_63 : memref<24x1024xf32, #tpu.memory_space<hbm>>) dst(%arg8 : memref<24x1024xf32, #tpu.memory_space<vmem>>)
    %add3A_64 = arith.constant 48 : i32
    %add3A_65 = arith.addi %mul3A_2, %add3A_64 : i32
    %dma_start3A_66 = arith.constant 0 : i32
    %dma_start3A_67 = tpu.memref_slice %arg4[%add3A_65, %dma_start3A_66] : memref<8448x1024xf32, #tpu.memory_space<hbm>> -> memref<24x1024xf32, #tpu.memory_space<hbm>>
    %dma_start3A_68 = arith.constant 0 : i32
    %dma_start3A_69 = tpu.memref_slice %arg4[%add3A_65, %dma_start3A_68] : memref<8448x1024xf32, #tpu.memory_space<hbm>> -> memref<24x1024xf32, #tpu.memory_space<hbm>>
    tpu.enqueue_dma source(%arg8 : memref<24x1024xf32, #tpu.memory_space<vmem>>) target(%dma_start3A_69 : memref<24x1024xf32, #tpu.memory_space<hbm>>) target_semaphore(%arg14 : memref<!tpu.dma_semaphore, #tpu.memory_space<semaphore_mem>>)
    %dma_wait3A_70 = arith.constant 0 : i32
    %dma_wait3A_71 = tpu.memref_slice %arg4[%mul3A_2, %dma_wait3A_70] : memref<8448x1024xf32, #tpu.memory_space<hbm>> -> memref<24x1024xf32, #tpu.memory_space<hbm>>
    %dma_wait3A_72 = arith.constant 0 : i32
    %dma_wait3A_73 = tpu.memref_slice %arg4[%mul3A_2, %dma_wait3A_72] : memref<8448x1024xf32, #tpu.memory_space<hbm>> -> memref<24x1024xf32, #tpu.memory_space<hbm>>
    tpu.wait_dma2 semaphore(%arg14 : memref<!tpu.dma_semaphore, #tpu.memory_space<semaphore_mem>>) src(%arg8 : memref<24x1024xf32, #tpu.memory_space<vmem>>) dst(%dma_wait3A_73 : memref<24x1024xf32, #tpu.memory_space<hbm>>)
    %dma_start3A_74 = arith.constant 120 : i32
    %dma_start3A_75 = tpu.memref_slice %arg5[%dma_start3A_74] : memref<264xi32, #tpu.memory_space<vmem>> -> memref<24xi32, #tpu.memory_space<vmem>>
    %dma_start3A_76 = arith.constant 0 : i32
    %dma_start3A_77 = arith.constant 0 : i32
    %dma_start3A_78 = tpu.memref_slice %arg2[%dma_start3A_76, %dma_start3A_77] : memref<32768x1024xf32, #tpu.memory_space<hbm>> -> memref<32768x1024xf32, #tpu.memory_space<hbm>>
    tpu.enqueue_indirect_dma source(%dma_start3A_78 : memref<32768x1024xf32, #tpu.memory_space<hbm>>) target(%arg8 : memref<24x1024xf32, #tpu.memory_space<vmem>>) offsets(%dma_start3A_75 : memref<24xi32, #tpu.memory_space<vmem>>) semaphore(%arg11 : memref<!tpu.dma_semaphore, #tpu.memory_space<semaphore_mem>>)
    %dma_wait3A_79 = arith.constant 0 : i32
    %dma_wait3A_80 = arith.constant 0 : i32
    %dma_wait3A_81 = tpu.memref_slice %arg2[%dma_wait3A_79, %dma_wait3A_80] : memref<32768x1024xf32, #tpu.memory_space<hbm>> -> memref<24x1024xf32, #tpu.memory_space<hbm>>
    %dma_wait3A_82 = arith.constant 0 : i32
    %dma_wait3A_83 = arith.constant 0 : i32
    %dma_wait3A_84 = tpu.memref_slice %arg2[%dma_wait3A_82, %dma_wait3A_83] : memref<32768x1024xf32, #tpu.memory_space<hbm>> -> memref<24x1024xf32, #tpu.memory_space<hbm>>
    tpu.wait_dma2 semaphore(%arg9 : memref<!tpu.dma_semaphore, #tpu.memory_space<semaphore_mem>>) src(%dma_wait3A_84 : memref<24x1024xf32, #tpu.memory_space<hbm>>) dst(%arg6 : memref<24x1024xf32, #tpu.memory_space<vmem>>)
    %add3A_85 = arith.constant 72 : i32
    %add3A_86 = arith.addi %mul3A_2, %add3A_85 : i32
    %dma_start3A_87 = arith.constant 0 : i32
    %dma_start3A_88 = tpu.memref_slice %arg4[%add3A_86, %dma_start3A_87] : memref<8448x1024xf32, #tpu.memory_space<hbm>> -> memref<24x1024xf32, #tpu.memory_space<hbm>>
    %dma_start3A_89 = arith.constant 0 : i32
    %dma_start3A_90 = tpu.memref_slice %arg4[%add3A_86, %dma_start3A_89] : memref<8448x1024xf32, #tpu.memory_space<hbm>> -> memref<24x1024xf32, #tpu.memory_space<hbm>>
    tpu.enqueue_dma source(%arg6 : memref<24x1024xf32, #tpu.memory_space<vmem>>) target(%dma_start3A_90 : memref<24x1024xf32, #tpu.memory_space<hbm>>) target_semaphore(%arg12 : memref<!tpu.dma_semaphore, #tpu.memory_space<semaphore_mem>>)
    %dma_wait3A_91 = arith.constant 0 : i32
    %dma_wait3A_92 = tpu.memref_slice %arg4[%mul3A_2, %dma_wait3A_91] : memref<8448x1024xf32, #tpu.memory_space<hbm>> -> memref<24x1024xf32, #tpu.memory_space<hbm>>
    %dma_wait3A_93 = arith.constant 0 : i32
    %dma_wait3A_94 = tpu.memref_slice %arg4[%mul3A_2, %dma_wait3A_93] : memref<8448x1024xf32, #tpu.memory_space<hbm>> -> memref<24x1024xf32, #tpu.memory_space<hbm>>
    tpu.wait_dma2 semaphore(%arg12 : memref<!tpu.dma_semaphore, #tpu.memory_space<semaphore_mem>>) src(%arg6 : memref<24x1024xf32, #tpu.memory_space<vmem>>) dst(%dma_wait3A_94 : memref<24x1024xf32, #tpu.memory_space<hbm>>)
    %dma_start3A_95 = arith.constant 144 : i32
    %dma_start3A_96 = tpu.memref_slice %arg5[%dma_start3A_95] : memref<264xi32, #tpu.memory_space<vmem>> -> memref<24xi32, #tpu.memory_space<vmem>>
    %dma_start3A_97 = arith.constant 0 : i32
    %dma_start3A_98 = arith.constant 0 : i32
    %dma_start3A_99 = tpu.memref_slice %arg2[%dma_start3A_97, %dma_start3A_98] : memref<32768x1024xf32, #tpu.memory_space<hbm>> -> memref<32768x1024xf32, #tpu.memory_space<hbm>>
    tpu.enqueue_indirect_dma source(%dma_start3A_99 : memref<32768x1024xf32, #tpu.memory_space<hbm>>) target(%arg6 : memref<24x1024xf32, #tpu.memory_space<vmem>>) offsets(%dma_start3A_96 : memref<24xi32, #tpu.memory_space<vmem>>) semaphore(%arg9 : memref<!tpu.dma_semaphore, #tpu.memory_space<semaphore_mem>>)
    %dma_wait3A_100 = arith.constant 0 : i32
    %dma_wait3A_101 = arith.constant 0 : i32
    %dma_wait3A_102 = tpu.memref_slice %arg2[%dma_wait3A_100, %dma_wait3A_101] : memref<32768x1024xf32, #tpu.memory_space<hbm>> -> memref<24x1024xf32, #tpu.memory_space<hbm>>
    %dma_wait3A_103 = arith.constant 0 : i32
    %dma_wait3A_104 = arith.constant 0 : i32
    %dma_wait3A_105 = tpu.memref_slice %arg2[%dma_wait3A_103, %dma_wait3A_104] : memref<32768x1024xf32, #tpu.memory_space<hbm>> -> memref<24x1024xf32, #tpu.memory_space<hbm>>
    tpu.wait_dma2 semaphore(%arg10 : memref<!tpu.dma_semaphore, #tpu.memory_space<semaphore_mem>>) src(%dma_wait3A_105 : memref<24x1024xf32, #tpu.memory_space<hbm>>) dst(%arg7 : memref<24x1024xf32, #tpu.memory_space<vmem>>)
    %add3A_106 = arith.constant 96 : i32
    %add3A_107 = arith.addi %mul3A_2, %add3A_106 : i32
    %dma_start3A_108 = arith.constant 0 : i32
    %dma_start3A_109 = tpu.memref_slice %arg4[%add3A_107, %dma_start3A_108] : memref<8448x1024xf32, #tpu.memory_space<hbm>> -> memref<24x1024xf32, #tpu.memory_space<hbm>>
    %dma_start3A_110 = arith.constant 0 : i32
    %dma_start3A_111 = tpu.memref_slice %arg4[%add3A_107, %dma_start3A_110] : memref<8448x1024xf32, #tpu.memory_space<hbm>> -> memref<24x1024xf32, #tpu.memory_space<hbm>>
    tpu.enqueue_dma source(%arg7 : memref<24x1024xf32, #tpu.memory_space<vmem>>) target(%dma_start3A_111 : memref<24x1024xf32, #tpu.memory_space<hbm>>) target_semaphore(%arg13 : memref<!tpu.dma_semaphore, #tpu.memory_space<semaphore_mem>>)
    %dma_wait3A_112 = arith.constant 0 : i32
    %dma_wait3A_113 = tpu.memref_slice %arg4[%mul3A_2, %dma_wait3A_112] : memref<8448x1024xf32, #tpu.memory_space<hbm>> -> memref<24x1024xf32, #tpu.memory_space<hbm>>
    %dma_wait3A_114 = arith.constant 0 : i32
    %dma_wait3A_115 = tpu.memref_slice %arg4[%mul3A_2, %dma_wait3A_114] : memref<8448x1024xf32, #tpu.memory_space<hbm>> -> memref<24x1024xf32, #tpu.memory_space<hbm>>
    tpu.wait_dma2 semaphore(%arg13 : memref<!tpu.dma_semaphore, #tpu.memory_space<semaphore_mem>>) src(%arg7 : memref<24x1024xf32, #tpu.memory_space<vmem>>) dst(%dma_wait3A_115 : memref<24x1024xf32, #tpu.memory_space<hbm>>)
    %dma_start3A_116 = arith.constant 168 : i32
    %dma_start3A_117 = tpu.memref_slice %arg5[%dma_start3A_116] : memref<264xi32, #tpu.memory_space<vmem>> -> memref<24xi32, #tpu.memory_space<vmem>>
    %dma_start3A_118 = arith.constant 0 : i32
    %dma_start3A_119 = arith.constant 0 : i32
    %dma_start3A_120 = tpu.memref_slice %arg2[%dma_start3A_118, %dma_start3A_119] : memref<32768x1024xf32, #tpu.memory_space<hbm>> -> memref<32768x1024xf32, #tpu.memory_space<hbm>>
    tpu.enqueue_indirect_dma source(%dma_start3A_120 : memref<32768x1024xf32, #tpu.memory_space<hbm>>) target(%arg7 : memref<24x1024xf32, #tpu.memory_space<vmem>>) offsets(%dma_start3A_117 : memref<24xi32, #tpu.memory_space<vmem>>) semaphore(%arg10 : memref<!tpu.dma_semaphore, #tpu.memory_space<semaphore_mem>>)
    %dma_wait3A_121 = arith.constant 0 : i32
    %dma_wait3A_122 = arith.constant 0 : i32
    %dma_wait3A_123 = tpu.memref_slice %arg2[%dma_wait3A_121, %dma_wait3A_122] : memref<32768x1024xf32, #tpu.memory_space<hbm>> -> memref<24x1024xf32, #tpu.memory_space<hbm>>
    %dma_wait3A_124 = arith.constant 0 : i32
    %dma_wait3A_125 = arith.constant 0 : i32
    %dma_wait3A_126 = tpu.memref_slice %arg2[%dma_wait3A_124, %dma_wait3A_125] : memref<32768x1024xf32, #tpu.memory_space<hbm>> -> memref<24x1024xf32, #tpu.memory_space<hbm>>
    tpu.wait_dma2 semaphore(%arg11 : memref<!tpu.dma_semaphore, #tpu.memory_space<semaphore_mem>>) src(%dma_wait3A_126 : memref<24x1024xf32, #tpu.memory_space<hbm>>) dst(%arg8 : memref<24x1024xf32, #tpu.memory_space<vmem>>)
    %add3A_127 = arith.constant 120 : i32
    %add3A_128 = arith.addi %mul3A_2, %add3A_127 : i32
    %dma_start3A_129 = arith.constant 0 : i32
    %dma_start3A_130 = tpu.memref_slice %arg4[%add3A_128, %dma_start3A_129] : memref<8448x1024xf32, #tpu.memory_space<hbm>> -> memref<24x1024xf32, #tpu.memory_space<hbm>>
    %dma_start3A_131 = arith.constant 0 : i32
    %dma_start3A_132 = tpu.memref_slice %arg4[%add3A_128, %dma_start3A_131] : memref<8448x1024xf32, #tpu.memory_space<hbm>> -> memref<24x1024xf32, #tpu.memory_space<hbm>>
    tpu.enqueue_dma source(%arg8 : memref<24x1024xf32, #tpu.memory_space<vmem>>) target(%dma_start3A_132 : memref<24x1024xf32, #tpu.memory_space<hbm>>) target_semaphore(%arg14 : memref<!tpu.dma_semaphore, #tpu.memory_space<semaphore_mem>>)
    %dma_wait3A_133 = arith.constant 0 : i32
    %dma_wait3A_134 = tpu.memref_slice %arg4[%mul3A_2, %dma_wait3A_133] : memref<8448x1024xf32, #tpu.memory_space<hbm>> -> memref<24x1024xf32, #tpu.memory_space<hbm>>
    %dma_wait3A_135 = arith.constant 0 : i32
    %dma_wait3A_136 = tpu.memref_slice %arg4[%mul3A_2, %dma_wait3A_135] : memref<8448x1024xf32, #tpu.memory_space<hbm>> -> memref<24x1024xf32, #tpu.memory_space<hbm>>
    tpu.wait_dma2 semaphore(%arg14 : memref<!tpu.dma_semaphore, #tpu.memory_space<semaphore_mem>>) src(%arg8 : memref<24x1024xf32, #tpu.memory_space<vmem>>) dst(%dma_wait3A_136 : memref<24x1024xf32, #tpu.memory_space<hbm>>)
    %dma_start3A_137 = arith.constant 192 : i32
    %dma_start3A_138 = tpu.memref_slice %arg5[%dma_start3A_137] : memref<264xi32, #tpu.memory_space<vmem>> -> memref<24xi32, #tpu.memory_space<vmem>>
    %dma_start3A_139 = arith.constant 0 : i32
    %dma_start3A_140 = arith.constant 0 : i32
    %dma_start3A_141 = tpu.memref_slice %arg2[%dma_start3A_139, %dma_start3A_140] : memref<32768x1024xf32, #tpu.memory_space<hbm>> -> memref<32768x1024xf32, #tpu.memory_space<hbm>>
    tpu.enqueue_indirect_dma source(%dma_start3A_141 : memref<32768x1024xf32, #tpu.memory_space<hbm>>) target(%arg8 : memref<24x1024xf32, #tpu.memory_space<vmem>>) offsets(%dma_start3A_138 : memref<24xi32, #tpu.memory_space<vmem>>) semaphore(%arg11 : memref<!tpu.dma_semaphore, #tpu.memory_space<semaphore_mem>>)
    %dma_wait3A_142 = arith.constant 0 : i32
    %dma_wait3A_143 = arith.constant 0 : i32
    %dma_wait3A_144 = tpu.memref_slice %arg2[%dma_wait3A_142, %dma_wait3A_143] : memref<32768x1024xf32, #tpu.memory_space<hbm>> -> memref<24x1024xf32, #tpu.memory_space<hbm>>
    %dma_wait3A_145 = arith.constant 0 : i32
    %dma_wait3A_146 = arith.constant 0 : i32
    %dma_wait3A_147 = tpu.memref_slice %arg2[%dma_wait3A_145, %dma_wait3A_146] : memref<32768x1024xf32, #tpu.memory_space<hbm>> -> memref<24x1024xf32, #tpu.memory_space<hbm>>
    tpu.wait_dma2 semaphore(%arg9 : memref<!tpu.dma_semaphore, #tpu.memory_space<semaphore_mem>>) src(%dma_wait3A_147 : memref<24x1024xf32, #tpu.memory_space<hbm>>) dst(%arg6 : memref<24x1024xf32, #tpu.memory_space<vmem>>)
    %add3A_148 = arith.constant 144 : i32
    %add3A_149 = arith.addi %mul3A_2, %add3A_148 : i32
    %dma_start3A_150 = arith.constant 0 : i32
    %dma_start3A_151 = tpu.memref_slice %arg4[%add3A_149, %dma_start3A_150] : memref<8448x1024xf32, #tpu.memory_space<hbm>> -> memref<24x1024xf32, #tpu.memory_space<hbm>>
    %dma_start3A_152 = arith.constant 0 : i32
    %dma_start3A_153 = tpu.memref_slice %arg4[%add3A_149, %dma_start3A_152] : memref<8448x1024xf32, #tpu.memory_space<hbm>> -> memref<24x1024xf32, #tpu.memory_space<hbm>>
    tpu.enqueue_dma source(%arg6 : memref<24x1024xf32, #tpu.memory_space<vmem>>) target(%dma_start3A_153 : memref<24x1024xf32, #tpu.memory_space<hbm>>) target_semaphore(%arg12 : memref<!tpu.dma_semaphore, #tpu.memory_space<semaphore_mem>>)
    %dma_wait3A_154 = arith.constant 0 : i32
    %dma_wait3A_155 = tpu.memref_slice %arg4[%mul3A_2, %dma_wait3A_154] : memref<8448x1024xf32, #tpu.memory_space<hbm>> -> memref<24x1024xf32, #tpu.memory_space<hbm>>
    %dma_wait3A_156 = arith.constant 0 : i32
    %dma_wait3A_157 = tpu.memref_slice %arg4[%mul3A_2, %dma_wait3A_156] : memref<8448x1024xf32, #tpu.memory_space<hbm>> -> memref<24x1024xf32, #tpu.memory_space<hbm>>
    tpu.wait_dma2 semaphore(%arg12 : memref<!tpu.dma_semaphore, #tpu.memory_space<semaphore_mem>>) src(%arg6 : memref<24x1024xf32, #tpu.memory_space<vmem>>) dst(%dma_wait3A_157 : memref<24x1024xf32, #tpu.memory_space<hbm>>)
    %dma_start3A_158 = arith.constant 216 : i32
    %dma_start3A_159 = tpu.memref_slice %arg5[%dma_start3A_158] : memref<264xi32, #tpu.memory_space<vmem>> -> memref<24xi32, #tpu.memory_space<vmem>>
    %dma_start3A_160 = arith.constant 0 : i32
    %dma_start3A_161 = arith.constant 0 : i32
    %dma_start3A_162 = tpu.memref_slice %arg2[%dma_start3A_160, %dma_start3A_161] : memref<32768x1024xf32, #tpu.memory_space<hbm>> -> memref<32768x1024xf32, #tpu.memory_space<hbm>>
    tpu.enqueue_indirect_dma source(%dma_start3A_162 : memref<32768x1024xf32, #tpu.memory_space<hbm>>) target(%arg6 : memref<24x1024xf32, #tpu.memory_space<vmem>>) offsets(%dma_start3A_159 : memref<24xi32, #tpu.memory_space<vmem>>) semaphore(%arg9 : memref<!tpu.dma_semaphore, #tpu.memory_space<semaphore_mem>>)
    %dma_wait3A_163 = arith.constant 0 : i32
    %dma_wait3A_164 = arith.constant 0 : i32
    %dma_wait3A_165 = tpu.memref_slice %arg2[%dma_wait3A_163, %dma_wait3A_164] : memref<32768x1024xf32, #tpu.memory_space<hbm>> -> memref<24x1024xf32, #tpu.memory_space<hbm>>
    %dma_wait3A_166 = arith.constant 0 : i32
    %dma_wait3A_167 = arith.constant 0 : i32
    %dma_wait3A_168 = tpu.memref_slice %arg2[%dma_wait3A_166, %dma_wait3A_167] : memref<32768x1024xf32, #tpu.memory_space<hbm>> -> memref<24x1024xf32, #tpu.memory_space<hbm>>
    tpu.wait_dma2 semaphore(%arg10 : memref<!tpu.dma_semaphore, #tpu.memory_space<semaphore_mem>>) src(%dma_wait3A_168 : memref<24x1024xf32, #tpu.memory_space<hbm>>) dst(%arg7 : memref<24x1024xf32, #tpu.memory_space<vmem>>)
    %add3A_169 = arith.constant 168 : i32
    %add3A_170 = arith.addi %mul3A_2, %add3A_169 : i32
    %dma_start3A_171 = arith.constant 0 : i32
    %dma_start3A_172 = tpu.memref_slice %arg4[%add3A_170, %dma_start3A_171] : memref<8448x1024xf32, #tpu.memory_space<hbm>> -> memref<24x1024xf32, #tpu.memory_space<hbm>>
    %dma_start3A_173 = arith.constant 0 : i32
    %dma_start3A_174 = tpu.memref_slice %arg4[%add3A_170, %dma_start3A_173] : memref<8448x1024xf32, #tpu.memory_space<hbm>> -> memref<24x1024xf32, #tpu.memory_space<hbm>>
    tpu.enqueue_dma source(%arg7 : memref<24x1024xf32, #tpu.memory_space<vmem>>) target(%dma_start3A_174 : memref<24x1024xf32, #tpu.memory_space<hbm>>) target_semaphore(%arg13 : memref<!tpu.dma_semaphore, #tpu.memory_space<semaphore_mem>>)
    %dma_wait3A_175 = arith.constant 0 : i32
    %dma_wait3A_176 = tpu.memref_slice %arg4[%mul3A_2, %dma_wait3A_175] : memref<8448x1024xf32, #tpu.memory_space<hbm>> -> memref<24x1024xf32, #tpu.memory_space<hbm>>
    %dma_wait3A_177 = arith.constant 0 : i32
    %dma_wait3A_178 = tpu.memref_slice %arg4[%mul3A_2, %dma_wait3A_177] : memref<8448x1024xf32, #tpu.memory_space<hbm>> -> memref<24x1024xf32, #tpu.memory_space<hbm>>
    tpu.wait_dma2 semaphore(%arg13 : memref<!tpu.dma_semaphore, #tpu.memory_space<semaphore_mem>>) src(%arg7 : memref<24x1024xf32, #tpu.memory_space<vmem>>) dst(%dma_wait3A_178 : memref<24x1024xf32, #tpu.memory_space<hbm>>)
    %dma_start3A_179 = arith.constant 240 : i32
    %dma_start3A_180 = tpu.memref_slice %arg5[%dma_start3A_179] : memref<264xi32, #tpu.memory_space<vmem>> -> memref<24xi32, #tpu.memory_space<vmem>>
    %dma_start3A_181 = arith.constant 0 : i32
    %dma_start3A_182 = arith.constant 0 : i32
    %dma_start3A_183 = tpu.memref_slice %arg2[%dma_start3A_181, %dma_start3A_182] : memref<32768x1024xf32, #tpu.memory_space<hbm>> -> memref<32768x1024xf32, #tpu.memory_space<hbm>>
    tpu.enqueue_indirect_dma source(%dma_start3A_183 : memref<32768x1024xf32, #tpu.memory_space<hbm>>) target(%arg7 : memref<24x1024xf32, #tpu.memory_space<vmem>>) offsets(%dma_start3A_180 : memref<24xi32, #tpu.memory_space<vmem>>) semaphore(%arg10 : memref<!tpu.dma_semaphore, #tpu.memory_space<semaphore_mem>>)
    %dma_wait3A_184 = arith.constant 0 : i32
    %dma_wait3A_185 = arith.constant 0 : i32
    %dma_wait3A_186 = tpu.memref_slice %arg2[%dma_wait3A_184, %dma_wait3A_185] : memref<32768x1024xf32, #tpu.memory_space<hbm>> -> memref<24x1024xf32, #tpu.memory_space<hbm>>
    %dma_wait3A_187 = arith.constant 0 : i32
    %dma_wait3A_188 = arith.constant 0 : i32
    %dma_wait3A_189 = tpu.memref_slice %arg2[%dma_wait3A_187, %dma_wait3A_188] : memref<32768x1024xf32, #tpu.memory_space<hbm>> -> memref<24x1024xf32, #tpu.memory_space<hbm>>
    tpu.wait_dma2 semaphore(%arg11 : memref<!tpu.dma_semaphore, #tpu.memory_space<semaphore_mem>>) src(%dma_wait3A_189 : memref<24x1024xf32, #tpu.memory_space<hbm>>) dst(%arg8 : memref<24x1024xf32, #tpu.memory_space<vmem>>)
    %add3A_190 = arith.constant 192 : i32
    %add3A_191 = arith.addi %mul3A_2, %add3A_190 : i32
    %dma_start3A_192 = arith.constant 0 : i32
    %dma_start3A_193 = tpu.memref_slice %arg4[%add3A_191, %dma_start3A_192] : memref<8448x1024xf32, #tpu.memory_space<hbm>> -> memref<24x1024xf32, #tpu.memory_space<hbm>>
    %dma_start3A_194 = arith.constant 0 : i32
    %dma_start3A_195 = tpu.memref_slice %arg4[%add3A_191, %dma_start3A_194] : memref<8448x1024xf32, #tpu.memory_space<hbm>> -> memref<24x1024xf32, #tpu.memory_space<hbm>>
    tpu.enqueue_dma source(%arg8 : memref<24x1024xf32, #tpu.memory_space<vmem>>) target(%dma_start3A_195 : memref<24x1024xf32, #tpu.memory_space<hbm>>) target_semaphore(%arg14 : memref<!tpu.dma_semaphore, #tpu.memory_space<semaphore_mem>>)
    %dma_wait3A_196 = arith.constant 0 : i32
    %dma_wait3A_197 = arith.constant 0 : i32
    %dma_wait3A_198 = tpu.memref_slice %arg2[%dma_wait3A_196, %dma_wait3A_197] : memref<32768x1024xf32, #tpu.memory_space<hbm>> -> memref<24x1024xf32, #tpu.memory_space<hbm>>
    %dma_wait3A_199 = arith.constant 0 : i32
    %dma_wait3A_200 = arith.constant 0 : i32
    %dma_wait3A_201 = tpu.memref_slice %arg2[%dma_wait3A_199, %dma_wait3A_200] : memref<32768x1024xf32, #tpu.memory_space<hbm>> -> memref<24x1024xf32, #tpu.memory_space<hbm>>
    tpu.wait_dma2 semaphore(%arg9 : memref<!tpu.dma_semaphore, #tpu.memory_space<semaphore_mem>>) src(%dma_wait3A_201 : memref<24x1024xf32, #tpu.memory_space<hbm>>) dst(%arg6 : memref<24x1024xf32, #tpu.memory_space<vmem>>)
    %add3A_202 = arith.constant 216 : i32
    %add3A_203 = arith.addi %mul3A_2, %add3A_202 : i32
    %dma_start3A_204 = arith.constant 0 : i32
    %dma_start3A_205 = tpu.memref_slice %arg4[%add3A_203, %dma_start3A_204] : memref<8448x1024xf32, #tpu.memory_space<hbm>> -> memref<24x1024xf32, #tpu.memory_space<hbm>>
    %dma_start3A_206 = arith.constant 0 : i32
    %dma_start3A_207 = tpu.memref_slice %arg4[%add3A_203, %dma_start3A_206] : memref<8448x1024xf32, #tpu.memory_space<hbm>> -> memref<24x1024xf32, #tpu.memory_space<hbm>>
    tpu.enqueue_dma source(%arg6 : memref<24x1024xf32, #tpu.memory_space<vmem>>) target(%dma_start3A_207 : memref<24x1024xf32, #tpu.memory_space<hbm>>) target_semaphore(%arg12 : memref<!tpu.dma_semaphore, #tpu.memory_space<semaphore_mem>>)
    %dma_wait3A_208 = arith.constant 0 : i32
    %dma_wait3A_209 = arith.constant 0 : i32
    %dma_wait3A_210 = tpu.memref_slice %arg2[%dma_wait3A_208, %dma_wait3A_209] : memref<32768x1024xf32, #tpu.memory_space<hbm>> -> memref<24x1024xf32, #tpu.memory_space<hbm>>
    %dma_wait3A_211 = arith.constant 0 : i32
    %dma_wait3A_212 = arith.constant 0 : i32
    %dma_wait3A_213 = tpu.memref_slice %arg2[%dma_wait3A_211, %dma_wait3A_212] : memref<32768x1024xf32, #tpu.memory_space<hbm>> -> memref<24x1024xf32, #tpu.memory_space<hbm>>
    tpu.wait_dma2 semaphore(%arg10 : memref<!tpu.dma_semaphore, #tpu.memory_space<semaphore_mem>>) src(%dma_wait3A_213 : memref<24x1024xf32, #tpu.memory_space<hbm>>) dst(%arg7 : memref<24x1024xf32, #tpu.memory_space<vmem>>)
    %add3A_214 = arith.constant 240 : i32
    %add3A_215 = arith.addi %mul3A_2, %add3A_214 : i32
    %dma_start3A_216 = arith.constant 0 : i32
    %dma_start3A_217 = tpu.memref_slice %arg4[%add3A_215, %dma_start3A_216] : memref<8448x1024xf32, #tpu.memory_space<hbm>> -> memref<24x1024xf32, #tpu.memory_space<hbm>>
    %dma_start3A_218 = arith.constant 0 : i32
    %dma_start3A_219 = tpu.memref_slice %arg4[%add3A_215, %dma_start3A_218] : memref<8448x1024xf32, #tpu.memory_space<hbm>> -> memref<24x1024xf32, #tpu.memory_space<hbm>>
    tpu.enqueue_dma source(%arg7 : memref<24x1024xf32, #tpu.memory_space<vmem>>) target(%dma_start3A_219 : memref<24x1024xf32, #tpu.memory_space<hbm>>) target_semaphore(%arg13 : memref<!tpu.dma_semaphore, #tpu.memory_space<semaphore_mem>>)
    %dma_wait3A_220 = arith.constant 0 : i32
    %dma_wait3A_221 = tpu.memref_slice %arg4[%mul3A_2, %dma_wait3A_220] : memref<8448x1024xf32, #tpu.memory_space<hbm>> -> memref<24x1024xf32, #tpu.memory_space<hbm>>
    %dma_wait3A_222 = arith.constant 0 : i32
    %dma_wait3A_223 = tpu.memref_slice %arg4[%mul3A_2, %dma_wait3A_222] : memref<8448x1024xf32, #tpu.memory_space<hbm>> -> memref<24x1024xf32, #tpu.memory_space<hbm>>
    tpu.wait_dma2 semaphore(%arg14 : memref<!tpu.dma_semaphore, #tpu.memory_space<semaphore_mem>>) src(%arg8 : memref<24x1024xf32, #tpu.memory_space<vmem>>) dst(%dma_wait3A_223 : memref<24x1024xf32, #tpu.memory_space<hbm>>)
    %dma_wait3A_224 = arith.constant 0 : i32
    %dma_wait3A_225 = tpu.memref_slice %arg4[%mul3A_2, %dma_wait3A_224] : memref<8448x1024xf32, #tpu.memory_space<hbm>> -> memref<24x1024xf32, #tpu.memory_space<hbm>>
    %dma_wait3A_226 = arith.constant 0 : i32
    %dma_wait3A_227 = tpu.memref_slice %arg4[%mul3A_2, %dma_wait3A_226] : memref<8448x1024xf32, #tpu.memory_space<hbm>> -> memref<24x1024xf32, #tpu.memory_space<hbm>>
    tpu.wait_dma2 semaphore(%arg12 : memref<!tpu.dma_semaphore, #tpu.memory_space<semaphore_mem>>) src(%arg6 : memref<24x1024xf32, #tpu.memory_space<vmem>>) dst(%dma_wait3A_227 : memref<24x1024xf32, #tpu.memory_space<hbm>>)
    %dma_wait3A_228 = arith.constant 0 : i32
    %dma_wait3A_229 = tpu.memref_slice %arg4[%mul3A_2, %dma_wait3A_228] : memref<8448x1024xf32, #tpu.memory_space<hbm>> -> memref<24x1024xf32, #tpu.memory_space<hbm>>
    %dma_wait3A_230 = arith.constant 0 : i32
    %dma_wait3A_231 = tpu.memref_slice %arg4[%mul3A_2, %dma_wait3A_230] : memref<8448x1024xf32, #tpu.memory_space<hbm>> -> memref<24x1024xf32, #tpu.memory_space<hbm>>
    tpu.wait_dma2 semaphore(%arg13 : memref<!tpu.dma_semaphore, #tpu.memory_space<semaphore_mem>>) src(%arg7 : memref<24x1024xf32, #tpu.memory_space<vmem>>) dst(%dma_wait3A_231 : memref<24x1024xf32, #tpu.memory_space<hbm>>)
    return
  }
}

module attributes {stable_mosaic.version = 14 : i64} {
  func.func @body(%arg0: i32, %arg1: memref<33xi32, #tpu.memory_space<smem>>, %arg2: memref<33xi32, #tpu.memory_space<smem>>, %arg3: memref<256x1024xf32, #tpu.memory_space<vmem>>, %arg4: memref<1x1024x512xbf16, #tpu.memory_space<vmem>>, %arg5: memref<1x1024x512xbf16, #tpu.memory_space<vmem>>, %arg6: memref<1x1x512xf32, #tpu.memory_space<vmem>>, %arg7: memref<1x512x256xbf16, #tpu.memory_space<vmem>>, %arg8: memref<1x512x256xbf16, #tpu.memory_space<vmem>>, %arg9: memref<1x1x256xf32, #tpu.memory_space<vmem>>, %arg10: memref<1x1x256xf32, #tpu.memory_space<vmem>>, %arg11: memref<1x1x256xf32, #tpu.memory_space<vmem>>, %arg12: memref<1x1xf32, #tpu.memory_space<vmem>>) attributes {dimension_semantics = [#tpu.dimension_semantics<arbitrary>], iteration_bounds = array<i64: 33>, scalar_prefetch = 2 : i64, scratch_operands = 0 : i64, tpu.core_type = #tpu.core_type<tc>, window_params = [{transform_indices = @transform_0, window_bounds = array<i64: 256, 1024>}, {transform_indices = @transform_1, window_bounds = array<i64: 1, 1024, 512>}, {transform_indices = @transform_2, window_bounds = array<i64: 1, 1024, 512>}, {transform_indices = @transform_3, window_bounds = array<i64: 1, 1, 512>}, {transform_indices = @transform_4, window_bounds = array<i64: 1, 512, 256>}, {transform_indices = @transform_5, window_bounds = array<i64: 1, 512, 256>}, {transform_indices = @transform_6, window_bounds = array<i64: 1, 1, 256>}, {transform_indices = @transform_7, window_bounds = array<i64: 1, 1, 256>}, {transform_indices = @transform_8, window_bounds = array<i64: 1, 1, 256>}, {pipeline_mode = #tpu.pipeline_mode<synchronous>, transform_indices = @transform_9, window_bounds = array<i64: 1, 1>}]} {
    %get3A = arith.index_cast %arg0 : i32 to index
    %get3A_0 = memref.load %arg2[%get3A] : memref<33xi32, #tpu.memory_space<smem>>
    %get3A_1 = arith.constant 0 : index
    %get3A_2 = arith.constant 0 : index
    %get3A_3 = vector.load %arg3[%get3A_1, %get3A_2] : memref<256x1024xf32, #tpu.memory_space<vmem>>, vector<256x1024xf32>
    %bitcast_convert_type3A = tpu.bitcast %get3A_3 : vector<256x1024xf32> -> vector<256x1024xi32>
    %and3A = arith.constant -65536 : i32
    %and3A_4 = vector.broadcast %and3A : i32 to vector<256x1024xi32>
    %and3A_5 = arith.andi %bitcast_convert_type3A, %and3A_4 : vector<256x1024xi32>
    %bitcast_convert_type3A_6 = tpu.bitcast %and3A_5 : vector<256x1024xi32> -> vector<256x1024xf32>
    %convert_element_type3A = arith.truncf %bitcast_convert_type3A_6 : vector<256x1024xf32> to vector<256x1024xbf16>
    %get3A_7 = arith.constant 0 : index
    %get3A_8 = arith.constant 0 : index
    %get3A_9 = arith.constant 0 : index
    %get3A_10 = vector.load %arg4[%get3A_7, %get3A_8, %get3A_9] : memref<1x1024x512xbf16, #tpu.memory_space<vmem>>, vector<1x1024x512xbf16>
    %get3A_11 = vector.shape_cast %get3A_10 : vector<1x1024x512xbf16> to vector<1024x512xbf16>
    %dot_general3A = arith.constant dense<0.000000e+00> : vector<256x512xf32>
    %dot_general3A_12 = tpu.matmul %convert_element_type3A, %get3A_11, %dot_general3A {dimension_numbers = #tpu.dot_dimension_numbers<[1], [0], [0], [1], [0, 0, 1, 1], [], []>, transpose_lhs_hint = false} : vector<256x1024xbf16>, vector<1024x512xbf16>, vector<256x512xf32> -> vector<256x512xf32>
    %get3A_13 = arith.constant 0 : index
    %get3A_14 = arith.constant 0 : index
    %get3A_15 = arith.constant 0 : index
    %get3A_16 = vector.load %arg6[%get3A_13, %get3A_14, %get3A_15] : memref<1x1x512xf32, #tpu.memory_space<vmem>>, vector<1x1x512xf32>
    %get3A_17 = vector.shape_cast %get3A_16 : vector<1x1x512xf32> to vector<1x512xf32>
    %add3A = vector.broadcast %get3A_17 : vector<1x512xf32> to vector<256x512xf32>
    %add3A_18 = arith.addf %dot_general3A_12, %add3A : vector<256x512xf32>
    %gt3A = arith.constant 0.000000e+00 : f32
    %gt3A_19 = vector.broadcast %gt3A : f32 to vector<256x512xf32>
    %gt3A_20 = arith.cmpf ogt, %add3A_18, %gt3A_19 : vector<256x512xf32>
    %exp3A = math.exp %add3A_18 : vector<256x512xf32>
    %sub3A = arith.constant 1.000000e+00 : f32
    %sub3A_21 = vector.broadcast %sub3A : f32 to vector<256x512xf32>
    %sub3A_22 = arith.subf %exp3A, %sub3A_21 : vector<256x512xf32>
    %select_n3A = arith.select %gt3A_20, %add3A_18, %sub3A_22 : vector<256x512xi1>, vector<256x512xf32>
    %bitcast_convert_type3A_23 = tpu.bitcast %select_n3A : vector<256x512xf32> -> vector<256x512xi32>
    %and3A_24 = arith.constant -65536 : i32
    %and3A_25 = vector.broadcast %and3A_24 : i32 to vector<256x512xi32>
    %and3A_26 = arith.andi %bitcast_convert_type3A_23, %and3A_25 : vector<256x512xi32>
    %bitcast_convert_type3A_27 = tpu.bitcast %and3A_26 : vector<256x512xi32> -> vector<256x512xf32>
    %convert_element_type3A_28 = arith.truncf %bitcast_convert_type3A_27 : vector<256x512xf32> to vector<256x512xbf16>
    %get3A_29 = arith.constant 0 : index
    %get3A_30 = arith.constant 0 : index
    %get3A_31 = arith.constant 0 : index
    %get3A_32 = vector.load %arg7[%get3A_29, %get3A_30, %get3A_31] : memref<1x512x256xbf16, #tpu.memory_space<vmem>>, vector<1x512x256xbf16>
    %get3A_33 = vector.shape_cast %get3A_32 : vector<1x512x256xbf16> to vector<512x256xbf16>
    %dot_general3A_34 = arith.constant dense<0.000000e+00> : vector<256x256xf32>
    %dot_general3A_35 = tpu.matmul %convert_element_type3A_28, %get3A_33, %dot_general3A_34 {dimension_numbers = #tpu.dot_dimension_numbers<[1], [0], [0], [1], [0, 0, 1, 1], [], []>, transpose_lhs_hint = false} : vector<256x512xbf16>, vector<512x256xbf16>, vector<256x256xf32> -> vector<256x256xf32>
    %get3A_36 = arith.constant 0 : index
    %get3A_37 = arith.constant 0 : index
    %get3A_38 = arith.constant 0 : index
    %get3A_39 = vector.load %arg9[%get3A_36, %get3A_37, %get3A_38] : memref<1x1x256xf32, #tpu.memory_space<vmem>>, vector<1x1x256xf32>
    %get3A_40 = vector.shape_cast %get3A_39 : vector<1x1x256xf32> to vector<1x256xf32>
    %add3A_41 = vector.broadcast %get3A_40 : vector<1x256xf32> to vector<256x256xf32>
    %add3A_42 = arith.addf %dot_general3A_35, %add3A_41 : vector<256x256xf32>
    %gt3A_43 = arith.constant 0.000000e+00 : f32
    %gt3A_44 = vector.broadcast %gt3A_43 : f32 to vector<256x256xf32>
    %gt3A_45 = arith.cmpf ogt, %add3A_42, %gt3A_44 : vector<256x256xf32>
    %exp3A_46 = math.exp %add3A_42 : vector<256x256xf32>
    %sub3A_47 = arith.constant 1.000000e+00 : f32
    %sub3A_48 = vector.broadcast %sub3A_47 : f32 to vector<256x256xf32>
    %sub3A_49 = arith.subf %exp3A_46, %sub3A_48 : vector<256x256xf32>
    %select_n3A_50 = arith.select %gt3A_45, %add3A_42, %sub3A_49 : vector<256x256xi1>, vector<256x256xf32>
    %iota3A = tpu.iota {dimensions = array<i32: 0>} : vector<256x256xi32>
    %lt3A = vector.broadcast %get3A_0 : i32 to vector<256x256xi32>
    %lt3A_51 = arith.cmpi slt, %iota3A, %lt3A : vector<256x256xi32>
    %jit3A = arith.constant 1.000000e+00 : f32
    %jit3A_52 = arith.constant 0.000000e+00 : f32
    %broadcast_in_dim3A = vector.broadcast %jit3A : f32 to vector<256x256xf32>
    %broadcast_in_dim3A_53 = vector.broadcast %jit3A_52 : f32 to vector<256x256xf32>
    %select_n3A_54 = arith.select %lt3A_51, %broadcast_in_dim3A, %broadcast_in_dim3A_53 : vector<256x256xi1>, vector<256x256xf32>
    %mul3A = arith.mulf %select_n3A_50, %select_n3A_54 : vector<256x256xf32>
    %reduce_sum3A = arith.constant dense<0.000000e+00> : vector<256xf32>
    %reduce_sum3A_55 = vector.multi_reduction <add>, %mul3A, %reduce_sum3A [0] : vector<256x256xf32> to vector<256xf32>
    %broadcast_in_dim3A_56 = vector.shape_cast %reduce_sum3A_55 : vector<256xf32> to vector<1x256xf32>
    %reduce_sum3A_57 = arith.constant dense<0.000000e+00> : vector<256xf32>
    %reduce_sum3A_58 = vector.multi_reduction <add>, %select_n3A_54, %reduce_sum3A_57 [0] : vector<256x256xf32> to vector<256xf32>
    %broadcast_in_dim3A_59 = vector.shape_cast %reduce_sum3A_58 : vector<256xf32> to vector<1x256xf32>
    %get3A_60 = arith.constant 0 : index
    %get3A_61 = arith.constant 0 : index
    %get3A_62 = arith.constant 0 : index
    %get3A_63 = vector.load %arg10[%get3A_60, %get3A_61, %get3A_62] : memref<1x1x256xf32, #tpu.memory_space<vmem>>, vector<1x1x256xf32>
    %get3A_64 = vector.shape_cast %get3A_63 : vector<1x1x256xf32> to vector<1x256xf32>
    %mul3A_65 = arith.mulf %broadcast_in_dim3A_56, %get3A_64 : vector<1x256xf32>
    %get3A_66 = arith.constant 0 : index
    %get3A_67 = arith.constant 0 : index
    %get3A_68 = arith.constant 0 : index
    %get3A_69 = vector.load %arg11[%get3A_66, %get3A_67, %get3A_68] : memref<1x1x256xf32, #tpu.memory_space<vmem>>, vector<1x1x256xf32>
    %get3A_70 = vector.shape_cast %get3A_69 : vector<1x1x256xf32> to vector<1x256xf32>
    %mul3A_71 = arith.mulf %broadcast_in_dim3A_59, %get3A_70 : vector<1x256xf32>
    %add3A_72 = arith.addf %mul3A_65, %mul3A_71 : vector<1x256xf32>
    %reduce_sum3A_73 = arith.constant dense<0.000000e+00> : vector<1xf32>
    %reduce_sum3A_74 = vector.multi_reduction <add>, %add3A_72, %reduce_sum3A_73 [1] : vector<1x256xf32> to vector<1xf32>
    %broadcast_in_dim3A_75 = vector.shape_cast %reduce_sum3A_74 : vector<1xf32> to vector<1x1xf32>
    %eq3A = arith.constant 0 : i32
    %eq3A_76 = arith.cmpi eq, %arg0, %eq3A : i32
    %convert_element_type3A_77 = arith.extui %eq3A_76 : i1 to i32
    %cond3A = arith.constant 0 : i32
    %cond3A_78 = arith.cmpi ne, %convert_element_type3A_77, %cond3A : i32
    scf.if %cond3A_78 {
      %broadcast_in_dim3A_85 = arith.constant 0.000000e+00 : f32
      %broadcast_in_dim3A_86 = vector.broadcast %broadcast_in_dim3A_85 : f32 to vector<1x1xf32>
      %swap3A_87 = arith.constant 0 : index
      %swap3A_88 = arith.constant 0 : index
      %swap3A_89 = vector.load %arg12[%swap3A_87, %swap3A_88] : memref<1x1xf32, #tpu.memory_space<vmem>>, vector<1x1xf32>
      tpu.vector_store %arg12[%swap3A_87, %swap3A_88], %broadcast_in_dim3A_86 {strides = array<i32>} : memref<1x1xf32, #tpu.memory_space<vmem>>, vector<1x1xf32>,
    } else {
    }
    %get3A_79 = arith.constant 0 : index
    %get3A_80 = arith.constant 0 : index
    %get3A_81 = vector.load %arg12[%get3A_79, %get3A_80] : memref<1x1xf32, #tpu.memory_space<vmem>>, vector<1x1xf32>
    %add3A_82 = arith.addf %get3A_81, %broadcast_in_dim3A_75 : vector<1x1xf32>
    %swap3A = arith.constant 0 : index
    %swap3A_83 = arith.constant 0 : index
    %swap3A_84 = vector.load %arg12[%swap3A, %swap3A_83] : memref<1x1xf32, #tpu.memory_space<vmem>>, vector<1x1xf32>
    tpu.vector_store %arg12[%swap3A, %swap3A_83], %add3A_82 {strides = array<i32>} : memref<1x1xf32, #tpu.memory_space<vmem>>, vector<1x1xf32>,
    return
  }
  func.func @transform_0(%arg0: i32, %arg1: memref<33xi32, #tpu.memory_space<smem>>, %arg2: memref<33xi32, #tpu.memory_space<smem>>) -> (i32, i32) {
    %c0_i32 = arith.constant 0 : i32
    %c0_i32_0 = arith.constant 0 : i32
    return %arg0, %c0_i32 : i32, i32
  }
  func.func @transform_1(%arg0: i32, %arg1: memref<33xi32, #tpu.memory_space<smem>>, %arg2: memref<33xi32, #tpu.memory_space<smem>>) -> (i32, i32, i32) {
    %get3A = arith.index_cast %arg0 : i32 to index
    %get3A_0 = memref.load %arg1[%get3A] : memref<33xi32, #tpu.memory_space<smem>>
    %c0_i32 = arith.constant 0 : i32
    %c0_i32_1 = arith.constant 0 : i32
    %c0_i32_2 = arith.constant 0 : i32
    return %get3A_0, %c0_i32, %c0_i32_1 : i32, i32, i32
  }
  func.func @transform_2(%arg0: i32, %arg1: memref<33xi32, #tpu.memory_space<smem>>, %arg2: memref<33xi32, #tpu.memory_space<smem>>) -> (i32, i32, i32) {
    %get3A = arith.index_cast %arg0 : i32 to index
    %get3A_0 = memref.load %arg1[%get3A] : memref<33xi32, #tpu.memory_space<smem>>
    %c0_i32 = arith.constant 0 : i32
    %c0_i32_1 = arith.constant 0 : i32
    %c0_i32_2 = arith.constant 0 : i32
    return %get3A_0, %c0_i32, %c0_i32_1 : i32, i32, i32
  }
  func.func @transform_3(%arg0: i32, %arg1: memref<33xi32, #tpu.memory_space<smem>>, %arg2: memref<33xi32, #tpu.memory_space<smem>>) -> (i32, i32, i32) {
    %get3A = arith.index_cast %arg0 : i32 to index
    %get3A_0 = memref.load %arg1[%get3A] : memref<33xi32, #tpu.memory_space<smem>>
    %c0_i32 = arith.constant 0 : i32
    %c0_i32_1 = arith.constant 0 : i32
    %c0_i32_2 = arith.constant 0 : i32
    return %get3A_0, %c0_i32, %c0_i32_1 : i32, i32, i32
  }
  func.func @transform_4(%arg0: i32, %arg1: memref<33xi32, #tpu.memory_space<smem>>, %arg2: memref<33xi32, #tpu.memory_space<smem>>) -> (i32, i32, i32) {
    %get3A = arith.index_cast %arg0 : i32 to index
    %get3A_0 = memref.load %arg1[%get3A] : memref<33xi32, #tpu.memory_space<smem>>
    %c0_i32 = arith.constant 0 : i32
    %c0_i32_1 = arith.constant 0 : i32
    %c0_i32_2 = arith.constant 0 : i32
    return %get3A_0, %c0_i32, %c0_i32_1 : i32, i32, i32
  }
  func.func @transform_5(%arg0: i32, %arg1: memref<33xi32, #tpu.memory_space<smem>>, %arg2: memref<33xi32, #tpu.memory_space<smem>>) -> (i32, i32, i32) {
    %get3A = arith.index_cast %arg0 : i32 to index
    %get3A_0 = memref.load %arg1[%get3A] : memref<33xi32, #tpu.memory_space<smem>>
    %c0_i32 = arith.constant 0 : i32
    %c0_i32_1 = arith.constant 0 : i32
    %c0_i32_2 = arith.constant 0 : i32
    return %get3A_0, %c0_i32, %c0_i32_1 : i32, i32, i32
  }
  func.func @transform_6(%arg0: i32, %arg1: memref<33xi32, #tpu.memory_space<smem>>, %arg2: memref<33xi32, #tpu.memory_space<smem>>) -> (i32, i32, i32) {
    %get3A = arith.index_cast %arg0 : i32 to index
    %get3A_0 = memref.load %arg1[%get3A] : memref<33xi32, #tpu.memory_space<smem>>
    %c0_i32 = arith.constant 0 : i32
    %c0_i32_1 = arith.constant 0 : i32
    %c0_i32_2 = arith.constant 0 : i32
    return %get3A_0, %c0_i32, %c0_i32_1 : i32, i32, i32
  }
  func.func @transform_7(%arg0: i32, %arg1: memref<33xi32, #tpu.memory_space<smem>>, %arg2: memref<33xi32, #tpu.memory_space<smem>>) -> (i32, i32, i32) {
    %get3A = arith.index_cast %arg0 : i32 to index
    %get3A_0 = memref.load %arg1[%get3A] : memref<33xi32, #tpu.memory_space<smem>>
    %c0_i32 = arith.constant 0 : i32
    %c0_i32_1 = arith.constant 0 : i32
    %c0_i32_2 = arith.constant 0 : i32
    return %get3A_0, %c0_i32, %c0_i32_1 : i32, i32, i32
  }
  func.func @transform_8(%arg0: i32, %arg1: memref<33xi32, #tpu.memory_space<smem>>, %arg2: memref<33xi32, #tpu.memory_space<smem>>) -> (i32, i32, i32) {
    %get3A = arith.index_cast %arg0 : i32 to index
    %get3A_0 = memref.load %arg1[%get3A] : memref<33xi32, #tpu.memory_space<smem>>
    %c0_i32 = arith.constant 0 : i32
    %c0_i32_1 = arith.constant 0 : i32
    %c0_i32_2 = arith.constant 0 : i32
    return %get3A_0, %c0_i32, %c0_i32_1 : i32, i32, i32
  }
  func.func @transform_9(%arg0: i32, %arg1: memref<33xi32, #tpu.memory_space<smem>>, %arg2: memref<33xi32, #tpu.memory_space<smem>>) -> (i32, i32) {
    %c0_i32 = arith.constant 0 : i32
    %c0_i32_0 = arith.constant 0 : i32
    %c0_i32_1 = arith.constant 0 : i32
    return %c0_i32, %c0_i32_0 : i32, i32
  }
}

</mosaic_0001>

<sc_bundles>
// kernel: gather_offload_async_start
scs
__scs_entry_jumppad:
0x0: {  	(pc) =	sbr.rel $0x88, $3  }
0x1: {  	(tag) =	ssettag $0x0;
	lr =	simm.s32 $0x1  }
0x2: {  	[smem:$0x3F99] =	sst lr;
	_ =	strace $0xD0000000  }
0x3: {  	_ = 	snop  }
0x4: {  	_ = 	snop  }
0x5: {  	_ = 	snop  }
0x6: {  	_ = 	snop  }
0x7: {  	_ = 	snop  }
__scs_overlays_trampoline_lowered:
0x8: {  	[smem:$0x3FA8] =	sst s0  }
0x9: {  	[smem:$0x3FA9] =	sst s1  }
0xa: {  	[smem:$0x3FAA] =	sst s2  }
0xb: {  	[smem:$0x3FAB] =	sst s3  }
0xc: {  	[smem:$0x3FAC] =	sst s4  }
0xd: {  	[smem:$0x3FAD] =	sst s5  }
0xe: {  	[smem:$0x3FAE] =	sst s6  }
0xf: {  	[smem:$0x3FAF] =	sst s7  }
0x10: {  	[smem:$0x3FB0] =	sst s8  }
0x11: {  	[smem:$0x3FB1] =	sst s9;
	s0 =	simm.s32 @!p0 $0x0  }
0x12: {  	s1 =	sld [smem:$0x3F97];
	s0 =	simm.s32 @p0 $0x1  }
0x13: {  	[smem:$0x3FB2] =	sst s0;
	s0 =	simm.s32 @!p1 $0x0  }
0x14: {  	s2 =	sld [smem:$0x3F96];
	s0 =	simm.s32 @p1 $0x1  }
0x15: {  	[smem:$0x3FB3] =	sst s0;
	s0 =	simm.s32 @!p2 $0x0  }
0x16: {  	s3 =	sld [smem:$0x3FDB];
	s0 =	simm.s32 @p2 $0x1  }
0x17: {  	s4 =	simm.s32 $0x1BF5;
	[smem:$0x3FB5] =	sst s0  }
0x18: {  	s0 =	sld [smem:$0x3F98];
	_ =	swait.ge [sflag:s4], $0x0  }
0x19: {  	s7 =	sld [smem:$0x3F99]  }
0x1a: {  	s8 =	sadd.s32 $0xFFFFE003, lr  }
0x1b: {  	s9 =	sadd.s32 $0xFFFFFEF7, lr;
	s5 =	simm.s32 $0xFFFFFFFF;
	p2 =	slt.u32 s8, $0xFFFFF086  }
0x1c: {  	p1 =	slt.u32 s9, $0xF7A;
	s5 =	simm.s32 @!p2 $0x0  }
0x1d: {  	s5 =	simm.s32 @p1 $0x1;
	p0 =	seq.s32 s7, s2  }
0x1e: {  	s7 =	smul.u32 @!p0 $0xF7A, s2;
	p2 =	seq.s32 @!p0 s5, $0x0  }
0x1f: {  	s9 =	smul.u32 $0xF7A, s1;
	s8 =	simm.s32 @!p0 $0x1BF5;
	p2 =	por !p2, p0  }
0x20: {  	[sflag:s8] =	ssyncset.s32 @!p0 $0xFFFFF086;
	s6 =	sadd.s32 @!p0 s3, s7;
	s7 =	simm.s32 @!p0 $0x108  }
0x21: {  	s3 =	sadd.s32 s3, s9;
	s6 =	sadd.s32 @!p0 $0x88, s6;
	s7 =	simm.s32 @p2 $0x1082  }
0x22: {  	[simem:s7], [sflag:s8] =	dma.local @!p0 [hbm:s6], $0xF7A  }
0x23: {  	s9 =	sor.u32 $0xD0000000, s2;
	s6 =	simm.s32 $0x108;
	_ =	swait.ge @!p0 [sflag:s8], $0x0  }
0x24: {  	s3 =	sadd.s32 $0x88, s3;
	s6 =	simm.s32 @!p1 $0x1082;
	[sflag:s4] =	ssyncset.s32 $0xFFFFF086  }
0x25: {  	[simem:s6], [sflag:s4] =	dma.local [hbm:s3], $0xF7A  }
0x26: {  	[smem:$0x3F99] =	sst s1;
	(tag) =	ssettag s2;
	_ =	strace s9  }
0x27: {  	s1 =	sld [smem:$0x3FA9]  }
0x28: {  	s2 =	sld [smem:$0x3FAA]  }
0x29: {  	s4 =	sld [smem:$0x3FAC]  }
0x2a: {  	p0 =	seq.s32 s5, $0x0;
	s5 =	sld [smem:$0x3FAD]  }
0x2b: {  	s6 =	sld [smem:$0x3FAE]  }
0x2c: {  	s7 =	sld [smem:$0x3FAF]  }
0x2d: {  	s3 =	simm.s32 $0x108;
	s8 =	sld [smem:$0x3FB0]  }
0x2e: {  	s3 =	simm.s32 @!p0 $0x1082;
	s9 =	sld [smem:$0x3FB1]  }
0x2f: {  	lr =	sadd.s32 s0, s3;
	s0 =	sld [smem:$0x3FA8]  }
0x30: {  	s3 =	sld [smem:$0x3FAB]  }
0x31: {  	[smem:$0x3FB4] =	sst s10  }
0x32: {  	s10 =	sld [smem:$0x3FB2];
	_ =	sdelay $0x3  }
0x33: {  	p0 =	seq.s32 s10, $0x1;
	s10 =	sld [smem:$0x3FB4];
	_ =	sdelay $0x3  }
0x34: {  	[smem:$0x3FB4] =	sst s10  }
0x35: {  	s10 =	sld [smem:$0x3FB3];
	_ =	sdelay $0x3  }
0x36: {  	p1 =	seq.s32 s10, $0x1;
	s10 =	sld [smem:$0x3FB4];
	_ =	sdelay $0x3  }
0x37: {  	[smem:$0x3FB4] =	sst s10  }
0x38: {  	s10 =	sld [smem:$0x3FB5]  }
0x39: {  	_ = 	snop;
	(pc) =	sbr.ind lr, $3  }
0x3a: {  	_ = 	snop  }
0x3b: {  	_ = 	snop  }
0x3c: {  	p2 =	seq.s32 s10, $0x1;
	s10 =	sld [smem:$0x3FB4]  }
0x3d: {  	_ =	shalt  }
0x3e: {  	_ =	shalt  }
0x3f: {  	_ =	shalt  }
0x40: {  	_ =	shalt  }
0x41: {  	_ =	shalt  }
0x42: {  	_ =	shalt  }
0x43: {  	_ =	shalt  }
0x44: {  	_ =	shalt  }
0x45: {  	_ =	shalt  }
0x46: {  	_ =	shalt  }
0x47: {  	_ =	shalt  }
0x48: {  	_ =	shalt  }
0x49: {  	_ =	shalt  }
0x4a: {  	_ =	shalt  }
0x4b: {  	_ =	shalt  }
0x4c: {  	_ =	shalt  }
0x4d: {  	_ =	shalt  }
0x4e: {  	_ =	shalt  }
0x4f: {  	_ =	shalt  }
0x50: {  	_ =	shalt  }
0x51: {  	_ =	shalt  }
0x52: {  	_ =	shalt  }
0x53: {  	_ =	shalt  }
0x54: {  	_ =	shalt  }
0x55: {  	_ =	shalt  }
0x56: {  	_ =	shalt  }
0x57: {  	_ =	shalt  }
0x58: {  	_ =	shalt  }
0x59: {  	_ =	shalt  }
0x5a: {  	_ =	shalt  }
0x5b: {  	_ =	shalt  }
0x5c: {  	_ =	shalt  }
0x5d: {  	_ =	shalt  }
0x5e: {  	_ =	shalt  }
0x5f: {  	_ =	shalt  }
0x60: {  	_ =	shalt  }
0x61: {  	_ =	shalt  }
0x62: {  	_ =	shalt  }
0x63: {  	_ =	shalt  }
0x64: {  	_ =	shalt  }
0x65: {  	_ =	shalt  }
0x66: {  	_ =	shalt  }
0x67: {  	_ =	shalt  }
0x68: {  	_ =	shalt  }
0x69: {  	_ =	shalt  }
0x6a: {  	_ =	shalt  }
0x6b: {  	_ =	shalt  }
0x6c: {  	_ =	shalt  }
0x6d: {  	_ =	shalt  }
0x6e: {  	_ =	shalt  }
0x6f: {  	_ =	shalt  }
0x70: {  	_ =	shalt  }
0x71: {  	_ =	shalt  }
0x72: {  	_ =	shalt  }
0x73: {  	_ =	shalt  }
0x74: {  	_ =	shalt  }
0x75: {  	_ =	shalt  }
0x76: {  	_ =	shalt  }
0x77: {  	_ =	shalt  }
0x78: {  	_ =	shalt  }
0x79: {  	_ =	shalt  }
0x7a: {  	_ =	shalt  }
0x7b: {  	_ =	shalt  }
0x7c: {  	_ =	shalt  }
0x7d: {  	_ =	shalt  }
0x7e: {  	_ =	shalt  }
0x7f: {  	_ =	shalt  }
0x80: {  	_ =	shalt  }
0x81: {  	_ =	shalt  }
0x82: {  	_ =	shalt  }
0x83: {  	_ =	shalt  }
0x84: {  	_ =	shalt  }
0x85: {  	_ =	shalt  }
0x86: {  	_ =	shalt  }
0x87: {  	_ =	shalt  }
.Lfunc_end0:
.L_simem_size_0:
called_computation_lowered:
.L_overlay_start_0:
0x88: {  	s2 =	sld [smem:$0x3FD9]  }
0x89: {  	s3 =	sld [smem:$0x3FFE];
	_ =	sdelay $0x1  }
0x8a: {  	s1 =	srdreg.scid  }
0x8b: {  	s0 =	sand.u32 $0x1, s1  }
0x8c: {  	s16 =	sshll.u32 s0, $0xA;
	s2 =	sadd.s32 s3, s2  }
0x8d: {  	s2 =	sadd.s32 s2, s16  }
0x8e: {  	[smem:$0x3FC0] =	sst s2  }
0x8f: {  	_ = 	snop  }
0x90: {  	(tm) =	ssettm $0x1  }
0x91: {  	s17 =	sld [smem:$0x3FFB];
	_ =	sdelay $0x3  }
0x92: {  	_ =	strace s17  }
0x93: {  	s2 =	sld [smem:$0x3FFC];
	_ =	sdelay $0x3  }
0x94: {  	_ =	strace s2  }
0x95: {  	s2 =	sld [smem:$0x3FFD];
	_ =	sdelay $0x3  }
0x96: {  	_ =	strace s2  }
0x97: {  	_ =	strace $0x8FFFFFFF  }
0x98: {  	s18 =	sld [smem:$0x3FDB];
	_ =	sdelay $0x1  }
0x99: {  	s19 =	simm.s32 $_scs_section_size  }
0x9a: {  	s4 =	simm.s32 $_size__tile_overlayer_lowered;
	s5 =	simm.s32 $_tile_overlayer_lowered  }
0x9b: {  	s22 =	simm.s32 $0x1BFF;
	s21 =	sshll.u32 s5, $0x1;
	s2 =	sadd.s32 s19, s18  }
0x9c: {  	s6 =	simm.s32 $0x0;
	s20 =	sshll.u32 s4, $0x1;
	s4 =	sadd.s32 s21, s2  }
0x9d: {  	[timem:s6], [sflag:s22] =	dma.local [hbm:s4], s20  }
0x9e: {  	_ =	swait.ge [sflag:s22], s20  }
0x9f: {  	s3 =	ssub.s32 $0x0, s20;
	[sflag:s22] =	ssyncset.done $0x0  }
0xa0: {  	[sflag:s22] =	ssyncadd.s32 s3;
	_ =	sdelay $0x1  }
0xa1: {  	s23 =	simm.s32 $0x1B8B  }
0xa2: {  	_ =	swait.ge [sflag:s23], $0x1  }
0xa3: {  	[sflag:s23] =	ssyncset.done $0x0  }
0xa4: {  	s25 =	simm.s32 $0x1B8E;
	s24 =	sld [smem:$0x3FFE];
	[sflag:s23] =	ssyncadd.s32 $0xFFFFFFFF  }
0xa5: {  	s26 =	simm.s32 $execute0_lowered;
	[smem:$0x3FD2] =	sst s25  }
0xa6: {  	s4 =	sshll.u32 s26, $0x1;
	_ =	strace $0x80000046;
	[dreg:$0x1] =	wrdreg $0xFFFFFFFF  }
0xa7: {  	s28 =	simm.s32 $_size_execute0_lowered;
	s2 =	sadd.s32 s2, s4;
	[dreg:$0x0] =	wrdreg $0x0  }
0xa8: {  	s4 =	sshll.u32 s28, $0x1;
	[dreg:$0x2] =	wrdreg s2  }
0xa9: {  	[dreg:$0x3] =	wrdreg s4  }
0xaa: {  	[dreg:$0x4] =	wrdreg $0xC0  }
0xab: {  	_ =	task [dreg:s6], $0x5FFFF  }
0xac: {  	[dreg:$0x1] =	wrdreg $0xFFFFFFFF  }
0xad: {  	[dreg:$0x0] =	wrdreg $0x60  }
0xae: {  	[dreg:$0x2] =	wrdreg s24  }
0xaf: {  	[dreg:$0x3] =	wrdreg $0x9  }
0xb0: {  	_ =	task.clear_ibuf [dreg:s6], $0x4FFFF;
	_ =	strace $0x90000046  }
0xb1: {  	s29 =	simm.s32 $0x9;
	_ =	strace $0x80000048  }
0xb2: {  	_ =	swait.ge [sflag:s29], $0x1  }
0xb3: {  	[sflag:s29] =	ssyncadd.s32 $0xFFFFFFFF  }
0xb4: {  	_ =	strace $0x90000048  }
0xb5: {  	_ =	sfence  }
0xb6: {  	s30 =	sld [smem:$0x0];
	_ =	sdelay $0x2  }
0xb7: {  	s31 =	sshll.u32 s1, $0xD;
	s1 =	sshrl.u32 s1, $0x2  }
0xb8: {  	s3 =	sand.u32 $0x4000, s31;
	s1 =	sadd.s32 s1, s30  }
0xb9: {  	s0 =	sor.u32 s3, s0;
	s1 =	sshll.u32 s1, $0x11  }
0xba: {  	s0 =	sor.u32 s1, s0  }
0xbb: {  	s0 =	sadd.s32 $0x8F2B, s0  }
0xbc: {  	[sflag:s0] =	ssyncadd.remote.s32 $0x1  }
0xbd: {  	_ =	sfence.sel $0xFFFF  }
0xbe: {  	[dreg:$0x0] =	wrdreg $0xFFFFFFFF;
	(pc) =	sbr.abs _section_cstart, $3  }
0xbf: {  	[dreg:$0x1] =	wrdreg $0xFFFFFFFF  }
0xc0: {  	_ =	task.clear_ibuf [dreg:s6], $0x2FFFF;
	_ =	strace $0x9FFFFFFF  }
0xc1: {  	(tm) =	ssettm $0x7FFFFFFF  }
tec
execute0_lowered:
.L_overlay_start_1:
0x0: {  	(tag) =	ssettag $0x1  }
0x1: {  	s8 =	rddreg [dreg:$0x0]  }
0x2: {  	s0 =	rddreg [dreg:$0x1];
	_ =	strace $0x80000047;
	s1 =	stileid.u32  }
0x3: {  	s3 =	srdreg.scid;
	s4 =	simm.s32 $0x1;
	s7 =	simm.s32 $0x1  }
0x4: {  	s9 =	simm.s32 $0x1;
	s10 =	simm.s32 $0x3;
	s13 =	simm.s32 $0x0  }
0x5: {  	s12 =	simm.s32 $0x0;
	s5 =	sand.u32 $0x1, s3;
	s6 =	sshll.u32 s1, $0x1  }
0x6: {  	s2 =	sadd.s32 $0x3800, s8;
	s3 =	sadd.s32 $0x1600, s8;
	s5 =	sor.u32 s6, s5  }
.Ltmp0:
0x7: {  	[sflag:s4] =	ssyncpa.u1 $0x0;
	p0 =	slt.u32 s5, $0xD;
	(pc) =	sbr.rel .LBB2_1-.Ltmp0, $4  }
0x8: {  	s6 =	simm.s32 $0x2;
	s7 =	simm.s32 @!p0 $0x0;
	p0 =	sne.s32 s5, $0xC  }
0x9: {  	[sflag:s6] =	ssyncpa.u1 $0x0;
	s5 =	smul.u32 $0x300, s5;
	s9 =	simm.s32 @!p0 $0x0  }
0xa: {  	s8 =	sadd.s32 $0x4800, s8;
	[sflag:s10] =	ssyncpa.u1 $0x0;
	s7 =	sadd.s32 s9, s7  }
0xb: {  	vm0 =	vmmov $0xffff;
	s10 =	simm.s32 $0x0;
	s11 =	smov.u32 s5;
	s9 =	sadd.s32 $0x1, s7  }
.LBB2_4:
0xc: {  	v2 =	vnsel vm1, $0x0, v2  }
0xd: {  	vm1 =	vgt.s32 v0, $0x0;
	v2 =	vmin.u32 v2, $0x7FFF  }
0xe: {  	v0 =	vnsel vm1, $0x0, v0  }
0xf: {  	v0 =	vmin.u32 v0, $0x7FFF  }
0x10: {  	[tilespmem:s18], [sflag:$0x1] =	stream.indirect_vreg.gather [hbm4b:s2+s10], $0x1, v1, vm0, $0x4038;
	[tilespmem:$0xC00] =	vst v63  }
0x11: {  	(ifvalue) =	ssetifvalue $0x7FFFFFFF  }
0x12: {  	[tilespmem:s15], [sflag:$0x1] =	stream.indirect_vreg.gather [hbm4b:s2+s10], $0x1, v2, vm0, $0x4038;
	[tilespmem:$0xC00] =	vst v63  }
0x13: {  	s29 =	sadd.s32 $0x10, s15;
	(ifvalue) =	ssetifvalue $0x7FFFFFFF  }
0x14: {  	[tilespmem:s29], [sflag:$0x1] =	stream.indirect_vreg.gather [hbm4b:s2+s10], $0x1, v0, vm0, $0x4038;
	[tilespmem:$0xC00] =	vst v63  }
0x15: {  	_ =	swait.ge [sflag:s4], $0x300  }
0x16: {  	s30 =	sshrl.u32 s13, $0x3;
	[sflag:s4] =	ssyncset.done $0x0  }
0x17: {  	s31 =	sand.u32 $0x7, s13;
	s15 =	sadd.s32 s8, s30;
	[sflag:s4] =	ssyncadd.s32 $0xFFFFFD00  }
0x18: {  	[hbm4b:s15+s31] =	stream.linear.scatter [tilespmem:s14], [sflag:$0x3], $0x300, $0x38;
	[tilespmem:$0xC00] =	vst v63  }
.LBB2_5:
0x19: {  	s15 =	sadd.s32 $0x6000, s11  }
0x1a: {  	p1 =	sgt.s32 s15, $0x83FF  }
0x1b: {  	s15 =	smov.u32 @p1 s5;
	p1 =	sne.s32 s12, s9  }
.Ltmp1:
0x1c: {  	p0 =	slt.u32 s12, $0x2;
	(pc) =	sbr.rel @!p1 .LBB2_6-.Ltmp1, $4  }
0x1d: {  	s14 =	simm.s32 @!p0 $0x3  }
0x1e: {  	_ =	swait.ge @!p0 [sflag:s14], $0x300  }
0x1f: {  	s16 =	sadd.s32 $0x1, s12;
	s13 =	smov.u32 s11;
	[sflag:s14] =	ssyncset.done @!p0 $0x0  }
0x20: {  	s12 =	smov.u32 s16;
	s11 =	smov.u32 s15;
	[sflag:s14] =	ssyncadd.s32 @!p0 $0xFFFFFD00  }
.LBB2_1:
0x21: {  	p0 =	sge.u32 s12, s7  }
0x22: {  	s14 =	sxor.u32 @!p0 $0x1, s12  }
0x23: {  	s14 =	smul.u32 @!p0 $0xC00, s14  }
0x24: {  	s31 =	sadd.s32 $0xFFFFFFFF, s12;
	s15 =	sshrl.u32 @!p0 s11, $0x3  }
0x25: {  	s16 =	sand.u32 @!p0 $0x7, s11;
	s15 =	sadd.s32 @!p0 s3, s15;
	s14 =	sshra.s32 @!p0 s14, $0x2  }
0x26: {  	[tilespmem:s14], [sflag:$0x2] =	stream.linear.gather @!p0 [hbm4b:s15+s16], $0x300, $0x38;
	[tilespmem:$0xC00] =	vst v63  }
0x27: {  	p0 =	sge.u32 s31, s7  }
.Ltmp2:
0x28: {  	_ = 	snop;
	(pc) =	sbr.rel @p0 .LBB2_5-.Ltmp2, $1  }
0x29: {  	_ =	sdelay $0x3  }
0x2a: {  	s14 =	sand.u32 $0x1, s12  }
0x2b: {  	_ =	swait.ge [sflag:s6], $0x300;
	p0 =	seq.s32 s14, $0x1;
	s14 =	simm.s32 $0x300  }
0x2c: {  	[sflag:s6] =	ssyncset.done $0x0;
	s14 =	simm.s32 @!p0 $0x0  }
0x2d: {  	[sflag:s6] =	ssyncadd.s32 $0xFFFFFD00;
	(ifvalue) =	ssetifvalue $0x7FFFFFFF;
	v0 =	vld.msk [tilespmem:s14+$0x0 ss:$0x1], $0xffff;
	_ =	sdelay $0x4  }
0x2e: {  	s15 =	sadd.s32 $0x10, s14;
	vm1 =	vgt.s32 v0, $0x0  }
0x2f: {  	v2 =	vld.msk [tilespmem:s15+$0x0 ss:$0x1], $0xffff;
	v1 =	vnsel vm1, $0x0, v0  }
0x30: {  	v1 =	vmin.u32 v1, $0x7FFF;
	_ =	sdelay $0x2  }
0x31: {  	s17 =	simm.s32 $0x20;
	s14 =	sadd.s32 $0x600, s14;
	s16 =	sadd.s32 $0x10, s15  }
0x32: {  	s15 =	sadd.s32 $0x10, s14;
	s18 =	smov.u32 s14;
	v0 =	vld.msk [tilespmem:s16+$0x0 ss:$0x1], $0xffff;
	vm1 =	vgt.s32 v2, $0x0;
	(ifvalue) =	ssetifvalue $0x7FFFFFFF  }
.LBB2_3:
0x33: {  	[tilespmem:s18], [sflag:$0x1] =	stream.indirect_vreg.gather [hbm4b:s2+s10], $0x1, v1, vm0, $0x4038;
	[tilespmem:$0xC00] =	vst v63  }
0x34: {  	s17 =	sadd.s32 $0x10, s17  }
0x35: {  	v2 =	vnsel vm1, $0x0, v2;
	p0 =	slt.u32 s17, $0x2F0  }
.Ltmp3:
0x36: {  	s18 =	smov.u32 s15;
	v1 =	vmin.u32 v2, $0x7FFF;
	(pc) =	sbr.rel @p0 .LBB2_3-.Ltmp3, $3  }
0x37: {  	_ =	sdelay $0x1  }
0x38: {  	s16 =	sadd.s32 $0x10, s16  }
0x39: {  	vm1 =	vgt.s32 v0, $0x0;
	s15 =	sadd.s32 $0x10, s15;
	v2 =	vmov v0;
	(ifvalue) =	ssetifvalue $0x7FFFFFFF;
	v0 =	vld.msk [tilespmem:s16+$0x0 ss:$0x1], $0xffff  }
.Ltmp4:
0x3a: {  	_ = 	snop;
	(pc) =	sbr.rel .LBB2_4-.Ltmp4, $1  }
0x3b: {  	_ =	sdelay $0x3  }
.LBB2_6:
0x3c: {  	_ =	sfence.sel $0x180000  }
0x3d: {  	s2 =	simm.s32 $0x2;
	[bflag:$0x0] =	sbarrier.arrive $0xFFFF  }
0x3e: {  	s30 =	simm.s32 $0x3;
	[sflag:s2] =	ssyncpa.u1 $0x1  }
0x3f: {  	s31 =	simm.s32 $0x1;
	[sflag:s30] =	ssyncpa.u1 $0x1  }
0x40: {  	[sflag:s31] =	ssyncpa.u1 $0x1  }
0x41: {  	p0 =	sne.s32 s1, $0x0;
	_ =	strace $0x90000047  }
0x42: {  	s0 =	sadd.s32 @!p0 $0x100000, s0;
	[bflag:$0x2] =	sbarrier.arrive $0xFFFF  }
0x43: {  	[sflag:s0] =	ssyncadd.tile.s32 @!p0 $0x1;
	_ =	shalt  }
.Lfunc_end2:
_tile_overlayer_lowered:
.L_overlay_start_2:
0x44: {  	(tag) =	ssettag $0x2  }
0x45: {  	s0 =	rddreg [dreg:$0x0];
	s2 =	stileid.u32  }
0x46: {  	s1 =	rddreg [dreg:$0x1];
	p0 =	sne.s32 s2, $0x0  }
0x47: {  	s3 =	rddreg [dreg:$0x2];
	[bflag:$0x3] =	sbarrier.arrive $0xFFFF;
	s2 =	simm.s32 @!p0 $0x1C01  }
0x48: {  	[timem:s3], [sflag:s2] =	dma.local @!p0 [hbm:s0], s1  }
0x49: {  	s0 =	simm.s32 @!p0 $0x1  }
0x4a: {  	_ =	swait.ge @!p0 [sflag:s0], s1  }
0x4b: {  	s1 =	ssub.s32 @!p0 $0x0, s1;
	[sflag:s0] =	ssyncset.done @!p0 $0x0  }
0x4c: {  	[sflag:s0] =	ssyncadd.s32 @!p0 s1  }
0x4d: {  	[bflag:$0x3] =	sbarrier.arrive $0xFFFF  }
0x4e: {  	_ =	shalt  }

// kernel: kernel.10.cloned.1.call-start
scs
__scs_entry_jumppad:
0x0: {  	(pc) =	sbr.rel $0x88, $3  }
0x1: {  	(tag) =	ssettag $0x0;
	lr =	simm.s32 $0x1  }
0x2: {  	[smem:$0x3F99] =	sst lr;
	_ =	strace $0xD0000000  }
0x3: {  	_ = 	snop  }
0x4: {  	_ = 	snop  }
0x5: {  	_ = 	snop  }
0x6: {  	_ = 	snop  }
0x7: {  	_ = 	snop  }
__scs_overlays_trampoline_lowered:
0x8: {  	[smem:$0x3FA8] =	sst s0  }
0x9: {  	[smem:$0x3FA9] =	sst s1  }
0xa: {  	[smem:$0x3FAA] =	sst s2  }
0xb: {  	[smem:$0x3FAB] =	sst s3  }
0xc: {  	[smem:$0x3FAC] =	sst s4  }
0xd: {  	[smem:$0x3FAD] =	sst s5  }
0xe: {  	[smem:$0x3FAE] =	sst s6  }
0xf: {  	[smem:$0x3FAF] =	sst s7  }
0x10: {  	[smem:$0x3FB0] =	sst s8  }
0x11: {  	[smem:$0x3FB1] =	sst s9;
	s0 =	simm.s32 @!p0 $0x0  }
0x12: {  	s1 =	sld [smem:$0x3F97];
	s0 =	simm.s32 @p0 $0x1  }
0x13: {  	[smem:$0x3FB2] =	sst s0;
	s0 =	simm.s32 @!p1 $0x0  }
0x14: {  	s2 =	sld [smem:$0x3F96];
	s0 =	simm.s32 @p1 $0x1  }
0x15: {  	[smem:$0x3FB3] =	sst s0;
	s0 =	simm.s32 @!p2 $0x0  }
0x16: {  	s3 =	sld [smem:$0x3FDB];
	s0 =	simm.s32 @p2 $0x1  }
0x17: {  	s4 =	simm.s32 $0x1BF5;
	[smem:$0x3FB5] =	sst s0  }
0x18: {  	s0 =	sld [smem:$0x3F98];
	_ =	swait.ge [sflag:s4], $0x0  }
0x19: {  	s7 =	sld [smem:$0x3F99]  }
0x1a: {  	s8 =	sadd.s32 $0xFFFFE003, lr  }
0x1b: {  	s9 =	sadd.s32 $0xFFFFFEF7, lr;
	s5 =	simm.s32 $0xFFFFFFFF;
	p2 =	slt.u32 s8, $0xFFFFF086  }
0x1c: {  	p1 =	slt.u32 s9, $0xF7A;
	s5 =	simm.s32 @!p2 $0x0  }
0x1d: {  	s5 =	simm.s32 @p1 $0x1;
	p0 =	seq.s32 s7, s2  }
0x1e: {  	s7 =	smul.u32 @!p0 $0xF7A, s2;
	p2 =	seq.s32 @!p0 s5, $0x0  }
0x1f: {  	s9 =	smul.u32 $0xF7A, s1;
	s8 =	simm.s32 @!p0 $0x1BF5;
	p2 =	por !p2, p0  }
0x20: {  	[sflag:s8] =	ssyncset.s32 @!p0 $0xFFFFF086;
	s6 =	sadd.s32 @!p0 s3, s7;
	s7 =	simm.s32 @!p0 $0x108  }
0x21: {  	s3 =	sadd.s32 s3, s9;
	s6 =	sadd.s32 @!p0 $0x88, s6;
	s7 =	simm.s32 @p2 $0x1082  }
0x22: {  	[simem:s7], [sflag:s8] =	dma.local @!p0 [hbm:s6], $0xF7A  }
0x23: {  	s9 =	sor.u32 $0xD0000000, s2;
	s6 =	simm.s32 $0x108;
	_ =	swait.ge @!p0 [sflag:s8], $0x0  }
0x24: {  	s3 =	sadd.s32 $0x88, s3;
	s6 =	simm.s32 @!p1 $0x1082;
	[sflag:s4] =	ssyncset.s32 $0xFFFFF086  }
0x25: {  	[simem:s6], [sflag:s4] =	dma.local [hbm:s3], $0xF7A  }
0x26: {  	[smem:$0x3F99] =	sst s1;
	(tag) =	ssettag s2;
	_ =	strace s9  }
0x27: {  	s1 =	sld [smem:$0x3FA9]  }
0x28: {  	s2 =	sld [smem:$0x3FAA]  }
0x29: {  	s4 =	sld [smem:$0x3FAC]  }
0x2a: {  	p0 =	seq.s32 s5, $0x0;
	s5 =	sld [smem:$0x3FAD]  }
0x2b: {  	s6 =	sld [smem:$0x3FAE]  }
0x2c: {  	s7 =	sld [smem:$0x3FAF]  }
0x2d: {  	s3 =	simm.s32 $0x108;
	s8 =	sld [smem:$0x3FB0]  }
0x2e: {  	s3 =	simm.s32 @!p0 $0x1082;
	s9 =	sld [smem:$0x3FB1]  }
0x2f: {  	lr =	sadd.s32 s0, s3;
	s0 =	sld [smem:$0x3FA8]  }
0x30: {  	s3 =	sld [smem:$0x3FAB]  }
0x31: {  	[smem:$0x3FB4] =	sst s10  }
0x32: {  	s10 =	sld [smem:$0x3FB2];
	_ =	sdelay $0x3  }
0x33: {  	p0 =	seq.s32 s10, $0x1;
	s10 =	sld [smem:$0x3FB4];
	_ =	sdelay $0x3  }
0x34: {  	[smem:$0x3FB4] =	sst s10  }
0x35: {  	s10 =	sld [smem:$0x3FB3];
	_ =	sdelay $0x3  }
0x36: {  	p1 =	seq.s32 s10, $0x1;
	s10 =	sld [smem:$0x3FB4];
	_ =	sdelay $0x3  }
0x37: {  	[smem:$0x3FB4] =	sst s10  }
0x38: {  	s10 =	sld [smem:$0x3FB5]  }
0x39: {  	_ = 	snop;
	(pc) =	sbr.ind lr, $3  }
0x3a: {  	_ = 	snop  }
0x3b: {  	_ = 	snop  }
0x3c: {  	p2 =	seq.s32 s10, $0x1;
	s10 =	sld [smem:$0x3FB4]  }
0x3d: {  	_ =	shalt  }
0x3e: {  	_ =	shalt  }
0x3f: {  	_ =	shalt  }
0x40: {  	_ =	shalt  }
0x41: {  	_ =	shalt  }
0x42: {  	_ =	shalt  }
0x43: {  	_ =	shalt  }
0x44: {  	_ =	shalt  }
0x45: {  	_ =	shalt  }
0x46: {  	_ =	shalt  }
0x47: {  	_ =	shalt  }
0x48: {  	_ =	shalt  }
0x49: {  	_ =	shalt  }
0x4a: {  	_ =	shalt  }
0x4b: {  	_ =	shalt  }
0x4c: {  	_ =	shalt  }
0x4d: {  	_ =	shalt  }
0x4e: {  	_ =	shalt  }
0x4f: {  	_ =	shalt  }
0x50: {  	_ =	shalt  }
0x51: {  	_ =	shalt  }
0x52: {  	_ =	shalt  }
0x53: {  	_ =	shalt  }
0x54: {  	_ =	shalt  }
0x55: {  	_ =	shalt  }
0x56: {  	_ =	shalt  }
0x57: {  	_ =	shalt  }
0x58: {  	_ =	shalt  }
0x59: {  	_ =	shalt  }
0x5a: {  	_ =	shalt  }
0x5b: {  	_ =	shalt  }
0x5c: {  	_ =	shalt  }
0x5d: {  	_ =	shalt  }
0x5e: {  	_ =	shalt  }
0x5f: {  	_ =	shalt  }
0x60: {  	_ =	shalt  }
0x61: {  	_ =	shalt  }
0x62: {  	_ =	shalt  }
0x63: {  	_ =	shalt  }
0x64: {  	_ =	shalt  }
0x65: {  	_ =	shalt  }
0x66: {  	_ =	shalt  }
0x67: {  	_ =	shalt  }
0x68: {  	_ =	shalt  }
0x69: {  	_ =	shalt  }
0x6a: {  	_ =	shalt  }
0x6b: {  	_ =	shalt  }
0x6c: {  	_ =	shalt  }
0x6d: {  	_ =	shalt  }
0x6e: {  	_ =	shalt  }
0x6f: {  	_ =	shalt  }
0x70: {  	_ =	shalt  }
0x71: {  	_ =	shalt  }
0x72: {  	_ =	shalt  }
0x73: {  	_ =	shalt  }
0x74: {  	_ =	shalt  }
0x75: {  	_ =	shalt  }
0x76: {  	_ =	shalt  }
0x77: {  	_ =	shalt  }
0x78: {  	_ =	shalt  }
0x79: {  	_ =	shalt  }
0x7a: {  	_ =	shalt  }
0x7b: {  	_ =	shalt  }
0x7c: {  	_ =	shalt  }
0x7d: {  	_ =	shalt  }
0x7e: {  	_ =	shalt  }
0x7f: {  	_ =	shalt  }
0x80: {  	_ =	shalt  }
0x81: {  	_ =	shalt  }
0x82: {  	_ =	shalt  }
0x83: {  	_ =	shalt  }
0x84: {  	_ =	shalt  }
0x85: {  	_ =	shalt  }
0x86: {  	_ =	shalt  }
0x87: {  	_ =	shalt  }
.Lfunc_end0:
.L_simem_size_0:
called_computation.1_lowered:
.L_overlay_start_0:
0x88: {  	s2 =	sld [smem:$0x3FD9]  }
0x89: {  	s3 =	sld [smem:$0x3FFE];
	_ =	sdelay $0x1  }
0x8a: {  	s1 =	srdreg.scid  }
0x8b: {  	s0 =	sand.u32 $0x1, s1  }
0x8c: {  	s17 =	sshll.u32 s0, $0xA;
	s2 =	sadd.s32 s3, s2  }
0x8d: {  	s2 =	sadd.s32 s2, s17  }
0x8e: {  	[smem:$0x3FC0] =	sst s2  }
0x8f: {  	_ = 	snop  }
0x90: {  	s18 =	sld [smem:$0x3FC9];
	(tm) =	ssettm $0x1  }
0x91: {  	s19 =	sld [smem:$0x3FFB];
	_ =	sdelay $0x3  }
0x92: {  	_ =	strace s19  }
0x93: {  	s2 =	sld [smem:$0x3FFC];
	_ =	sdelay $0x3  }
0x94: {  	_ =	strace s2  }
0x95: {  	s2 =	sld [smem:$0x3FFD];
	_ =	sdelay $0x3  }
0x96: {  	_ =	strace s2  }
0x97: {  	_ =	strace $0x8FFFFFFF  }
0x98: {  	s20 =	sld [smem:$0x3FDB];
	_ =	sdelay $0x1  }
0x99: {  	s4 =	simm.s32 $_scs_section_size  }
0x9a: {  	s5 =	simm.s32 $_size__tile_overlayer_lowered;
	s6 =	simm.s32 $_tile_overlayer_lowered  }
0x9b: {  	s7 =	simm.s32 $0x1BFF;
	s21 =	sshll.u32 s6, $0x1;
	s4 =	sadd.s32 s4, s20  }
0x9c: {  	s22 =	simm.s32 $0x0;
	s5 =	sshll.u32 s5, $0x1;
	s6 =	sadd.s32 s21, s4  }
0x9d: {  	[timem:s22], [sflag:s7] =	dma.local [hbm:s6], s5  }
0x9e: {  	_ =	swait.ge [sflag:s7], s5  }
0x9f: {  	s5 =	ssub.s32 $0x0, s5;
	[sflag:s7] =	ssyncset.done $0x0  }
0xa0: {  	[sflag:s7] =	ssyncadd.s32 s5;
	_ =	sdelay $0x1  }
0xa1: {  	s23 =	simm.s32 $0x1B8B  }
0xa2: {  	_ =	swait.ge [sflag:s23], $0x1  }
0xa3: {  	[sflag:s23] =	ssyncset.done $0x0  }
0xa4: {  	[sflag:s23] =	ssyncadd.s32 $0xFFFFFFFF  }
0xa5: {  	s5 =	sld [smem:$0x0]  }
0xa6: {  	s6 =	sand.u32 $0xFFFFFFFE, s1  }
0xa7: {  	p0 =	sne.s32 s1, s6  }
0xa8: {  	s6 =	sshll.u32 @p0 s6, $0xE  }
0xa9: {  	s6 =	sadd.s32 @p0 $0x11B8D, s6;
	s7 =	sshll.u32 @p0 s5, $0x11  }
0xaa: {  	s6 =	sor.u32 @p0 s7, s6  }
0xab: {  	[sflag:s6] =	ssyncadd.remote.s32 @p0 $0x1;
	_ =	sdelay $0x1  }
0xac: {  	s6 =	simm.s32 @p0 $0x1B8D  }
0xad: {  	_ =	swait.eq @p0 [sflag:s6], $0x1  }
0xae: {  	[sflag:s6] =	ssyncadd.s32 @p0 $0xFFFFFFFF  }
0xaf: {  	s7 =	sshll.u32 @!p0 s1, $0xE  }
0xb0: {  	s7 =	sor.u32 @!p0 $0x4000, s7;
	s6 =	simm.s32 @!p0 $0x1B8D  }
0xb1: {  	s5 =	sshll.u32 @!p0 s5, $0x11;
	s7 =	sadd.s32 @!p0 $0x11B8D, s7;
	_ =	swait.eq @!p0 [sflag:s6], $0x1  }
0xb2: {  	s5 =	sor.u32 @!p0 s5, s7;
	[sflag:s6] =	ssyncadd.s32 @!p0 $0xFFFFFFFF  }
0xb3: {  	s25 =	simm.s32 $0x1B8E;
	s24 =	sld [smem:$0x3FFE];
	[sflag:s5] =	ssyncadd.remote.s32 @!p0 $0x1  }
0xb4: {  	s26 =	simm.s32 $execute0_lowered;
	[smem:$0x3FD2] =	sst s25  }
0xb5: {  	s6 =	sshll.u32 s26, $0x1;
	_ =	strace $0x8000004C;
	[dreg:$0x1] =	wrdreg $0xFFFFFFFF  }
0xb6: {  	s28 =	simm.s32 $_size_execute0_lowered;
	s4 =	sadd.s32 s4, s6;
	[dreg:$0x0] =	wrdreg $0x0  }
0xb7: {  	s6 =	sshll.u32 s28, $0x1;
	[dreg:$0x2] =	wrdreg s4  }
0xb8: {  	[dreg:$0x3] =	wrdreg s6  }
0xb9: {  	[dreg:$0x4] =	wrdreg $0xC0  }
0xba: {  	_ =	task [dreg:s22], $0x5FFFF  }
0xbb: {  	[dreg:$0x1] =	wrdreg $0xFFFFFFFF  }
0xbc: {  	[dreg:$0x0] =	wrdreg $0x60  }
0xbd: {  	[dreg:$0x2] =	wrdreg s18  }
0xbe: {  	[dreg:$0x3] =	wrdreg s24  }
0xbf: {  	[dreg:$0x4] =	wrdreg $0x9  }
0xc0: {  	_ =	task.clear_ibuf [dreg:s22], $0x5FFFF;
	_ =	strace $0x9000004C  }
0xc1: {  	s29 =	simm.s32 $0x9;
	_ =	strace $0x8000004E  }
0xc2: {  	_ =	swait.ge [sflag:s29], $0x1  }
0xc3: {  	[sflag:s29] =	ssyncadd.s32 $0xFFFFFFFF  }
0xc4: {  	_ =	strace $0x9000004E  }
0xc5: {  	_ =	sfence  }
0xc6: {  	s30 =	sld [smem:$0x0];
	_ =	sdelay $0x2  }
0xc7: {  	s31 =	sshll.u32 s1, $0xD;
	s1 =	sshrl.u32 s1, $0x2  }
0xc8: {  	s4 =	sand.u32 $0x4000, s31;
	s1 =	sadd.s32 s1, s30  }
0xc9: {  	s0 =	sor.u32 s4, s0;
	s1 =	sshll.u32 s1, $0x11  }
0xca: {  	s0 =	sor.u32 s1, s0  }
0xcb: {  	s0 =	sadd.s32 $0x8F2B, s0  }
0xcc: {  	[sflag:s0] =	ssyncadd.remote.s32 $0x1  }
0xcd: {  	_ =	sfence.sel $0xFFFF  }
0xce: {  	[dreg:$0x0] =	wrdreg $0xFFFFFFFF;
	(pc) =	sbr.abs _section_cstart, $3  }
0xcf: {  	[dreg:$0x1] =	wrdreg $0xFFFFFFFF  }
0xd0: {  	_ =	task.clear_ibuf [dreg:s22], $0x2FFFF;
	_ =	strace $0x9FFFFFFF  }
0xd1: {  	(tm) =	ssettm $0x7FFFFFFF  }
tec
execute0_lowered:
.L_overlay_start_1:
0x0: {  	(tag) =	ssettag $0x1  }
0x1: {  	s0 =	srdreg.scid  }
0x2: {  	s1 =	stileid.u32;
	s2 =	rddreg [dreg:$0x0]  }
0x3: {  	s4 =	rddreg [dreg:$0x1];
	s0 =	sand.u32 $0x1, s0;
	s1 =	sshll.u32 s1, $0x1  }
0x4: {  	s3 =	simm.s32 $0x0;
	s10 =	simm.s32 $0x1;
	s1 =	sor.u32 s0, s1  }
0x5: {  	s11 =	simm.s32 $0x4;
	s12 =	simm.s32 $0x2;
	s5 =	smul.u32 $0x21, s1  }
0x6: {  	s13 =	simm.s32 $0x5;
	[smem:$0x7FF] =	sst s3;
	s6 =	smul.u32 $0x42000, s1  }
0x7: {  	_ =	strace $0x8000004D;
	s1 =	smul.u32 $0x8400, s1;
	s5 =	sadd.s32 s5, s4  }
0x8: {  	s4 =	sadd.s32 $0x10A800, s4;
	s6 =	sshrl.u32 s6, $0x3;
	s5 =	sadd.s32 $0x1600, s5  }
0x9: {  	s1 =	sadd.s32 s4, s1;
	s7 =	sadd.s32 s4, s6;
	[dreg:$0x3] =	wrdreg s5  }
0xa: {  	s14 =	simm.s32 $0x3;
	[dreg:$0x4] =	wrdreg s1;
	s20 =	sadd.s32 $0xC00, s7  }
0xb: {  	s15 =	simm.s32 $0x6;
	s21 =	sadd.s32 $0x1800, s7;
	[dreg:$0x5] =	wrdreg s20  }
0xc: {  	s0 =	ssub.s32 $0x2, s0;
	s22 =	sadd.s32 $0x2400, s7;
	[dreg:$0x6] =	wrdreg s21  }
0xd: {  	s25 =	sshrl.u32 s0, $0x1;
	s23 =	sadd.s32 $0x3000, s7;
	[dreg:$0x7] =	wrdreg s22  }
0xe: {  	s0 =	ssub.s32 s0, s25;
	s24 =	sadd.s32 $0x3C00, s7;
	[dreg:$0x8] =	wrdreg s23  }
0xf: {  	s25 =	simm.s32 $0x11180;
	s26 =	sadd.s32 $0x4800, s7;
	[dreg:$0x9] =	wrdreg s24  }
0x10: {  	s4 =	sadd.s32 $0x100, s2;
	s28 =	sadd.s32 $0x5400, s7;
	[dreg:$0xa] =	wrdreg s26  }
0x11: {  	s6 =	sadd.s32 $0x300, s2;
	s29 =	sadd.s32 $0x6000, s7;
	[dreg:$0xb] =	wrdreg s28  }
0x12: {  	s5 =	sadd.s32 $0x200, s2;
	s30 =	sadd.s32 $0x6C00, s7;
	[dreg:$0xc] =	wrdreg s29  }
0x13: {  	v2 =	vlaneseq.u32;
	s31 =	sadd.s32 $0x7800, s7;
	s7 =	smax.u32 s0, $0x1;
	[dreg:$0xd] =	wrdreg s30  }
0x14: {  	vm0 =	vmmov $0xffff;
	v1 =	vshrl.u32 v2, $0x3;
	[dreg:$0xe] =	wrdreg s31;
	s22 =	simm.s32 $0x180;
	s21 =	simm.s32 $0x6180  }
0x15: {  	v0 =	vand.u32 $0x7, v2;
	v2 =	vor.u32 $0x8, v2;
	v1 =	vmul.u32 $0x8, v1;
	s23 =	simm.s32 $0x10180;
	s24 =	simm.s32 $0x10980;
	s26 =	simm.s32 $0x11980  }
.LBB2_1:
0x16: {  	s16 =	rddreg [dreg:$0x3];
	s20 =	simm.s32 $0x7  }
0x17: {  	[tilespmem:s3], [sflag:$0x7] =	stream.linear.gather [hbm4b:s16+s3], $0x108, $0x38;
	[tilespmem:$0x12180] =	vst v63  }
0x18: {  	_ =	swait.ge [sflag:s20], $0x108  }
0x19: {  	[sflag:s20] =	ssyncset.done $0x0  }
0x1a: {  	[sflag:s20] =	ssyncadd.s32 $0xFFFFFEF8  }
0x1b: {  	v3 =	vld [tilespmem:$0x0];
	_ =	sdelay $0x4  }
0x1c: {  	v4 =	vshll.u32 v3, $0x3  }
0x1d: {  	v3 =	vand.u32 $0x7, v3;
	v4 =	vand.u32 $0xFFFFFFC0, v4  }
0x1e: {  	v3 =	vor.u32 v3, v4  }
0x1f: {  	v4 =	vperm.xlane v3, v0;
	_ =	sdelay $0x1  }
0x20: {  	v4 =	vadd.s32 v1, v4;
	_ =	sdelay $0x4  }
0x21: {  	[tilespmem:s22], [sflag:$0x1] =	stream.indirect_vreg.gather [hbm4b:s2+s3], $0x80, v4, vm0, $0xb8;
	[tilespmem:$0x12180] =	vst v63  }
0x22: {  	s0 =	simm.s32 $0x980;
	v3 =	vperm.xlane v3, v2  }
0x23: {  	[tilespmem:s0], [sflag:$0x1] =	stream.indirect_vreg.gather [hbm4b:s4+s3], $0x80, v4, vm0, $0xb8;
	[tilespmem:$0x12180] =	vst v63  }
0x24: {  	s28 =	simm.s32 $0x1180;
	v3 =	vadd.s32 v1, v3  }
0x25: {  	[tilespmem:s28], [sflag:$0x1] =	stream.indirect_vreg.gather [hbm4b:s5+s3], $0x80, v4, vm0, $0xb8;
	[tilespmem:$0x12180] =	vst v63  }
0x26: {  	s29 =	simm.s32 $0x1980  }
0x27: {  	[tilespmem:s29], [sflag:$0x1] =	stream.indirect_vreg.gather [hbm4b:s6+s3], $0x80, v4, vm0, $0xb8;
	[tilespmem:$0x12180] =	vst v63  }
0x28: {  	s30 =	simm.s32 $0x2180  }
0x29: {  	[tilespmem:s30], [sflag:$0x1] =	stream.indirect_vreg.gather [hbm4b:s2+s3], $0x80, v3, vm0, $0xb8;
	[tilespmem:$0x12180] =	vst v63  }
0x2a: {  	s31 =	simm.s32 $0x2980  }
0x2b: {  	[tilespmem:s31], [sflag:$0x1] =	stream.indirect_vreg.gather [hbm4b:s4+s3], $0x80, v3, vm0, $0xb8;
	[tilespmem:$0x12180] =	vst v63  }
0x2c: {  	s1 =	simm.s32 $0x3180  }
0x2d: {  	[tilespmem:s1], [sflag:$0x1] =	stream.indirect_vreg.gather [hbm4b:s5+s3], $0x80, v3, vm0, $0xb8;
	[tilespmem:$0x12180] =	vst v63  }
0x2e: {  	s8 =	simm.s32 $0x3980  }
0x2f: {  	[tilespmem:s8], [sflag:$0x1] =	stream.indirect_vreg.gather [hbm4b:s6+s3], $0x80, v3, vm0, $0xb8;
	[tilespmem:$0x12180] =	vst v63  }
0x30: {  	v3 =	vld.msk [tilespmem:$0x10], $0xff;
	_ =	sdelay $0x4  }
0x31: {  	v43 =	vshll.u32 v3, $0x3  }
0x32: {  	v3 =	vand.u32 $0x7, v3;
	v4 =	vand.u32 $0xFFFFFFC0, v43  }
0x33: {  	v3 =	vor.u32 v3, v4  }
0x34: {  	v3 =	vperm.xlane v3, v0;
	_ =	sdelay $0x1  }
0x35: {  	v3 =	vadd.s32 v1, v3;
	_ =	sdelay $0x3  }
0x36: {  	s16 =	simm.s32 $0x4180  }
0x37: {  	[tilespmem:s16], [sflag:$0x1] =	stream.indirect_vreg.gather [hbm4b:s2+s3], $0x80, v3, vm0, $0xb8;
	[tilespmem:$0x12180] =	vst v63  }
0x38: {  	s20 =	simm.s32 $0x4980  }
0x39: {  	[tilespmem:s20], [sflag:$0x1] =	stream.indirect_vreg.gather [hbm4b:s4+s3], $0x80, v3, vm0, $0xb8;
	[tilespmem:$0x12180] =	vst v63  }
0x3a: {  	s1 =	simm.s32 $0x5180  }
0x3b: {  	[tilespmem:s1], [sflag:$0x1] =	stream.indirect_vreg.gather [hbm4b:s5+s3], $0x80, v3, vm0, $0xb8;
	[tilespmem:$0x12180] =	vst v63  }
0x3c: {  	s8 =	simm.s32 $0x5980  }
0x3d: {  	[tilespmem:s8], [sflag:$0x1] =	stream.indirect_vreg.gather [hbm4b:s6+s3], $0x80, v3, vm0, $0xb8;
	[tilespmem:$0x12180] =	vst v63  }
0x3e: {  	v3 =	vld [tilespmem:$0x18];
	_ =	sdelay $0x4  }
0x3f: {  	v44 =	vshll.u32 v3, $0x3  }
0x40: {  	v3 =	vand.u32 $0x7, v3;
	v4 =	vand.u32 $0xFFFFFFC0, v44  }
0x41: {  	v3 =	vor.u32 v3, v4  }
0x42: {  	v4 =	vperm.xlane v3, v0;
	_ =	sdelay $0x1  }
0x43: {  	v4 =	vadd.s32 v1, v4;
	_ =	sdelay $0x4  }
0x44: {  	[tilespmem:s21], [sflag:$0x2] =	stream.indirect_vreg.gather [hbm4b:s2+s3], $0x80, v4, vm0, $0xb8;
	[tilespmem:$0x12180] =	vst v63  }
0x45: {  	s16 =	simm.s32 $0x6980;
	v3 =	vperm.xlane v3, v2  }
0x46: {  	[tilespmem:s16], [sflag:$0x2] =	stream.indirect_vreg.gather [hbm4b:s4+s3], $0x80, v4, vm0, $0xb8;
	[tilespmem:$0x12180] =	vst v63  }
0x47: {  	s20 =	simm.s32 $0x7180;
	v3 =	vadd.s32 v1, v3  }
0x48: {  	[tilespmem:s20], [sflag:$0x2] =	stream.indirect_vreg.gather [hbm4b:s5+s3], $0x80, v4, vm0, $0xb8;
	[tilespmem:$0x12180] =	vst v63  }
0x49: {  	s8 =	simm.s32 $0x7980  }
0x4a: {  	[tilespmem:s8], [sflag:$0x2] =	stream.indirect_vreg.gather [hbm4b:s6+s3], $0x80, v4, vm0, $0xb8;
	[tilespmem:$0x12180] =	vst v63  }
0x4b: {  	s16 =	simm.s32 $0x8180  }
0x4c: {  	[tilespmem:s16], [sflag:$0x2] =	stream.indirect_vreg.gather [hbm4b:s2+s3], $0x80, v3, vm0, $0xb8;
	[tilespmem:$0x12180] =	vst v63  }
0x4d: {  	s20 =	simm.s32 $0x8980  }
0x4e: {  	[tilespmem:s20], [sflag:$0x2] =	stream.indirect_vreg.gather [hbm4b:s4+s3], $0x80, v3, vm0, $0xb8;
	[tilespmem:$0x12180] =	vst v63  }
0x4f: {  	s8 =	simm.s32 $0x9180  }
0x50: {  	[tilespmem:s8], [sflag:$0x2] =	stream.indirect_vreg.gather [hbm4b:s5+s3], $0x80, v3, vm0, $0xb8;
	[tilespmem:$0x12180] =	vst v63  }
0x51: {  	s16 =	simm.s32 $0x9980  }
0x52: {  	[tilespmem:s16], [sflag:$0x2] =	stream.indirect_vreg.gather [hbm4b:s6+s3], $0x80, v3, vm0, $0xb8;
	[tilespmem:$0x12180] =	vst v63  }
0x53: {  	v3 =	vld.msk [tilespmem:$0x28], $0xff;
	_ =	sdelay $0x4  }
0x54: {  	v45 =	vshll.u32 v3, $0x3  }
0x55: {  	v3 =	vand.u32 $0x7, v3;
	v4 =	vand.u32 $0xFFFFFFC0, v45  }
0x56: {  	v3 =	vor.u32 v3, v4  }
0x57: {  	v3 =	vperm.xlane v3, v0;
	_ =	sdelay $0x1  }
0x58: {  	v3 =	vadd.s32 v1, v3;
	_ =	sdelay $0x3  }
0x59: {  	s20 =	simm.s32 $0xA180  }
0x5a: {  	[tilespmem:s20], [sflag:$0x2] =	stream.indirect_vreg.gather [hbm4b:s2+s3], $0x80, v3, vm0, $0xb8;
	[tilespmem:$0x12180] =	vst v63  }
0x5b: {  	s16 =	simm.s32 $0xA980  }
0x5c: {  	[tilespmem:s16], [sflag:$0x2] =	stream.indirect_vreg.gather [hbm4b:s4+s3], $0x80, v3, vm0, $0xb8;
	[tilespmem:$0x12180] =	vst v63  }
0x5d: {  	s20 =	simm.s32 $0xB180  }
0x5e: {  	[tilespmem:s20], [sflag:$0x2] =	stream.indirect_vreg.gather [hbm4b:s5+s3], $0x80, v3, vm0, $0xb8;
	[tilespmem:$0x12180] =	vst v63  }
0x5f: {  	s16 =	simm.s32 $0xB980  }
0x60: {  	[tilespmem:s16], [sflag:$0x2] =	stream.indirect_vreg.gather [hbm4b:s6+s3], $0x80, v3, vm0, $0xb8;
	[tilespmem:$0x12180] =	vst v63  }
0x61: {  	v3 =	vld [tilespmem:$0x30];
	_ =	sdelay $0x4  }
0x62: {  	v46 =	vshll.u32 v3, $0x3  }
0x63: {  	v3 =	vand.u32 $0x7, v3;
	v4 =	vand.u32 $0xFFFFFFC0, v46  }
0x64: {  	v3 =	vor.u32 v3, v4  }
0x65: {  	v4 =	vperm.xlane v3, v0;
	_ =	sdelay $0x1  }
0x66: {  	v4 =	vadd.s32 v1, v4;
	_ =	sdelay $0x3  }
0x67: {  	s0 =	simm.s32 $0xC180  }
0x68: {  	[tilespmem:s0], [sflag:$0x3] =	stream.indirect_vreg.gather [hbm4b:s2+s3], $0x80, v4, vm0, $0xb8;
	[tilespmem:$0x12180] =	vst v63  }
0x69: {  	s20 =	simm.s32 $0xC980;
	v3 =	vperm.xlane v3, v2  }
0x6a: {  	[tilespmem:s20], [sflag:$0x3] =	stream.indirect_vreg.gather [hbm4b:s4+s3], $0x80, v4, vm0, $0xb8;
	[tilespmem:$0x12180] =	vst v63  }
0x6b: {  	v3 =	vadd.s32 v1, v3;
	s20 =	simm.s32 $0xD180  }
0x6c: {  	[tilespmem:s20], [sflag:$0x3] =	stream.indirect_vreg.gather [hbm4b:s5+s3], $0x80, v4, vm0, $0xb8;
	[tilespmem:$0x12180] =	vst v63  }
0x6d: {  	s20 =	simm.s32 $0xD980  }
0x6e: {  	[tilespmem:s20], [sflag:$0x3] =	stream.indirect_vreg.gather [hbm4b:s6+s3], $0x80, v4, vm0, $0xb8;
	[tilespmem:$0x12180] =	vst v63  }
0x6f: {  	s20 =	simm.s32 $0xE180  }
0x70: {  	[tilespmem:s20], [sflag:$0x3] =	stream.indirect_vreg.gather [hbm4b:s2+s3], $0x80, v3, vm0, $0xb8;
	[tilespmem:$0x12180] =	vst v63  }
0x71: {  	s20 =	simm.s32 $0xE980  }
0x72: {  	[tilespmem:s20], [sflag:$0x3] =	stream.indirect_vreg.gather [hbm4b:s4+s3], $0x80, v3, vm0, $0xb8;
	[tilespmem:$0x12180] =	vst v63  }
0x73: {  	s20 =	simm.s32 $0xF180  }
0x74: {  	[tilespmem:s20], [sflag:$0x3] =	stream.indirect_vreg.gather [hbm4b:s5+s3], $0x80, v3, vm0, $0xb8;
	[tilespmem:$0x12180] =	vst v63  }
0x75: {  	s20 =	simm.s32 $0xF980  }
0x76: {  	[tilespmem:s20], [sflag:$0x3] =	stream.indirect_vreg.gather [hbm4b:s6+s3], $0x80, v3, vm0, $0xb8;
	[tilespmem:$0x12180] =	vst v63  }
0x77: {  	v3 =	vld.msk [tilespmem:$0x40], $0xff;
	_ =	sdelay $0x4  }
0x78: {  	v47 =	vshll.u32 v3, $0x3  }
0x79: {  	v3 =	vand.u32 $0x7, v3;
	v4 =	vand.u32 $0xFFFFFFC0, v47  }
0x7a: {  	v3 =	vor.u32 v3, v4  }
0x7b: {  	v3 =	vperm.xlane v3, v0;
	_ =	sdelay $0x1  }
0x7c: {  	v3 =	vadd.s32 v1, v3;
	_ =	sdelay $0x4  }
0x7d: {  	[tilespmem:s23], [sflag:$0x3] =	stream.indirect_vreg.gather [hbm4b:s2+s3], $0x80, v3, vm0, $0xb8;
	[tilespmem:$0x12180] =	vst v63  }
0x7e: {  	_ = 	snop  }
0x7f: {  	[tilespmem:s24], [sflag:$0x3] =	stream.indirect_vreg.gather [hbm4b:s4+s3], $0x80, v3, vm0, $0xb8;
	[tilespmem:$0x12180] =	vst v63  }
0x80: {  	_ = 	snop  }
0x81: {  	[tilespmem:s25], [sflag:$0x3] =	stream.indirect_vreg.gather [hbm4b:s5+s3], $0x80, v3, vm0, $0xb8;
	[tilespmem:$0x12180] =	vst v63  }
0x82: {  	_ = 	snop  }
0x83: {  	[tilespmem:s26], [sflag:$0x3] =	stream.indirect_vreg.gather [hbm4b:s6+s3], $0x80, v3, vm0, $0xb8;
	[tilespmem:$0x12180] =	vst v63  }
0x84: {  	_ =	swait.ge [sflag:s10], $0x6000  }
0x85: {  	[sflag:s10] =	ssyncset.done $0x0  }
0x86: {  	s20 =	rddreg [dreg:$0x4];
	[sflag:s10] =	ssyncadd.s32 $0xFFFFA000  }
0x87: {  	[hbm4b:s20+s3] =	stream.linear.scatter [tilespmem:s22], [sflag:$0x4], $0x6000, $0x38;
	[tilespmem:$0x12180] =	vst v63  }
0x88: {  	_ =	swait.ge [sflag:s11], $0x6000  }
0x89: {  	[sflag:s11] =	ssyncset.done $0x0  }
0x8a: {  	[sflag:s11] =	ssyncadd.s32 $0xFFFFA000  }
0x8b: {  	v3 =	vld [tilespmem:$0x48];
	_ =	sdelay $0x4  }
0x8c: {  	v48 =	vshll.u32 v3, $0x3  }
0x8d: {  	v3 =	vand.u32 $0x7, v3;
	v4 =	vand.u32 $0xFFFFFFC0, v48  }
0x8e: {  	v3 =	vor.u32 v3, v4  }
0x8f: {  	v4 =	vperm.xlane v3, v0;
	_ =	sdelay $0x1  }
0x90: {  	v4 =	vadd.s32 v1, v4;
	_ =	sdelay $0x4  }
0x91: {  	[tilespmem:s22], [sflag:$0x1] =	stream.indirect_vreg.gather [hbm4b:s2+s3], $0x80, v4, vm0, $0xb8;
	[tilespmem:$0x12180] =	vst v63  }
0x92: {  	s18 =	simm.s32 $0x980;
	v3 =	vperm.xlane v3, v2  }
0x93: {  	[tilespmem:s18], [sflag:$0x1] =	stream.indirect_vreg.gather [hbm4b:s4+s3], $0x80, v4, vm0, $0xb8;
	[tilespmem:$0x12180] =	vst v63  }
0x94: {  	s9 =	simm.s32 $0x1180;
	v3 =	vadd.s32 v1, v3  }
0x95: {  	[tilespmem:s9], [sflag:$0x1] =	stream.indirect_vreg.gather [hbm4b:s5+s3], $0x80, v4, vm0, $0xb8;
	[tilespmem:$0x12180] =	vst v63  }
0x96: {  	s17 =	simm.s32 $0x1980  }
0x97: {  	[tilespmem:s17], [sflag:$0x1] =	stream.indirect_vreg.gather [hbm4b:s6+s3], $0x80, v4, vm0, $0xb8;
	[tilespmem:$0x12180] =	vst v63  }
0x98: {  	s28 =	simm.s32 $0x2180  }
0x99: {  	[tilespmem:s28], [sflag:$0x1] =	stream.indirect_vreg.gather [hbm4b:s2+s3], $0x80, v3, vm0, $0xb8;
	[tilespmem:$0x12180] =	vst v63  }
0x9a: {  	s29 =	simm.s32 $0x2980  }
0x9b: {  	[tilespmem:s29], [sflag:$0x1] =	stream.indirect_vreg.gather [hbm4b:s4+s3], $0x80, v3, vm0, $0xb8;
	[tilespmem:$0x12180] =	vst v63  }
0x9c: {  	s30 =	simm.s32 $0x3180  }
0x9d: {  	[tilespmem:s30], [sflag:$0x1] =	stream.indirect_vreg.gather [hbm4b:s5+s3], $0x80, v3, vm0, $0xb8;
	[tilespmem:$0x12180] =	vst v63  }
0x9e: {  	s19 =	simm.s32 $0x3980  }
0x9f: {  	[tilespmem:s19], [sflag:$0x1] =	stream.indirect_vreg.gather [hbm4b:s6+s3], $0x80, v3, vm0, $0xb8;
	[tilespmem:$0x12180] =	vst v63  }
0xa0: {  	v3 =	vld.msk [tilespmem:$0x58], $0xff;
	_ =	sdelay $0x4  }
0xa1: {  	v49 =	vshll.u32 v3, $0x3  }
0xa2: {  	v3 =	vand.u32 $0x7, v3;
	v4 =	vand.u32 $0xFFFFFFC0, v49  }
0xa3: {  	v3 =	vor.u32 v3, v4  }
0xa4: {  	v3 =	vperm.xlane v3, v0;
	_ =	sdelay $0x1  }
0xa5: {  	v3 =	vadd.s32 v1, v3;
	_ =	sdelay $0x3  }
0xa6: {  	s31 =	simm.s32 $0x4180  }
0xa7: {  	[tilespmem:s31], [sflag:$0x1] =	stream.indirect_vreg.gather [hbm4b:s2+s3], $0x80, v3, vm0, $0xb8;
	[tilespmem:$0x12180] =	vst v63  }
0xa8: {  	s18 =	simm.s32 $0x4980  }
0xa9: {  	[tilespmem:s18], [sflag:$0x1] =	stream.indirect_vreg.gather [hbm4b:s4+s3], $0x80, v3, vm0, $0xb8;
	[tilespmem:$0x12180] =	vst v63  }
0xaa: {  	s19 =	simm.s32 $0x5180  }
0xab: {  	[tilespmem:s19], [sflag:$0x1] =	stream.indirect_vreg.gather [hbm4b:s5+s3], $0x80, v3, vm0, $0xb8;
	[tilespmem:$0x12180] =	vst v63  }
0xac: {  	s20 =	simm.s32 $0x5980  }
0xad: {  	[tilespmem:s20], [sflag:$0x1] =	stream.indirect_vreg.gather [hbm4b:s6+s3], $0x80, v3, vm0, $0xb8;
	[tilespmem:$0x12180] =	vst v63  }
0xae: {  	_ =	swait.ge [sflag:s12], $0x6000  }
0xaf: {  	[sflag:s12] =	ssyncset.done $0x0  }
0xb0: {  	s17 =	rddreg [dreg:$0x5];
	[sflag:s12] =	ssyncadd.s32 $0xFFFFA000  }
0xb1: {  	[hbm4b:s17+s3] =	stream.linear.scatter [tilespmem:s21], [sflag:$0x5], $0x6000, $0x38;
	[tilespmem:$0x12180] =	vst v63  }
0xb2: {  	_ =	swait.ge [sflag:s13], $0x6000  }
0xb3: {  	[sflag:s13] =	ssyncset.done $0x0  }
0xb4: {  	[sflag:s13] =	ssyncadd.s32 $0xFFFFA000  }
0xb5: {  	v3 =	vld [tilespmem:$0x60];
	_ =	sdelay $0x4  }
0xb6: {  	v50 =	vshll.u32 v3, $0x3  }
0xb7: {  	v3 =	vand.u32 $0x7, v3;
	v4 =	vand.u32 $0xFFFFFFC0, v50  }
0xb8: {  	v3 =	vor.u32 v3, v4  }
0xb9: {  	v4 =	vperm.xlane v3, v0;
	_ =	sdelay $0x1  }
0xba: {  	v4 =	vadd.s32 v1, v4;
	_ =	sdelay $0x4  }
0xbb: {  	[tilespmem:s21], [sflag:$0x2] =	stream.indirect_vreg.gather [hbm4b:s2+s3], $0x80, v4, vm0, $0xb8;
	[tilespmem:$0x12180] =	vst v63  }
0xbc: {  	s1 =	simm.s32 $0x6980;
	v3 =	vperm.xlane v3, v2  }
0xbd: {  	[tilespmem:s1], [sflag:$0x2] =	stream.indirect_vreg.gather [hbm4b:s4+s3], $0x80, v4, vm0, $0xb8;
	[tilespmem:$0x12180] =	vst v63  }
0xbe: {  	s9 =	simm.s32 $0x7180;
	v3 =	vadd.s32 v1, v3  }
0xbf: {  	[tilespmem:s9], [sflag:$0x2] =	stream.indirect_vreg.gather [hbm4b:s5+s3], $0x80, v4, vm0, $0xb8;
	[tilespmem:$0x12180] =	vst v63  }
0xc0: {  	s28 =	simm.s32 $0x7980  }
0xc1: {  	[tilespmem:s28], [sflag:$0x2] =	stream.indirect_vreg.gather [hbm4b:s6+s3], $0x80, v4, vm0, $0xb8;
	[tilespmem:$0x12180] =	vst v63  }
0xc2: {  	s29 =	simm.s32 $0x8180  }
0xc3: {  	[tilespmem:s29], [sflag:$0x2] =	stream.indirect_vreg.gather [hbm4b:s2+s3], $0x80, v3, vm0, $0xb8;
	[tilespmem:$0x12180] =	vst v63  }
0xc4: {  	s30 =	simm.s32 $0x8980  }
0xc5: {  	[tilespmem:s30], [sflag:$0x2] =	stream.indirect_vreg.gather [hbm4b:s4+s3], $0x80, v3, vm0, $0xb8;
	[tilespmem:$0x12180] =	vst v63  }
0xc6: {  	s31 =	simm.s32 $0x9180  }
0xc7: {  	[tilespmem:s31], [sflag:$0x2] =	stream.indirect_vreg.gather [hbm4b:s5+s3], $0x80, v3, vm0, $0xb8;
	[tilespmem:$0x12180] =	vst v63  }
0xc8: {  	s8 =	simm.s32 $0x9980  }
0xc9: {  	[tilespmem:s8], [sflag:$0x2] =	stream.indirect_vreg.gather [hbm4b:s6+s3], $0x80, v3, vm0, $0xb8;
	[tilespmem:$0x12180] =	vst v63  }
0xca: {  	v3 =	vld.msk [tilespmem:$0x70], $0xff;
	_ =	sdelay $0x4  }
0xcb: {  	v51 =	vshll.u32 v3, $0x3  }
0xcc: {  	v3 =	vand.u32 $0x7, v3;
	v4 =	vand.u32 $0xFFFFFFC0, v51  }
0xcd: {  	v3 =	vor.u32 v3, v4  }
0xce: {  	v3 =	vperm.xlane v3, v0;
	_ =	sdelay $0x1  }
0xcf: {  	v3 =	vadd.s32 v1, v3;
	_ =	sdelay $0x3  }
0xd0: {  	s1 =	simm.s32 $0xA180  }
0xd1: {  	[tilespmem:s1], [sflag:$0x2] =	stream.indirect_vreg.gather [hbm4b:s2+s3], $0x80, v3, vm0, $0xb8;
	[tilespmem:$0x12180] =	vst v63  }
0xd2: {  	s8 =	simm.s32 $0xA980  }
0xd3: {  	[tilespmem:s8], [sflag:$0x2] =	stream.indirect_vreg.gather [hbm4b:s4+s3], $0x80, v3, vm0, $0xb8;
	[tilespmem:$0x12180] =	vst v63  }
0xd4: {  	s17 =	simm.s32 $0xB180  }
0xd5: {  	[tilespmem:s17], [sflag:$0x2] =	stream.indirect_vreg.gather [hbm4b:s5+s3], $0x80, v3, vm0, $0xb8;
	[tilespmem:$0x12180] =	vst v63  }
0xd6: {  	s16 =	simm.s32 $0xB980  }
0xd7: {  	[tilespmem:s16], [sflag:$0x2] =	stream.indirect_vreg.gather [hbm4b:s6+s3], $0x80, v3, vm0, $0xb8;
	[tilespmem:$0x12180] =	vst v63  }
0xd8: {  	_ =	swait.ge [sflag:s14], $0x6000  }
0xd9: {  	[sflag:s14] =	ssyncset.done $0x0  }
0xda: {  	s16 =	rddreg [dreg:$0x6];
	[sflag:s14] =	ssyncadd.s32 $0xFFFFA000  }
0xdb: {  	[hbm4b:s16+s3] =	stream.linear.scatter [tilespmem:s0], [sflag:$0x6], $0x6000, $0x38;
	[tilespmem:$0x12180] =	vst v63  }
0xdc: {  	_ =	swait.ge [sflag:s15], $0x6000  }
0xdd: {  	[sflag:s15] =	ssyncset.done $0x0  }
0xde: {  	[sflag:s15] =	ssyncadd.s32 $0xFFFFA000  }
0xdf: {  	v3 =	vld [tilespmem:$0x78];
	_ =	sdelay $0x4  }
0xe0: {  	v52 =	vshll.u32 v3, $0x3  }
0xe1: {  	v3 =	vand.u32 $0x7, v3;
	v4 =	vand.u32 $0xFFFFFFC0, v52  }
0xe2: {  	v3 =	vor.u32 v3, v4  }
0xe3: {  	v4 =	vperm.xlane v3, v0;
	_ =	sdelay $0x1  }
0xe4: {  	v4 =	vadd.s32 v1, v4;
	_ =	sdelay $0x4  }
0xe5: {  	[tilespmem:s0], [sflag:$0x3] =	stream.indirect_vreg.gather [hbm4b:s2+s3], $0x80, v4, vm0, $0xb8;
	[tilespmem:$0x12180] =	vst v63  }
0xe6: {  	s16 =	simm.s32 $0xC980;
	v3 =	vperm.xlane v3, v2  }
0xe7: {  	[tilespmem:s16], [sflag:$0x3] =	stream.indirect_vreg.gather [hbm4b:s4+s3], $0x80, v4, vm0, $0xb8;
	[tilespmem:$0x12180] =	vst v63  }
0xe8: {  	v3 =	vadd.s32 v1, v3;
	s16 =	simm.s32 $0xD180  }
0xe9: {  	[tilespmem:s16], [sflag:$0x3] =	stream.indirect_vreg.gather [hbm4b:s5+s3], $0x80, v4, vm0, $0xb8;
	[tilespmem:$0x12180] =	vst v63  }
0xea: {  	s16 =	simm.s32 $0xD980  }
0xeb: {  	[tilespmem:s16], [sflag:$0x3] =	stream.indirect_vreg.gather [hbm4b:s6+s3], $0x80, v4, vm0, $0xb8;
	[tilespmem:$0x12180] =	vst v63  }
0xec: {  	s16 =	simm.s32 $0xE180  }
0xed: {  	[tilespmem:s16], [sflag:$0x3] =	stream.indirect_vreg.gather [hbm4b:s2+s3], $0x80, v3, vm0, $0xb8;
	[tilespmem:$0x12180] =	vst v63  }
0xee: {  	s16 =	simm.s32 $0xE980  }
0xef: {  	[tilespmem:s16], [sflag:$0x3] =	stream.indirect_vreg.gather [hbm4b:s4+s3], $0x80, v3, vm0, $0xb8;
	[tilespmem:$0x12180] =	vst v63  }
0xf0: {  	s16 =	simm.s32 $0xF180  }
0xf1: {  	[tilespmem:s16], [sflag:$0x3] =	stream.indirect_vreg.gather [hbm4b:s5+s3], $0x80, v3, vm0, $0xb8;
	[tilespmem:$0x12180] =	vst v63  }
0xf2: {  	s16 =	simm.s32 $0xF980  }
0xf3: {  	[tilespmem:s16], [sflag:$0x3] =	stream.indirect_vreg.gather [hbm4b:s6+s3], $0x80, v3, vm0, $0xb8;
	[tilespmem:$0x12180] =	vst v63  }
0xf4: {  	v3 =	vld.msk [tilespmem:$0x88], $0xff;
	_ =	sdelay $0x4  }
0xf5: {  	v53 =	vshll.u32 v3, $0x3  }
0xf6: {  	v3 =	vand.u32 $0x7, v3;
	v4 =	vand.u32 $0xFFFFFFC0, v53  }
0xf7: {  	v3 =	vor.u32 v3, v4  }
0xf8: {  	v3 =	vperm.xlane v3, v0;
	_ =	sdelay $0x1  }
0xf9: {  	v3 =	vadd.s32 v1, v3;
	_ =	sdelay $0x4  }
0xfa: {  	[tilespmem:s23], [sflag:$0x3] =	stream.indirect_vreg.gather [hbm4b:s2+s3], $0x80, v3, vm0, $0xb8;
	[tilespmem:$0x12180] =	vst v63  }
0xfb: {  	_ = 	snop  }
0xfc: {  	[tilespmem:s24], [sflag:$0x3] =	stream.indirect_vreg.gather [hbm4b:s4+s3], $0x80, v3, vm0, $0xb8;
	[tilespmem:$0x12180] =	vst v63  }
0xfd: {  	_ = 	snop  }
0xfe: {  	[tilespmem:s25], [sflag:$0x3] =	stream.indirect_vreg.gather [hbm4b:s5+s3], $0x80, v3, vm0, $0xb8;
	[tilespmem:$0x12180] =	vst v63  }
0xff: {  	_ = 	snop  }
0x100: {  	[tilespmem:s26], [sflag:$0x3] =	stream.indirect_vreg.gather [hbm4b:s6+s3], $0x80, v3, vm0, $0xb8;
	[tilespmem:$0x12180] =	vst v63  }
0x101: {  	_ =	swait.ge [sflag:s10], $0x6000  }
0x102: {  	[sflag:s10] =	ssyncset.done $0x0  }
0x103: {  	s16 =	rddreg [dreg:$0x7];
	[sflag:s10] =	ssyncadd.s32 $0xFFFFA000  }
0x104: {  	[hbm4b:s16+s3] =	stream.linear.scatter [tilespmem:s22], [sflag:$0x4], $0x6000, $0x38;
	[tilespmem:$0x12180] =	vst v63  }
0x105: {  	_ =	swait.ge [sflag:s11], $0x6000  }
0x106: {  	[sflag:s11] =	ssyncset.done $0x0  }
0x107: {  	[sflag:s11] =	ssyncadd.s32 $0xFFFFA000  }
0x108: {  	v3 =	vld [tilespmem:$0x90];
	_ =	sdelay $0x4  }
0x109: {  	v54 =	vshll.u32 v3, $0x3  }
0x10a: {  	v3 =	vand.u32 $0x7, v3;
	v4 =	vand.u32 $0xFFFFFFC0, v54  }
0x10b: {  	v3 =	vor.u32 v3, v4  }
0x10c: {  	v4 =	vperm.xlane v3, v0;
	_ =	sdelay $0x1  }
0x10d: {  	v4 =	vadd.s32 v1, v4;
	_ =	sdelay $0x4  }
0x10e: {  	[tilespmem:s22], [sflag:$0x1] =	stream.indirect_vreg.gather [hbm4b:s2+s3], $0x80, v4, vm0, $0xb8;
	[tilespmem:$0x12180] =	vst v63  }
0x10f: {  	s16 =	simm.s32 $0x980;
	v3 =	vperm.xlane v3, v2  }
0x110: {  	[tilespmem:s16], [sflag:$0x1] =	stream.indirect_vreg.gather [hbm4b:s4+s3], $0x80, v4, vm0, $0xb8;
	[tilespmem:$0x12180] =	vst v63  }
0x111: {  	v3 =	vadd.s32 v1, v3;
	s16 =	simm.s32 $0x1180  }
0x112: {  	[tilespmem:s16], [sflag:$0x1] =	stream.indirect_vreg.gather [hbm4b:s5+s3], $0x80, v4, vm0, $0xb8;
	[tilespmem:$0x12180] =	vst v63  }
0x113: {  	s16 =	simm.s32 $0x1980  }
0x114: {  	[tilespmem:s16], [sflag:$0x1] =	stream.indirect_vreg.gather [hbm4b:s6+s3], $0x80, v4, vm0, $0xb8;
	[tilespmem:$0x12180] =	vst v63  }
0x115: {  	s16 =	simm.s32 $0x2180  }
0x116: {  	[tilespmem:s16], [sflag:$0x1] =	stream.indirect_vreg.gather [hbm4b:s2+s3], $0x80, v3, vm0, $0xb8;
	[tilespmem:$0x12180] =	vst v63  }
0x117: {  	s16 =	simm.s32 $0x2980  }
0x118: {  	[tilespmem:s16], [sflag:$0x1] =	stream.indirect_vreg.gather [hbm4b:s4+s3], $0x80, v3, vm0, $0xb8;
	[tilespmem:$0x12180] =	vst v63  }
0x119: {  	s16 =	simm.s32 $0x3180  }
0x11a: {  	[tilespmem:s16], [sflag:$0x1] =	stream.indirect_vreg.gather [hbm4b:s5+s3], $0x80, v3, vm0, $0xb8;
	[tilespmem:$0x12180] =	vst v63  }
0x11b: {  	s16 =	simm.s32 $0x3980  }
0x11c: {  	[tilespmem:s16], [sflag:$0x1] =	stream.indirect_vreg.gather [hbm4b:s6+s3], $0x80, v3, vm0, $0xb8;
	[tilespmem:$0x12180] =	vst v63  }
0x11d: {  	v3 =	vld.msk [tilespmem:$0xA0], $0xff;
	_ =	sdelay $0x4  }
0x11e: {  	v55 =	vshll.u32 v3, $0x3  }
0x11f: {  	v3 =	vand.u32 $0x7, v3;
	v4 =	vand.u32 $0xFFFFFFC0, v55  }
0x120: {  	v3 =	vor.u32 v3, v4  }
0x121: {  	v3 =	vperm.xlane v3, v0;
	_ =	sdelay $0x1  }
0x122: {  	v3 =	vadd.s32 v1, v3;
	_ =	sdelay $0x3  }
0x123: {  	s16 =	simm.s32 $0x4180  }
0x124: {  	[tilespmem:s16], [sflag:$0x1] =	stream.indirect_vreg.gather [hbm4b:s2+s3], $0x80, v3, vm0, $0xb8;
	[tilespmem:$0x12180] =	vst v63  }
0x125: {  	_ = 	snop  }
0x126: {  	[tilespmem:s18], [sflag:$0x1] =	stream.indirect_vreg.gather [hbm4b:s4+s3], $0x80, v3, vm0, $0xb8;
	[tilespmem:$0x12180] =	vst v63  }
0x127: {  	_ = 	snop  }
0x128: {  	[tilespmem:s19], [sflag:$0x1] =	stream.indirect_vreg.gather [hbm4b:s5+s3], $0x80, v3, vm0, $0xb8;
	[tilespmem:$0x12180] =	vst v63  }
0x129: {  	_ = 	snop  }
0x12a: {  	[tilespmem:s20], [sflag:$0x1] =	stream.indirect_vreg.gather [hbm4b:s6+s3], $0x80, v3, vm0, $0xb8;
	[tilespmem:$0x12180] =	vst v63  }
0x12b: {  	_ =	swait.ge [sflag:s12], $0x6000  }
0x12c: {  	[sflag:s12] =	ssyncset.done $0x0  }
0x12d: {  	s16 =	rddreg [dreg:$0x8];
	[sflag:s12] =	ssyncadd.s32 $0xFFFFA000  }
0x12e: {  	[hbm4b:s16+s3] =	stream.linear.scatter [tilespmem:s21], [sflag:$0x5], $0x6000, $0x38;
	[tilespmem:$0x12180] =	vst v63  }
0x12f: {  	_ =	swait.ge [sflag:s13], $0x6000  }
0x130: {  	[sflag:s13] =	ssyncset.done $0x0  }
0x131: {  	[sflag:s13] =	ssyncadd.s32 $0xFFFFA000  }
0x132: {  	v3 =	vld [tilespmem:$0xA8];
	_ =	sdelay $0x4  }
0x133: {  	v56 =	vshll.u32 v3, $0x3  }
0x134: {  	v3 =	vand.u32 $0x7, v3;
	v4 =	vand.u32 $0xFFFFFFC0, v56  }
0x135: {  	v3 =	vor.u32 v3, v4  }
0x136: {  	v4 =	vperm.xlane v3, v0;
	_ =	sdelay $0x1  }
0x137: {  	v4 =	vadd.s32 v1, v4;
	_ =	sdelay $0x4  }
0x138: {  	[tilespmem:s21], [sflag:$0x2] =	stream.indirect_vreg.gather [hbm4b:s2+s3], $0x80, v4, vm0, $0xb8;
	[tilespmem:$0x12180] =	vst v63  }
0x139: {  	s16 =	simm.s32 $0x6980;
	v3 =	vperm.xlane v3, v2  }
0x13a: {  	[tilespmem:s16], [sflag:$0x2] =	stream.indirect_vreg.gather [hbm4b:s4+s3], $0x80, v4, vm0, $0xb8;
	[tilespmem:$0x12180] =	vst v63  }
0x13b: {  	v3 =	vadd.s32 v1, v3  }
0x13c: {  	[tilespmem:s9], [sflag:$0x2] =	stream.indirect_vreg.gather [hbm4b:s5+s3], $0x80, v4, vm0, $0xb8;
	[tilespmem:$0x12180] =	vst v63  }
0x13d: {  	_ = 	snop  }
0x13e: {  	[tilespmem:s28], [sflag:$0x2] =	stream.indirect_vreg.gather [hbm4b:s6+s3], $0x80, v4, vm0, $0xb8;
	[tilespmem:$0x12180] =	vst v63  }
0x13f: {  	_ = 	snop  }
0x140: {  	[tilespmem:s29], [sflag:$0x2] =	stream.indirect_vreg.gather [hbm4b:s2+s3], $0x80, v3, vm0, $0xb8;
	[tilespmem:$0x12180] =	vst v63  }
0x141: {  	_ = 	snop  }
0x142: {  	[tilespmem:s30], [sflag:$0x2] =	stream.indirect_vreg.gather [hbm4b:s4+s3], $0x80, v3, vm0, $0xb8;
	[tilespmem:$0x12180] =	vst v63  }
0x143: {  	_ = 	snop  }
0x144: {  	[tilespmem:s31], [sflag:$0x2] =	stream.indirect_vreg.gather [hbm4b:s5+s3], $0x80, v3, vm0, $0xb8;
	[tilespmem:$0x12180] =	vst v63  }
0x145: {  	s16 =	simm.s32 $0x9980  }
0x146: {  	[tilespmem:s16], [sflag:$0x2] =	stream.indirect_vreg.gather [hbm4b:s6+s3], $0x80, v3, vm0, $0xb8;
	[tilespmem:$0x12180] =	vst v63  }
0x147: {  	v3 =	vld.msk [tilespmem:$0xB8], $0xff;
	_ =	sdelay $0x4  }
0x148: {  	v57 =	vshll.u32 v3, $0x3  }
0x149: {  	v3 =	vand.u32 $0x7, v3;
	v4 =	vand.u32 $0xFFFFFFC0, v57  }
0x14a: {  	v3 =	vor.u32 v3, v4  }
0x14b: {  	v3 =	vperm.xlane v3, v0;
	_ =	sdelay $0x1  }
0x14c: {  	v3 =	vadd.s32 v1, v3;
	_ =	sdelay $0x4  }
0x14d: {  	[tilespmem:s1], [sflag:$0x2] =	stream.indirect_vreg.gather [hbm4b:s2+s3], $0x80, v3, vm0, $0xb8;
	[tilespmem:$0x12180] =	vst v63  }
0x14e: {  	_ = 	snop  }
0x14f: {  	[tilespmem:s8], [sflag:$0x2] =	stream.indirect_vreg.gather [hbm4b:s4+s3], $0x80, v3, vm0, $0xb8;
	[tilespmem:$0x12180] =	vst v63  }
0x150: {  	_ = 	snop  }
0x151: {  	[tilespmem:s17], [sflag:$0x2] =	stream.indirect_vreg.gather [hbm4b:s5+s3], $0x80, v3, vm0, $0xb8;
	[tilespmem:$0x12180] =	vst v63  }
0x152: {  	s16 =	simm.s32 $0xB980  }
0x153: {  	[tilespmem:s16], [sflag:$0x2] =	stream.indirect_vreg.gather [hbm4b:s6+s3], $0x80, v3, vm0, $0xb8;
	[tilespmem:$0x12180] =	vst v63  }
0x154: {  	_ =	swait.ge [sflag:s14], $0x6000  }
0x155: {  	[sflag:s14] =	ssyncset.done $0x0  }
0x156: {  	s16 =	rddreg [dreg:$0x9];
	[sflag:s14] =	ssyncadd.s32 $0xFFFFA000  }
0x157: {  	[hbm4b:s16+s3] =	stream.linear.scatter [tilespmem:s0], [sflag:$0x6], $0x6000, $0x38;
	[tilespmem:$0x12180] =	vst v63  }
0x158: {  	_ =	swait.ge [sflag:s15], $0x6000  }
0x159: {  	[sflag:s15] =	ssyncset.done $0x0  }
0x15a: {  	[sflag:s15] =	ssyncadd.s32 $0xFFFFA000  }
0x15b: {  	v3 =	vld [tilespmem:$0xC0];
	_ =	sdelay $0x4  }
0x15c: {  	v58 =	vshll.u32 v3, $0x3  }
0x15d: {  	v3 =	vand.u32 $0x7, v3;
	v4 =	vand.u32 $0xFFFFFFC0, v58  }
0x15e: {  	v3 =	vor.u32 v3, v4  }
0x15f: {  	v4 =	vperm.xlane v3, v0;
	_ =	sdelay $0x1  }
0x160: {  	v4 =	vadd.s32 v1, v4;
	_ =	sdelay $0x4  }
0x161: {  	[tilespmem:s0], [sflag:$0x3] =	stream.indirect_vreg.gather [hbm4b:s2+s3], $0x80, v4, vm0, $0xb8;
	[tilespmem:$0x12180] =	vst v63  }
0x162: {  	s16 =	simm.s32 $0xC980;
	v3 =	vperm.xlane v3, v2  }
0x163: {  	[tilespmem:s16], [sflag:$0x3] =	stream.indirect_vreg.gather [hbm4b:s4+s3], $0x80, v4, vm0, $0xb8;
	[tilespmem:$0x12180] =	vst v63  }
0x164: {  	v3 =	vadd.s32 v1, v3;
	s16 =	simm.s32 $0xD180  }
0x165: {  	[tilespmem:s16], [sflag:$0x3] =	stream.indirect_vreg.gather [hbm4b:s5+s3], $0x80, v4, vm0, $0xb8;
	[tilespmem:$0x12180] =	vst v63  }
0x166: {  	s16 =	simm.s32 $0xD980  }
0x167: {  	[tilespmem:s16], [sflag:$0x3] =	stream.indirect_vreg.gather [hbm4b:s6+s3], $0x80, v4, vm0, $0xb8;
	[tilespmem:$0x12180] =	vst v63  }
0x168: {  	s16 =	simm.s32 $0xE180  }
0x169: {  	[tilespmem:s16], [sflag:$0x3] =	stream.indirect_vreg.gather [hbm4b:s2+s3], $0x80, v3, vm0, $0xb8;
	[tilespmem:$0x12180] =	vst v63  }
0x16a: {  	s16 =	simm.s32 $0xE980  }
0x16b: {  	[tilespmem:s16], [sflag:$0x3] =	stream.indirect_vreg.gather [hbm4b:s4+s3], $0x80, v3, vm0, $0xb8;
	[tilespmem:$0x12180] =	vst v63  }
0x16c: {  	s16 =	simm.s32 $0xF180  }
0x16d: {  	[tilespmem:s16], [sflag:$0x3] =	stream.indirect_vreg.gather [hbm4b:s5+s3], $0x80, v3, vm0, $0xb8;
	[tilespmem:$0x12180] =	vst v63  }
0x16e: {  	s16 =	simm.s32 $0xF980  }
0x16f: {  	[tilespmem:s16], [sflag:$0x3] =	stream.indirect_vreg.gather [hbm4b:s6+s3], $0x80, v3, vm0, $0xb8;
	[tilespmem:$0x12180] =	vst v63  }
0x170: {  	v3 =	vld.msk [tilespmem:$0xD0], $0xff;
	_ =	sdelay $0x4  }
0x171: {  	v59 =	vshll.u32 v3, $0x3  }
0x172: {  	v3 =	vand.u32 $0x7, v3;
	v4 =	vand.u32 $0xFFFFFFC0, v59  }
0x173: {  	v3 =	vor.u32 v3, v4  }
0x174: {  	v3 =	vperm.xlane v3, v0;
	_ =	sdelay $0x1  }
0x175: {  	v3 =	vadd.s32 v1, v3;
	_ =	sdelay $0x4  }
0x176: {  	[tilespmem:s23], [sflag:$0x3] =	stream.indirect_vreg.gather [hbm4b:s2+s3], $0x80, v3, vm0, $0xb8;
	[tilespmem:$0x12180] =	vst v63  }
0x177: {  	_ = 	snop  }
0x178: {  	[tilespmem:s24], [sflag:$0x3] =	stream.indirect_vreg.gather [hbm4b:s4+s3], $0x80, v3, vm0, $0xb8;
	[tilespmem:$0x12180] =	vst v63  }
0x179: {  	_ = 	snop  }
0x17a: {  	[tilespmem:s25], [sflag:$0x3] =	stream.indirect_vreg.gather [hbm4b:s5+s3], $0x80, v3, vm0, $0xb8;
	[tilespmem:$0x12180] =	vst v63  }
0x17b: {  	_ = 	snop  }
0x17c: {  	[tilespmem:s26], [sflag:$0x3] =	stream.indirect_vreg.gather [hbm4b:s6+s3], $0x80, v3, vm0, $0xb8;
	[tilespmem:$0x12180] =	vst v63  }
0x17d: {  	_ =	swait.ge [sflag:s10], $0x6000  }
0x17e: {  	[sflag:s10] =	ssyncset.done $0x0  }
0x17f: {  	s16 =	rddreg [dreg:$0xa];
	[sflag:s10] =	ssyncadd.s32 $0xFFFFA000  }
0x180: {  	[hbm4b:s16+s3] =	stream.linear.scatter [tilespmem:s22], [sflag:$0x4], $0x6000, $0x38;
	[tilespmem:$0x12180] =	vst v63  }
0x181: {  	_ =	swait.ge [sflag:s11], $0x6000  }
0x182: {  	[sflag:s11] =	ssyncset.done $0x0  }
0x183: {  	[sflag:s11] =	ssyncadd.s32 $0xFFFFA000  }
0x184: {  	v3 =	vld [tilespmem:$0xD8];
	_ =	sdelay $0x4  }
0x185: {  	v60 =	vshll.u32 v3, $0x3  }
0x186: {  	v3 =	vand.u32 $0x7, v3;
	v4 =	vand.u32 $0xFFFFFFC0, v60  }
0x187: {  	v3 =	vor.u32 v3, v4  }
0x188: {  	v4 =	vperm.xlane v3, v0;
	_ =	sdelay $0x1  }
0x189: {  	v4 =	vadd.s32 v1, v4;
	_ =	sdelay $0x4  }
0x18a: {  	[tilespmem:s22], [sflag:$0x1] =	stream.indirect_vreg.gather [hbm4b:s2+s3], $0x80, v4, vm0, $0xb8;
	[tilespmem:$0x12180] =	vst v63  }
0x18b: {  	s16 =	simm.s32 $0x980;
	v3 =	vperm.xlane v3, v2  }
0x18c: {  	[tilespmem:s16], [sflag:$0x1] =	stream.indirect_vreg.gather [hbm4b:s4+s3], $0x80, v4, vm0, $0xb8;
	[tilespmem:$0x12180] =	vst v63  }
0x18d: {  	v3 =	vadd.s32 v1, v3;
	s16 =	simm.s32 $0x1180  }
0x18e: {  	[tilespmem:s16], [sflag:$0x1] =	stream.indirect_vreg.gather [hbm4b:s5+s3], $0x80, v4, vm0, $0xb8;
	[tilespmem:$0x12180] =	vst v63  }
0x18f: {  	s16 =	simm.s32 $0x1980  }
0x190: {  	[tilespmem:s16], [sflag:$0x1] =	stream.indirect_vreg.gather [hbm4b:s6+s3], $0x80, v4, vm0, $0xb8;
	[tilespmem:$0x12180] =	vst v63  }
0x191: {  	s16 =	simm.s32 $0x2180  }
0x192: {  	[tilespmem:s16], [sflag:$0x1] =	stream.indirect_vreg.gather [hbm4b:s2+s3], $0x80, v3, vm0, $0xb8;
	[tilespmem:$0x12180] =	vst v63  }
0x193: {  	s16 =	simm.s32 $0x2980  }
0x194: {  	[tilespmem:s16], [sflag:$0x1] =	stream.indirect_vreg.gather [hbm4b:s4+s3], $0x80, v3, vm0, $0xb8;
	[tilespmem:$0x12180] =	vst v63  }
0x195: {  	s16 =	simm.s32 $0x3180  }
0x196: {  	[tilespmem:s16], [sflag:$0x1] =	stream.indirect_vreg.gather [hbm4b:s5+s3], $0x80, v3, vm0, $0xb8;
	[tilespmem:$0x12180] =	vst v63  }
0x197: {  	s16 =	simm.s32 $0x3980  }
0x198: {  	[tilespmem:s16], [sflag:$0x1] =	stream.indirect_vreg.gather [hbm4b:s6+s3], $0x80, v3, vm0, $0xb8;
	[tilespmem:$0x12180] =	vst v63  }
0x199: {  	v3 =	vld.msk [tilespmem:$0xE8], $0xff;
	_ =	sdelay $0x4  }
0x19a: {  	v61 =	vshll.u32 v3, $0x3  }
0x19b: {  	v3 =	vand.u32 $0x7, v3;
	v4 =	vand.u32 $0xFFFFFFC0, v61  }
0x19c: {  	v3 =	vor.u32 v3, v4  }
0x19d: {  	v3 =	vperm.xlane v3, v0;
	_ =	sdelay $0x1  }
0x19e: {  	v3 =	vadd.s32 v1, v3;
	_ =	sdelay $0x3  }
0x19f: {  	s16 =	simm.s32 $0x4180  }
0x1a0: {  	[tilespmem:s16], [sflag:$0x1] =	stream.indirect_vreg.gather [hbm4b:s2+s3], $0x80, v3, vm0, $0xb8;
	[tilespmem:$0x12180] =	vst v63  }
0x1a1: {  	s18 =	simm.s32 $0x4980  }
0x1a2: {  	[tilespmem:s18], [sflag:$0x1] =	stream.indirect_vreg.gather [hbm4b:s4+s3], $0x80, v3, vm0, $0xb8;
	[tilespmem:$0x12180] =	vst v63  }
0x1a3: {  	s19 =	simm.s32 $0x5180  }
0x1a4: {  	[tilespmem:s19], [sflag:$0x1] =	stream.indirect_vreg.gather [hbm4b:s5+s3], $0x80, v3, vm0, $0xb8;
	[tilespmem:$0x12180] =	vst v63  }
0x1a5: {  	s20 =	simm.s32 $0x5980  }
0x1a6: {  	[tilespmem:s20], [sflag:$0x1] =	stream.indirect_vreg.gather [hbm4b:s6+s3], $0x80, v3, vm0, $0xb8;
	[tilespmem:$0x12180] =	vst v63  }
0x1a7: {  	_ =	swait.ge [sflag:s12], $0x6000  }
0x1a8: {  	[sflag:s12] =	ssyncset.done $0x0  }
0x1a9: {  	s18 =	rddreg [dreg:$0xb];
	[sflag:s12] =	ssyncadd.s32 $0xFFFFA000  }
0x1aa: {  	[hbm4b:s18+s3] =	stream.linear.scatter [tilespmem:s21], [sflag:$0x5], $0x6000, $0x38;
	[tilespmem:$0x12180] =	vst v63  }
0x1ab: {  	_ =	swait.ge [sflag:s13], $0x6000  }
0x1ac: {  	[sflag:s13] =	ssyncset.done $0x0  }
0x1ad: {  	[sflag:s13] =	ssyncadd.s32 $0xFFFFA000  }
0x1ae: {  	v3 =	vld [tilespmem:$0xF0];
	_ =	sdelay $0x4  }
0x1af: {  	v62 =	vshll.u32 v3, $0x3  }
0x1b0: {  	v3 =	vand.u32 $0x7, v3;
	v4 =	vand.u32 $0xFFFFFFC0, v62  }
0x1b1: {  	v3 =	vor.u32 v3, v4  }
0x1b2: {  	v4 =	vperm.xlane v3, v0;
	_ =	sdelay $0x1  }
0x1b3: {  	v4 =	vadd.s32 v1, v4;
	_ =	sdelay $0x4  }
0x1b4: {  	[tilespmem:s21], [sflag:$0x2] =	stream.indirect_vreg.gather [hbm4b:s2+s3], $0x80, v4, vm0, $0xb8;
	[tilespmem:$0x12180] =	vst v63  }
0x1b5: {  	s19 =	simm.s32 $0x6980;
	v3 =	vperm.xlane v3, v2  }
0x1b6: {  	[tilespmem:s19], [sflag:$0x2] =	stream.indirect_vreg.gather [hbm4b:s4+s3], $0x80, v4, vm0, $0xb8;
	[tilespmem:$0x12180] =	vst v63  }
0x1b7: {  	s9 =	simm.s32 $0x7180;
	v3 =	vadd.s32 v1, v3  }
0x1b8: {  	[tilespmem:s9], [sflag:$0x2] =	stream.indirect_vreg.gather [hbm4b:s5+s3], $0x80, v4, vm0, $0xb8;
	[tilespmem:$0x12180] =	vst v63  }
0x1b9: {  	s28 =	simm.s32 $0x7980  }
0x1ba: {  	[tilespmem:s28], [sflag:$0x2] =	stream.indirect_vreg.gather [hbm4b:s6+s3], $0x80, v4, vm0, $0xb8;
	[tilespmem:$0x12180] =	vst v63  }
0x1bb: {  	s29 =	simm.s32 $0x8180  }
0x1bc: {  	[tilespmem:s29], [sflag:$0x2] =	stream.indirect_vreg.gather [hbm4b:s2+s3], $0x80, v3, vm0, $0xb8;
	[tilespmem:$0x12180] =	vst v63  }
0x1bd: {  	s30 =	simm.s32 $0x8980  }
0x1be: {  	[tilespmem:s30], [sflag:$0x2] =	stream.indirect_vreg.gather [hbm4b:s4+s3], $0x80, v3, vm0, $0xb8;
	[tilespmem:$0x12180] =	vst v63  }
0x1bf: {  	s31 =	simm.s32 $0x9180  }
0x1c0: {  	[tilespmem:s31], [sflag:$0x2] =	stream.indirect_vreg.gather [hbm4b:s5+s3], $0x80, v3, vm0, $0xb8;
	[tilespmem:$0x12180] =	vst v63  }
0x1c1: {  	s20 =	simm.s32 $0x9980  }
0x1c2: {  	[tilespmem:s20], [sflag:$0x2] =	stream.indirect_vreg.gather [hbm4b:s6+s3], $0x80, v3, vm0, $0xb8;
	[tilespmem:$0x12180] =	vst v63  }
0x1c3: {  	v3 =	vld.msk [tilespmem:$0x100], $0xff;
	_ =	sdelay $0x4  }
0x1c4: {  	v63 =	vshll.u32 v3, $0x3  }
0x1c5: {  	v3 =	vand.u32 $0x7, v3;
	v4 =	vand.u32 $0xFFFFFFC0, v63  }
0x1c6: {  	v3 =	vor.u32 v3, v4  }
0x1c7: {  	v3 =	vperm.xlane v3, v0;
	_ =	sdelay $0x1  }
0x1c8: {  	v3 =	vadd.s32 v1, v3;
	_ =	sdelay $0x3  }
0x1c9: {  	s1 =	simm.s32 $0xA180  }
0x1ca: {  	[tilespmem:s1], [sflag:$0x2] =	stream.indirect_vreg.gather [hbm4b:s2+s3], $0x80, v3, vm0, $0xb8;
	[tilespmem:$0x12180] =	vst v63  }
0x1cb: {  	s8 =	simm.s32 $0xA980  }
0x1cc: {  	[tilespmem:s8], [sflag:$0x2] =	stream.indirect_vreg.gather [hbm4b:s4+s3], $0x80, v3, vm0, $0xb8;
	[tilespmem:$0x12180] =	vst v63  }
0x1cd: {  	s17 =	simm.s32 $0xB180  }
0x1ce: {  	[tilespmem:s17], [sflag:$0x2] =	stream.indirect_vreg.gather [hbm4b:s5+s3], $0x80, v3, vm0, $0xb8;
	[tilespmem:$0x12180] =	vst v63  }
0x1cf: {  	s28 =	simm.s32 $0xB980  }
0x1d0: {  	[tilespmem:s28], [sflag:$0x2] =	stream.indirect_vreg.gather [hbm4b:s6+s3], $0x80, v3, vm0, $0xb8;
	[tilespmem:$0x12180] =	vst v63  }
0x1d1: {  	_ =	swait.ge [sflag:s14], $0x6000  }
0x1d2: {  	[sflag:s14] =	ssyncset.done $0x0  }
0x1d3: {  	s29 =	rddreg [dreg:$0xc];
	[sflag:s14] =	ssyncadd.s32 $0xFFFFA000  }
0x1d4: {  	[hbm4b:s29+s3] =	stream.linear.scatter [tilespmem:s0], [sflag:$0x6], $0x6000, $0x38;
	[tilespmem:$0x12180] =	vst v63  }
0x1d5: {  	_ =	swait.ge [sflag:s10], $0x6000  }
0x1d6: {  	[sflag:s10] =	ssyncset.done $0x0  }
0x1d7: {  	s30 =	rddreg [dreg:$0xd];
	[sflag:s10] =	ssyncadd.s32 $0xFFFFA000  }
0x1d8: {  	[hbm4b:s30+s3] =	stream.linear.scatter [tilespmem:s22], [sflag:$0x4], $0x6000, $0x38;
	[tilespmem:$0x12180] =	vst v63  }
0x1d9: {  	_ =	swait.ge [sflag:s12], $0x6000  }
0x1da: {  	[sflag:s12] =	ssyncset.done $0x0  }
0x1db: {  	s31 =	rddreg [dreg:$0xe];
	[sflag:s12] =	ssyncadd.s32 $0xFFFFA000  }
0x1dc: {  	[hbm4b:s31+s3] =	stream.linear.scatter [tilespmem:s21], [sflag:$0x5], $0x6000, $0x38;
	[tilespmem:$0x12180] =	vst v63  }
0x1dd: {  	_ =	swait.ge [sflag:s15], $0x6000  }
0x1de: {  	[sflag:s15] =	ssyncset.done $0x0  }
0x1df: {  	[sflag:s15] =	ssyncadd.s32 $0xFFFFA000  }
0x1e0: {  	p0 =	sne.s32 s7, $0x1;
	_ =	swait.ge [sflag:s11], $0x6000  }
.Ltmp0:
0x1e1: {  	[sflag:s11] =	ssyncset.done $0x0;
	(pc) =	sbr.rel @p0 .LBB2_1-.Ltmp0, $4  }
0x1e2: {  	[sflag:s11] =	ssyncadd.s32 $0xFFFFA000  }
0x1e3: {  	_ =	swait.ge [sflag:s13], $0x6000  }
0x1e4: {  	[sflag:s13] =	ssyncset.done $0x0  }
0x1e5: {  	s7 =	sadd.s32 $0xFFFFFFFF, s7;
	[sflag:s13] =	ssyncadd.s32 $0xFFFFA000  }
0x1e6: {  	_ =	sfence.sel $0x180000  }
0x1e7: {  	[bflag:$0x0] =	sbarrier.arrive $0xFFFF  }
0x1e8: {  	_ =	strace $0x9000004D  }
0x1e9: {  	s0 =	stileid.u32;
	[bflag:$0x2] =	sbarrier.arrive $0xFFFF  }
0x1ea: {  	p0 =	sne.s32 s0, $0x0;
	s0 =	rddreg [dreg:$0x2]  }
0x1eb: {  	s0 =	sadd.s32 @!p0 $0x100000, s0  }
0x1ec: {  	[sflag:s0] =	ssyncadd.tile.s32 @!p0 $0x1;
	_ =	shalt  }
.Lfunc_end2:
_tile_overlayer_lowered:
.L_overlay_start_2:
0x1ed: {  	(tag) =	ssettag $0x2  }
0x1ee: {  	s0 =	rddreg [dreg:$0x0];
	s2 =	stileid.u32  }
0x1ef: {  	s1 =	rddreg [dreg:$0x1];
	p0 =	sne.s32 s2, $0x0  }
0x1f0: {  	s3 =	rddreg [dreg:$0x2];
	[bflag:$0x3] =	sbarrier.arrive $0xFFFF;
	s2 =	simm.s32 @!p0 $0x1C07  }
0x1f1: {  	[timem:s3], [sflag:s2] =	dma.local @!p0 [hbm:s0], s1  }
0x1f2: {  	s0 =	simm.s32 @!p0 $0x7  }
0x1f3: {  	_ =	swait.ge @!p0 [sflag:s0], s1  }
0x1f4: {  	s1 =	ssub.s32 @!p0 $0x0, s1;
	[sflag:s0] =	ssyncset.done @!p0 $0x0  }
0x1f5: {  	[sflag:s0] =	ssyncadd.s32 @!p0 s1  }
0x1f6: {  	[bflag:$0x3] =	sbarrier.arrive $0xFFFF  }
0x1f7: {  	_ =	shalt  }

// kernel: kernel.13.cloned.1.call-start
scs
__scs_entry_jumppad:
0x0: {  	(pc) =	sbr.rel $0x88, $3  }
0x1: {  	(tag) =	ssettag $0x0;
	lr =	simm.s32 $0x1  }
0x2: {  	[smem:$0x3F99] =	sst lr;
	_ =	strace $0xD0000000  }
0x3: {  	_ = 	snop  }
0x4: {  	_ = 	snop  }
0x5: {  	_ = 	snop  }
0x6: {  	_ = 	snop  }
0x7: {  	_ = 	snop  }
__scs_overlays_trampoline_lowered:
0x8: {  	[smem:$0x3FA8] =	sst s0  }
0x9: {  	[smem:$0x3FA9] =	sst s1  }
0xa: {  	[smem:$0x3FAA] =	sst s2  }
0xb: {  	[smem:$0x3FAB] =	sst s3  }
0xc: {  	[smem:$0x3FAC] =	sst s4  }
0xd: {  	[smem:$0x3FAD] =	sst s5  }
0xe: {  	[smem:$0x3FAE] =	sst s6  }
0xf: {  	[smem:$0x3FAF] =	sst s7  }
0x10: {  	[smem:$0x3FB0] =	sst s8  }
0x11: {  	[smem:$0x3FB1] =	sst s9;
	s0 =	simm.s32 @!p0 $0x0  }
0x12: {  	s1 =	sld [smem:$0x3F97];
	s0 =	simm.s32 @p0 $0x1  }
0x13: {  	[smem:$0x3FB2] =	sst s0;
	s0 =	simm.s32 @!p1 $0x0  }
0x14: {  	s2 =	sld [smem:$0x3F96];
	s0 =	simm.s32 @p1 $0x1  }
0x15: {  	[smem:$0x3FB3] =	sst s0;
	s0 =	simm.s32 @!p2 $0x0  }
0x16: {  	s3 =	sld [smem:$0x3FDB];
	s0 =	simm.s32 @p2 $0x1  }
0x17: {  	s4 =	simm.s32 $0x1BF5;
	[smem:$0x3FB5] =	sst s0  }
0x18: {  	s0 =	sld [smem:$0x3F98];
	_ =	swait.ge [sflag:s4], $0x0  }
0x19: {  	s7 =	sld [smem:$0x3F99]  }
0x1a: {  	s8 =	sadd.s32 $0xFFFFE003, lr  }
0x1b: {  	s9 =	sadd.s32 $0xFFFFFEF7, lr;
	s5 =	simm.s32 $0xFFFFFFFF;
	p2 =	slt.u32 s8, $0xFFFFF086  }
0x1c: {  	p1 =	slt.u32 s9, $0xF7A;
	s5 =	simm.s32 @!p2 $0x0  }
0x1d: {  	s5 =	simm.s32 @p1 $0x1;
	p0 =	seq.s32 s7, s2  }
0x1e: {  	s7 =	smul.u32 @!p0 $0xF7A, s2;
	p2 =	seq.s32 @!p0 s5, $0x0  }
0x1f: {  	s9 =	smul.u32 $0xF7A, s1;
	s8 =	simm.s32 @!p0 $0x1BF5;
	p2 =	por !p2, p0  }
0x20: {  	[sflag:s8] =	ssyncset.s32 @!p0 $0xFFFFF086;
	s6 =	sadd.s32 @!p0 s3, s7;
	s7 =	simm.s32 @!p0 $0x108  }
0x21: {  	s3 =	sadd.s32 s3, s9;
	s6 =	sadd.s32 @!p0 $0x88, s6;
	s7 =	simm.s32 @p2 $0x1082  }
0x22: {  	[simem:s7], [sflag:s8] =	dma.local @!p0 [hbm:s6], $0xF7A  }
0x23: {  	s9 =	sor.u32 $0xD0000000, s2;
	s6 =	simm.s32 $0x108;
	_ =	swait.ge @!p0 [sflag:s8], $0x0  }
0x24: {  	s3 =	sadd.s32 $0x88, s3;
	s6 =	simm.s32 @!p1 $0x1082;
	[sflag:s4] =	ssyncset.s32 $0xFFFFF086  }
0x25: {  	[simem:s6], [sflag:s4] =	dma.local [hbm:s3], $0xF7A  }
0x26: {  	[smem:$0x3F99] =	sst s1;
	(tag) =	ssettag s2;
	_ =	strace s9  }
0x27: {  	s1 =	sld [smem:$0x3FA9]  }
0x28: {  	s2 =	sld [smem:$0x3FAA]  }
0x29: {  	s4 =	sld [smem:$0x3FAC]  }
0x2a: {  	p0 =	seq.s32 s5, $0x0;
	s5 =	sld [smem:$0x3FAD]  }
0x2b: {  	s6 =	sld [smem:$0x3FAE]  }
0x2c: {  	s7 =	sld [smem:$0x3FAF]  }
0x2d: {  	s3 =	simm.s32 $0x108;
	s8 =	sld [smem:$0x3FB0]  }
0x2e: {  	s3 =	simm.s32 @!p0 $0x1082;
	s9 =	sld [smem:$0x3FB1]  }
0x2f: {  	lr =	sadd.s32 s0, s3;
	s0 =	sld [smem:$0x3FA8]  }
0x30: {  	s3 =	sld [smem:$0x3FAB]  }
0x31: {  	[smem:$0x3FB4] =	sst s10  }
0x32: {  	s10 =	sld [smem:$0x3FB2];
	_ =	sdelay $0x3  }
0x33: {  	p0 =	seq.s32 s10, $0x1;
	s10 =	sld [smem:$0x3FB4];
	_ =	sdelay $0x3  }
0x34: {  	[smem:$0x3FB4] =	sst s10  }
0x35: {  	s10 =	sld [smem:$0x3FB3];
	_ =	sdelay $0x3  }
0x36: {  	p1 =	seq.s32 s10, $0x1;
	s10 =	sld [smem:$0x3FB4];
	_ =	sdelay $0x3  }
0x37: {  	[smem:$0x3FB4] =	sst s10  }
0x38: {  	s10 =	sld [smem:$0x3FB5]  }
0x39: {  	_ = 	snop;
	(pc) =	sbr.ind lr, $3  }
0x3a: {  	_ = 	snop  }
0x3b: {  	_ = 	snop  }
0x3c: {  	p2 =	seq.s32 s10, $0x1;
	s10 =	sld [smem:$0x3FB4]  }
0x3d: {  	_ =	shalt  }
0x3e: {  	_ =	shalt  }
0x3f: {  	_ =	shalt  }
0x40: {  	_ =	shalt  }
0x41: {  	_ =	shalt  }
0x42: {  	_ =	shalt  }
0x43: {  	_ =	shalt  }
0x44: {  	_ =	shalt  }
0x45: {  	_ =	shalt  }
0x46: {  	_ =	shalt  }
0x47: {  	_ =	shalt  }
0x48: {  	_ =	shalt  }
0x49: {  	_ =	shalt  }
0x4a: {  	_ =	shalt  }
0x4b: {  	_ =	shalt  }
0x4c: {  	_ =	shalt  }
0x4d: {  	_ =	shalt  }
0x4e: {  	_ =	shalt  }
0x4f: {  	_ =	shalt  }
0x50: {  	_ =	shalt  }
0x51: {  	_ =	shalt  }
0x52: {  	_ =	shalt  }
0x53: {  	_ =	shalt  }
0x54: {  	_ =	shalt  }
0x55: {  	_ =	shalt  }
0x56: {  	_ =	shalt  }
0x57: {  	_ =	shalt  }
0x58: {  	_ =	shalt  }
0x59: {  	_ =	shalt  }
0x5a: {  	_ =	shalt  }
0x5b: {  	_ =	shalt  }
0x5c: {  	_ =	shalt  }
0x5d: {  	_ =	shalt  }
0x5e: {  	_ =	shalt  }
0x5f: {  	_ =	shalt  }
0x60: {  	_ =	shalt  }
0x61: {  	_ =	shalt  }
0x62: {  	_ =	shalt  }
0x63: {  	_ =	shalt  }
0x64: {  	_ =	shalt  }
0x65: {  	_ =	shalt  }
0x66: {  	_ =	shalt  }
0x67: {  	_ =	shalt  }
0x68: {  	_ =	shalt  }
0x69: {  	_ =	shalt  }
0x6a: {  	_ =	shalt  }
0x6b: {  	_ =	shalt  }
0x6c: {  	_ =	shalt  }
0x6d: {  	_ =	shalt  }
0x6e: {  	_ =	shalt  }
0x6f: {  	_ =	shalt  }
0x70: {  	_ =	shalt  }
0x71: {  	_ =	shalt  }
0x72: {  	_ =	shalt  }
0x73: {  	_ =	shalt  }
0x74: {  	_ =	shalt  }
0x75: {  	_ =	shalt  }
0x76: {  	_ =	shalt  }
0x77: {  	_ =	shalt  }
0x78: {  	_ =	shalt  }
0x79: {  	_ =	shalt  }
0x7a: {  	_ =	shalt  }
0x7b: {  	_ =	shalt  }
0x7c: {  	_ =	shalt  }
0x7d: {  	_ =	shalt  }
0x7e: {  	_ =	shalt  }
0x7f: {  	_ =	shalt  }
0x80: {  	_ =	shalt  }
0x81: {  	_ =	shalt  }
0x82: {  	_ =	shalt  }
0x83: {  	_ =	shalt  }
0x84: {  	_ =	shalt  }
0x85: {  	_ =	shalt  }
0x86: {  	_ =	shalt  }
0x87: {  	_ =	shalt  }
.Lfunc_end0:
.L_simem_size_0:
called_computation.2_lowered:
.L_overlay_start_0:
0x88: {  	s2 =	sld [smem:$0x3FD9]  }
0x89: {  	s3 =	sld [smem:$0x3FFE];
	_ =	sdelay $0x1  }
0x8a: {  	s1 =	srdreg.scid  }
0x8b: {  	s0 =	sand.u32 $0x1, s1  }
0x8c: {  	s17 =	sshll.u32 s0, $0xA;
	s2 =	sadd.s32 s3, s2  }
0x8d: {  	s2 =	sadd.s32 s2, s17  }
0x8e: {  	[smem:$0x3FC0] =	sst s2  }
0x8f: {  	_ = 	snop  }
0x90: {  	s2 =	sld [smem:$0x3FC9];
	(tm) =	ssettm $0x1  }
0x91: {  	s18 =	sld [smem:$0x3FFB];
	_ =	sdelay $0x3  }
0x92: {  	_ =	strace s18  }
0x93: {  	s3 =	sld [smem:$0x3FFC];
	_ =	sdelay $0x3  }
0x94: {  	_ =	strace s3  }
0x95: {  	s3 =	sld [smem:$0x3FFD];
	_ =	sdelay $0x3  }
0x96: {  	_ =	strace s3  }
0x97: {  	_ =	strace $0x8FFFFFFF  }
0x98: {  	s19 =	sld [smem:$0x3FDB];
	_ =	sdelay $0x1  }
0x99: {  	s4 =	simm.s32 $_scs_section_size  }
0x9a: {  	s5 =	simm.s32 $_size__tile_overlayer_lowered;
	s6 =	simm.s32 $_tile_overlayer_lowered  }
0x9b: {  	s22 =	simm.s32 $0x1BFF;
	s21 =	sshll.u32 s6, $0x1;
	s3 =	sadd.s32 s4, s19  }
0x9c: {  	s7 =	simm.s32 $0x0;
	s20 =	sshll.u32 s5, $0x1;
	s5 =	sadd.s32 s21, s3  }
0x9d: {  	[timem:s7], [sflag:s22] =	dma.local [hbm:s5], s20  }
0x9e: {  	_ =	swait.ge [sflag:s22], s20  }
0x9f: {  	s4 =	ssub.s32 $0x0, s20;
	[sflag:s22] =	ssyncset.done $0x0  }
0xa0: {  	[sflag:s22] =	ssyncadd.s32 s4;
	_ =	sdelay $0x1  }
0xa1: {  	s23 =	simm.s32 $0x1B8B  }
0xa2: {  	_ =	swait.ge [sflag:s23], $0x1  }
0xa3: {  	[sflag:s23] =	ssyncset.done $0x0  }
0xa4: {  	s25 =	simm.s32 $0x1B8E;
	s24 =	sld [smem:$0x3FFE];
	[sflag:s23] =	ssyncadd.s32 $0xFFFFFFFF  }
0xa5: {  	s26 =	simm.s32 $execute0_lowered;
	[smem:$0x3FD2] =	sst s25  }
0xa6: {  	s5 =	sshll.u32 s26, $0x1;
	_ =	strace $0x80000049;
	[dreg:$0x1] =	wrdreg $0xFFFFFFFF  }
0xa7: {  	s28 =	simm.s32 $_size_execute0_lowered;
	s3 =	sadd.s32 s3, s5;
	[dreg:$0x0] =	wrdreg $0x0  }
0xa8: {  	s5 =	sshll.u32 s28, $0x1;
	[dreg:$0x2] =	wrdreg s3  }
0xa9: {  	[dreg:$0x3] =	wrdreg s5  }
0xaa: {  	[dreg:$0x4] =	wrdreg $0xC0  }
0xab: {  	_ =	task [dreg:s7], $0x5FFFF  }
0xac: {  	[dreg:$0x1] =	wrdreg $0xFFFFFFFF  }
0xad: {  	[dreg:$0x0] =	wrdreg $0x60  }
0xae: {  	[dreg:$0x2] =	wrdreg s2  }
0xaf: {  	[dreg:$0x3] =	wrdreg s24  }
0xb0: {  	[dreg:$0x4] =	wrdreg $0xA  }
0xb1: {  	_ =	task.clear_ibuf [dreg:s7], $0x5FFFF;
	_ =	strace $0x90000049  }
0xb2: {  	s29 =	simm.s32 $0xA;
	_ =	strace $0x8000004B  }
0xb3: {  	_ =	swait.ge [sflag:s29], $0x1  }
0xb4: {  	[sflag:s29] =	ssyncadd.s32 $0xFFFFFFFF  }
0xb5: {  	_ =	strace $0x9000004B  }
0xb6: {  	_ =	sfence  }
0xb7: {  	s30 =	sld [smem:$0x0];
	_ =	sdelay $0x2  }
0xb8: {  	s31 =	sshll.u32 s1, $0xD;
	s1 =	sshrl.u32 s1, $0x2  }
0xb9: {  	s3 =	sand.u32 $0x4000, s31;
	s1 =	sadd.s32 s1, s30  }
0xba: {  	s0 =	sor.u32 s3, s0;
	s1 =	sshll.u32 s1, $0x11  }
0xbb: {  	s0 =	sor.u32 s1, s0  }
0xbc: {  	s0 =	sadd.s32 $0x8F2B, s0  }
0xbd: {  	[sflag:s0] =	ssyncadd.remote.s32 $0x1  }
0xbe: {  	_ =	sfence.sel $0xFFFF  }
0xbf: {  	[dreg:$0x0] =	wrdreg $0xFFFFFFFF;
	(pc) =	sbr.abs _section_cstart, $3  }
0xc0: {  	[dreg:$0x1] =	wrdreg $0xFFFFFFFF  }
0xc1: {  	_ =	task.clear_ibuf [dreg:s7], $0x2FFFF;
	_ =	strace $0x9FFFFFFF  }
0xc2: {  	(tm) =	ssettm $0x7FFFFFFF  }
0xc3: {  	_ =	shalt  }
tec
execute0_lowered:
.L_overlay_start_1:
0x0: {  	(tag) =	ssettag $0x1  }
0x1: {  	s0 =	srdreg.scid  }
0x2: {  	s1 =	stileid.u32;
	s2 =	rddreg [dreg:$0x0]  }
0x3: {  	s4 =	rddreg [dreg:$0x1];
	s0 =	sand.u32 $0x1, s0;
	s1 =	sshll.u32 s1, $0x1  }
0x4: {  	s3 =	simm.s32 $0x0;
	s10 =	simm.s32 $0x1;
	s1 =	sor.u32 s0, s1  }
0x5: {  	s11 =	simm.s32 $0x4;
	s12 =	simm.s32 $0x2;
	s5 =	smul.u32 $0x21, s1  }
0x6: {  	s13 =	simm.s32 $0x5;
	[smem:$0x7FF] =	sst s3;
	s6 =	smul.u32 $0x42000, s1  }
0x7: {  	_ =	strace $0x8000004A;
	s1 =	smul.u32 $0x8400, s1;
	s5 =	sadd.s32 s5, s4  }
0x8: {  	s4 =	sadd.s32 $0x2800, s4;
	s6 =	sshrl.u32 s6, $0x3;
	s5 =	sadd.s32 $0xC00, s5  }
0x9: {  	s1 =	sadd.s32 s4, s1;
	s7 =	sadd.s32 s4, s6;
	[dreg:$0x3] =	wrdreg s5  }
0xa: {  	s14 =	simm.s32 $0x3;
	[dreg:$0x4] =	wrdreg s1;
	s20 =	sadd.s32 $0xC00, s7  }
0xb: {  	s15 =	simm.s32 $0x6;
	s21 =	sadd.s32 $0x1800, s7;
	[dreg:$0x5] =	wrdreg s20  }
0xc: {  	s0 =	ssub.s32 $0x2, s0;
	s22 =	sadd.s32 $0x2400, s7;
	[dreg:$0x6] =	wrdreg s21  }
0xd: {  	s25 =	sshrl.u32 s0, $0x1;
	s23 =	sadd.s32 $0x3000, s7;
	[dreg:$0x7] =	wrdreg s22  }
0xe: {  	s0 =	ssub.s32 s0, s25;
	s24 =	sadd.s32 $0x3C00, s7;
	[dreg:$0x8] =	wrdreg s23  }
0xf: {  	s25 =	simm.s32 $0x11180;
	s26 =	sadd.s32 $0x4800, s7;
	[dreg:$0x9] =	wrdreg s24  }
0x10: {  	s4 =	sadd.s32 $0x100, s2;
	s28 =	sadd.s32 $0x5400, s7;
	[dreg:$0xa] =	wrdreg s26  }
0x11: {  	s6 =	sadd.s32 $0x300, s2;
	s29 =	sadd.s32 $0x6000, s7;
	[dreg:$0xb] =	wrdreg s28  }
0x12: {  	s5 =	sadd.s32 $0x200, s2;
	s30 =	sadd.s32 $0x6C00, s7;
	[dreg:$0xc] =	wrdreg s29  }
0x13: {  	v2 =	vlaneseq.u32;
	s31 =	sadd.s32 $0x7800, s7;
	s7 =	smax.u32 s0, $0x1;
	[dreg:$0xd] =	wrdreg s30  }
0x14: {  	vm0 =	vmmov $0xffff;
	v1 =	vshrl.u32 v2, $0x3;
	[dreg:$0xe] =	wrdreg s31;
	s22 =	simm.s32 $0x180;
	s21 =	simm.s32 $0x6180  }
0x15: {  	v0 =	vand.u32 $0x7, v2;
	v2 =	vor.u32 $0x8, v2;
	v1 =	vmul.u32 $0x8, v1;
	s23 =	simm.s32 $0x10180;
	s24 =	simm.s32 $0x10980;
	s26 =	simm.s32 $0x11980  }
.LBB2_1:
0x16: {  	s16 =	rddreg [dreg:$0x3];
	s20 =	simm.s32 $0x7  }
0x17: {  	[tilespmem:s3], [sflag:$0x7] =	stream.linear.gather [hbm4b:s16+s3], $0x108, $0x38;
	[tilespmem:$0x12180] =	vst v63  }
0x18: {  	_ =	swait.ge [sflag:s20], $0x108  }
0x19: {  	[sflag:s20] =	ssyncset.done $0x0  }
0x1a: {  	[sflag:s20] =	ssyncadd.s32 $0xFFFFFEF8  }
0x1b: {  	v3 =	vld [tilespmem:$0x0];
	_ =	sdelay $0x4  }
0x1c: {  	v4 =	vshll.u32 v3, $0x3  }
0x1d: {  	v3 =	vand.u32 $0x7, v3;
	v4 =	vand.u32 $0xFFFFFFC0, v4  }
0x1e: {  	v3 =	vor.u32 v3, v4  }
0x1f: {  	v4 =	vperm.xlane v3, v0;
	_ =	sdelay $0x1  }
0x20: {  	v4 =	vadd.s32 v1, v4;
	_ =	sdelay $0x4  }
0x21: {  	[tilespmem:s22], [sflag:$0x1] =	stream.indirect_vreg.gather [hbm4b:s2+s3], $0x80, v4, vm0, $0xb8;
	[tilespmem:$0x12180] =	vst v63  }
0x22: {  	s0 =	simm.s32 $0x980;
	v3 =	vperm.xlane v3, v2  }
0x23: {  	[tilespmem:s0], [sflag:$0x1] =	stream.indirect_vreg.gather [hbm4b:s4+s3], $0x80, v4, vm0, $0xb8;
	[tilespmem:$0x12180] =	vst v63  }
0x24: {  	s28 =	simm.s32 $0x1180;
	v3 =	vadd.s32 v1, v3  }
0x25: {  	[tilespmem:s28], [sflag:$0x1] =	stream.indirect_vreg.gather [hbm4b:s5+s3], $0x80, v4, vm0, $0xb8;
	[tilespmem:$0x12180] =	vst v63  }
0x26: {  	s29 =	simm.s32 $0x1980  }
0x27: {  	[tilespmem:s29], [sflag:$0x1] =	stream.indirect_vreg.gather [hbm4b:s6+s3], $0x80, v4, vm0, $0xb8;
	[tilespmem:$0x12180] =	vst v63  }
0x28: {  	s30 =	simm.s32 $0x2180  }
0x29: {  	[tilespmem:s30], [sflag:$0x1] =	stream.indirect_vreg.gather [hbm4b:s2+s3], $0x80, v3, vm0, $0xb8;
	[tilespmem:$0x12180] =	vst v63  }
0x2a: {  	s31 =	simm.s32 $0x2980  }
0x2b: {  	[tilespmem:s31], [sflag:$0x1] =	stream.indirect_vreg.gather [hbm4b:s4+s3], $0x80, v3, vm0, $0xb8;
	[tilespmem:$0x12180] =	vst v63  }
0x2c: {  	s1 =	simm.s32 $0x3180  }
0x2d: {  	[tilespmem:s1], [sflag:$0x1] =	stream.indirect_vreg.gather [hbm4b:s5+s3], $0x80, v3, vm0, $0xb8;
	[tilespmem:$0x12180] =	vst v63  }
0x2e: {  	s8 =	simm.s32 $0x3980  }
0x2f: {  	[tilespmem:s8], [sflag:$0x1] =	stream.indirect_vreg.gather [hbm4b:s6+s3], $0x80, v3, vm0, $0xb8;
	[tilespmem:$0x12180] =	vst v63  }
0x30: {  	v3 =	vld.msk [tilespmem:$0x10], $0xff;
	_ =	sdelay $0x4  }
0x31: {  	v43 =	vshll.u32 v3, $0x3  }
0x32: {  	v3 =	vand.u32 $0x7, v3;
	v4 =	vand.u32 $0xFFFFFFC0, v43  }
0x33: {  	v3 =	vor.u32 v3, v4  }
0x34: {  	v3 =	vperm.xlane v3, v0;
	_ =	sdelay $0x1  }
0x35: {  	v3 =	vadd.s32 v1, v3;
	_ =	sdelay $0x3  }
0x36: {  	s16 =	simm.s32 $0x4180  }
0x37: {  	[tilespmem:s16], [sflag:$0x1] =	stream.indirect_vreg.gather [hbm4b:s2+s3], $0x80, v3, vm0, $0xb8;
	[tilespmem:$0x12180] =	vst v63  }
0x38: {  	s20 =	simm.s32 $0x4980  }
0x39: {  	[tilespmem:s20], [sflag:$0x1] =	stream.indirect_vreg.gather [hbm4b:s4+s3], $0x80, v3, vm0, $0xb8;
	[tilespmem:$0x12180] =	vst v63  }
0x3a: {  	s1 =	simm.s32 $0x5180  }
0x3b: {  	[tilespmem:s1], [sflag:$0x1] =	stream.indirect_vreg.gather [hbm4b:s5+s3], $0x80, v3, vm0, $0xb8;
	[tilespmem:$0x12180] =	vst v63  }
0x3c: {  	s8 =	simm.s32 $0x5980  }
0x3d: {  	[tilespmem:s8], [sflag:$0x1] =	stream.indirect_vreg.gather [hbm4b:s6+s3], $0x80, v3, vm0, $0xb8;
	[tilespmem:$0x12180] =	vst v63  }
0x3e: {  	v3 =	vld [tilespmem:$0x18];
	_ =	sdelay $0x4  }
0x3f: {  	v44 =	vshll.u32 v3, $0x3  }
0x40: {  	v3 =	vand.u32 $0x7, v3;
	v4 =	vand.u32 $0xFFFFFFC0, v44  }
0x41: {  	v3 =	vor.u32 v3, v4  }
0x42: {  	v4 =	vperm.xlane v3, v0;
	_ =	sdelay $0x1  }
0x43: {  	v4 =	vadd.s32 v1, v4;
	_ =	sdelay $0x4  }
0x44: {  	[tilespmem:s21], [sflag:$0x2] =	stream.indirect_vreg.gather [hbm4b:s2+s3], $0x80, v4, vm0, $0xb8;
	[tilespmem:$0x12180] =	vst v63  }
0x45: {  	s16 =	simm.s32 $0x6980;
	v3 =	vperm.xlane v3, v2  }
0x46: {  	[tilespmem:s16], [sflag:$0x2] =	stream.indirect_vreg.gather [hbm4b:s4+s3], $0x80, v4, vm0, $0xb8;
	[tilespmem:$0x12180] =	vst v63  }
0x47: {  	s20 =	simm.s32 $0x7180;
	v3 =	vadd.s32 v1, v3  }
0x48: {  	[tilespmem:s20], [sflag:$0x2] =	stream.indirect_vreg.gather [hbm4b:s5+s3], $0x80, v4, vm0, $0xb8;
	[tilespmem:$0x12180] =	vst v63  }
0x49: {  	s8 =	simm.s32 $0x7980  }
0x4a: {  	[tilespmem:s8], [sflag:$0x2] =	stream.indirect_vreg.gather [hbm4b:s6+s3], $0x80, v4, vm0, $0xb8;
	[tilespmem:$0x12180] =	vst v63  }
0x4b: {  	s16 =	simm.s32 $0x8180  }
0x4c: {  	[tilespmem:s16], [sflag:$0x2] =	stream.indirect_vreg.gather [hbm4b:s2+s3], $0x80, v3, vm0, $0xb8;
	[tilespmem:$0x12180] =	vst v63  }
0x4d: {  	s20 =	simm.s32 $0x8980  }
0x4e: {  	[tilespmem:s20], [sflag:$0x2] =	stream.indirect_vreg.gather [hbm4b:s4+s3], $0x80, v3, vm0, $0xb8;
	[tilespmem:$0x12180] =	vst v63  }
0x4f: {  	s8 =	simm.s32 $0x9180  }
0x50: {  	[tilespmem:s8], [sflag:$0x2] =	stream.indirect_vreg.gather [hbm4b:s5+s3], $0x80, v3, vm0, $0xb8;
	[tilespmem:$0x12180] =	vst v63  }
0x51: {  	s16 =	simm.s32 $0x9980  }
0x52: {  	[tilespmem:s16], [sflag:$0x2] =	stream.indirect_vreg.gather [hbm4b:s6+s3], $0x80, v3, vm0, $0xb8;
	[tilespmem:$0x12180] =	vst v63  }
0x53: {  	v3 =	vld.msk [tilespmem:$0x28], $0xff;
	_ =	sdelay $0x4  }
0x54: {  	v45 =	vshll.u32 v3, $0x3  }
0x55: {  	v3 =	vand.u32 $0x7, v3;
	v4 =	vand.u32 $0xFFFFFFC0, v45  }
0x56: {  	v3 =	vor.u32 v3, v4  }
0x57: {  	v3 =	vperm.xlane v3, v0;
	_ =	sdelay $0x1  }
0x58: {  	v3 =	vadd.s32 v1, v3;
	_ =	sdelay $0x3  }
0x59: {  	s20 =	simm.s32 $0xA180  }
0x5a: {  	[tilespmem:s20], [sflag:$0x2] =	stream.indirect_vreg.gather [hbm4b:s2+s3], $0x80, v3, vm0, $0xb8;
	[tilespmem:$0x12180] =	vst v63  }
0x5b: {  	s16 =	simm.s32 $0xA980  }
0x5c: {  	[tilespmem:s16], [sflag:$0x2] =	stream.indirect_vreg.gather [hbm4b:s4+s3], $0x80, v3, vm0, $0xb8;
	[tilespmem:$0x12180] =	vst v63  }
0x5d: {  	s20 =	simm.s32 $0xB180  }
0x5e: {  	[tilespmem:s20], [sflag:$0x2] =	stream.indirect_vreg.gather [hbm4b:s5+s3], $0x80, v3, vm0, $0xb8;
	[tilespmem:$0x12180] =	vst v63  }
0x5f: {  	s16 =	simm.s32 $0xB980  }
0x60: {  	[tilespmem:s16], [sflag:$0x2] =	stream.indirect_vreg.gather [hbm4b:s6+s3], $0x80, v3, vm0, $0xb8;
	[tilespmem:$0x12180] =	vst v63  }
0x61: {  	v3 =	vld [tilespmem:$0x30];
	_ =	sdelay $0x4  }
0x62: {  	v46 =	vshll.u32 v3, $0x3  }
0x63: {  	v3 =	vand.u32 $0x7, v3;
	v4 =	vand.u32 $0xFFFFFFC0, v46  }
0x64: {  	v3 =	vor.u32 v3, v4  }
0x65: {  	v4 =	vperm.xlane v3, v0;
	_ =	sdelay $0x1  }
0x66: {  	v4 =	vadd.s32 v1, v4;
	_ =	sdelay $0x3  }
0x67: {  	s0 =	simm.s32 $0xC180  }
0x68: {  	[tilespmem:s0], [sflag:$0x3] =	stream.indirect_vreg.gather [hbm4b:s2+s3], $0x80, v4, vm0, $0xb8;
	[tilespmem:$0x12180] =	vst v63  }
0x69: {  	s20 =	simm.s32 $0xC980;
	v3 =	vperm.xlane v3, v2  }
0x6a: {  	[tilespmem:s20], [sflag:$0x3] =	stream.indirect_vreg.gather [hbm4b:s4+s3], $0x80, v4, vm0, $0xb8;
	[tilespmem:$0x12180] =	vst v63  }
0x6b: {  	v3 =	vadd.s32 v1, v3;
	s20 =	simm.s32 $0xD180  }
0x6c: {  	[tilespmem:s20], [sflag:$0x3] =	stream.indirect_vreg.gather [hbm4b:s5+s3], $0x80, v4, vm0, $0xb8;
	[tilespmem:$0x12180] =	vst v63  }
0x6d: {  	s20 =	simm.s32 $0xD980  }
0x6e: {  	[tilespmem:s20], [sflag:$0x3] =	stream.indirect_vreg.gather [hbm4b:s6+s3], $0x80, v4, vm0, $0xb8;
	[tilespmem:$0x12180] =	vst v63  }
0x6f: {  	s20 =	simm.s32 $0xE180  }
0x70: {  	[tilespmem:s20], [sflag:$0x3] =	stream.indirect_vreg.gather [hbm4b:s2+s3], $0x80, v3, vm0, $0xb8;
	[tilespmem:$0x12180] =	vst v63  }
0x71: {  	s20 =	simm.s32 $0xE980  }
0x72: {  	[tilespmem:s20], [sflag:$0x3] =	stream.indirect_vreg.gather [hbm4b:s4+s3], $0x80, v3, vm0, $0xb8;
	[tilespmem:$0x12180] =	vst v63  }
0x73: {  	s20 =	simm.s32 $0xF180  }
0x74: {  	[tilespmem:s20], [sflag:$0x3] =	stream.indirect_vreg.gather [hbm4b:s5+s3], $0x80, v3, vm0, $0xb8;
	[tilespmem:$0x12180] =	vst v63  }
0x75: {  	s20 =	simm.s32 $0xF980  }
0x76: {  	[tilespmem:s20], [sflag:$0x3] =	stream.indirect_vreg.gather [hbm4b:s6+s3], $0x80, v3, vm0, $0xb8;
	[tilespmem:$0x12180] =	vst v63  }
0x77: {  	v3 =	vld.msk [tilespmem:$0x40], $0xff;
	_ =	sdelay $0x4  }
0x78: {  	v47 =	vshll.u32 v3, $0x3  }
0x79: {  	v3 =	vand.u32 $0x7, v3;
	v4 =	vand.u32 $0xFFFFFFC0, v47  }
0x7a: {  	v3 =	vor.u32 v3, v4  }
0x7b: {  	v3 =	vperm.xlane v3, v0;
	_ =	sdelay $0x1  }
0x7c: {  	v3 =	vadd.s32 v1, v3;
	_ =	sdelay $0x4  }
0x7d: {  	[tilespmem:s23], [sflag:$0x3] =	stream.indirect_vreg.gather [hbm4b:s2+s3], $0x80, v3, vm0, $0xb8;
	[tilespmem:$0x12180] =	vst v63  }
0x7e: {  	_ = 	snop  }
0x7f: {  	[tilespmem:s24], [sflag:$0x3] =	stream.indirect_vreg.gather [hbm4b:s4+s3], $0x80, v3, vm0, $0xb8;
	[tilespmem:$0x12180] =	vst v63  }
0x80: {  	_ = 	snop  }
0x81: {  	[tilespmem:s25], [sflag:$0x3] =	stream.indirect_vreg.gather [hbm4b:s5+s3], $0x80, v3, vm0, $0xb8;
	[tilespmem:$0x12180] =	vst v63  }
0x82: {  	_ = 	snop  }
0x83: {  	[tilespmem:s26], [sflag:$0x3] =	stream.indirect_vreg.gather [hbm4b:s6+s3], $0x80, v3, vm0, $0xb8;
	[tilespmem:$0x12180] =	vst v63  }
0x84: {  	_ =	swait.ge [sflag:s10], $0x6000  }
0x85: {  	[sflag:s10] =	ssyncset.done $0x0  }
0x86: {  	s20 =	rddreg [dreg:$0x4];
	[sflag:s10] =	ssyncadd.s32 $0xFFFFA000  }
0x87: {  	[hbm4b:s20+s3] =	stream.linear.scatter [tilespmem:s22], [sflag:$0x4], $0x6000, $0x38;
	[tilespmem:$0x12180] =	vst v63  }
0x88: {  	_ =	swait.ge [sflag:s11], $0x6000  }
0x89: {  	[sflag:s11] =	ssyncset.done $0x0  }
0x8a: {  	[sflag:s11] =	ssyncadd.s32 $0xFFFFA000  }
0x8b: {  	v3 =	vld [tilespmem:$0x48];
	_ =	sdelay $0x4  }
0x8c: {  	v48 =	vshll.u32 v3, $0x3  }
0x8d: {  	v3 =	vand.u32 $0x7, v3;
	v4 =	vand.u32 $0xFFFFFFC0, v48  }
0x8e: {  	v3 =	vor.u32 v3, v4  }
0x8f: {  	v4 =	vperm.xlane v3, v0;
	_ =	sdelay $0x1  }
0x90: {  	v4 =	vadd.s32 v1, v4;
	_ =	sdelay $0x4  }
0x91: {  	[tilespmem:s22], [sflag:$0x1] =	stream.indirect_vreg.gather [hbm4b:s2+s3], $0x80, v4, vm0, $0xb8;
	[tilespmem:$0x12180] =	vst v63  }
0x92: {  	s18 =	simm.s32 $0x980;
	v3 =	vperm.xlane v3, v2  }
0x93: {  	[tilespmem:s18], [sflag:$0x1] =	stream.indirect_vreg.gather [hbm4b:s4+s3], $0x80, v4, vm0, $0xb8;
	[tilespmem:$0x12180] =	vst v63  }
0x94: {  	s9 =	simm.s32 $0x1180;
	v3 =	vadd.s32 v1, v3  }
0x95: {  	[tilespmem:s9], [sflag:$0x1] =	stream.indirect_vreg.gather [hbm4b:s5+s3], $0x80, v4, vm0, $0xb8;
	[tilespmem:$0x12180] =	vst v63  }
0x96: {  	s17 =	simm.s32 $0x1980  }
0x97: {  	[tilespmem:s17], [sflag:$0x1] =	stream.indirect_vreg.gather [hbm4b:s6+s3], $0x80, v4, vm0, $0xb8;
	[tilespmem:$0x12180] =	vst v63  }
0x98: {  	s28 =	simm.s32 $0x2180  }
0x99: {  	[tilespmem:s28], [sflag:$0x1] =	stream.indirect_vreg.gather [hbm4b:s2+s3], $0x80, v3, vm0, $0xb8;
	[tilespmem:$0x12180] =	vst v63  }
0x9a: {  	s29 =	simm.s32 $0x2980  }
0x9b: {  	[tilespmem:s29], [sflag:$0x1] =	stream.indirect_vreg.gather [hbm4b:s4+s3], $0x80, v3, vm0, $0xb8;
	[tilespmem:$0x12180] =	vst v63  }
0x9c: {  	s30 =	simm.s32 $0x3180  }
0x9d: {  	[tilespmem:s30], [sflag:$0x1] =	stream.indirect_vreg.gather [hbm4b:s5+s3], $0x80, v3, vm0, $0xb8;
	[tilespmem:$0x12180] =	vst v63  }
0x9e: {  	s19 =	simm.s32 $0x3980  }
0x9f: {  	[tilespmem:s19], [sflag:$0x1] =	stream.indirect_vreg.gather [hbm4b:s6+s3], $0x80, v3, vm0, $0xb8;
	[tilespmem:$0x12180] =	vst v63  }
0xa0: {  	v3 =	vld.msk [tilespmem:$0x58], $0xff;
	_ =	sdelay $0x4  }
0xa1: {  	v49 =	vshll.u32 v3, $0x3  }
0xa2: {  	v3 =	vand.u32 $0x7, v3;
	v4 =	vand.u32 $0xFFFFFFC0, v49  }
0xa3: {  	v3 =	vor.u32 v3, v4  }
0xa4: {  	v3 =	vperm.xlane v3, v0;
	_ =	sdelay $0x1  }
0xa5: {  	v3 =	vadd.s32 v1, v3;
	_ =	sdelay $0x3  }
0xa6: {  	s31 =	simm.s32 $0x4180  }
0xa7: {  	[tilespmem:s31], [sflag:$0x1] =	stream.indirect_vreg.gather [hbm4b:s2+s3], $0x80, v3, vm0, $0xb8;
	[tilespmem:$0x12180] =	vst v63  }
0xa8: {  	s18 =	simm.s32 $0x4980  }
0xa9: {  	[tilespmem:s18], [sflag:$0x1] =	stream.indirect_vreg.gather [hbm4b:s4+s3], $0x80, v3, vm0, $0xb8;
	[tilespmem:$0x12180] =	vst v63  }
0xaa: {  	s19 =	simm.s32 $0x5180  }
0xab: {  	[tilespmem:s19], [sflag:$0x1] =	stream.indirect_vreg.gather [hbm4b:s5+s3], $0x80, v3, vm0, $0xb8;
	[tilespmem:$0x12180] =	vst v63  }
0xac: {  	s20 =	simm.s32 $0x5980  }
0xad: {  	[tilespmem:s20], [sflag:$0x1] =	stream.indirect_vreg.gather [hbm4b:s6+s3], $0x80, v3, vm0, $0xb8;
	[tilespmem:$0x12180] =	vst v63  }
0xae: {  	_ =	swait.ge [sflag:s12], $0x6000  }
0xaf: {  	[sflag:s12] =	ssyncset.done $0x0  }
0xb0: {  	s17 =	rddreg [dreg:$0x5];
	[sflag:s12] =	ssyncadd.s32 $0xFFFFA000  }
0xb1: {  	[hbm4b:s17+s3] =	stream.linear.scatter [tilespmem:s21], [sflag:$0x5], $0x6000, $0x38;
	[tilespmem:$0x12180] =	vst v63  }
0xb2: {  	_ =	swait.ge [sflag:s13], $0x6000  }
0xb3: {  	[sflag:s13] =	ssyncset.done $0x0  }
0xb4: {  	[sflag:s13] =	ssyncadd.s32 $0xFFFFA000  }
0xb5: {  	v3 =	vld [tilespmem:$0x60];
	_ =	sdelay $0x4  }
0xb6: {  	v50 =	vshll.u32 v3, $0x3  }
0xb7: {  	v3 =	vand.u32 $0x7, v3;
	v4 =	vand.u32 $0xFFFFFFC0, v50  }
0xb8: {  	v3 =	vor.u32 v3, v4  }
0xb9: {  	v4 =	vperm.xlane v3, v0;
	_ =	sdelay $0x1  }
0xba: {  	v4 =	vadd.s32 v1, v4;
	_ =	sdelay $0x4  }
0xbb: {  	[tilespmem:s21], [sflag:$0x2] =	stream.indirect_vreg.gather [hbm4b:s2+s3], $0x80, v4, vm0, $0xb8;
	[tilespmem:$0x12180] =	vst v63  }
0xbc: {  	s1 =	simm.s32 $0x6980;
	v3 =	vperm.xlane v3, v2  }
0xbd: {  	[tilespmem:s1], [sflag:$0x2] =	stream.indirect_vreg.gather [hbm4b:s4+s3], $0x80, v4, vm0, $0xb8;
	[tilespmem:$0x12180] =	vst v63  }
0xbe: {  	s9 =	simm.s32 $0x7180;
	v3 =	vadd.s32 v1, v3  }
0xbf: {  	[tilespmem:s9], [sflag:$0x2] =	stream.indirect_vreg.gather [hbm4b:s5+s3], $0x80, v4, vm0, $0xb8;
	[tilespmem:$0x12180] =	vst v63  }
0xc0: {  	s28 =	simm.s32 $0x7980  }
0xc1: {  	[tilespmem:s28], [sflag:$0x2] =	stream.indirect_vreg.gather [hbm4b:s6+s3], $0x80, v4, vm0, $0xb8;
	[tilespmem:$0x12180] =	vst v63  }
0xc2: {  	s29 =	simm.s32 $0x8180  }
0xc3: {  	[tilespmem:s29], [sflag:$0x2] =	stream.indirect_vreg.gather [hbm4b:s2+s3], $0x80, v3, vm0, $0xb8;
	[tilespmem:$0x12180] =	vst v63  }
0xc4: {  	s30 =	simm.s32 $0x8980  }
0xc5: {  	[tilespmem:s30], [sflag:$0x2] =	stream.indirect_vreg.gather [hbm4b:s4+s3], $0x80, v3, vm0, $0xb8;
	[tilespmem:$0x12180] =	vst v63  }
0xc6: {  	s31 =	simm.s32 $0x9180  }
0xc7: {  	[tilespmem:s31], [sflag:$0x2] =	stream.indirect_vreg.gather [hbm4b:s5+s3], $0x80, v3, vm0, $0xb8;
	[tilespmem:$0x12180] =	vst v63  }
0xc8: {  	s8 =	simm.s32 $0x9980  }
0xc9: {  	[tilespmem:s8], [sflag:$0x2] =	stream.indirect_vreg.gather [hbm4b:s6+s3], $0x80, v3, vm0, $0xb8;
	[tilespmem:$0x12180] =	vst v63  }
0xca: {  	v3 =	vld.msk [tilespmem:$0x70], $0xff;
	_ =	sdelay $0x4  }
0xcb: {  	v51 =	vshll.u32 v3, $0x3  }
0xcc: {  	v3 =	vand.u32 $0x7, v3;
	v4 =	vand.u32 $0xFFFFFFC0, v51  }
0xcd: {  	v3 =	vor.u32 v3, v4  }
0xce: {  	v3 =	vperm.xlane v3, v0;
	_ =	sdelay $0x1  }
0xcf: {  	v3 =	vadd.s32 v1, v3;
	_ =	sdelay $0x3  }
0xd0: {  	s1 =	simm.s32 $0xA180  }
0xd1: {  	[tilespmem:s1], [sflag:$0x2] =	stream.indirect_vreg.gather [hbm4b:s2+s3], $0x80, v3, vm0, $0xb8;
	[tilespmem:$0x12180] =	vst v63  }
0xd2: {  	s8 =	simm.s32 $0xA980  }
0xd3: {  	[tilespmem:s8], [sflag:$0x2] =	stream.indirect_vreg.gather [hbm4b:s4+s3], $0x80, v3, vm0, $0xb8;
	[tilespmem:$0x12180] =	vst v63  }
0xd4: {  	s17 =	simm.s32 $0xB180  }
0xd5: {  	[tilespmem:s17], [sflag:$0x2] =	stream.indirect_vreg.gather [hbm4b:s5+s3], $0x80, v3, vm0, $0xb8;
	[tilespmem:$0x12180] =	vst v63  }
0xd6: {  	s16 =	simm.s32 $0xB980  }
0xd7: {  	[tilespmem:s16], [sflag:$0x2] =	stream.indirect_vreg.gather [hbm4b:s6+s3], $0x80, v3, vm0, $0xb8;
	[tilespmem:$0x12180] =	vst v63  }
0xd8: {  	_ =	swait.ge [sflag:s14], $0x6000  }
0xd9: {  	[sflag:s14] =	ssyncset.done $0x0  }
0xda: {  	s16 =	rddreg [dreg:$0x6];
	[sflag:s14] =	ssyncadd.s32 $0xFFFFA000  }
0xdb: {  	[hbm4b:s16+s3] =	stream.linear.scatter [tilespmem:s0], [sflag:$0x6], $0x6000, $0x38;
	[tilespmem:$0x12180] =	vst v63  }
0xdc: {  	_ =	swait.ge [sflag:s15], $0x6000  }
0xdd: {  	[sflag:s15] =	ssyncset.done $0x0  }
0xde: {  	[sflag:s15] =	ssyncadd.s32 $0xFFFFA000  }
0xdf: {  	v3 =	vld [tilespmem:$0x78];
	_ =	sdelay $0x4  }
0xe0: {  	v52 =	vshll.u32 v3, $0x3  }
0xe1: {  	v3 =	vand.u32 $0x7, v3;
	v4 =	vand.u32 $0xFFFFFFC0, v52  }
0xe2: {  	v3 =	vor.u32 v3, v4  }
0xe3: {  	v4 =	vperm.xlane v3, v0;
	_ =	sdelay $0x1  }
0xe4: {  	v4 =	vadd.s32 v1, v4;
	_ =	sdelay $0x4  }
0xe5: {  	[tilespmem:s0], [sflag:$0x3] =	stream.indirect_vreg.gather [hbm4b:s2+s3], $0x80, v4, vm0, $0xb8;
	[tilespmem:$0x12180] =	vst v63  }
0xe6: {  	s16 =	simm.s32 $0xC980;
	v3 =	vperm.xlane v3, v2  }
0xe7: {  	[tilespmem:s16], [sflag:$0x3] =	stream.indirect_vreg.gather [hbm4b:s4+s3], $0x80, v4, vm0, $0xb8;
	[tilespmem:$0x12180] =	vst v63  }
0xe8: {  	v3 =	vadd.s32 v1, v3;
	s16 =	simm.s32 $0xD180  }
0xe9: {  	[tilespmem:s16], [sflag:$0x3] =	stream.indirect_vreg.gather [hbm4b:s5+s3], $0x80, v4, vm0, $0xb8;
	[tilespmem:$0x12180] =	vst v63  }
0xea: {  	s16 =	simm.s32 $0xD980  }
0xeb: {  	[tilespmem:s16], [sflag:$0x3] =	stream.indirect_vreg.gather [hbm4b:s6+s3], $0x80, v4, vm0, $0xb8;
	[tilespmem:$0x12180] =	vst v63  }
0xec: {  	s16 =	simm.s32 $0xE180  }
0xed: {  	[tilespmem:s16], [sflag:$0x3] =	stream.indirect_vreg.gather [hbm4b:s2+s3], $0x80, v3, vm0, $0xb8;
	[tilespmem:$0x12180] =	vst v63  }
0xee: {  	s16 =	simm.s32 $0xE980  }
0xef: {  	[tilespmem:s16], [sflag:$0x3] =	stream.indirect_vreg.gather [hbm4b:s4+s3], $0x80, v3, vm0, $0xb8;
	[tilespmem:$0x12180] =	vst v63  }
0xf0: {  	s16 =	simm.s32 $0xF180  }
0xf1: {  	[tilespmem:s16], [sflag:$0x3] =	stream.indirect_vreg.gather [hbm4b:s5+s3], $0x80, v3, vm0, $0xb8;
	[tilespmem:$0x12180] =	vst v63  }
0xf2: {  	s16 =	simm.s32 $0xF980  }
0xf3: {  	[tilespmem:s16], [sflag:$0x3] =	stream.indirect_vreg.gather [hbm4b:s6+s3], $0x80, v3, vm0, $0xb8;
	[tilespmem:$0x12180] =	vst v63  }
0xf4: {  	v3 =	vld.msk [tilespmem:$0x88], $0xff;
	_ =	sdelay $0x4  }
0xf5: {  	v53 =	vshll.u32 v3, $0x3  }
0xf6: {  	v3 =	vand.u32 $0x7, v3;
	v4 =	vand.u32 $0xFFFFFFC0, v53  }
0xf7: {  	v3 =	vor.u32 v3, v4  }
0xf8: {  	v3 =	vperm.xlane v3, v0;
	_ =	sdelay $0x1  }
0xf9: {  	v3 =	vadd.s32 v1, v3;
	_ =	sdelay $0x4  }
0xfa: {  	[tilespmem:s23], [sflag:$0x3] =	stream.indirect_vreg.gather [hbm4b:s2+s3], $0x80, v3, vm0, $0xb8;
	[tilespmem:$0x12180] =	vst v63  }
0xfb: {  	_ = 	snop  }
0xfc: {  	[tilespmem:s24], [sflag:$0x3] =	stream.indirect_vreg.gather [hbm4b:s4+s3], $0x80, v3, vm0, $0xb8;
	[tilespmem:$0x12180] =	vst v63  }
0xfd: {  	_ = 	snop  }
0xfe: {  	[tilespmem:s25], [sflag:$0x3] =	stream.indirect_vreg.gather [hbm4b:s5+s3], $0x80, v3, vm0, $0xb8;
	[tilespmem:$0x12180] =	vst v63  }
0xff: {  	_ = 	snop  }
0x100: {  	[tilespmem:s26], [sflag:$0x3] =	stream.indirect_vreg.gather [hbm4b:s6+s3], $0x80, v3, vm0, $0xb8;
	[tilespmem:$0x12180] =	vst v63  }
0x101: {  	_ =	swait.ge [sflag:s10], $0x6000  }
0x102: {  	[sflag:s10] =	ssyncset.done $0x0  }
0x103: {  	s16 =	rddreg [dreg:$0x7];
	[sflag:s10] =	ssyncadd.s32 $0xFFFFA000  }
0x104: {  	[hbm4b:s16+s3] =	stream.linear.scatter [tilespmem:s22], [sflag:$0x4], $0x6000, $0x38;
	[tilespmem:$0x12180] =	vst v63  }
0x105: {  	_ =	swait.ge [sflag:s11], $0x6000  }
0x106: {  	[sflag:s11] =	ssyncset.done $0x0  }
0x107: {  	[sflag:s11] =	ssyncadd.s32 $0xFFFFA000  }
0x108: {  	v3 =	vld [tilespmem:$0x90];
	_ =	sdelay $0x4  }
0x109: {  	v54 =	vshll.u32 v3, $0x3  }
0x10a: {  	v3 =	vand.u32 $0x7, v3;
	v4 =	vand.u32 $0xFFFFFFC0, v54  }
0x10b: {  	v3 =	vor.u32 v3, v4  }
0x10c: {  	v4 =	vperm.xlane v3, v0;
	_ =	sdelay $0x1  }
0x10d: {  	v4 =	vadd.s32 v1, v4;
	_ =	sdelay $0x4  }
0x10e: {  	[tilespmem:s22], [sflag:$0x1] =	stream.indirect_vreg.gather [hbm4b:s2+s3], $0x80, v4, vm0, $0xb8;
	[tilespmem:$0x12180] =	vst v63  }
0x10f: {  	s16 =	simm.s32 $0x980;
	v3 =	vperm.xlane v3, v2  }
0x110: {  	[tilespmem:s16], [sflag:$0x1] =	stream.indirect_vreg.gather [hbm4b:s4+s3], $0x80, v4, vm0, $0xb8;
	[tilespmem:$0x12180] =	vst v63  }
0x111: {  	v3 =	vadd.s32 v1, v3;
	s16 =	simm.s32 $0x1180  }
0x112: {  	[tilespmem:s16], [sflag:$0x1] =	stream.indirect_vreg.gather [hbm4b:s5+s3], $0x80, v4, vm0, $0xb8;
	[tilespmem:$0x12180] =	vst v63  }
0x113: {  	s16 =	simm.s32 $0x1980  }
0x114: {  	[tilespmem:s16], [sflag:$0x1] =	stream.indirect_vreg.gather [hbm4b:s6+s3], $0x80, v4, vm0, $0xb8;
	[tilespmem:$0x12180] =	vst v63  }
0x115: {  	s16 =	simm.s32 $0x2180  }
0x116: {  	[tilespmem:s16], [sflag:$0x1] =	stream.indirect_vreg.gather [hbm4b:s2+s3], $0x80, v3, vm0, $0xb8;
	[tilespmem:$0x12180] =	vst v63  }
0x117: {  	s16 =	simm.s32 $0x2980  }
0x118: {  	[tilespmem:s16], [sflag:$0x1] =	stream.indirect_vreg.gather [hbm4b:s4+s3], $0x80, v3, vm0, $0xb8;
	[tilespmem:$0x12180] =	vst v63  }
0x119: {  	s16 =	simm.s32 $0x3180  }
0x11a: {  	[tilespmem:s16], [sflag:$0x1] =	stream.indirect_vreg.gather [hbm4b:s5+s3], $0x80, v3, vm0, $0xb8;
	[tilespmem:$0x12180] =	vst v63  }
0x11b: {  	s16 =	simm.s32 $0x3980  }
0x11c: {  	[tilespmem:s16], [sflag:$0x1] =	stream.indirect_vreg.gather [hbm4b:s6+s3], $0x80, v3, vm0, $0xb8;
	[tilespmem:$0x12180] =	vst v63  }
0x11d: {  	v3 =	vld.msk [tilespmem:$0xA0], $0xff;
	_ =	sdelay $0x4  }
0x11e: {  	v55 =	vshll.u32 v3, $0x3  }
0x11f: {  	v3 =	vand.u32 $0x7, v3;
	v4 =	vand.u32 $0xFFFFFFC0, v55  }
0x120: {  	v3 =	vor.u32 v3, v4  }
0x121: {  	v3 =	vperm.xlane v3, v0;
	_ =	sdelay $0x1  }
0x122: {  	v3 =	vadd.s32 v1, v3;
	_ =	sdelay $0x3  }
0x123: {  	s16 =	simm.s32 $0x4180  }
0x124: {  	[tilespmem:s16], [sflag:$0x1] =	stream.indirect_vreg.gather [hbm4b:s2+s3], $0x80, v3, vm0, $0xb8;
	[tilespmem:$0x12180] =	vst v63  }
0x125: {  	_ = 	snop  }
0x126: {  	[tilespmem:s18], [sflag:$0x1] =	stream.indirect_vreg.gather [hbm4b:s4+s3], $0x80, v3, vm0, $0xb8;
	[tilespmem:$0x12180] =	vst v63  }
0x127: {  	_ = 	snop  }
0x128: {  	[tilespmem:s19], [sflag:$0x1] =	stream.indirect_vreg.gather [hbm4b:s5+s3], $0x80, v3, vm0, $0xb8;
	[tilespmem:$0x12180] =	vst v63  }
0x129: {  	_ = 	snop  }
0x12a: {  	[tilespmem:s20], [sflag:$0x1] =	stream.indirect_vreg.gather [hbm4b:s6+s3], $0x80, v3, vm0, $0xb8;
	[tilespmem:$0x12180] =	vst v63  }
0x12b: {  	_ =	swait.ge [sflag:s12], $0x6000  }
0x12c: {  	[sflag:s12] =	ssyncset.done $0x0  }
0x12d: {  	s16 =	rddreg [dreg:$0x8];
	[sflag:s12] =	ssyncadd.s32 $0xFFFFA000  }
0x12e: {  	[hbm4b:s16+s3] =	stream.linear.scatter [tilespmem:s21], [sflag:$0x5], $0x6000, $0x38;
	[tilespmem:$0x12180] =	vst v63  }
0x12f: {  	_ =	swait.ge [sflag:s13], $0x6000  }
0x130: {  	[sflag:s13] =	ssyncset.done $0x0  }
0x131: {  	[sflag:s13] =	ssyncadd.s32 $0xFFFFA000  }
0x132: {  	v3 =	vld [tilespmem:$0xA8];
	_ =	sdelay $0x4  }
0x133: {  	v56 =	vshll.u32 v3, $0x3  }
0x134: {  	v3 =	vand.u32 $0x7, v3;
	v4 =	vand.u32 $0xFFFFFFC0, v56  }
0x135: {  	v3 =	vor.u32 v3, v4  }
0x136: {  	v4 =	vperm.xlane v3, v0;
	_ =	sdelay $0x1  }
0x137: {  	v4 =	vadd.s32 v1, v4;
	_ =	sdelay $0x4  }
0x138: {  	[tilespmem:s21], [sflag:$0x2] =	stream.indirect_vreg.gather [hbm4b:s2+s3], $0x80, v4, vm0, $0xb8;
	[tilespmem:$0x12180] =	vst v63  }
0x139: {  	s16 =	simm.s32 $0x6980;
	v3 =	vperm.xlane v3, v2  }
0x13a: {  	[tilespmem:s16], [sflag:$0x2] =	stream.indirect_vreg.gather [hbm4b:s4+s3], $0x80, v4, vm0, $0xb8;
	[tilespmem:$0x12180] =	vst v63  }
0x13b: {  	v3 =	vadd.s32 v1, v3  }
0x13c: {  	[tilespmem:s9], [sflag:$0x2] =	stream.indirect_vreg.gather [hbm4b:s5+s3], $0x80, v4, vm0, $0xb8;
	[tilespmem:$0x12180] =	vst v63  }
0x13d: {  	_ = 	snop  }
0x13e: {  	[tilespmem:s28], [sflag:$0x2] =	stream.indirect_vreg.gather [hbm4b:s6+s3], $0x80, v4, vm0, $0xb8;
	[tilespmem:$0x12180] =	vst v63  }
0x13f: {  	_ = 	snop  }
0x140: {  	[tilespmem:s29], [sflag:$0x2] =	stream.indirect_vreg.gather [hbm4b:s2+s3], $0x80, v3, vm0, $0xb8;
	[tilespmem:$0x12180] =	vst v63  }
0x141: {  	_ = 	snop  }
0x142: {  	[tilespmem:s30], [sflag:$0x2] =	stream.indirect_vreg.gather [hbm4b:s4+s3], $0x80, v3, vm0, $0xb8;
	[tilespmem:$0x12180] =	vst v63  }
0x143: {  	_ = 	snop  }
0x144: {  	[tilespmem:s31], [sflag:$0x2] =	stream.indirect_vreg.gather [hbm4b:s5+s3], $0x80, v3, vm0, $0xb8;
	[tilespmem:$0x12180] =	vst v63  }
0x145: {  	s16 =	simm.s32 $0x9980  }
0x146: {  	[tilespmem:s16], [sflag:$0x2] =	stream.indirect_vreg.gather [hbm4b:s6+s3], $0x80, v3, vm0, $0xb8;
	[tilespmem:$0x12180] =	vst v63  }
0x147: {  	v3 =	vld.msk [tilespmem:$0xB8], $0xff;
	_ =	sdelay $0x4  }
0x148: {  	v57 =	vshll.u32 v3, $0x3  }
0x149: {  	v3 =	vand.u32 $0x7, v3;
	v4 =	vand.u32 $0xFFFFFFC0, v57  }
0x14a: {  	v3 =	vor.u32 v3, v4  }
0x14b: {  	v3 =	vperm.xlane v3, v0;
	_ =	sdelay $0x1  }
0x14c: {  	v3 =	vadd.s32 v1, v3;
	_ =	sdelay $0x4  }
0x14d: {  	[tilespmem:s1], [sflag:$0x2] =	stream.indirect_vreg.gather [hbm4b:s2+s3], $0x80, v3, vm0, $0xb8;
	[tilespmem:$0x12180] =	vst v63  }
0x14e: {  	_ = 	snop  }
0x14f: {  	[tilespmem:s8], [sflag:$0x2] =	stream.indirect_vreg.gather [hbm4b:s4+s3], $0x80, v3, vm0, $0xb8;
	[tilespmem:$0x12180] =	vst v63  }
0x150: {  	_ = 	snop  }
0x151: {  	[tilespmem:s17], [sflag:$0x2] =	stream.indirect_vreg.gather [hbm4b:s5+s3], $0x80, v3, vm0, $0xb8;
	[tilespmem:$0x12180] =	vst v63  }
0x152: {  	s16 =	simm.s32 $0xB980  }
0x153: {  	[tilespmem:s16], [sflag:$0x2] =	stream.indirect_vreg.gather [hbm4b:s6+s3], $0x80, v3, vm0, $0xb8;
	[tilespmem:$0x12180] =	vst v63  }
0x154: {  	_ =	swait.ge [sflag:s14], $0x6000  }
0x155: {  	[sflag:s14] =	ssyncset.done $0x0  }
0x156: {  	s16 =	rddreg [dreg:$0x9];
	[sflag:s14] =	ssyncadd.s32 $0xFFFFA000  }
0x157: {  	[hbm4b:s16+s3] =	stream.linear.scatter [tilespmem:s0], [sflag:$0x6], $0x6000, $0x38;
	[tilespmem:$0x12180] =	vst v63  }
0x158: {  	_ =	swait.ge [sflag:s15], $0x6000  }
0x159: {  	[sflag:s15] =	ssyncset.done $0x0  }
0x15a: {  	[sflag:s15] =	ssyncadd.s32 $0xFFFFA000  }
0x15b: {  	v3 =	vld [tilespmem:$0xC0];
	_ =	sdelay $0x4  }
0x15c: {  	v58 =	vshll.u32 v3, $0x3  }
0x15d: {  	v3 =	vand.u32 $0x7, v3;
	v4 =	vand.u32 $0xFFFFFFC0, v58  }
0x15e: {  	v3 =	vor.u32 v3, v4  }
0x15f: {  	v4 =	vperm.xlane v3, v0;
	_ =	sdelay $0x1  }
0x160: {  	v4 =	vadd.s32 v1, v4;
	_ =	sdelay $0x4  }
0x161: {  	[tilespmem:s0], [sflag:$0x3] =	stream.indirect_vreg.gather [hbm4b:s2+s3], $0x80, v4, vm0, $0xb8;
	[tilespmem:$0x12180] =	vst v63  }
0x162: {  	s16 =	simm.s32 $0xC980;
	v3 =	vperm.xlane v3, v2  }
0x163: {  	[tilespmem:s16], [sflag:$0x3] =	stream.indirect_vreg.gather [hbm4b:s4+s3], $0x80, v4, vm0, $0xb8;
	[tilespmem:$0x12180] =	vst v63  }
0x164: {  	v3 =	vadd.s32 v1, v3;
	s16 =	simm.s32 $0xD180  }
0x165: {  	[tilespmem:s16], [sflag:$0x3] =	stream.indirect_vreg.gather [hbm4b:s5+s3], $0x80, v4, vm0, $0xb8;
	[tilespmem:$0x12180] =	vst v63  }
0x166: {  	s16 =	simm.s32 $0xD980  }
0x167: {  	[tilespmem:s16], [sflag:$0x3] =	stream.indirect_vreg.gather [hbm4b:s6+s3], $0x80, v4, vm0, $0xb8;
	[tilespmem:$0x12180] =	vst v63  }
0x168: {  	s16 =	simm.s32 $0xE180  }
0x169: {  	[tilespmem:s16], [sflag:$0x3] =	stream.indirect_vreg.gather [hbm4b:s2+s3], $0x80, v3, vm0, $0xb8;
	[tilespmem:$0x12180] =	vst v63  }
0x16a: {  	s16 =	simm.s32 $0xE980  }
0x16b: {  	[tilespmem:s16], [sflag:$0x3] =	stream.indirect_vreg.gather [hbm4b:s4+s3], $0x80, v3, vm0, $0xb8;
	[tilespmem:$0x12180] =	vst v63  }
0x16c: {  	s16 =	simm.s32 $0xF180  }
0x16d: {  	[tilespmem:s16], [sflag:$0x3] =	stream.indirect_vreg.gather [hbm4b:s5+s3], $0x80, v3, vm0, $0xb8;
	[tilespmem:$0x12180] =	vst v63  }
0x16e: {  	s16 =	simm.s32 $0xF980  }
0x16f: {  	[tilespmem:s16], [sflag:$0x3] =	stream.indirect_vreg.gather [hbm4b:s6+s3], $0x80, v3, vm0, $0xb8;
	[tilespmem:$0x12180] =	vst v63  }
0x170: {  	v3 =	vld.msk [tilespmem:$0xD0], $0xff;
	_ =	sdelay $0x4  }
0x171: {  	v59 =	vshll.u32 v3, $0x3  }
0x172: {  	v3 =	vand.u32 $0x7, v3;
	v4 =	vand.u32 $0xFFFFFFC0, v59  }
0x173: {  	v3 =	vor.u32 v3, v4  }
0x174: {  	v3 =	vperm.xlane v3, v0;
	_ =	sdelay $0x1  }
0x175: {  	v3 =	vadd.s32 v1, v3;
	_ =	sdelay $0x4  }
0x176: {  	[tilespmem:s23], [sflag:$0x3] =	stream.indirect_vreg.gather [hbm4b:s2+s3], $0x80, v3, vm0, $0xb8;
	[tilespmem:$0x12180] =	vst v63  }
0x177: {  	_ = 	snop  }
0x178: {  	[tilespmem:s24], [sflag:$0x3] =	stream.indirect_vreg.gather [hbm4b:s4+s3], $0x80, v3, vm0, $0xb8;
	[tilespmem:$0x12180] =	vst v63  }
0x179: {  	_ = 	snop  }
0x17a: {  	[tilespmem:s25], [sflag:$0x3] =	stream.indirect_vreg.gather [hbm4b:s5+s3], $0x80, v3, vm0, $0xb8;
	[tilespmem:$0x12180] =	vst v63  }
0x17b: {  	_ = 	snop  }
0x17c: {  	[tilespmem:s26], [sflag:$0x3] =	stream.indirect_vreg.gather [hbm4b:s6+s3], $0x80, v3, vm0, $0xb8;
	[tilespmem:$0x12180] =	vst v63  }
0x17d: {  	_ =	swait.ge [sflag:s10], $0x6000  }
0x17e: {  	[sflag:s10] =	ssyncset.done $0x0  }
0x17f: {  	s16 =	rddreg [dreg:$0xa];
	[sflag:s10] =	ssyncadd.s32 $0xFFFFA000  }
0x180: {  	[hbm4b:s16+s3] =	stream.linear.scatter [tilespmem:s22], [sflag:$0x4], $0x6000, $0x38;
	[tilespmem:$0x12180] =	vst v63  }
0x181: {  	_ =	swait.ge [sflag:s11], $0x6000  }
0x182: {  	[sflag:s11] =	ssyncset.done $0x0  }
0x183: {  	[sflag:s11] =	ssyncadd.s32 $0xFFFFA000  }
0x184: {  	v3 =	vld [tilespmem:$0xD8];
	_ =	sdelay $0x4  }
0x185: {  	v60 =	vshll.u32 v3, $0x3  }
0x186: {  	v3 =	vand.u32 $0x7, v3;
	v4 =	vand.u32 $0xFFFFFFC0, v60  }
0x187: {  	v3 =	vor.u32 v3, v4  }
0x188: {  	v4 =	vperm.xlane v3, v0;
	_ =	sdelay $0x1  }
0x189: {  	v4 =	vadd.s32 v1, v4;
	_ =	sdelay $0x4  }
0x18a: {  	[tilespmem:s22], [sflag:$0x1] =	stream.indirect_vreg.gather [hbm4b:s2+s3], $0x80, v4, vm0, $0xb8;
	[tilespmem:$0x12180] =	vst v63  }
0x18b: {  	s16 =	simm.s32 $0x980;
	v3 =	vperm.xlane v3, v2  }
0x18c: {  	[tilespmem:s16], [sflag:$0x1] =	stream.indirect_vreg.gather [hbm4b:s4+s3], $0x80, v4, vm0, $0xb8;
	[tilespmem:$0x12180] =	vst v63  }
0x18d: {  	v3 =	vadd.s32 v1, v3;
	s16 =	simm.s32 $0x1180  }
0x18e: {  	[tilespmem:s16], [sflag:$0x1] =	stream.indirect_vreg.gather [hbm4b:s5+s3], $0x80, v4, vm0, $0xb8;
	[tilespmem:$0x12180] =	vst v63  }
0x18f: {  	s16 =	simm.s32 $0x1980  }
0x190: {  	[tilespmem:s16], [sflag:$0x1] =	stream.indirect_vreg.gather [hbm4b:s6+s3], $0x80, v4, vm0, $0xb8;
	[tilespmem:$0x12180] =	vst v63  }
0x191: {  	s16 =	simm.s32 $0x2180  }
0x192: {  	[tilespmem:s16], [sflag:$0x1] =	stream.indirect_vreg.gather [hbm4b:s2+s3], $0x80, v3, vm0, $0xb8;
	[tilespmem:$0x12180] =	vst v63  }
0x193: {  	s16 =	simm.s32 $0x2980  }
0x194: {  	[tilespmem:s16], [sflag:$0x1] =	stream.indirect_vreg.gather [hbm4b:s4+s3], $0x80, v3, vm0, $0xb8;
	[tilespmem:$0x12180] =	vst v63  }
0x195: {  	s16 =	simm.s32 $0x3180  }
0x196: {  	[tilespmem:s16], [sflag:$0x1] =	stream.indirect_vreg.gather [hbm4b:s5+s3], $0x80, v3, vm0, $0xb8;
	[tilespmem:$0x12180] =	vst v63  }
0x197: {  	s16 =	simm.s32 $0x3980  }
0x198: {  	[tilespmem:s16], [sflag:$0x1] =	stream.indirect_vreg.gather [hbm4b:s6+s3], $0x80, v3, vm0, $0xb8;
	[tilespmem:$0x12180] =	vst v63  }
0x199: {  	v3 =	vld.msk [tilespmem:$0xE8], $0xff;
	_ =	sdelay $0x4  }
0x19a: {  	v61 =	vshll.u32 v3, $0x3  }
0x19b: {  	v3 =	vand.u32 $0x7, v3;
	v4 =	vand.u32 $0xFFFFFFC0, v61  }
0x19c: {  	v3 =	vor.u32 v3, v4  }
0x19d: {  	v3 =	vperm.xlane v3, v0;
	_ =	sdelay $0x1  }
0x19e: {  	v3 =	vadd.s32 v1, v3;
	_ =	sdelay $0x3  }
0x19f: {  	s16 =	simm.s32 $0x4180  }
0x1a0: {  	[tilespmem:s16], [sflag:$0x1] =	stream.indirect_vreg.gather [hbm4b:s2+s3], $0x80, v3, vm0, $0xb8;
	[tilespmem:$0x12180] =	vst v63  }
0x1a1: {  	s18 =	simm.s32 $0x4980  }
0x1a2: {  	[tilespmem:s18], [sflag:$0x1] =	stream.indirect_vreg.gather [hbm4b:s4+s3], $0x80, v3, vm0, $0xb8;
	[tilespmem:$0x12180] =	vst v63  }
0x1a3: {  	s19 =	simm.s32 $0x5180  }
0x1a4: {  	[tilespmem:s19], [sflag:$0x1] =	stream.indirect_vreg.gather [hbm4b:s5+s3], $0x80, v3, vm0, $0xb8;
	[tilespmem:$0x12180] =	vst v63  }
0x1a5: {  	s20 =	simm.s32 $0x5980  }
0x1a6: {  	[tilespmem:s20], [sflag:$0x1] =	stream.indirect_vreg.gather [hbm4b:s6+s3], $0x80, v3, vm0, $0xb8;
	[tilespmem:$0x12180] =	vst v63  }
0x1a7: {  	_ =	swait.ge [sflag:s12], $0x6000  }
0x1a8: {  	[sflag:s12] =	ssyncset.done $0x0  }
0x1a9: {  	s18 =	rddreg [dreg:$0xb];
	[sflag:s12] =	ssyncadd.s32 $0xFFFFA000  }
0x1aa: {  	[hbm4b:s18+s3] =	stream.linear.scatter [tilespmem:s21], [sflag:$0x5], $0x6000, $0x38;
	[tilespmem:$0x12180] =	vst v63  }
0x1ab: {  	_ =	swait.ge [sflag:s13], $0x6000  }
0x1ac: {  	[sflag:s13] =	ssyncset.done $0x0  }
0x1ad: {  	[sflag:s13] =	ssyncadd.s32 $0xFFFFA000  }
0x1ae: {  	v3 =	vld [tilespmem:$0xF0];
	_ =	sdelay $0x4  }
0x1af: {  	v62 =	vshll.u32 v3, $0x3  }
0x1b0: {  	v3 =	vand.u32 $0x7, v3;
	v4 =	vand.u32 $0xFFFFFFC0, v62  }
0x1b1: {  	v3 =	vor.u32 v3, v4  }
0x1b2: {  	v4 =	vperm.xlane v3, v0;
	_ =	sdelay $0x1  }
0x1b3: {  	v4 =	vadd.s32 v1, v4;
	_ =	sdelay $0x4  }
0x1b4: {  	[tilespmem:s21], [sflag:$0x2] =	stream.indirect_vreg.gather [hbm4b:s2+s3], $0x80, v4, vm0, $0xb8;
	[tilespmem:$0x12180] =	vst v63  }
0x1b5: {  	s19 =	simm.s32 $0x6980;
	v3 =	vperm.xlane v3, v2  }
0x1b6: {  	[tilespmem:s19], [sflag:$0x2] =	stream.indirect_vreg.gather [hbm4b:s4+s3], $0x80, v4, vm0, $0xb8;
	[tilespmem:$0x12180] =	vst v63  }
0x1b7: {  	s9 =	simm.s32 $0x7180;
	v3 =	vadd.s32 v1, v3  }
0x1b8: {  	[tilespmem:s9], [sflag:$0x2] =	stream.indirect_vreg.gather [hbm4b:s5+s3], $0x80, v4, vm0, $0xb8;
	[tilespmem:$0x12180] =	vst v63  }
0x1b9: {  	s28 =	simm.s32 $0x7980  }
0x1ba: {  	[tilespmem:s28], [sflag:$0x2] =	stream.indirect_vreg.gather [hbm4b:s6+s3], $0x80, v4, vm0, $0xb8;
	[tilespmem:$0x12180] =	vst v63  }
0x1bb: {  	s29 =	simm.s32 $0x8180  }
0x1bc: {  	[tilespmem:s29], [sflag:$0x2] =	stream.indirect_vreg.gather [hbm4b:s2+s3], $0x80, v3, vm0, $0xb8;
	[tilespmem:$0x12180] =	vst v63  }
0x1bd: {  	s30 =	simm.s32 $0x8980  }
0x1be: {  	[tilespmem:s30], [sflag:$0x2] =	stream.indirect_vreg.gather [hbm4b:s4+s3], $0x80, v3, vm0, $0xb8;
	[tilespmem:$0x12180] =	vst v63  }
0x1bf: {  	s31 =	simm.s32 $0x9180  }
0x1c0: {  	[tilespmem:s31], [sflag:$0x2] =	stream.indirect_vreg.gather [hbm4b:s5+s3], $0x80, v3, vm0, $0xb8;
	[tilespmem:$0x12180] =	vst v63  }
0x1c1: {  	s20 =	simm.s32 $0x9980  }
0x1c2: {  	[tilespmem:s20], [sflag:$0x2] =	stream.indirect_vreg.gather [hbm4b:s6+s3], $0x80, v3, vm0, $0xb8;
	[tilespmem:$0x12180] =	vst v63  }
0x1c3: {  	v3 =	vld.msk [tilespmem:$0x100], $0xff;
	_ =	sdelay $0x4  }
0x1c4: {  	v63 =	vshll.u32 v3, $0x3  }
0x1c5: {  	v3 =	vand.u32 $0x7, v3;
	v4 =	vand.u32 $0xFFFFFFC0, v63  }
0x1c6: {  	v3 =	vor.u32 v3, v4  }
0x1c7: {  	v3 =	vperm.xlane v3, v0;
	_ =	sdelay $0x1  }
0x1c8: {  	v3 =	vadd.s32 v1, v3;
	_ =	sdelay $0x3  }
0x1c9: {  	s1 =	simm.s32 $0xA180  }
0x1ca: {  	[tilespmem:s1], [sflag:$0x2] =	stream.indirect_vreg.gather [hbm4b:s2+s3], $0x80, v3, vm0, $0xb8;
	[tilespmem:$0x12180] =	vst v63  }
0x1cb: {  	s8 =	simm.s32 $0xA980  }
0x1cc: {  	[tilespmem:s8], [sflag:$0x2] =	stream.indirect_vreg.gather [hbm4b:s4+s3], $0x80, v3, vm0, $0xb8;
	[tilespmem:$0x12180] =	vst v63  }
0x1cd: {  	s17 =	simm.s32 $0xB180  }
0x1ce: {  	[tilespmem:s17], [sflag:$0x2] =	stream.indirect_vreg.gather [hbm4b:s5+s3], $0x80, v3, vm0, $0xb8;
	[tilespmem:$0x12180] =	vst v63  }
0x1cf: {  	s28 =	simm.s32 $0xB980  }
0x1d0: {  	[tilespmem:s28], [sflag:$0x2] =	stream.indirect_vreg.gather [hbm4b:s6+s3], $0x80, v3, vm0, $0xb8;
	[tilespmem:$0x12180] =	vst v63  }
0x1d1: {  	_ =	swait.ge [sflag:s14], $0x6000  }
0x1d2: {  	[sflag:s14] =	ssyncset.done $0x0  }
0x1d3: {  	s29 =	rddreg [dreg:$0xc];
	[sflag:s14] =	ssyncadd.s32 $0xFFFFA000  }
0x1d4: {  	[hbm4b:s29+s3] =	stream.linear.scatter [tilespmem:s0], [sflag:$0x6], $0x6000, $0x38;
	[tilespmem:$0x12180] =	vst v63  }
0x1d5: {  	_ =	swait.ge [sflag:s10], $0x6000  }
0x1d6: {  	[sflag:s10] =	ssyncset.done $0x0  }
0x1d7: {  	s30 =	rddreg [dreg:$0xd];
	[sflag:s10] =	ssyncadd.s32 $0xFFFFA000  }
0x1d8: {  	[hbm4b:s30+s3] =	stream.linear.scatter [tilespmem:s22], [sflag:$0x4], $0x6000, $0x38;
	[tilespmem:$0x12180] =	vst v63  }
0x1d9: {  	_ =	swait.ge [sflag:s12], $0x6000  }
0x1da: {  	[sflag:s12] =	ssyncset.done $0x0  }
0x1db: {  	s31 =	rddreg [dreg:$0xe];
	[sflag:s12] =	ssyncadd.s32 $0xFFFFA000  }
0x1dc: {  	[hbm4b:s31+s3] =	stream.linear.scatter [tilespmem:s21], [sflag:$0x5], $0x6000, $0x38;
	[tilespmem:$0x12180] =	vst v63  }
0x1dd: {  	_ =	swait.ge [sflag:s15], $0x6000  }
0x1de: {  	[sflag:s15] =	ssyncset.done $0x0  }
0x1df: {  	[sflag:s15] =	ssyncadd.s32 $0xFFFFA000  }
0x1e0: {  	p0 =	sne.s32 s7, $0x1;
	_ =	swait.ge [sflag:s11], $0x6000  }
.Ltmp0:
0x1e1: {  	[sflag:s11] =	ssyncset.done $0x0;
	(pc) =	sbr.rel @p0 .LBB2_1-.Ltmp0, $4  }
0x1e2: {  	[sflag:s11] =	ssyncadd.s32 $0xFFFFA000  }
0x1e3: {  	_ =	swait.ge [sflag:s13], $0x6000  }
0x1e4: {  	[sflag:s13] =	ssyncset.done $0x0  }
0x1e5: {  	s7 =	sadd.s32 $0xFFFFFFFF, s7;
	[sflag:s13] =	ssyncadd.s32 $0xFFFFA000  }
0x1e6: {  	_ =	sfence.sel $0x180000  }
0x1e7: {  	[bflag:$0x0] =	sbarrier.arrive $0xFFFF  }
0x1e8: {  	_ =	strace $0x9000004A  }
0x1e9: {  	s0 =	stileid.u32;
	[bflag:$0x2] =	sbarrier.arrive $0xFFFF  }
0x1ea: {  	p0 =	sne.s32 s0, $0x0;
	s0 =	rddreg [dreg:$0x2]  }
0x1eb: {  	s0 =	sadd.s32 @!p0 $0x100000, s0  }
0x1ec: {  	[sflag:s0] =	ssyncadd.tile.s32 @!p0 $0x1;
	_ =	shalt  }
.Lfunc_end2:
_tile_overlayer_lowered:
.L_overlay_start_2:
0x1ed: {  	(tag) =	ssettag $0x2  }
0x1ee: {  	s0 =	rddreg [dreg:$0x0];
	s2 =	stileid.u32  }
0x1ef: {  	s1 =	rddreg [dreg:$0x1];
	p0 =	sne.s32 s2, $0x0  }
0x1f0: {  	s3 =	rddreg [dreg:$0x2];
	[bflag:$0x3] =	sbarrier.arrive $0xFFFF;
	s2 =	simm.s32 @!p0 $0x1C07  }
0x1f1: {  	[timem:s3], [sflag:s2] =	dma.local @!p0 [hbm:s0], s1  }
0x1f2: {  	s0 =	simm.s32 @!p0 $0x7  }
0x1f3: {  	_ =	swait.ge @!p0 [sflag:s0], s1  }
0x1f4: {  	s1 =	ssub.s32 @!p0 $0x0, s1;
	[sflag:s0] =	ssyncset.done @!p0 $0x0  }
0x1f5: {  	[sflag:s0] =	ssyncadd.s32 @!p0 s1  }
0x1f6: {  	[bflag:$0x3] =	sbarrier.arrive $0xFFFF  }
0x1f7: {  	_ =	shalt  }

// kernel: kernel.16.cloned.1.call-start
scs
__scs_entry_jumppad:
0x0: {  	(pc) =	sbr.rel $0x88, $3  }
0x1: {  	(tag) =	ssettag $0x0;
	lr =	simm.s32 $0x1  }
0x2: {  	[smem:$0x3F99] =	sst lr;
	_ =	strace $0xD0000000  }
0x3: {  	_ = 	snop  }
0x4: {  	_ = 	snop  }
0x5: {  	_ = 	snop  }
0x6: {  	_ = 	snop  }
0x7: {  	_ = 	snop  }
__scs_overlays_trampoline_lowered:
0x8: {  	[smem:$0x3FA8] =	sst s0  }
0x9: {  	[smem:$0x3FA9] =	sst s1  }
0xa: {  	[smem:$0x3FAA] =	sst s2  }
0xb: {  	[smem:$0x3FAB] =	sst s3  }
0xc: {  	[smem:$0x3FAC] =	sst s4  }
0xd: {  	[smem:$0x3FAD] =	sst s5  }
0xe: {  	[smem:$0x3FAE] =	sst s6  }
0xf: {  	[smem:$0x3FAF] =	sst s7  }
0x10: {  	[smem:$0x3FB0] =	sst s8  }
0x11: {  	[smem:$0x3FB1] =	sst s9;
	s0 =	simm.s32 @!p0 $0x0  }
0x12: {  	s1 =	sld [smem:$0x3F97];
	s0 =	simm.s32 @p0 $0x1  }
0x13: {  	[smem:$0x3FB2] =	sst s0;
	s0 =	simm.s32 @!p1 $0x0  }
0x14: {  	s2 =	sld [smem:$0x3F96];
	s0 =	simm.s32 @p1 $0x1  }
0x15: {  	[smem:$0x3FB3] =	sst s0;
	s0 =	simm.s32 @!p2 $0x0  }
0x16: {  	s3 =	sld [smem:$0x3FDB];
	s0 =	simm.s32 @p2 $0x1  }
0x17: {  	s4 =	simm.s32 $0x1BF5;
	[smem:$0x3FB5] =	sst s0  }
0x18: {  	s0 =	sld [smem:$0x3F98];
	_ =	swait.ge [sflag:s4], $0x0  }
0x19: {  	s7 =	sld [smem:$0x3F99]  }
0x1a: {  	s8 =	sadd.s32 $0xFFFFE003, lr  }
0x1b: {  	s9 =	sadd.s32 $0xFFFFFEF7, lr;
	s5 =	simm.s32 $0xFFFFFFFF;
	p2 =	slt.u32 s8, $0xFFFFF086  }
0x1c: {  	p1 =	slt.u32 s9, $0xF7A;
	s5 =	simm.s32 @!p2 $0x0  }
0x1d: {  	s5 =	simm.s32 @p1 $0x1;
	p0 =	seq.s32 s7, s2  }
0x1e: {  	s7 =	smul.u32 @!p0 $0xF7A, s2;
	p2 =	seq.s32 @!p0 s5, $0x0  }
0x1f: {  	s9 =	smul.u32 $0xF7A, s1;
	s8 =	simm.s32 @!p0 $0x1BF5;
	p2 =	por !p2, p0  }
0x20: {  	[sflag:s8] =	ssyncset.s32 @!p0 $0xFFFFF086;
	s6 =	sadd.s32 @!p0 s3, s7;
	s7 =	simm.s32 @!p0 $0x108  }
0x21: {  	s3 =	sadd.s32 s3, s9;
	s6 =	sadd.s32 @!p0 $0x88, s6;
	s7 =	simm.s32 @p2 $0x1082  }
0x22: {  	[simem:s7], [sflag:s8] =	dma.local @!p0 [hbm:s6], $0xF7A  }
0x23: {  	s9 =	sor.u32 $0xD0000000, s2;
	s6 =	simm.s32 $0x108;
	_ =	swait.ge @!p0 [sflag:s8], $0x0  }
0x24: {  	s3 =	sadd.s32 $0x88, s3;
	s6 =	simm.s32 @!p1 $0x1082;
	[sflag:s4] =	ssyncset.s32 $0xFFFFF086  }
0x25: {  	[simem:s6], [sflag:s4] =	dma.local [hbm:s3], $0xF7A  }
0x26: {  	[smem:$0x3F99] =	sst s1;
	(tag) =	ssettag s2;
	_ =	strace s9  }
0x27: {  	s1 =	sld [smem:$0x3FA9]  }
0x28: {  	s2 =	sld [smem:$0x3FAA]  }
0x29: {  	s4 =	sld [smem:$0x3FAC]  }
0x2a: {  	p0 =	seq.s32 s5, $0x0;
	s5 =	sld [smem:$0x3FAD]  }
0x2b: {  	s6 =	sld [smem:$0x3FAE]  }
0x2c: {  	s7 =	sld [smem:$0x3FAF]  }
0x2d: {  	s3 =	simm.s32 $0x108;
	s8 =	sld [smem:$0x3FB0]  }
0x2e: {  	s3 =	simm.s32 @!p0 $0x1082;
	s9 =	sld [smem:$0x3FB1]  }
0x2f: {  	lr =	sadd.s32 s0, s3;
	s0 =	sld [smem:$0x3FA8]  }
0x30: {  	s3 =	sld [smem:$0x3FAB]  }
0x31: {  	[smem:$0x3FB4] =	sst s10  }
0x32: {  	s10 =	sld [smem:$0x3FB2];
	_ =	sdelay $0x3  }
0x33: {  	p0 =	seq.s32 s10, $0x1;
	s10 =	sld [smem:$0x3FB4];
	_ =	sdelay $0x3  }
0x34: {  	[smem:$0x3FB4] =	sst s10  }
0x35: {  	s10 =	sld [smem:$0x3FB3];
	_ =	sdelay $0x3  }
0x36: {  	p1 =	seq.s32 s10, $0x1;
	s10 =	sld [smem:$0x3FB4];
	_ =	sdelay $0x3  }
0x37: {  	[smem:$0x3FB4] =	sst s10  }
0x38: {  	s10 =	sld [smem:$0x3FB5]  }
0x39: {  	_ = 	snop;
	(pc) =	sbr.ind lr, $3  }
0x3a: {  	_ = 	snop  }
0x3b: {  	_ = 	snop  }
0x3c: {  	p2 =	seq.s32 s10, $0x1;
	s10 =	sld [smem:$0x3FB4]  }
0x3d: {  	_ =	shalt  }
0x3e: {  	_ =	shalt  }
0x3f: {  	_ =	shalt  }
0x40: {  	_ =	shalt  }
0x41: {  	_ =	shalt  }
0x42: {  	_ =	shalt  }
0x43: {  	_ =	shalt  }
0x44: {  	_ =	shalt  }
0x45: {  	_ =	shalt  }
0x46: {  	_ =	shalt  }
0x47: {  	_ =	shalt  }
0x48: {  	_ =	shalt  }
0x49: {  	_ =	shalt  }
0x4a: {  	_ =	shalt  }
0x4b: {  	_ =	shalt  }
0x4c: {  	_ =	shalt  }
0x4d: {  	_ =	shalt  }
0x4e: {  	_ =	shalt  }
0x4f: {  	_ =	shalt  }
0x50: {  	_ =	shalt  }
0x51: {  	_ =	shalt  }
0x52: {  	_ =	shalt  }
0x53: {  	_ =	shalt  }
0x54: {  	_ =	shalt  }
0x55: {  	_ =	shalt  }
0x56: {  	_ =	shalt  }
0x57: {  	_ =	shalt  }
0x58: {  	_ =	shalt  }
0x59: {  	_ =	shalt  }
0x5a: {  	_ =	shalt  }
0x5b: {  	_ =	shalt  }
0x5c: {  	_ =	shalt  }
0x5d: {  	_ =	shalt  }
0x5e: {  	_ =	shalt  }
0x5f: {  	_ =	shalt  }
0x60: {  	_ =	shalt  }
0x61: {  	_ =	shalt  }
0x62: {  	_ =	shalt  }
0x63: {  	_ =	shalt  }
0x64: {  	_ =	shalt  }
0x65: {  	_ =	shalt  }
0x66: {  	_ =	shalt  }
0x67: {  	_ =	shalt  }
0x68: {  	_ =	shalt  }
0x69: {  	_ =	shalt  }
0x6a: {  	_ =	shalt  }
0x6b: {  	_ =	shalt  }
0x6c: {  	_ =	shalt  }
0x6d: {  	_ =	shalt  }
0x6e: {  	_ =	shalt  }
0x6f: {  	_ =	shalt  }
0x70: {  	_ =	shalt  }
0x71: {  	_ =	shalt  }
0x72: {  	_ =	shalt  }
0x73: {  	_ =	shalt  }
0x74: {  	_ =	shalt  }
0x75: {  	_ =	shalt  }
0x76: {  	_ =	shalt  }
0x77: {  	_ =	shalt  }
0x78: {  	_ =	shalt  }
0x79: {  	_ =	shalt  }
0x7a: {  	_ =	shalt  }
0x7b: {  	_ =	shalt  }
0x7c: {  	_ =	shalt  }
0x7d: {  	_ =	shalt  }
0x7e: {  	_ =	shalt  }
0x7f: {  	_ =	shalt  }
0x80: {  	_ =	shalt  }
0x81: {  	_ =	shalt  }
0x82: {  	_ =	shalt  }
0x83: {  	_ =	shalt  }
0x84: {  	_ =	shalt  }
0x85: {  	_ =	shalt  }
0x86: {  	_ =	shalt  }
0x87: {  	_ =	shalt  }
.Lfunc_end0:
.L_simem_size_0:
called_computation.3_lowered:
.L_overlay_start_0:
0x88: {  	s2 =	sld [smem:$0x3FD9]  }
0x89: {  	s3 =	sld [smem:$0x3FFE];
	_ =	sdelay $0x1  }
0x8a: {  	s1 =	srdreg.scid  }
0x8b: {  	s0 =	sand.u32 $0x1, s1  }
0x8c: {  	s17 =	sshll.u32 s0, $0xA;
	s2 =	sadd.s32 s3, s2  }
0x8d: {  	s2 =	sadd.s32 s2, s17  }
0x8e: {  	[smem:$0x3FC0] =	sst s2  }
0x8f: {  	_ = 	snop  }
0x90: {  	s18 =	sld [smem:$0x3FC9];
	(tm) =	ssettm $0x1  }
0x91: {  	s19 =	sld [smem:$0x3FFB];
	_ =	sdelay $0x3  }
0x92: {  	_ =	strace s19  }
0x93: {  	s2 =	sld [smem:$0x3FFC];
	_ =	sdelay $0x3  }
0x94: {  	_ =	strace s2  }
0x95: {  	s2 =	sld [smem:$0x3FFD];
	_ =	sdelay $0x3  }
0x96: {  	_ =	strace s2  }
0x97: {  	_ =	strace $0x8FFFFFFF  }
0x98: {  	s20 =	sld [smem:$0x3FDB];
	_ =	sdelay $0x1  }
0x99: {  	s4 =	simm.s32 $_scs_section_size  }
0x9a: {  	s5 =	simm.s32 $_size__tile_overlayer_lowered;
	s6 =	simm.s32 $_tile_overlayer_lowered  }
0x9b: {  	s7 =	simm.s32 $0x1BFF;
	s21 =	sshll.u32 s6, $0x1;
	s4 =	sadd.s32 s4, s20  }
0x9c: {  	s22 =	simm.s32 $0x0;
	s5 =	sshll.u32 s5, $0x1;
	s6 =	sadd.s32 s21, s4  }
0x9d: {  	[timem:s22], [sflag:s7] =	dma.local [hbm:s6], s5  }
0x9e: {  	_ =	swait.ge [sflag:s7], s5  }
0x9f: {  	s5 =	ssub.s32 $0x0, s5;
	[sflag:s7] =	ssyncset.done $0x0  }
0xa0: {  	[sflag:s7] =	ssyncadd.s32 s5;
	_ =	sdelay $0x1  }
0xa1: {  	s23 =	simm.s32 $0x1B8B  }
0xa2: {  	_ =	swait.ge [sflag:s23], $0x1  }
0xa3: {  	[sflag:s23] =	ssyncset.done $0x0  }
0xa4: {  	[sflag:s23] =	ssyncadd.s32 $0xFFFFFFFF  }
0xa5: {  	s5 =	sld [smem:$0x0]  }
0xa6: {  	s6 =	sand.u32 $0xFFFFFFFE, s1  }
0xa7: {  	p0 =	sne.s32 s1, s6  }
0xa8: {  	s6 =	sshll.u32 @p0 s6, $0xE  }
0xa9: {  	s6 =	sadd.s32 @p0 $0x11B8D, s6;
	s7 =	sshll.u32 @p0 s5, $0x11  }
0xaa: {  	s6 =	sor.u32 @p0 s7, s6  }
0xab: {  	[sflag:s6] =	ssyncadd.remote.s32 @p0 $0x1;
	_ =	sdelay $0x1  }
0xac: {  	s6 =	simm.s32 @p0 $0x1B8D  }
0xad: {  	_ =	swait.eq @p0 [sflag:s6], $0x1  }
0xae: {  	[sflag:s6] =	ssyncadd.s32 @p0 $0xFFFFFFFF  }
0xaf: {  	s7 =	sshll.u32 @!p0 s1, $0xE  }
0xb0: {  	s7 =	sor.u32 @!p0 $0x4000, s7;
	s6 =	simm.s32 @!p0 $0x1B8D  }
0xb1: {  	s5 =	sshll.u32 @!p0 s5, $0x11;
	s7 =	sadd.s32 @!p0 $0x11B8D, s7;
	_ =	swait.eq @!p0 [sflag:s6], $0x1  }
0xb2: {  	s5 =	sor.u32 @!p0 s5, s7;
	[sflag:s6] =	ssyncadd.s32 @!p0 $0xFFFFFFFF  }
0xb3: {  	s25 =	simm.s32 $0x1B8E;
	s24 =	sld [smem:$0x3FFE];
	[sflag:s5] =	ssyncadd.remote.s32 @!p0 $0x1  }
0xb4: {  	s26 =	simm.s32 $execute0_lowered;
	[smem:$0x3FD2] =	sst s25  }
0xb5: {  	s6 =	sshll.u32 s26, $0x1;
	_ =	strace $0x8000004F;
	[dreg:$0x1] =	wrdreg $0xFFFFFFFF  }
0xb6: {  	s28 =	simm.s32 $_size_execute0_lowered;
	s4 =	sadd.s32 s4, s6;
	[dreg:$0x0] =	wrdreg $0x0  }
0xb7: {  	s6 =	sshll.u32 s28, $0x1;
	[dreg:$0x2] =	wrdreg s4  }
0xb8: {  	[dreg:$0x3] =	wrdreg s6  }
0xb9: {  	[dreg:$0x4] =	wrdreg $0xC0  }
0xba: {  	_ =	task [dreg:s22], $0x5FFFF  }
0xbb: {  	[dreg:$0x1] =	wrdreg $0xFFFFFFFF  }
0xbc: {  	[dreg:$0x0] =	wrdreg $0x60  }
0xbd: {  	[dreg:$0x2] =	wrdreg s18  }
0xbe: {  	[dreg:$0x3] =	wrdreg s24  }
0xbf: {  	[dreg:$0x4] =	wrdreg $0xB  }
0xc0: {  	_ =	task.clear_ibuf [dreg:s22], $0x5FFFF;
	_ =	strace $0x9000004F  }
0xc1: {  	s29 =	simm.s32 $0xB;
	_ =	strace $0x80000051  }
0xc2: {  	_ =	swait.ge [sflag:s29], $0x1  }
0xc3: {  	[sflag:s29] =	ssyncadd.s32 $0xFFFFFFFF  }
0xc4: {  	_ =	strace $0x90000051  }
0xc5: {  	_ =	sfence  }
0xc6: {  	s30 =	sld [smem:$0x0];
	_ =	sdelay $0x2  }
0xc7: {  	s31 =	sshll.u32 s1, $0xD;
	s1 =	sshrl.u32 s1, $0x2  }
0xc8: {  	s4 =	sand.u32 $0x4000, s31;
	s1 =	sadd.s32 s1, s30  }
0xc9: {  	s0 =	sor.u32 s4, s0;
	s1 =	sshll.u32 s1, $0x11  }
0xca: {  	s0 =	sor.u32 s1, s0  }
0xcb: {  	s0 =	sadd.s32 $0x8F2B, s0  }
0xcc: {  	[sflag:s0] =	ssyncadd.remote.s32 $0x1  }
0xcd: {  	_ =	sfence.sel $0xFFFF  }
0xce: {  	[dreg:$0x0] =	wrdreg $0xFFFFFFFF;
	(pc) =	sbr.abs _section_cstart, $3  }
0xcf: {  	[dreg:$0x1] =	wrdreg $0xFFFFFFFF  }
0xd0: {  	_ =	task.clear_ibuf [dreg:s22], $0x2FFFF;
	_ =	strace $0x9FFFFFFF  }
0xd1: {  	(tm) =	ssettm $0x7FFFFFFF  }
tec
execute0_lowered:
.L_overlay_start_1:
0x0: {  	(tag) =	ssettag $0x1  }
0x1: {  	s0 =	srdreg.scid  }
0x2: {  	s1 =	stileid.u32;
	s2 =	rddreg [dreg:$0x0]  }
0x3: {  	s4 =	rddreg [dreg:$0x1];
	s0 =	sand.u32 $0x1, s0;
	s1 =	sshll.u32 s1, $0x1  }
0x4: {  	s3 =	simm.s32 $0x0;
	s10 =	simm.s32 $0x1;
	s1 =	sor.u32 s0, s1  }
0x5: {  	s11 =	simm.s32 $0x4;
	s12 =	simm.s32 $0x2;
	s5 =	smul.u32 $0x21, s1  }
0x6: {  	s13 =	simm.s32 $0x5;
	[smem:$0x7FF] =	sst s3;
	s6 =	smul.u32 $0x42000, s1  }
0x7: {  	_ =	strace $0x80000050;
	s1 =	smul.u32 $0x8400, s1;
	s5 =	sadd.s32 s5, s4  }
0x8: {  	s4 =	sadd.s32 $0x212800, s4;
	s6 =	sshrl.u32 s6, $0x3;
	s5 =	sadd.s32 $0x1C00, s5  }
0x9: {  	s1 =	sadd.s32 s4, s1;
	s7 =	sadd.s32 s4, s6;
	[dreg:$0x3] =	wrdreg s5  }
0xa: {  	s14 =	simm.s32 $0x3;
	[dreg:$0x4] =	wrdreg s1;
	s20 =	sadd.s32 $0xC00, s7  }
0xb: {  	s15 =	simm.s32 $0x6;
	s21 =	sadd.s32 $0x1800, s7;
	[dreg:$0x5] =	wrdreg s20  }
0xc: {  	s0 =	ssub.s32 $0x2, s0;
	s22 =	sadd.s32 $0x2400, s7;
	[dreg:$0x6] =	wrdreg s21  }
0xd: {  	s25 =	sshrl.u32 s0, $0x1;
	s23 =	sadd.s32 $0x3000, s7;
	[dreg:$0x7] =	wrdreg s22  }
0xe: {  	s0 =	ssub.s32 s0, s25;
	s24 =	sadd.s32 $0x3C00, s7;
	[dreg:$0x8] =	wrdreg s23  }
0xf: {  	s25 =	simm.s32 $0x11180;
	s26 =	sadd.s32 $0x4800, s7;
	[dreg:$0x9] =	wrdreg s24  }
0x10: {  	s4 =	sadd.s32 $0x100, s2;
	s28 =	sadd.s32 $0x5400, s7;
	[dreg:$0xa] =	wrdreg s26  }
0x11: {  	s6 =	sadd.s32 $0x300, s2;
	s29 =	sadd.s32 $0x6000, s7;
	[dreg:$0xb] =	wrdreg s28  }
0x12: {  	s5 =	sadd.s32 $0x200, s2;
	s30 =	sadd.s32 $0x6C00, s7;
	[dreg:$0xc] =	wrdreg s29  }
0x13: {  	v2 =	vlaneseq.u32;
	s31 =	sadd.s32 $0x7800, s7;
	s7 =	smax.u32 s0, $0x1;
	[dreg:$0xd] =	wrdreg s30  }
0x14: {  	vm0 =	vmmov $0xffff;
	v1 =	vshrl.u32 v2, $0x3;
	[dreg:$0xe] =	wrdreg s31;
	s22 =	simm.s32 $0x180;
	s21 =	simm.s32 $0x6180  }
0x15: {  	v0 =	vand.u32 $0x7, v2;
	v2 =	vor.u32 $0x8, v2;
	v1 =	vmul.u32 $0x8, v1;
	s23 =	simm.s32 $0x10180;
	s24 =	simm.s32 $0x10980;
	s26 =	simm.s32 $0x11980  }
.LBB2_1:
0x16: {  	s16 =	rddreg [dreg:$0x3];
	s20 =	simm.s32 $0x7  }
0x17: {  	[tilespmem:s3], [sflag:$0x7] =	stream.linear.gather [hbm4b:s16+s3], $0x108, $0x38;
	[tilespmem:$0x12180] =	vst v63  }
0x18: {  	_ =	swait.ge [sflag:s20], $0x108  }
0x19: {  	[sflag:s20] =	ssyncset.done $0x0  }
0x1a: {  	[sflag:s20] =	ssyncadd.s32 $0xFFFFFEF8  }
0x1b: {  	v3 =	vld [tilespmem:$0x0];
	_ =	sdelay $0x4  }
0x1c: {  	v4 =	vshll.u32 v3, $0x3  }
0x1d: {  	v3 =	vand.u32 $0x7, v3;
	v4 =	vand.u32 $0xFFFFFFC0, v4  }
0x1e: {  	v3 =	vor.u32 v3, v4  }
0x1f: {  	v4 =	vperm.xlane v3, v0;
	_ =	sdelay $0x1  }
0x20: {  	v4 =	vadd.s32 v1, v4;
	_ =	sdelay $0x4  }
0x21: {  	[tilespmem:s22], [sflag:$0x1] =	stream.indirect_vreg.gather [hbm4b:s2+s3], $0x80, v4, vm0, $0xb8;
	[tilespmem:$0x12180] =	vst v63  }
0x22: {  	s0 =	simm.s32 $0x980;
	v3 =	vperm.xlane v3, v2  }
0x23: {  	[tilespmem:s0], [sflag:$0x1] =	stream.indirect_vreg.gather [hbm4b:s4+s3], $0x80, v4, vm0, $0xb8;
	[tilespmem:$0x12180] =	vst v63  }
0x24: {  	s28 =	simm.s32 $0x1180;
	v3 =	vadd.s32 v1, v3  }
0x25: {  	[tilespmem:s28], [sflag:$0x1] =	stream.indirect_vreg.gather [hbm4b:s5+s3], $0x80, v4, vm0, $0xb8;
	[tilespmem:$0x12180] =	vst v63  }
0x26: {  	s29 =	simm.s32 $0x1980  }
0x27: {  	[tilespmem:s29], [sflag:$0x1] =	stream.indirect_vreg.gather [hbm4b:s6+s3], $0x80, v4, vm0, $0xb8;
	[tilespmem:$0x12180] =	vst v63  }
0x28: {  	s30 =	simm.s32 $0x2180  }
0x29: {  	[tilespmem:s30], [sflag:$0x1] =	stream.indirect_vreg.gather [hbm4b:s2+s3], $0x80, v3, vm0, $0xb8;
	[tilespmem:$0x12180] =	vst v63  }
0x2a: {  	s31 =	simm.s32 $0x2980  }
0x2b: {  	[tilespmem:s31], [sflag:$0x1] =	stream.indirect_vreg.gather [hbm4b:s4+s3], $0x80, v3, vm0, $0xb8;
	[tilespmem:$0x12180] =	vst v63  }
0x2c: {  	s1 =	simm.s32 $0x3180  }
0x2d: {  	[tilespmem:s1], [sflag:$0x1] =	stream.indirect_vreg.gather [hbm4b:s5+s3], $0x80, v3, vm0, $0xb8;
	[tilespmem:$0x12180] =	vst v63  }
0x2e: {  	s8 =	simm.s32 $0x3980  }
0x2f: {  	[tilespmem:s8], [sflag:$0x1] =	stream.indirect_vreg.gather [hbm4b:s6+s3], $0x80, v3, vm0, $0xb8;
	[tilespmem:$0x12180] =	vst v63  }
0x30: {  	v3 =	vld.msk [tilespmem:$0x10], $0xff;
	_ =	sdelay $0x4  }
0x31: {  	v43 =	vshll.u32 v3, $0x3  }
0x32: {  	v3 =	vand.u32 $0x7, v3;
	v4 =	vand.u32 $0xFFFFFFC0, v43  }
0x33: {  	v3 =	vor.u32 v3, v4  }
0x34: {  	v3 =	vperm.xlane v3, v0;
	_ =	sdelay $0x1  }
0x35: {  	v3 =	vadd.s32 v1, v3;
	_ =	sdelay $0x3  }
0x36: {  	s16 =	simm.s32 $0x4180  }
0x37: {  	[tilespmem:s16], [sflag:$0x1] =	stream.indirect_vreg.gather [hbm4b:s2+s3], $0x80, v3, vm0, $0xb8;
	[tilespmem:$0x12180] =	vst v63  }
0x38: {  	s20 =	simm.s32 $0x4980  }
0x39: {  	[tilespmem:s20], [sflag:$0x1] =	stream.indirect_vreg.gather [hbm4b:s4+s3], $0x80, v3, vm0, $0xb8;
	[tilespmem:$0x12180] =	vst v63  }
0x3a: {  	s1 =	simm.s32 $0x5180  }
0x3b: {  	[tilespmem:s1], [sflag:$0x1] =	stream.indirect_vreg.gather [hbm4b:s5+s3], $0x80, v3, vm0, $0xb8;
	[tilespmem:$0x12180] =	vst v63  }
0x3c: {  	s8 =	simm.s32 $0x5980  }
0x3d: {  	[tilespmem:s8], [sflag:$0x1] =	stream.indirect_vreg.gather [hbm4b:s6+s3], $0x80, v3, vm0, $0xb8;
	[tilespmem:$0x12180] =	vst v63  }
0x3e: {  	v3 =	vld [tilespmem:$0x18];
	_ =	sdelay $0x4  }
0x3f: {  	v44 =	vshll.u32 v3, $0x3  }
0x40: {  	v3 =	vand.u32 $0x7, v3;
	v4 =	vand.u32 $0xFFFFFFC0, v44  }
0x41: {  	v3 =	vor.u32 v3, v4  }
0x42: {  	v4 =	vperm.xlane v3, v0;
	_ =	sdelay $0x1  }
0x43: {  	v4 =	vadd.s32 v1, v4;
	_ =	sdelay $0x4  }
0x44: {  	[tilespmem:s21], [sflag:$0x2] =	stream.indirect_vreg.gather [hbm4b:s2+s3], $0x80, v4, vm0, $0xb8;
	[tilespmem:$0x12180] =	vst v63  }
0x45: {  	s16 =	simm.s32 $0x6980;
	v3 =	vperm.xlane v3, v2  }
0x46: {  	[tilespmem:s16], [sflag:$0x2] =	stream.indirect_vreg.gather [hbm4b:s4+s3], $0x80, v4, vm0, $0xb8;
	[tilespmem:$0x12180] =	vst v63  }
0x47: {  	s20 =	simm.s32 $0x7180;
	v3 =	vadd.s32 v1, v3  }
0x48: {  	[tilespmem:s20], [sflag:$0x2] =	stream.indirect_vreg.gather [hbm4b:s5+s3], $0x80, v4, vm0, $0xb8;
	[tilespmem:$0x12180] =	vst v63  }
0x49: {  	s8 =	simm.s32 $0x7980  }
0x4a: {  	[tilespmem:s8], [sflag:$0x2] =	stream.indirect_vreg.gather [hbm4b:s6+s3], $0x80, v4, vm0, $0xb8;
	[tilespmem:$0x12180] =	vst v63  }
0x4b: {  	s16 =	simm.s32 $0x8180  }
0x4c: {  	[tilespmem:s16], [sflag:$0x2] =	stream.indirect_vreg.gather [hbm4b:s2+s3], $0x80, v3, vm0, $0xb8;
	[tilespmem:$0x12180] =	vst v63  }
0x4d: {  	s20 =	simm.s32 $0x8980  }
0x4e: {  	[tilespmem:s20], [sflag:$0x2] =	stream.indirect_vreg.gather [hbm4b:s4+s3], $0x80, v3, vm0, $0xb8;
	[tilespmem:$0x12180] =	vst v63  }
0x4f: {  	s8 =	simm.s32 $0x9180  }
0x50: {  	[tilespmem:s8], [sflag:$0x2] =	stream.indirect_vreg.gather [hbm4b:s5+s3], $0x80, v3, vm0, $0xb8;
	[tilespmem:$0x12180] =	vst v63  }
0x51: {  	s16 =	simm.s32 $0x9980  }
0x52: {  	[tilespmem:s16], [sflag:$0x2] =	stream.indirect_vreg.gather [hbm4b:s6+s3], $0x80, v3, vm0, $0xb8;
	[tilespmem:$0x12180] =	vst v63  }
0x53: {  	v3 =	vld.msk [tilespmem:$0x28], $0xff;
	_ =	sdelay $0x4  }
0x54: {  	v45 =	vshll.u32 v3, $0x3  }
0x55: {  	v3 =	vand.u32 $0x7, v3;
	v4 =	vand.u32 $0xFFFFFFC0, v45  }
0x56: {  	v3 =	vor.u32 v3, v4  }
0x57: {  	v3 =	vperm.xlane v3, v0;
	_ =	sdelay $0x1  }
0x58: {  	v3 =	vadd.s32 v1, v3;
	_ =	sdelay $0x3  }
0x59: {  	s20 =	simm.s32 $0xA180  }
0x5a: {  	[tilespmem:s20], [sflag:$0x2] =	stream.indirect_vreg.gather [hbm4b:s2+s3], $0x80, v3, vm0, $0xb8;
	[tilespmem:$0x12180] =	vst v63  }
0x5b: {  	s16 =	simm.s32 $0xA980  }
0x5c: {  	[tilespmem:s16], [sflag:$0x2] =	stream.indirect_vreg.gather [hbm4b:s4+s3], $0x80, v3, vm0, $0xb8;
	[tilespmem:$0x12180] =	vst v63  }
0x5d: {  	s20 =	simm.s32 $0xB180  }
0x5e: {  	[tilespmem:s20], [sflag:$0x2] =	stream.indirect_vreg.gather [hbm4b:s5+s3], $0x80, v3, vm0, $0xb8;
	[tilespmem:$0x12180] =	vst v63  }
0x5f: {  	s16 =	simm.s32 $0xB980  }
0x60: {  	[tilespmem:s16], [sflag:$0x2] =	stream.indirect_vreg.gather [hbm4b:s6+s3], $0x80, v3, vm0, $0xb8;
	[tilespmem:$0x12180] =	vst v63  }
0x61: {  	v3 =	vld [tilespmem:$0x30];
	_ =	sdelay $0x4  }
0x62: {  	v46 =	vshll.u32 v3, $0x3  }
0x63: {  	v3 =	vand.u32 $0x7, v3;
	v4 =	vand.u32 $0xFFFFFFC0, v46  }
0x64: {  	v3 =	vor.u32 v3, v4  }
0x65: {  	v4 =	vperm.xlane v3, v0;
	_ =	sdelay $0x1  }
0x66: {  	v4 =	vadd.s32 v1, v4;
	_ =	sdelay $0x3  }
0x67: {  	s0 =	simm.s32 $0xC180  }
0x68: {  	[tilespmem:s0], [sflag:$0x3] =	stream.indirect_vreg.gather [hbm4b:s2+s3], $0x80, v4, vm0, $0xb8;
	[tilespmem:$0x12180] =	vst v63  }
0x69: {  	s20 =	simm.s32 $0xC980;
	v3 =	vperm.xlane v3, v2  }
0x6a: {  	[tilespmem:s20], [sflag:$0x3] =	stream.indirect_vreg.gather [hbm4b:s4+s3], $0x80, v4, vm0, $0xb8;
	[tilespmem:$0x12180] =	vst v63  }
0x6b: {  	v3 =	vadd.s32 v1, v3;
	s20 =	simm.s32 $0xD180  }
0x6c: {  	[tilespmem:s20], [sflag:$0x3] =	stream.indirect_vreg.gather [hbm4b:s5+s3], $0x80, v4, vm0, $0xb8;
	[tilespmem:$0x12180] =	vst v63  }
0x6d: {  	s20 =	simm.s32 $0xD980  }
0x6e: {  	[tilespmem:s20], [sflag:$0x3] =	stream.indirect_vreg.gather [hbm4b:s6+s3], $0x80, v4, vm0, $0xb8;
	[tilespmem:$0x12180] =	vst v63  }
0x6f: {  	s20 =	simm.s32 $0xE180  }
0x70: {  	[tilespmem:s20], [sflag:$0x3] =	stream.indirect_vreg.gather [hbm4b:s2+s3], $0x80, v3, vm0, $0xb8;
	[tilespmem:$0x12180] =	vst v63  }
0x71: {  	s20 =	simm.s32 $0xE980  }
0x72: {  	[tilespmem:s20], [sflag:$0x3] =	stream.indirect_vreg.gather [hbm4b:s4+s3], $0x80, v3, vm0, $0xb8;
	[tilespmem:$0x12180] =	vst v63  }
0x73: {  	s20 =	simm.s32 $0xF180  }
0x74: {  	[tilespmem:s20], [sflag:$0x3] =	stream.indirect_vreg.gather [hbm4b:s5+s3], $0x80, v3, vm0, $0xb8;
	[tilespmem:$0x12180] =	vst v63  }
0x75: {  	s20 =	simm.s32 $0xF980  }
0x76: {  	[tilespmem:s20], [sflag:$0x3] =	stream.indirect_vreg.gather [hbm4b:s6+s3], $0x80, v3, vm0, $0xb8;
	[tilespmem:$0x12180] =	vst v63  }
0x77: {  	v3 =	vld.msk [tilespmem:$0x40], $0xff;
	_ =	sdelay $0x4  }
0x78: {  	v47 =	vshll.u32 v3, $0x3  }
0x79: {  	v3 =	vand.u32 $0x7, v3;
	v4 =	vand.u32 $0xFFFFFFC0, v47  }
0x7a: {  	v3 =	vor.u32 v3, v4  }
0x7b: {  	v3 =	vperm.xlane v3, v0;
	_ =	sdelay $0x1  }
0x7c: {  	v3 =	vadd.s32 v1, v3;
	_ =	sdelay $0x4  }
0x7d: {  	[tilespmem:s23], [sflag:$0x3] =	stream.indirect_vreg.gather [hbm4b:s2+s3], $0x80, v3, vm0, $0xb8;
	[tilespmem:$0x12180] =	vst v63  }
0x7e: {  	_ = 	snop  }
0x7f: {  	[tilespmem:s24], [sflag:$0x3] =	stream.indirect_vreg.gather [hbm4b:s4+s3], $0x80, v3, vm0, $0xb8;
	[tilespmem:$0x12180] =	vst v63  }
0x80: {  	_ = 	snop  }
0x81: {  	[tilespmem:s25], [sflag:$0x3] =	stream.indirect_vreg.gather [hbm4b:s5+s3], $0x80, v3, vm0, $0xb8;
	[tilespmem:$0x12180] =	vst v63  }
0x82: {  	_ = 	snop  }
0x83: {  	[tilespmem:s26], [sflag:$0x3] =	stream.indirect_vreg.gather [hbm4b:s6+s3], $0x80, v3, vm0, $0xb8;
	[tilespmem:$0x12180] =	vst v63  }
0x84: {  	_ =	swait.ge [sflag:s10], $0x6000  }
0x85: {  	[sflag:s10] =	ssyncset.done $0x0  }
0x86: {  	s20 =	rddreg [dreg:$0x4];
	[sflag:s10] =	ssyncadd.s32 $0xFFFFA000  }
0x87: {  	[hbm4b:s20+s3] =	stream.linear.scatter [tilespmem:s22], [sflag:$0x4], $0x6000, $0x38;
	[tilespmem:$0x12180] =	vst v63  }
0x88: {  	_ =	swait.ge [sflag:s11], $0x6000  }
0x89: {  	[sflag:s11] =	ssyncset.done $0x0  }
0x8a: {  	[sflag:s11] =	ssyncadd.s32 $0xFFFFA000  }
0x8b: {  	v3 =	vld [tilespmem:$0x48];
	_ =	sdelay $0x4  }
0x8c: {  	v48 =	vshll.u32 v3, $0x3  }
0x8d: {  	v3 =	vand.u32 $0x7, v3;
	v4 =	vand.u32 $0xFFFFFFC0, v48  }
0x8e: {  	v3 =	vor.u32 v3, v4  }
0x8f: {  	v4 =	vperm.xlane v3, v0;
	_ =	sdelay $0x1  }
0x90: {  	v4 =	vadd.s32 v1, v4;
	_ =	sdelay $0x4  }
0x91: {  	[tilespmem:s22], [sflag:$0x1] =	stream.indirect_vreg.gather [hbm4b:s2+s3], $0x80, v4, vm0, $0xb8;
	[tilespmem:$0x12180] =	vst v63  }
0x92: {  	s18 =	simm.s32 $0x980;
	v3 =	vperm.xlane v3, v2  }
0x93: {  	[tilespmem:s18], [sflag:$0x1] =	stream.indirect_vreg.gather [hbm4b:s4+s3], $0x80, v4, vm0, $0xb8;
	[tilespmem:$0x12180] =	vst v63  }
0x94: {  	s9 =	simm.s32 $0x1180;
	v3 =	vadd.s32 v1, v3  }
0x95: {  	[tilespmem:s9], [sflag:$0x1] =	stream.indirect_vreg.gather [hbm4b:s5+s3], $0x80, v4, vm0, $0xb8;
	[tilespmem:$0x12180] =	vst v63  }
0x96: {  	s17 =	simm.s32 $0x1980  }
0x97: {  	[tilespmem:s17], [sflag:$0x1] =	stream.indirect_vreg.gather [hbm4b:s6+s3], $0x80, v4, vm0, $0xb8;
	[tilespmem:$0x12180] =	vst v63  }
0x98: {  	s28 =	simm.s32 $0x2180  }
0x99: {  	[tilespmem:s28], [sflag:$0x1] =	stream.indirect_vreg.gather [hbm4b:s2+s3], $0x80, v3, vm0, $0xb8;
	[tilespmem:$0x12180] =	vst v63  }
0x9a: {  	s29 =	simm.s32 $0x2980  }
0x9b: {  	[tilespmem:s29], [sflag:$0x1] =	stream.indirect_vreg.gather [hbm4b:s4+s3], $0x80, v3, vm0, $0xb8;
	[tilespmem:$0x12180] =	vst v63  }
0x9c: {  	s30 =	simm.s32 $0x3180  }
0x9d: {  	[tilespmem:s30], [sflag:$0x1] =	stream.indirect_vreg.gather [hbm4b:s5+s3], $0x80, v3, vm0, $0xb8;
	[tilespmem:$0x12180] =	vst v63  }
0x9e: {  	s19 =	simm.s32 $0x3980  }
0x9f: {  	[tilespmem:s19], [sflag:$0x1] =	stream.indirect_vreg.gather [hbm4b:s6+s3], $0x80, v3, vm0, $0xb8;
	[tilespmem:$0x12180] =	vst v63  }
0xa0: {  	v3 =	vld.msk [tilespmem:$0x58], $0xff;
	_ =	sdelay $0x4  }
0xa1: {  	v49 =	vshll.u32 v3, $0x3  }
0xa2: {  	v3 =	vand.u32 $0x7, v3;
	v4 =	vand.u32 $0xFFFFFFC0, v49  }
0xa3: {  	v3 =	vor.u32 v3, v4  }
0xa4: {  	v3 =	vperm.xlane v3, v0;
	_ =	sdelay $0x1  }
0xa5: {  	v3 =	vadd.s32 v1, v3;
	_ =	sdelay $0x3  }
0xa6: {  	s31 =	simm.s32 $0x4180  }
0xa7: {  	[tilespmem:s31], [sflag:$0x1] =	stream.indirect_vreg.gather [hbm4b:s2+s3], $0x80, v3, vm0, $0xb8;
	[tilespmem:$0x12180] =	vst v63  }
0xa8: {  	s18 =	simm.s32 $0x4980  }
0xa9: {  	[tilespmem:s18], [sflag:$0x1] =	stream.indirect_vreg.gather [hbm4b:s4+s3], $0x80, v3, vm0, $0xb8;
	[tilespmem:$0x12180] =	vst v63  }
0xaa: {  	s19 =	simm.s32 $0x5180  }
0xab: {  	[tilespmem:s19], [sflag:$0x1] =	stream.indirect_vreg.gather [hbm4b:s5+s3], $0x80, v3, vm0, $0xb8;
	[tilespmem:$0x12180] =	vst v63  }
0xac: {  	s20 =	simm.s32 $0x5980  }
0xad: {  	[tilespmem:s20], [sflag:$0x1] =	stream.indirect_vreg.gather [hbm4b:s6+s3], $0x80, v3, vm0, $0xb8;
	[tilespmem:$0x12180] =	vst v63  }
0xae: {  	_ =	swait.ge [sflag:s12], $0x6000  }
0xaf: {  	[sflag:s12] =	ssyncset.done $0x0  }
0xb0: {  	s17 =	rddreg [dreg:$0x5];
	[sflag:s12] =	ssyncadd.s32 $0xFFFFA000  }
0xb1: {  	[hbm4b:s17+s3] =	stream.linear.scatter [tilespmem:s21], [sflag:$0x5], $0x6000, $0x38;
	[tilespmem:$0x12180] =	vst v63  }
0xb2: {  	_ =	swait.ge [sflag:s13], $0x6000  }
0xb3: {  	[sflag:s13] =	ssyncset.done $0x0  }
0xb4: {  	[sflag:s13] =	ssyncadd.s32 $0xFFFFA000  }
0xb5: {  	v3 =	vld [tilespmem:$0x60];
	_ =	sdelay $0x4  }
0xb6: {  	v50 =	vshll.u32 v3, $0x3  }
0xb7: {  	v3 =	vand.u32 $0x7, v3;
	v4 =	vand.u32 $0xFFFFFFC0, v50  }
0xb8: {  	v3 =	vor.u32 v3, v4  }
0xb9: {  	v4 =	vperm.xlane v3, v0;
	_ =	sdelay $0x1  }
0xba: {  	v4 =	vadd.s32 v1, v4;
	_ =	sdelay $0x4  }
0xbb: {  	[tilespmem:s21], [sflag:$0x2] =	stream.indirect_vreg.gather [hbm4b:s2+s3], $0x80, v4, vm0, $0xb8;
	[tilespmem:$0x12180] =	vst v63  }
0xbc: {  	s1 =	simm.s32 $0x6980;
	v3 =	vperm.xlane v3, v2  }
0xbd: {  	[tilespmem:s1], [sflag:$0x2] =	stream.indirect_vreg.gather [hbm4b:s4+s3], $0x80, v4, vm0, $0xb8;
	[tilespmem:$0x12180] =	vst v63  }
0xbe: {  	s9 =	simm.s32 $0x7180;
	v3 =	vadd.s32 v1, v3  }
0xbf: {  	[tilespmem:s9], [sflag:$0x2] =	stream.indirect_vreg.gather [hbm4b:s5+s3], $0x80, v4, vm0, $0xb8;
	[tilespmem:$0x12180] =	vst v63  }
0xc0: {  	s28 =	simm.s32 $0x7980  }
0xc1: {  	[tilespmem:s28], [sflag:$0x2] =	stream.indirect_vreg.gather [hbm4b:s6+s3], $0x80, v4, vm0, $0xb8;
	[tilespmem:$0x12180] =	vst v63  }
0xc2: {  	s29 =	simm.s32 $0x8180  }
0xc3: {  	[tilespmem:s29], [sflag:$0x2] =	stream.indirect_vreg.gather [hbm4b:s2+s3], $0x80, v3, vm0, $0xb8;
	[tilespmem:$0x12180] =	vst v63  }
0xc4: {  	s30 =	simm.s32 $0x8980  }
0xc5: {  	[tilespmem:s30], [sflag:$0x2] =	stream.indirect_vreg.gather [hbm4b:s4+s3], $0x80, v3, vm0, $0xb8;
	[tilespmem:$0x12180] =	vst v63  }
0xc6: {  	s31 =	simm.s32 $0x9180  }
0xc7: {  	[tilespmem:s31], [sflag:$0x2] =	stream.indirect_vreg.gather [hbm4b:s5+s3], $0x80, v3, vm0, $0xb8;
	[tilespmem:$0x12180] =	vst v63  }
0xc8: {  	s8 =	simm.s32 $0x9980  }
0xc9: {  	[tilespmem:s8], [sflag:$0x2] =	stream.indirect_vreg.gather [hbm4b:s6+s3], $0x80, v3, vm0, $0xb8;
	[tilespmem:$0x12180] =	vst v63  }
0xca: {  	v3 =	vld.msk [tilespmem:$0x70], $0xff;
	_ =	sdelay $0x4  }
0xcb: {  	v51 =	vshll.u32 v3, $0x3  }
0xcc: {  	v3 =	vand.u32 $0x7, v3;
	v4 =	vand.u32 $0xFFFFFFC0, v51  }
0xcd: {  	v3 =	vor.u32 v3, v4  }
0xce: {  	v3 =	vperm.xlane v3, v0;
	_ =	sdelay $0x1  }
0xcf: {  	v3 =	vadd.s32 v1, v3;
	_ =	sdelay $0x3  }
0xd0: {  	s1 =	simm.s32 $0xA180  }
0xd1: {  	[tilespmem:s1], [sflag:$0x2] =	stream.indirect_vreg.gather [hbm4b:s2+s3], $0x80, v3, vm0, $0xb8;
	[tilespmem:$0x12180] =	vst v63  }
0xd2: {  	s8 =	simm.s32 $0xA980  }
0xd3: {  	[tilespmem:s8], [sflag:$0x2] =	stream.indirect_vreg.gather [hbm4b:s4+s3], $0x80, v3, vm0, $0xb8;
	[tilespmem:$0x12180] =	vst v63  }
0xd4: {  	s17 =	simm.s32 $0xB180  }
0xd5: {  	[tilespmem:s17], [sflag:$0x2] =	stream.indirect_vreg.gather [hbm4b:s5+s3], $0x80, v3, vm0, $0xb8;
	[tilespmem:$0x12180] =	vst v63  }
0xd6: {  	s16 =	simm.s32 $0xB980  }
0xd7: {  	[tilespmem:s16], [sflag:$0x2] =	stream.indirect_vreg.gather [hbm4b:s6+s3], $0x80, v3, vm0, $0xb8;
	[tilespmem:$0x12180] =	vst v63  }
0xd8: {  	_ =	swait.ge [sflag:s14], $0x6000  }
0xd9: {  	[sflag:s14] =	ssyncset.done $0x0  }
0xda: {  	s16 =	rddreg [dreg:$0x6];
	[sflag:s14] =	ssyncadd.s32 $0xFFFFA000  }
0xdb: {  	[hbm4b:s16+s3] =	stream.linear.scatter [tilespmem:s0], [sflag:$0x6], $0x6000, $0x38;
	[tilespmem:$0x12180] =	vst v63  }
0xdc: {  	_ =	swait.ge [sflag:s15], $0x6000  }
0xdd: {  	[sflag:s15] =	ssyncset.done $0x0  }
0xde: {  	[sflag:s15] =	ssyncadd.s32 $0xFFFFA000  }
0xdf: {  	v3 =	vld [tilespmem:$0x78];
	_ =	sdelay $0x4  }
0xe0: {  	v52 =	vshll.u32 v3, $0x3  }
0xe1: {  	v3 =	vand.u32 $0x7, v3;
	v4 =	vand.u32 $0xFFFFFFC0, v52  }
0xe2: {  	v3 =	vor.u32 v3, v4  }
0xe3: {  	v4 =	vperm.xlane v3, v0;
	_ =	sdelay $0x1  }
0xe4: {  	v4 =	vadd.s32 v1, v4;
	_ =	sdelay $0x4  }
0xe5: {  	[tilespmem:s0], [sflag:$0x3] =	stream.indirect_vreg.gather [hbm4b:s2+s3], $0x80, v4, vm0, $0xb8;
	[tilespmem:$0x12180] =	vst v63  }
0xe6: {  	s16 =	simm.s32 $0xC980;
	v3 =	vperm.xlane v3, v2  }
0xe7: {  	[tilespmem:s16], [sflag:$0x3] =	stream.indirect_vreg.gather [hbm4b:s4+s3], $0x80, v4, vm0, $0xb8;
	[tilespmem:$0x12180] =	vst v63  }
0xe8: {  	v3 =	vadd.s32 v1, v3;
	s16 =	simm.s32 $0xD180  }
0xe9: {  	[tilespmem:s16], [sflag:$0x3] =	stream.indirect_vreg.gather [hbm4b:s5+s3], $0x80, v4, vm0, $0xb8;
	[tilespmem:$0x12180] =	vst v63  }
0xea: {  	s16 =	simm.s32 $0xD980  }
0xeb: {  	[tilespmem:s16], [sflag:$0x3] =	stream.indirect_vreg.gather [hbm4b:s6+s3], $0x80, v4, vm0, $0xb8;
	[tilespmem:$0x12180] =	vst v63  }
0xec: {  	s16 =	simm.s32 $0xE180  }
0xed: {  	[tilespmem:s16], [sflag:$0x3] =	stream.indirect_vreg.gather [hbm4b:s2+s3], $0x80, v3, vm0, $0xb8;
	[tilespmem:$0x12180] =	vst v63  }
0xee: {  	s16 =	simm.s32 $0xE980  }
0xef: {  	[tilespmem:s16], [sflag:$0x3] =	stream.indirect_vreg.gather [hbm4b:s4+s3], $0x80, v3, vm0, $0xb8;
	[tilespmem:$0x12180] =	vst v63  }
0xf0: {  	s16 =	simm.s32 $0xF180  }
0xf1: {  	[tilespmem:s16], [sflag:$0x3] =	stream.indirect_vreg.gather [hbm4b:s5+s3], $0x80, v3, vm0, $0xb8;
	[tilespmem:$0x12180] =	vst v63  }
0xf2: {  	s16 =	simm.s32 $0xF980  }
0xf3: {  	[tilespmem:s16], [sflag:$0x3] =	stream.indirect_vreg.gather [hbm4b:s6+s3], $0x80, v3, vm0, $0xb8;
	[tilespmem:$0x12180] =	vst v63  }
0xf4: {  	v3 =	vld.msk [tilespmem:$0x88], $0xff;
	_ =	sdelay $0x4  }
0xf5: {  	v53 =	vshll.u32 v3, $0x3  }
0xf6: {  	v3 =	vand.u32 $0x7, v3;
	v4 =	vand.u32 $0xFFFFFFC0, v53  }
0xf7: {  	v3 =	vor.u32 v3, v4  }
0xf8: {  	v3 =	vperm.xlane v3, v0;
	_ =	sdelay $0x1  }
0xf9: {  	v3 =	vadd.s32 v1, v3;
	_ =	sdelay $0x4  }
0xfa: {  	[tilespmem:s23], [sflag:$0x3] =	stream.indirect_vreg.gather [hbm4b:s2+s3], $0x80, v3, vm0, $0xb8;
	[tilespmem:$0x12180] =	vst v63  }
0xfb: {  	_ = 	snop  }
0xfc: {  	[tilespmem:s24], [sflag:$0x3] =	stream.indirect_vreg.gather [hbm4b:s4+s3], $0x80, v3, vm0, $0xb8;
	[tilespmem:$0x12180] =	vst v63  }
0xfd: {  	_ = 	snop  }
0xfe: {  	[tilespmem:s25], [sflag:$0x3] =	stream.indirect_vreg.gather [hbm4b:s5+s3], $0x80, v3, vm0, $0xb8;
	[tilespmem:$0x12180] =	vst v63  }
0xff: {  	_ = 	snop  }
0x100: {  	[tilespmem:s26], [sflag:$0x3] =	stream.indirect_vreg.gather [hbm4b:s6+s3], $0x80, v3, vm0, $0xb8;
	[tilespmem:$0x12180] =	vst v63  }
0x101: {  	_ =	swait.ge [sflag:s10], $0x6000  }
0x102: {  	[sflag:s10] =	ssyncset.done $0x0  }
0x103: {  	s16 =	rddreg [dreg:$0x7];
	[sflag:s10] =	ssyncadd.s32 $0xFFFFA000  }
0x104: {  	[hbm4b:s16+s3] =	stream.linear.scatter [tilespmem:s22], [sflag:$0x4], $0x6000, $0x38;
	[tilespmem:$0x12180] =	vst v63  }
0x105: {  	_ =	swait.ge [sflag:s11], $0x6000  }
0x106: {  	[sflag:s11] =	ssyncset.done $0x0  }
0x107: {  	[sflag:s11] =	ssyncadd.s32 $0xFFFFA000  }
0x108: {  	v3 =	vld [tilespmem:$0x90];
	_ =	sdelay $0x4  }
0x109: {  	v54 =	vshll.u32 v3, $0x3  }
0x10a: {  	v3 =	vand.u32 $0x7, v3;
	v4 =	vand.u32 $0xFFFFFFC0, v54  }
0x10b: {  	v3 =	vor.u32 v3, v4  }
0x10c: {  	v4 =	vperm.xlane v3, v0;
	_ =	sdelay $0x1  }
0x10d: {  	v4 =	vadd.s32 v1, v4;
	_ =	sdelay $0x4  }
0x10e: {  	[tilespmem:s22], [sflag:$0x1] =	stream.indirect_vreg.gather [hbm4b:s2+s3], $0x80, v4, vm0, $0xb8;
	[tilespmem:$0x12180] =	vst v63  }
0x10f: {  	s16 =	simm.s32 $0x980;
	v3 =	vperm.xlane v3, v2  }
0x110: {  	[tilespmem:s16], [sflag:$0x1] =	stream.indirect_vreg.gather [hbm4b:s4+s3], $0x80, v4, vm0, $0xb8;
	[tilespmem:$0x12180] =	vst v63  }
0x111: {  	v3 =	vadd.s32 v1, v3;
	s16 =	simm.s32 $0x1180  }
0x112: {  	[tilespmem:s16], [sflag:$0x1] =	stream.indirect_vreg.gather [hbm4b:s5+s3], $0x80, v4, vm0, $0xb8;
	[tilespmem:$0x12180] =	vst v63  }
0x113: {  	s16 =	simm.s32 $0x1980  }
0x114: {  	[tilespmem:s16], [sflag:$0x1] =	stream.indirect_vreg.gather [hbm4b:s6+s3], $0x80, v4, vm0, $0xb8;
	[tilespmem:$0x12180] =	vst v63  }
0x115: {  	s16 =	simm.s32 $0x2180  }
0x116: {  	[tilespmem:s16], [sflag:$0x1] =	stream.indirect_vreg.gather [hbm4b:s2+s3], $0x80, v3, vm0, $0xb8;
	[tilespmem:$0x12180] =	vst v63  }
0x117: {  	s16 =	simm.s32 $0x2980  }
0x118: {  	[tilespmem:s16], [sflag:$0x1] =	stream.indirect_vreg.gather [hbm4b:s4+s3], $0x80, v3, vm0, $0xb8;
	[tilespmem:$0x12180] =	vst v63  }
0x119: {  	s16 =	simm.s32 $0x3180  }
0x11a: {  	[tilespmem:s16], [sflag:$0x1] =	stream.indirect_vreg.gather [hbm4b:s5+s3], $0x80, v3, vm0, $0xb8;
	[tilespmem:$0x12180] =	vst v63  }
0x11b: {  	s16 =	simm.s32 $0x3980  }
0x11c: {  	[tilespmem:s16], [sflag:$0x1] =	stream.indirect_vreg.gather [hbm4b:s6+s3], $0x80, v3, vm0, $0xb8;
	[tilespmem:$0x12180] =	vst v63  }
0x11d: {  	v3 =	vld.msk [tilespmem:$0xA0], $0xff;
	_ =	sdelay $0x4  }
0x11e: {  	v55 =	vshll.u32 v3, $0x3  }
0x11f: {  	v3 =	vand.u32 $0x7, v3;
	v4 =	vand.u32 $0xFFFFFFC0, v55  }
0x120: {  	v3 =	vor.u32 v3, v4  }
0x121: {  	v3 =	vperm.xlane v3, v0;
	_ =	sdelay $0x1  }
0x122: {  	v3 =	vadd.s32 v1, v3;
	_ =	sdelay $0x3  }
0x123: {  	s16 =	simm.s32 $0x4180  }
0x124: {  	[tilespmem:s16], [sflag:$0x1] =	stream.indirect_vreg.gather [hbm4b:s2+s3], $0x80, v3, vm0, $0xb8;
	[tilespmem:$0x12180] =	vst v63  }
0x125: {  	_ = 	snop  }
0x126: {  	[tilespmem:s18], [sflag:$0x1] =	stream.indirect_vreg.gather [hbm4b:s4+s3], $0x80, v3, vm0, $0xb8;
	[tilespmem:$0x12180] =	vst v63  }
0x127: {  	_ = 	snop  }
0x128: {  	[tilespmem:s19], [sflag:$0x1] =	stream.indirect_vreg.gather [hbm4b:s5+s3], $0x80, v3, vm0, $0xb8;
	[tilespmem:$0x12180] =	vst v63  }
0x129: {  	_ = 	snop  }
0x12a: {  	[tilespmem:s20], [sflag:$0x1] =	stream.indirect_vreg.gather [hbm4b:s6+s3], $0x80, v3, vm0, $0xb8;
	[tilespmem:$0x12180] =	vst v63  }
0x12b: {  	_ =	swait.ge [sflag:s12], $0x6000  }
0x12c: {  	[sflag:s12] =	ssyncset.done $0x0  }
0x12d: {  	s16 =	rddreg [dreg:$0x8];
	[sflag:s12] =	ssyncadd.s32 $0xFFFFA000  }
0x12e: {  	[hbm4b:s16+s3] =	stream.linear.scatter [tilespmem:s21], [sflag:$0x5], $0x6000, $0x38;
	[tilespmem:$0x12180] =	vst v63  }
0x12f: {  	_ =	swait.ge [sflag:s13], $0x6000  }
0x130: {  	[sflag:s13] =	ssyncset.done $0x0  }
0x131: {  	[sflag:s13] =	ssyncadd.s32 $0xFFFFA000  }
0x132: {  	v3 =	vld [tilespmem:$0xA8];
	_ =	sdelay $0x4  }
0x133: {  	v56 =	vshll.u32 v3, $0x3  }
0x134: {  	v3 =	vand.u32 $0x7, v3;
	v4 =	vand.u32 $0xFFFFFFC0, v56  }
0x135: {  	v3 =	vor.u32 v3, v4  }
0x136: {  	v4 =	vperm.xlane v3, v0;
	_ =	sdelay $0x1  }
0x137: {  	v4 =	vadd.s32 v1, v4;
	_ =	sdelay $0x4  }
0x138: {  	[tilespmem:s21], [sflag:$0x2] =	stream.indirect_vreg.gather [hbm4b:s2+s3], $0x80, v4, vm0, $0xb8;
	[tilespmem:$0x12180] =	vst v63  }
0x139: {  	s16 =	simm.s32 $0x6980;
	v3 =	vperm.xlane v3, v2  }
0x13a: {  	[tilespmem:s16], [sflag:$0x2] =	stream.indirect_vreg.gather [hbm4b:s4+s3], $0x80, v4, vm0, $0xb8;
	[tilespmem:$0x12180] =	vst v63  }
0x13b: {  	v3 =	vadd.s32 v1, v3  }
0x13c: {  	[tilespmem:s9], [sflag:$0x2] =	stream.indirect_vreg.gather [hbm4b:s5+s3], $0x80, v4, vm0, $0xb8;
	[tilespmem:$0x12180] =	vst v63  }
0x13d: {  	_ = 	snop  }
0x13e: {  	[tilespmem:s28], [sflag:$0x2] =	stream.indirect_vreg.gather [hbm4b:s6+s3], $0x80, v4, vm0, $0xb8;
	[tilespmem:$0x12180] =	vst v63  }
0x13f: {  	_ = 	snop  }
0x140: {  	[tilespmem:s29], [sflag:$0x2] =	stream.indirect_vreg.gather [hbm4b:s2+s3], $0x80, v3, vm0, $0xb8;
	[tilespmem:$0x12180] =	vst v63  }
0x141: {  	_ = 	snop  }
0x142: {  	[tilespmem:s30], [sflag:$0x2] =	stream.indirect_vreg.gather [hbm4b:s4+s3], $0x80, v3, vm0, $0xb8;
	[tilespmem:$0x12180] =	vst v63  }
0x143: {  	_ = 	snop  }
0x144: {  	[tilespmem:s31], [sflag:$0x2] =	stream.indirect_vreg.gather [hbm4b:s5+s3], $0x80, v3, vm0, $0xb8;
	[tilespmem:$0x12180] =	vst v63  }
0x145: {  	s16 =	simm.s32 $0x9980  }
0x146: {  	[tilespmem:s16], [sflag:$0x2] =	stream.indirect_vreg.gather [hbm4b:s6+s3], $0x80, v3, vm0, $0xb8;
	[tilespmem:$0x12180] =	vst v63  }
0x147: {  	v3 =	vld.msk [tilespmem:$0xB8], $0xff;
	_ =	sdelay $0x4  }
0x148: {  	v57 =	vshll.u32 v3, $0x3  }
0x149: {  	v3 =	vand.u32 $0x7, v3;
	v4 =	vand.u32 $0xFFFFFFC0, v57  }
0x14a: {  	v3 =	vor.u32 v3, v4  }
0x14b: {  	v3 =	vperm.xlane v3, v0;
	_ =	sdelay $0x1  }
0x14c: {  	v3 =	vadd.s32 v1, v3;
	_ =	sdelay $0x4  }
0x14d: {  	[tilespmem:s1], [sflag:$0x2] =	stream.indirect_vreg.gather [hbm4b:s2+s3], $0x80, v3, vm0, $0xb8;
	[tilespmem:$0x12180] =	vst v63  }
0x14e: {  	_ = 	snop  }
0x14f: {  	[tilespmem:s8], [sflag:$0x2] =	stream.indirect_vreg.gather [hbm4b:s4+s3], $0x80, v3, vm0, $0xb8;
	[tilespmem:$0x12180] =	vst v63  }
0x150: {  	_ = 	snop  }
0x151: {  	[tilespmem:s17], [sflag:$0x2] =	stream.indirect_vreg.gather [hbm4b:s5+s3], $0x80, v3, vm0, $0xb8;
	[tilespmem:$0x12180] =	vst v63  }
0x152: {  	s16 =	simm.s32 $0xB980  }
0x153: {  	[tilespmem:s16], [sflag:$0x2] =	stream.indirect_vreg.gather [hbm4b:s6+s3], $0x80, v3, vm0, $0xb8;
	[tilespmem:$0x12180] =	vst v63  }
0x154: {  	_ =	swait.ge [sflag:s14], $0x6000  }
0x155: {  	[sflag:s14] =	ssyncset.done $0x0  }
0x156: {  	s16 =	rddreg [dreg:$0x9];
	[sflag:s14] =	ssyncadd.s32 $0xFFFFA000  }
0x157: {  	[hbm4b:s16+s3] =	stream.linear.scatter [tilespmem:s0], [sflag:$0x6], $0x6000, $0x38;
	[tilespmem:$0x12180] =	vst v63  }
0x158: {  	_ =	swait.ge [sflag:s15], $0x6000  }
0x159: {  	[sflag:s15] =	ssyncset.done $0x0  }
0x15a: {  	[sflag:s15] =	ssyncadd.s32 $0xFFFFA000  }
0x15b: {  	v3 =	vld [tilespmem:$0xC0];
	_ =	sdelay $0x4  }
0x15c: {  	v58 =	vshll.u32 v3, $0x3  }
0x15d: {  	v3 =	vand.u32 $0x7, v3;
	v4 =	vand.u32 $0xFFFFFFC0, v58  }
0x15e: {  	v3 =	vor.u32 v3, v4  }
0x15f: {  	v4 =	vperm.xlane v3, v0;
	_ =	sdelay $0x1  }
0x160: {  	v4 =	vadd.s32 v1, v4;
	_ =	sdelay $0x4  }
0x161: {  	[tilespmem:s0], [sflag:$0x3] =	stream.indirect_vreg.gather [hbm4b:s2+s3], $0x80, v4, vm0, $0xb8;
	[tilespmem:$0x12180] =	vst v63  }
0x162: {  	s16 =	simm.s32 $0xC980;
	v3 =	vperm.xlane v3, v2  }
0x163: {  	[tilespmem:s16], [sflag:$0x3] =	stream.indirect_vreg.gather [hbm4b:s4+s3], $0x80, v4, vm0, $0xb8;
	[tilespmem:$0x12180] =	vst v63  }
0x164: {  	v3 =	vadd.s32 v1, v3;
	s16 =	simm.s32 $0xD180  }
0x165: {  	[tilespmem:s16], [sflag:$0x3] =	stream.indirect_vreg.gather [hbm4b:s5+s3], $0x80, v4, vm0, $0xb8;
	[tilespmem:$0x12180] =	vst v63  }
0x166: {  	s16 =	simm.s32 $0xD980  }
0x167: {  	[tilespmem:s16], [sflag:$0x3] =	stream.indirect_vreg.gather [hbm4b:s6+s3], $0x80, v4, vm0, $0xb8;
	[tilespmem:$0x12180] =	vst v63  }
0x168: {  	s16 =	simm.s32 $0xE180  }
0x169: {  	[tilespmem:s16], [sflag:$0x3] =	stream.indirect_vreg.gather [hbm4b:s2+s3], $0x80, v3, vm0, $0xb8;
	[tilespmem:$0x12180] =	vst v63  }
0x16a: {  	s16 =	simm.s32 $0xE980  }
0x16b: {  	[tilespmem:s16], [sflag:$0x3] =	stream.indirect_vreg.gather [hbm4b:s4+s3], $0x80, v3, vm0, $0xb8;
	[tilespmem:$0x12180] =	vst v63  }
0x16c: {  	s16 =	simm.s32 $0xF180  }
0x16d: {  	[tilespmem:s16], [sflag:$0x3] =	stream.indirect_vreg.gather [hbm4b:s5+s3], $0x80, v3, vm0, $0xb8;
	[tilespmem:$0x12180] =	vst v63  }
0x16e: {  	s16 =	simm.s32 $0xF980  }
0x16f: {  	[tilespmem:s16], [sflag:$0x3] =	stream.indirect_vreg.gather [hbm4b:s6+s3], $0x80, v3, vm0, $0xb8;
	[tilespmem:$0x12180] =	vst v63  }
0x170: {  	v3 =	vld.msk [tilespmem:$0xD0], $0xff;
	_ =	sdelay $0x4  }
0x171: {  	v59 =	vshll.u32 v3, $0x3  }
0x172: {  	v3 =	vand.u32 $0x7, v3;
	v4 =	vand.u32 $0xFFFFFFC0, v59  }
0x173: {  	v3 =	vor.u32 v3, v4  }
0x174: {  	v3 =	vperm.xlane v3, v0;
	_ =	sdelay $0x1  }
0x175: {  	v3 =	vadd.s32 v1, v3;
	_ =	sdelay $0x4  }
0x176: {  	[tilespmem:s23], [sflag:$0x3] =	stream.indirect_vreg.gather [hbm4b:s2+s3], $0x80, v3, vm0, $0xb8;
	[tilespmem:$0x12180] =	vst v63  }
0x177: {  	_ = 	snop  }
0x178: {  	[tilespmem:s24], [sflag:$0x3] =	stream.indirect_vreg.gather [hbm4b:s4+s3], $0x80, v3, vm0, $0xb8;
	[tilespmem:$0x12180] =	vst v63  }
0x179: {  	_ = 	snop  }
0x17a: {  	[tilespmem:s25], [sflag:$0x3] =	stream.indirect_vreg.gather [hbm4b:s5+s3], $0x80, v3, vm0, $0xb8;
	[tilespmem:$0x12180] =	vst v63  }
0x17b: {  	_ = 	snop  }
0x17c: {  	[tilespmem:s26], [sflag:$0x3] =	stream.indirect_vreg.gather [hbm4b:s6+s3], $0x80, v3, vm0, $0xb8;
	[tilespmem:$0x12180] =	vst v63  }
0x17d: {  	_ =	swait.ge [sflag:s10], $0x6000  }
0x17e: {  	[sflag:s10] =	ssyncset.done $0x0  }
0x17f: {  	s16 =	rddreg [dreg:$0xa];
	[sflag:s10] =	ssyncadd.s32 $0xFFFFA000  }
0x180: {  	[hbm4b:s16+s3] =	stream.linear.scatter [tilespmem:s22], [sflag:$0x4], $0x6000, $0x38;
	[tilespmem:$0x12180] =	vst v63  }
0x181: {  	_ =	swait.ge [sflag:s11], $0x6000  }
0x182: {  	[sflag:s11] =	ssyncset.done $0x0  }
0x183: {  	[sflag:s11] =	ssyncadd.s32 $0xFFFFA000  }
0x184: {  	v3 =	vld [tilespmem:$0xD8];
	_ =	sdelay $0x4  }
0x185: {  	v60 =	vshll.u32 v3, $0x3  }
0x186: {  	v3 =	vand.u32 $0x7, v3;
	v4 =	vand.u32 $0xFFFFFFC0, v60  }
0x187: {  	v3 =	vor.u32 v3, v4  }
0x188: {  	v4 =	vperm.xlane v3, v0;
	_ =	sdelay $0x1  }
0x189: {  	v4 =	vadd.s32 v1, v4;
	_ =	sdelay $0x4  }
0x18a: {  	[tilespmem:s22], [sflag:$0x1] =	stream.indirect_vreg.gather [hbm4b:s2+s3], $0x80, v4, vm0, $0xb8;
	[tilespmem:$0x12180] =	vst v63  }
0x18b: {  	s16 =	simm.s32 $0x980;
	v3 =	vperm.xlane v3, v2  }
0x18c: {  	[tilespmem:s16], [sflag:$0x1] =	stream.indirect_vreg.gather [hbm4b:s4+s3], $0x80, v4, vm0, $0xb8;
	[tilespmem:$0x12180] =	vst v63  }
0x18d: {  	v3 =	vadd.s32 v1, v3;
	s16 =	simm.s32 $0x1180  }
0x18e: {  	[tilespmem:s16], [sflag:$0x1] =	stream.indirect_vreg.gather [hbm4b:s5+s3], $0x80, v4, vm0, $0xb8;
	[tilespmem:$0x12180] =	vst v63  }
0x18f: {  	s16 =	simm.s32 $0x1980  }
0x190: {  	[tilespmem:s16], [sflag:$0x1] =	stream.indirect_vreg.gather [hbm4b:s6+s3], $0x80, v4, vm0, $0xb8;
	[tilespmem:$0x12180] =	vst v63  }
0x191: {  	s16 =	simm.s32 $0x2180  }
0x192: {  	[tilespmem:s16], [sflag:$0x1] =	stream.indirect_vreg.gather [hbm4b:s2+s3], $0x80, v3, vm0, $0xb8;
	[tilespmem:$0x12180] =	vst v63  }
0x193: {  	s16 =	simm.s32 $0x2980  }
0x194: {  	[tilespmem:s16], [sflag:$0x1] =	stream.indirect_vreg.gather [hbm4b:s4+s3], $0x80, v3, vm0, $0xb8;
	[tilespmem:$0x12180] =	vst v63  }
0x195: {  	s16 =	simm.s32 $0x3180  }
0x196: {  	[tilespmem:s16], [sflag:$0x1] =	stream.indirect_vreg.gather [hbm4b:s5+s3], $0x80, v3, vm0, $0xb8;
	[tilespmem:$0x12180] =	vst v63  }
0x197: {  	s16 =	simm.s32 $0x3980  }
0x198: {  	[tilespmem:s16], [sflag:$0x1] =	stream.indirect_vreg.gather [hbm4b:s6+s3], $0x80, v3, vm0, $0xb8;
	[tilespmem:$0x12180] =	vst v63  }
0x199: {  	v3 =	vld.msk [tilespmem:$0xE8], $0xff;
	_ =	sdelay $0x4  }
0x19a: {  	v61 =	vshll.u32 v3, $0x3  }
0x19b: {  	v3 =	vand.u32 $0x7, v3;
	v4 =	vand.u32 $0xFFFFFFC0, v61  }
0x19c: {  	v3 =	vor.u32 v3, v4  }
0x19d: {  	v3 =	vperm.xlane v3, v0;
	_ =	sdelay $0x1  }
0x19e: {  	v3 =	vadd.s32 v1, v3;
	_ =	sdelay $0x3  }
0x19f: {  	s16 =	simm.s32 $0x4180  }
0x1a0: {  	[tilespmem:s16], [sflag:$0x1] =	stream.indirect_vreg.gather [hbm4b:s2+s3], $0x80, v3, vm0, $0xb8;
	[tilespmem:$0x12180] =	vst v63  }
0x1a1: {  	s18 =	simm.s32 $0x4980  }
0x1a2: {  	[tilespmem:s18], [sflag:$0x1] =	stream.indirect_vreg.gather [hbm4b:s4+s3], $0x80, v3, vm0, $0xb8;
	[tilespmem:$0x12180] =	vst v63  }
0x1a3: {  	s19 =	simm.s32 $0x5180  }
0x1a4: {  	[tilespmem:s19], [sflag:$0x1] =	stream.indirect_vreg.gather [hbm4b:s5+s3], $0x80, v3, vm0, $0xb8;
	[tilespmem:$0x12180] =	vst v63  }
0x1a5: {  	s20 =	simm.s32 $0x5980  }
0x1a6: {  	[tilespmem:s20], [sflag:$0x1] =	stream.indirect_vreg.gather [hbm4b:s6+s3], $0x80, v3, vm0, $0xb8;
	[tilespmem:$0x12180] =	vst v63  }
0x1a7: {  	_ =	swait.ge [sflag:s12], $0x6000  }
0x1a8: {  	[sflag:s12] =	ssyncset.done $0x0  }
0x1a9: {  	s18 =	rddreg [dreg:$0xb];
	[sflag:s12] =	ssyncadd.s32 $0xFFFFA000  }
0x1aa: {  	[hbm4b:s18+s3] =	stream.linear.scatter [tilespmem:s21], [sflag:$0x5], $0x6000, $0x38;
	[tilespmem:$0x12180] =	vst v63  }
0x1ab: {  	_ =	swait.ge [sflag:s13], $0x6000  }
0x1ac: {  	[sflag:s13] =	ssyncset.done $0x0  }
0x1ad: {  	[sflag:s13] =	ssyncadd.s32 $0xFFFFA000  }
0x1ae: {  	v3 =	vld [tilespmem:$0xF0];
	_ =	sdelay $0x4  }
0x1af: {  	v62 =	vshll.u32 v3, $0x3  }
0x1b0: {  	v3 =	vand.u32 $0x7, v3;
	v4 =	vand.u32 $0xFFFFFFC0, v62  }
0x1b1: {  	v3 =	vor.u32 v3, v4  }
0x1b2: {  	v4 =	vperm.xlane v3, v0;
	_ =	sdelay $0x1  }
0x1b3: {  	v4 =	vadd.s32 v1, v4;
	_ =	sdelay $0x4  }
0x1b4: {  	[tilespmem:s21], [sflag:$0x2] =	stream.indirect_vreg.gather [hbm4b:s2+s3], $0x80, v4, vm0, $0xb8;
	[tilespmem:$0x12180] =	vst v63  }
0x1b5: {  	s19 =	simm.s32 $0x6980;
	v3 =	vperm.xlane v3, v2  }
0x1b6: {  	[tilespmem:s19], [sflag:$0x2] =	stream.indirect_vreg.gather [hbm4b:s4+s3], $0x80, v4, vm0, $0xb8;
	[tilespmem:$0x12180] =	vst v63  }
0x1b7: {  	s9 =	simm.s32 $0x7180;
	v3 =	vadd.s32 v1, v3  }
0x1b8: {  	[tilespmem:s9], [sflag:$0x2] =	stream.indirect_vreg.gather [hbm4b:s5+s3], $0x80, v4, vm0, $0xb8;
	[tilespmem:$0x12180] =	vst v63  }
0x1b9: {  	s28 =	simm.s32 $0x7980  }
0x1ba: {  	[tilespmem:s28], [sflag:$0x2] =	stream.indirect_vreg.gather [hbm4b:s6+s3], $0x80, v4, vm0, $0xb8;
	[tilespmem:$0x12180] =	vst v63  }
0x1bb: {  	s29 =	simm.s32 $0x8180  }
0x1bc: {  	[tilespmem:s29], [sflag:$0x2] =	stream.indirect_vreg.gather [hbm4b:s2+s3], $0x80, v3, vm0, $0xb8;
	[tilespmem:$0x12180] =	vst v63  }
0x1bd: {  	s30 =	simm.s32 $0x8980  }
0x1be: {  	[tilespmem:s30], [sflag:$0x2] =	stream.indirect_vreg.gather [hbm4b:s4+s3], $0x80, v3, vm0, $0xb8;
	[tilespmem:$0x12180] =	vst v63  }
0x1bf: {  	s31 =	simm.s32 $0x9180  }
0x1c0: {  	[tilespmem:s31], [sflag:$0x2] =	stream.indirect_vreg.gather [hbm4b:s5+s3], $0x80, v3, vm0, $0xb8;
	[tilespmem:$0x12180] =	vst v63  }
0x1c1: {  	s20 =	simm.s32 $0x9980  }
0x1c2: {  	[tilespmem:s20], [sflag:$0x2] =	stream.indirect_vreg.gather [hbm4b:s6+s3], $0x80, v3, vm0, $0xb8;
	[tilespmem:$0x12180] =	vst v63  }
0x1c3: {  	v3 =	vld.msk [tilespmem:$0x100], $0xff;
	_ =	sdelay $0x4  }
0x1c4: {  	v63 =	vshll.u32 v3, $0x3  }
0x1c5: {  	v3 =	vand.u32 $0x7, v3;
	v4 =	vand.u32 $0xFFFFFFC0, v63  }
0x1c6: {  	v3 =	vor.u32 v3, v4  }
0x1c7: {  	v3 =	vperm.xlane v3, v0;
	_ =	sdelay $0x1  }
0x1c8: {  	v3 =	vadd.s32 v1, v3;
	_ =	sdelay $0x3  }
0x1c9: {  	s1 =	simm.s32 $0xA180  }
0x1ca: {  	[tilespmem:s1], [sflag:$0x2] =	stream.indirect_vreg.gather [hbm4b:s2+s3], $0x80, v3, vm0, $0xb8;
	[tilespmem:$0x12180] =	vst v63  }
0x1cb: {  	s8 =	simm.s32 $0xA980  }
0x1cc: {  	[tilespmem:s8], [sflag:$0x2] =	stream.indirect_vreg.gather [hbm4b:s4+s3], $0x80, v3, vm0, $0xb8;
	[tilespmem:$0x12180] =	vst v63  }
0x1cd: {  	s17 =	simm.s32 $0xB180  }
0x1ce: {  	[tilespmem:s17], [sflag:$0x2] =	stream.indirect_vreg.gather [hbm4b:s5+s3], $0x80, v3, vm0, $0xb8;
	[tilespmem:$0x12180] =	vst v63  }
0x1cf: {  	s28 =	simm.s32 $0xB980  }
0x1d0: {  	[tilespmem:s28], [sflag:$0x2] =	stream.indirect_vreg.gather [hbm4b:s6+s3], $0x80, v3, vm0, $0xb8;
	[tilespmem:$0x12180] =	vst v63  }
0x1d1: {  	_ =	swait.ge [sflag:s14], $0x6000  }
0x1d2: {  	[sflag:s14] =	ssyncset.done $0x0  }
0x1d3: {  	s29 =	rddreg [dreg:$0xc];
	[sflag:s14] =	ssyncadd.s32 $0xFFFFA000  }
0x1d4: {  	[hbm4b:s29+s3] =	stream.linear.scatter [tilespmem:s0], [sflag:$0x6], $0x6000, $0x38;
	[tilespmem:$0x12180] =	vst v63  }
0x1d5: {  	_ =	swait.ge [sflag:s10], $0x6000  }
0x1d6: {  	[sflag:s10] =	ssyncset.done $0x0  }
0x1d7: {  	s30 =	rddreg [dreg:$0xd];
	[sflag:s10] =	ssyncadd.s32 $0xFFFFA000  }
0x1d8: {  	[hbm4b:s30+s3] =	stream.linear.scatter [tilespmem:s22], [sflag:$0x4], $0x6000, $0x38;
	[tilespmem:$0x12180] =	vst v63  }
0x1d9: {  	_ =	swait.ge [sflag:s12], $0x6000  }
0x1da: {  	[sflag:s12] =	ssyncset.done $0x0  }
0x1db: {  	s31 =	rddreg [dreg:$0xe];
	[sflag:s12] =	ssyncadd.s32 $0xFFFFA000  }
0x1dc: {  	[hbm4b:s31+s3] =	stream.linear.scatter [tilespmem:s21], [sflag:$0x5], $0x6000, $0x38;
	[tilespmem:$0x12180] =	vst v63  }
0x1dd: {  	_ =	swait.ge [sflag:s15], $0x6000  }
0x1de: {  	[sflag:s15] =	ssyncset.done $0x0  }
0x1df: {  	[sflag:s15] =	ssyncadd.s32 $0xFFFFA000  }
0x1e0: {  	p0 =	sne.s32 s7, $0x1;
	_ =	swait.ge [sflag:s11], $0x6000  }
.Ltmp0:
0x1e1: {  	[sflag:s11] =	ssyncset.done $0x0;
	(pc) =	sbr.rel @p0 .LBB2_1-.Ltmp0, $4  }
0x1e2: {  	[sflag:s11] =	ssyncadd.s32 $0xFFFFA000  }
0x1e3: {  	_ =	swait.ge [sflag:s13], $0x6000  }
0x1e4: {  	[sflag:s13] =	ssyncset.done $0x0  }
0x1e5: {  	s7 =	sadd.s32 $0xFFFFFFFF, s7;
	[sflag:s13] =	ssyncadd.s32 $0xFFFFA000  }
0x1e6: {  	_ =	sfence.sel $0x180000  }
0x1e7: {  	[bflag:$0x0] =	sbarrier.arrive $0xFFFF  }
0x1e8: {  	_ =	strace $0x90000050  }
0x1e9: {  	s0 =	stileid.u32;
	[bflag:$0x2] =	sbarrier.arrive $0xFFFF  }
0x1ea: {  	p0 =	sne.s32 s0, $0x0;
	s0 =	rddreg [dreg:$0x2]  }
0x1eb: {  	s0 =	sadd.s32 @!p0 $0x100000, s0  }
0x1ec: {  	[sflag:s0] =	ssyncadd.tile.s32 @!p0 $0x1;
	_ =	shalt  }
.Lfunc_end2:
_tile_overlayer_lowered:
.L_overlay_start_2:
0x1ed: {  	(tag) =	ssettag $0x2  }
0x1ee: {  	s0 =	rddreg [dreg:$0x0];
	s2 =	stileid.u32  }
0x1ef: {  	s1 =	rddreg [dreg:$0x1];
	p0 =	sne.s32 s2, $0x0  }
0x1f0: {  	s3 =	rddreg [dreg:$0x2];
	[bflag:$0x3] =	sbarrier.arrive $0xFFFF;
	s2 =	simm.s32 @!p0 $0x1C07  }
0x1f1: {  	[timem:s3], [sflag:s2] =	dma.local @!p0 [hbm:s0], s1  }
0x1f2: {  	s0 =	simm.s32 @!p0 $0x7  }
0x1f3: {  	_ =	swait.ge @!p0 [sflag:s0], s1  }
0x1f4: {  	s1 =	ssub.s32 @!p0 $0x0, s1;
	[sflag:s0] =	ssyncset.done @!p0 $0x0  }
0x1f5: {  	[sflag:s0] =	ssyncadd.s32 @!p0 s1  }
0x1f6: {  	[bflag:$0x3] =	sbarrier.arrive $0xFFFF  }
0x1f7: {  	_ =	shalt  }

// kernel: kernel.19.cloned.1.call-start
scs
__scs_entry_jumppad:
0x0: {  	(pc) =	sbr.rel $0x88, $3  }
0x1: {  	(tag) =	ssettag $0x0;
	lr =	simm.s32 $0x1  }
0x2: {  	[smem:$0x3F99] =	sst lr;
	_ =	strace $0xD0000000  }
0x3: {  	_ = 	snop  }
0x4: {  	_ = 	snop  }
0x5: {  	_ = 	snop  }
0x6: {  	_ = 	snop  }
0x7: {  	_ = 	snop  }
__scs_overlays_trampoline_lowered:
0x8: {  	[smem:$0x3FA8] =	sst s0  }
0x9: {  	[smem:$0x3FA9] =	sst s1  }
0xa: {  	[smem:$0x3FAA] =	sst s2  }
0xb: {  	[smem:$0x3FAB] =	sst s3  }
0xc: {  	[smem:$0x3FAC] =	sst s4  }
0xd: {  	[smem:$0x3FAD] =	sst s5  }
0xe: {  	[smem:$0x3FAE] =	sst s6  }
0xf: {  	[smem:$0x3FAF] =	sst s7  }
0x10: {  	[smem:$0x3FB0] =	sst s8  }
0x11: {  	[smem:$0x3FB1] =	sst s9;
	s0 =	simm.s32 @!p0 $0x0  }
0x12: {  	s1 =	sld [smem:$0x3F97];
	s0 =	simm.s32 @p0 $0x1  }
0x13: {  	[smem:$0x3FB2] =	sst s0;
	s0 =	simm.s32 @!p1 $0x0  }
0x14: {  	s2 =	sld [smem:$0x3F96];
	s0 =	simm.s32 @p1 $0x1  }
0x15: {  	[smem:$0x3FB3] =	sst s0;
	s0 =	simm.s32 @!p2 $0x0  }
0x16: {  	s3 =	sld [smem:$0x3FDB];
	s0 =	simm.s32 @p2 $0x1  }
0x17: {  	s4 =	simm.s32 $0x1BF5;
	[smem:$0x3FB5] =	sst s0  }
0x18: {  	s0 =	sld [smem:$0x3F98];
	_ =	swait.ge [sflag:s4], $0x0  }
0x19: {  	s7 =	sld [smem:$0x3F99]  }
0x1a: {  	s8 =	sadd.s32 $0xFFFFE003, lr  }
0x1b: {  	s9 =	sadd.s32 $0xFFFFFEF7, lr;
	s5 =	simm.s32 $0xFFFFFFFF;
	p2 =	slt.u32 s8, $0xFFFFF086  }
0x1c: {  	p1 =	slt.u32 s9, $0xF7A;
	s5 =	simm.s32 @!p2 $0x0  }
0x1d: {  	s5 =	simm.s32 @p1 $0x1;
	p0 =	seq.s32 s7, s2  }
0x1e: {  	s7 =	smul.u32 @!p0 $0xF7A, s2;
	p2 =	seq.s32 @!p0 s5, $0x0  }
0x1f: {  	s9 =	smul.u32 $0xF7A, s1;
	s8 =	simm.s32 @!p0 $0x1BF5;
	p2 =	por !p2, p0  }
0x20: {  	[sflag:s8] =	ssyncset.s32 @!p0 $0xFFFFF086;
	s6 =	sadd.s32 @!p0 s3, s7;
	s7 =	simm.s32 @!p0 $0x108  }
0x21: {  	s3 =	sadd.s32 s3, s9;
	s6 =	sadd.s32 @!p0 $0x88, s6;
	s7 =	simm.s32 @p2 $0x1082  }
0x22: {  	[simem:s7], [sflag:s8] =	dma.local @!p0 [hbm:s6], $0xF7A  }
0x23: {  	s9 =	sor.u32 $0xD0000000, s2;
	s6 =	simm.s32 $0x108;
	_ =	swait.ge @!p0 [sflag:s8], $0x0  }
0x24: {  	s3 =	sadd.s32 $0x88, s3;
	s6 =	simm.s32 @!p1 $0x1082;
	[sflag:s4] =	ssyncset.s32 $0xFFFFF086  }
0x25: {  	[simem:s6], [sflag:s4] =	dma.local [hbm:s3], $0xF7A  }
0x26: {  	[smem:$0x3F99] =	sst s1;
	(tag) =	ssettag s2;
	_ =	strace s9  }
0x27: {  	s1 =	sld [smem:$0x3FA9]  }
0x28: {  	s2 =	sld [smem:$0x3FAA]  }
0x29: {  	s4 =	sld [smem:$0x3FAC]  }
0x2a: {  	p0 =	seq.s32 s5, $0x0;
	s5 =	sld [smem:$0x3FAD]  }
0x2b: {  	s6 =	sld [smem:$0x3FAE]  }
0x2c: {  	s7 =	sld [smem:$0x3FAF]  }
0x2d: {  	s3 =	simm.s32 $0x108;
	s8 =	sld [smem:$0x3FB0]  }
0x2e: {  	s3 =	simm.s32 @!p0 $0x1082;
	s9 =	sld [smem:$0x3FB1]  }
0x2f: {  	lr =	sadd.s32 s0, s3;
	s0 =	sld [smem:$0x3FA8]  }
0x30: {  	s3 =	sld [smem:$0x3FAB]  }
0x31: {  	[smem:$0x3FB4] =	sst s10  }
0x32: {  	s10 =	sld [smem:$0x3FB2];
	_ =	sdelay $0x3  }
0x33: {  	p0 =	seq.s32 s10, $0x1;
	s10 =	sld [smem:$0x3FB4];
	_ =	sdelay $0x3  }
0x34: {  	[smem:$0x3FB4] =	sst s10  }
0x35: {  	s10 =	sld [smem:$0x3FB3];
	_ =	sdelay $0x3  }
0x36: {  	p1 =	seq.s32 s10, $0x1;
	s10 =	sld [smem:$0x3FB4];
	_ =	sdelay $0x3  }
0x37: {  	[smem:$0x3FB4] =	sst s10  }
0x38: {  	s10 =	sld [smem:$0x3FB5]  }
0x39: {  	_ = 	snop;
	(pc) =	sbr.ind lr, $3  }
0x3a: {  	_ = 	snop  }
0x3b: {  	_ = 	snop  }
0x3c: {  	p2 =	seq.s32 s10, $0x1;
	s10 =	sld [smem:$0x3FB4]  }
0x3d: {  	_ =	shalt  }
0x3e: {  	_ =	shalt  }
0x3f: {  	_ =	shalt  }
0x40: {  	_ =	shalt  }
0x41: {  	_ =	shalt  }
0x42: {  	_ =	shalt  }
0x43: {  	_ =	shalt  }
0x44: {  	_ =	shalt  }
0x45: {  	_ =	shalt  }
0x46: {  	_ =	shalt  }
0x47: {  	_ =	shalt  }
0x48: {  	_ =	shalt  }
0x49: {  	_ =	shalt  }
0x4a: {  	_ =	shalt  }
0x4b: {  	_ =	shalt  }
0x4c: {  	_ =	shalt  }
0x4d: {  	_ =	shalt  }
0x4e: {  	_ =	shalt  }
0x4f: {  	_ =	shalt  }
0x50: {  	_ =	shalt  }
0x51: {  	_ =	shalt  }
0x52: {  	_ =	shalt  }
0x53: {  	_ =	shalt  }
0x54: {  	_ =	shalt  }
0x55: {  	_ =	shalt  }
0x56: {  	_ =	shalt  }
0x57: {  	_ =	shalt  }
0x58: {  	_ =	shalt  }
0x59: {  	_ =	shalt  }
0x5a: {  	_ =	shalt  }
0x5b: {  	_ =	shalt  }
0x5c: {  	_ =	shalt  }
0x5d: {  	_ =	shalt  }
0x5e: {  	_ =	shalt  }
0x5f: {  	_ =	shalt  }
0x60: {  	_ =	shalt  }
0x61: {  	_ =	shalt  }
0x62: {  	_ =	shalt  }
0x63: {  	_ =	shalt  }
0x64: {  	_ =	shalt  }
0x65: {  	_ =	shalt  }
0x66: {  	_ =	shalt  }
0x67: {  	_ =	shalt  }
0x68: {  	_ =	shalt  }
0x69: {  	_ =	shalt  }
0x6a: {  	_ =	shalt  }
0x6b: {  	_ =	shalt  }
0x6c: {  	_ =	shalt  }
0x6d: {  	_ =	shalt  }
0x6e: {  	_ =	shalt  }
0x6f: {  	_ =	shalt  }
0x70: {  	_ =	shalt  }
0x71: {  	_ =	shalt  }
0x72: {  	_ =	shalt  }
0x73: {  	_ =	shalt  }
0x74: {  	_ =	shalt  }
0x75: {  	_ =	shalt  }
0x76: {  	_ =	shalt  }
0x77: {  	_ =	shalt  }
0x78: {  	_ =	shalt  }
0x79: {  	_ =	shalt  }
0x7a: {  	_ =	shalt  }
0x7b: {  	_ =	shalt  }
0x7c: {  	_ =	shalt  }
0x7d: {  	_ =	shalt  }
0x7e: {  	_ =	shalt  }
0x7f: {  	_ =	shalt  }
0x80: {  	_ =	shalt  }
0x81: {  	_ =	shalt  }
0x82: {  	_ =	shalt  }
0x83: {  	_ =	shalt  }
0x84: {  	_ =	shalt  }
0x85: {  	_ =	shalt  }
0x86: {  	_ =	shalt  }
0x87: {  	_ =	shalt  }
.Lfunc_end0:
.L_simem_size_0:
called_computation.4_lowered:
.L_overlay_start_0:
0x88: {  	s2 =	sld [smem:$0x3FD9]  }
0x89: {  	s3 =	sld [smem:$0x3FFE];
	_ =	sdelay $0x1  }
0x8a: {  	s1 =	srdreg.scid  }
0x8b: {  	s0 =	sand.u32 $0x1, s1  }
0x8c: {  	s17 =	sshll.u32 s0, $0xA;
	s2 =	sadd.s32 s3, s2  }
0x8d: {  	s2 =	sadd.s32 s2, s17  }
0x8e: {  	[smem:$0x3FC0] =	sst s2  }
0x8f: {  	_ = 	snop  }
0x90: {  	s18 =	sld [smem:$0x3FC9];
	(tm) =	ssettm $0x1  }
0x91: {  	s19 =	sld [smem:$0x3FFB];
	_ =	sdelay $0x3  }
0x92: {  	_ =	strace s19  }
0x93: {  	s2 =	sld [smem:$0x3FFC];
	_ =	sdelay $0x3  }
0x94: {  	_ =	strace s2  }
0x95: {  	s2 =	sld [smem:$0x3FFD];
	_ =	sdelay $0x3  }
0x96: {  	_ =	strace s2  }
0x97: {  	_ =	strace $0x8FFFFFFF  }
0x98: {  	s20 =	sld [smem:$0x3FDB];
	_ =	sdelay $0x1  }
0x99: {  	s4 =	simm.s32 $_scs_section_size  }
0x9a: {  	s5 =	simm.s32 $_size__tile_overlayer_lowered;
	s6 =	simm.s32 $_tile_overlayer_lowered  }
0x9b: {  	s7 =	simm.s32 $0x1BFF;
	s21 =	sshll.u32 s6, $0x1;
	s4 =	sadd.s32 s4, s20  }
0x9c: {  	s22 =	simm.s32 $0x0;
	s5 =	sshll.u32 s5, $0x1;
	s6 =	sadd.s32 s21, s4  }
0x9d: {  	[timem:s22], [sflag:s7] =	dma.local [hbm:s6], s5  }
0x9e: {  	_ =	swait.ge [sflag:s7], s5  }
0x9f: {  	s5 =	ssub.s32 $0x0, s5;
	[sflag:s7] =	ssyncset.done $0x0  }
0xa0: {  	[sflag:s7] =	ssyncadd.s32 s5;
	_ =	sdelay $0x1  }
0xa1: {  	s23 =	simm.s32 $0x1B8B  }
0xa2: {  	_ =	swait.ge [sflag:s23], $0x1  }
0xa3: {  	[sflag:s23] =	ssyncset.done $0x0  }
0xa4: {  	[sflag:s23] =	ssyncadd.s32 $0xFFFFFFFF  }
0xa5: {  	s5 =	sld [smem:$0x0]  }
0xa6: {  	s6 =	sand.u32 $0xFFFFFFFE, s1  }
0xa7: {  	p0 =	sne.s32 s1, s6  }
0xa8: {  	s6 =	sshll.u32 @p0 s6, $0xE  }
0xa9: {  	s6 =	sadd.s32 @p0 $0x11B8D, s6;
	s7 =	sshll.u32 @p0 s5, $0x11  }
0xaa: {  	s6 =	sor.u32 @p0 s7, s6  }
0xab: {  	[sflag:s6] =	ssyncadd.remote.s32 @p0 $0x1;
	_ =	sdelay $0x1  }
0xac: {  	s6 =	simm.s32 @p0 $0x1B8D  }
0xad: {  	_ =	swait.eq @p0 [sflag:s6], $0x1  }
0xae: {  	[sflag:s6] =	ssyncadd.s32 @p0 $0xFFFFFFFF  }
0xaf: {  	s7 =	sshll.u32 @!p0 s1, $0xE  }
0xb0: {  	s7 =	sor.u32 @!p0 $0x4000, s7;
	s6 =	simm.s32 @!p0 $0x1B8D  }
0xb1: {  	s5 =	sshll.u32 @!p0 s5, $0x11;
	s7 =	sadd.s32 @!p0 $0x11B8D, s7;
	_ =	swait.eq @!p0 [sflag:s6], $0x1  }
0xb2: {  	s5 =	sor.u32 @!p0 s5, s7;
	[sflag:s6] =	ssyncadd.s32 @!p0 $0xFFFFFFFF  }
0xb3: {  	s25 =	simm.s32 $0x1B8E;
	s24 =	sld [smem:$0x3FFE];
	[sflag:s5] =	ssyncadd.remote.s32 @!p0 $0x1  }
0xb4: {  	s26 =	simm.s32 $execute0_lowered;
	[smem:$0x3FD2] =	sst s25  }
0xb5: {  	s6 =	sshll.u32 s26, $0x1;
	_ =	strace $0x80000052;
	[dreg:$0x1] =	wrdreg $0xFFFFFFFF  }
0xb6: {  	s28 =	simm.s32 $_size_execute0_lowered;
	s4 =	sadd.s32 s4, s6;
	[dreg:$0x0] =	wrdreg $0x0  }
0xb7: {  	s6 =	sshll.u32 s28, $0x1;
	[dreg:$0x2] =	wrdreg s4  }
0xb8: {  	[dreg:$0x3] =	wrdreg s6  }
0xb9: {  	[dreg:$0x4] =	wrdreg $0xC0  }
0xba: {  	_ =	task [dreg:s22], $0x5FFFF  }
0xbb: {  	[dreg:$0x1] =	wrdreg $0xFFFFFFFF  }
0xbc: {  	[dreg:$0x0] =	wrdreg $0x60  }
0xbd: {  	[dreg:$0x2] =	wrdreg s18  }
0xbe: {  	[dreg:$0x3] =	wrdreg s24  }
0xbf: {  	[dreg:$0x4] =	wrdreg $0xC  }
0xc0: {  	_ =	task.clear_ibuf [dreg:s22], $0x5FFFF;
	_ =	strace $0x90000052  }
0xc1: {  	s29 =	simm.s32 $0xC;
	_ =	strace $0x80000054  }
0xc2: {  	_ =	swait.ge [sflag:s29], $0x1  }
0xc3: {  	[sflag:s29] =	ssyncadd.s32 $0xFFFFFFFF  }
0xc4: {  	_ =	strace $0x90000054  }
0xc5: {  	_ =	sfence  }
0xc6: {  	s30 =	sld [smem:$0x0];
	_ =	sdelay $0x2  }
0xc7: {  	s31 =	sshll.u32 s1, $0xD;
	s1 =	sshrl.u32 s1, $0x2  }
0xc8: {  	s4 =	sand.u32 $0x4000, s31;
	s1 =	sadd.s32 s1, s30  }
0xc9: {  	s0 =	sor.u32 s4, s0;
	s1 =	sshll.u32 s1, $0x11  }
0xca: {  	s0 =	sor.u32 s1, s0  }
0xcb: {  	s0 =	sadd.s32 $0x8F2B, s0  }
0xcc: {  	[sflag:s0] =	ssyncadd.remote.s32 $0x1  }
0xcd: {  	_ =	sfence.sel $0xFFFF  }
0xce: {  	[dreg:$0x0] =	wrdreg $0xFFFFFFFF;
	(pc) =	sbr.abs _section_cstart, $3  }
0xcf: {  	[dreg:$0x1] =	wrdreg $0xFFFFFFFF  }
0xd0: {  	_ =	task.clear_ibuf [dreg:s22], $0x2FFFF;
	_ =	strace $0x9FFFFFFF  }
0xd1: {  	(tm) =	ssettm $0x7FFFFFFF  }
tec
execute0_lowered:
.L_overlay_start_1:
0x0: {  	(tag) =	ssettag $0x1  }
0x1: {  	s0 =	srdreg.scid  }
0x2: {  	s1 =	stileid.u32;
	s2 =	rddreg [dreg:$0x0]  }
0x3: {  	s4 =	rddreg [dreg:$0x1];
	s0 =	sand.u32 $0x1, s0;
	s1 =	sshll.u32 s1, $0x1  }
0x4: {  	s3 =	simm.s32 $0x0;
	s10 =	simm.s32 $0x1;
	s1 =	sor.u32 s0, s1  }
0x5: {  	s11 =	simm.s32 $0x4;
	s12 =	simm.s32 $0x2;
	s5 =	smul.u32 $0x21, s1  }
0x6: {  	s13 =	simm.s32 $0x5;
	[smem:$0x7FF] =	sst s3;
	s6 =	smul.u32 $0x42000, s1  }
0x7: {  	_ =	strace $0x80000053;
	s1 =	smul.u32 $0x8400, s1;
	s5 =	sadd.s32 s5, s4  }
0x8: {  	s4 =	sadd.s32 $0x31A800, s4;
	s6 =	sshrl.u32 s6, $0x3;
	s5 =	sadd.s32 $0x2200, s5  }
0x9: {  	s1 =	sadd.s32 s4, s1;
	s7 =	sadd.s32 s4, s6;
	[dreg:$0x3] =	wrdreg s5  }
0xa: {  	s14 =	simm.s32 $0x3;
	[dreg:$0x4] =	wrdreg s1;
	s20 =	sadd.s32 $0xC00, s7  }
0xb: {  	s15 =	simm.s32 $0x6;
	s21 =	sadd.s32 $0x1800, s7;
	[dreg:$0x5] =	wrdreg s20  }
0xc: {  	s0 =	ssub.s32 $0x2, s0;
	s22 =	sadd.s32 $0x2400, s7;
	[dreg:$0x6] =	wrdreg s21  }
0xd: {  	s25 =	sshrl.u32 s0, $0x1;
	s23 =	sadd.s32 $0x3000, s7;
	[dreg:$0x7] =	wrdreg s22  }
0xe: {  	s0 =	ssub.s32 s0, s25;
	s24 =	sadd.s32 $0x3C00, s7;
	[dreg:$0x8] =	wrdreg s23  }
0xf: {  	s25 =	simm.s32 $0x11180;
	s26 =	sadd.s32 $0x4800, s7;
	[dreg:$0x9] =	wrdreg s24  }
0x10: {  	s4 =	sadd.s32 $0x100, s2;
	s28 =	sadd.s32 $0x5400, s7;
	[dreg:$0xa] =	wrdreg s26  }
0x11: {  	s6 =	sadd.s32 $0x300, s2;
	s29 =	sadd.s32 $0x6000, s7;
	[dreg:$0xb] =	wrdreg s28  }
0x12: {  	s5 =	sadd.s32 $0x200, s2;
	s30 =	sadd.s32 $0x6C00, s7;
	[dreg:$0xc] =	wrdreg s29  }
0x13: {  	v2 =	vlaneseq.u32;
	s31 =	sadd.s32 $0x7800, s7;
	s7 =	smax.u32 s0, $0x1;
	[dreg:$0xd] =	wrdreg s30  }
0x14: {  	vm0 =	vmmov $0xffff;
	v1 =	vshrl.u32 v2, $0x3;
	[dreg:$0xe] =	wrdreg s31;
	s22 =	simm.s32 $0x180;
	s21 =	simm.s32 $0x6180  }
0x15: {  	v0 =	vand.u32 $0x7, v2;
	v2 =	vor.u32 $0x8, v2;
	v1 =	vmul.u32 $0x8, v1;
	s23 =	simm.s32 $0x10180;
	s24 =	simm.s32 $0x10980;
	s26 =	simm.s32 $0x11980  }
.LBB2_1:
0x16: {  	s16 =	rddreg [dreg:$0x3];
	s20 =	simm.s32 $0x7  }
0x17: {  	[tilespmem:s3], [sflag:$0x7] =	stream.linear.gather [hbm4b:s16+s3], $0x108, $0x38;
	[tilespmem:$0x12180] =	vst v63  }
0x18: {  	_ =	swait.ge [sflag:s20], $0x108  }
0x19: {  	[sflag:s20] =	ssyncset.done $0x0  }
0x1a: {  	[sflag:s20] =	ssyncadd.s32 $0xFFFFFEF8  }
0x1b: {  	v3 =	vld [tilespmem:$0x0];
	_ =	sdelay $0x4  }
0x1c: {  	v4 =	vshll.u32 v3, $0x3  }
0x1d: {  	v3 =	vand.u32 $0x7, v3;
	v4 =	vand.u32 $0xFFFFFFC0, v4  }
0x1e: {  	v3 =	vor.u32 v3, v4  }
0x1f: {  	v4 =	vperm.xlane v3, v0;
	_ =	sdelay $0x1  }
0x20: {  	v4 =	vadd.s32 v1, v4;
	_ =	sdelay $0x4  }
0x21: {  	[tilespmem:s22], [sflag:$0x1] =	stream.indirect_vreg.gather [hbm4b:s2+s3], $0x80, v4, vm0, $0xb8;
	[tilespmem:$0x12180] =	vst v63  }
0x22: {  	s0 =	simm.s32 $0x980;
	v3 =	vperm.xlane v3, v2  }
0x23: {  	[tilespmem:s0], [sflag:$0x1] =	stream.indirect_vreg.gather [hbm4b:s4+s3], $0x80, v4, vm0, $0xb8;
	[tilespmem:$0x12180] =	vst v63  }
0x24: {  	s28 =	simm.s32 $0x1180;
	v3 =	vadd.s32 v1, v3  }
0x25: {  	[tilespmem:s28], [sflag:$0x1] =	stream.indirect_vreg.gather [hbm4b:s5+s3], $0x80, v4, vm0, $0xb8;
	[tilespmem:$0x12180] =	vst v63  }
0x26: {  	s29 =	simm.s32 $0x1980  }
0x27: {  	[tilespmem:s29], [sflag:$0x1] =	stream.indirect_vreg.gather [hbm4b:s6+s3], $0x80, v4, vm0, $0xb8;
	[tilespmem:$0x12180] =	vst v63  }
0x28: {  	s30 =	simm.s32 $0x2180  }
0x29: {  	[tilespmem:s30], [sflag:$0x1] =	stream.indirect_vreg.gather [hbm4b:s2+s3], $0x80, v3, vm0, $0xb8;
	[tilespmem:$0x12180] =	vst v63  }
0x2a: {  	s31 =	simm.s32 $0x2980  }
0x2b: {  	[tilespmem:s31], [sflag:$0x1] =	stream.indirect_vreg.gather [hbm4b:s4+s3], $0x80, v3, vm0, $0xb8;
	[tilespmem:$0x12180] =	vst v63  }
0x2c: {  	s1 =	simm.s32 $0x3180  }
0x2d: {  	[tilespmem:s1], [sflag:$0x1] =	stream.indirect_vreg.gather [hbm4b:s5+s3], $0x80, v3, vm0, $0xb8;
	[tilespmem:$0x12180] =	vst v63  }
0x2e: {  	s8 =	simm.s32 $0x3980  }
0x2f: {  	[tilespmem:s8], [sflag:$0x1] =	stream.indirect_vreg.gather [hbm4b:s6+s3], $0x80, v3, vm0, $0xb8;
	[tilespmem:$0x12180] =	vst v63  }
0x30: {  	v3 =	vld.msk [tilespmem:$0x10], $0xff;
	_ =	sdelay $0x4  }
0x31: {  	v43 =	vshll.u32 v3, $0x3  }
0x32: {  	v3 =	vand.u32 $0x7, v3;
	v4 =	vand.u32 $0xFFFFFFC0, v43  }
0x33: {  	v3 =	vor.u32 v3, v4  }
0x34: {  	v3 =	vperm.xlane v3, v0;
	_ =	sdelay $0x1  }
0x35: {  	v3 =	vadd.s32 v1, v3;
	_ =	sdelay $0x3  }
0x36: {  	s16 =	simm.s32 $0x4180  }
0x37: {  	[tilespmem:s16], [sflag:$0x1] =	stream.indirect_vreg.gather [hbm4b:s2+s3], $0x80, v3, vm0, $0xb8;
	[tilespmem:$0x12180] =	vst v63  }
0x38: {  	s20 =	simm.s32 $0x4980  }
0x39: {  	[tilespmem:s20], [sflag:$0x1] =	stream.indirect_vreg.gather [hbm4b:s4+s3], $0x80, v3, vm0, $0xb8;
	[tilespmem:$0x12180] =	vst v63  }
0x3a: {  	s1 =	simm.s32 $0x5180  }
0x3b: {  	[tilespmem:s1], [sflag:$0x1] =	stream.indirect_vreg.gather [hbm4b:s5+s3], $0x80, v3, vm0, $0xb8;
	[tilespmem:$0x12180] =	vst v63  }
0x3c: {  	s8 =	simm.s32 $0x5980  }
0x3d: {  	[tilespmem:s8], [sflag:$0x1] =	stream.indirect_vreg.gather [hbm4b:s6+s3], $0x80, v3, vm0, $0xb8;
	[tilespmem:$0x12180] =	vst v63  }
0x3e: {  	v3 =	vld [tilespmem:$0x18];
	_ =	sdelay $0x4  }
0x3f: {  	v44 =	vshll.u32 v3, $0x3  }
0x40: {  	v3 =	vand.u32 $0x7, v3;
	v4 =	vand.u32 $0xFFFFFFC0, v44  }
0x41: {  	v3 =	vor.u32 v3, v4  }
0x42: {  	v4 =	vperm.xlane v3, v0;
	_ =	sdelay $0x1  }
0x43: {  	v4 =	vadd.s32 v1, v4;
	_ =	sdelay $0x4  }
0x44: {  	[tilespmem:s21], [sflag:$0x2] =	stream.indirect_vreg.gather [hbm4b:s2+s3], $0x80, v4, vm0, $0xb8;
	[tilespmem:$0x12180] =	vst v63  }
0x45: {  	s16 =	simm.s32 $0x6980;
	v3 =	vperm.xlane v3, v2  }
0x46: {  	[tilespmem:s16], [sflag:$0x2] =	stream.indirect_vreg.gather [hbm4b:s4+s3], $0x80, v4, vm0, $0xb8;
	[tilespmem:$0x12180] =	vst v63  }
0x47: {  	s20 =	simm.s32 $0x7180;
	v3 =	vadd.s32 v1, v3  }
0x48: {  	[tilespmem:s20], [sflag:$0x2] =	stream.indirect_vreg.gather [hbm4b:s5+s3], $0x80, v4, vm0, $0xb8;
	[tilespmem:$0x12180] =	vst v63  }
0x49: {  	s8 =	simm.s32 $0x7980  }
0x4a: {  	[tilespmem:s8], [sflag:$0x2] =	stream.indirect_vreg.gather [hbm4b:s6+s3], $0x80, v4, vm0, $0xb8;
	[tilespmem:$0x12180] =	vst v63  }
0x4b: {  	s16 =	simm.s32 $0x8180  }
0x4c: {  	[tilespmem:s16], [sflag:$0x2] =	stream.indirect_vreg.gather [hbm4b:s2+s3], $0x80, v3, vm0, $0xb8;
	[tilespmem:$0x12180] =	vst v63  }
0x4d: {  	s20 =	simm.s32 $0x8980  }
0x4e: {  	[tilespmem:s20], [sflag:$0x2] =	stream.indirect_vreg.gather [hbm4b:s4+s3], $0x80, v3, vm0, $0xb8;
	[tilespmem:$0x12180] =	vst v63  }
0x4f: {  	s8 =	simm.s32 $0x9180  }
0x50: {  	[tilespmem:s8], [sflag:$0x2] =	stream.indirect_vreg.gather [hbm4b:s5+s3], $0x80, v3, vm0, $0xb8;
	[tilespmem:$0x12180] =	vst v63  }
0x51: {  	s16 =	simm.s32 $0x9980  }
0x52: {  	[tilespmem:s16], [sflag:$0x2] =	stream.indirect_vreg.gather [hbm4b:s6+s3], $0x80, v3, vm0, $0xb8;
	[tilespmem:$0x12180] =	vst v63  }
0x53: {  	v3 =	vld.msk [tilespmem:$0x28], $0xff;
	_ =	sdelay $0x4  }
0x54: {  	v45 =	vshll.u32 v3, $0x3  }
0x55: {  	v3 =	vand.u32 $0x7, v3;
	v4 =	vand.u32 $0xFFFFFFC0, v45  }
0x56: {  	v3 =	vor.u32 v3, v4  }
0x57: {  	v3 =	vperm.xlane v3, v0;
	_ =	sdelay $0x1  }
0x58: {  	v3 =	vadd.s32 v1, v3;
	_ =	sdelay $0x3  }
0x59: {  	s20 =	simm.s32 $0xA180  }
0x5a: {  	[tilespmem:s20], [sflag:$0x2] =	stream.indirect_vreg.gather [hbm4b:s2+s3], $0x80, v3, vm0, $0xb8;
	[tilespmem:$0x12180] =	vst v63  }
0x5b: {  	s16 =	simm.s32 $0xA980  }
0x5c: {  	[tilespmem:s16], [sflag:$0x2] =	stream.indirect_vreg.gather [hbm4b:s4+s3], $0x80, v3, vm0, $0xb8;
	[tilespmem:$0x12180] =	vst v63  }
0x5d: {  	s20 =	simm.s32 $0xB180  }
0x5e: {  	[tilespmem:s20], [sflag:$0x2] =	stream.indirect_vreg.gather [hbm4b:s5+s3], $0x80, v3, vm0, $0xb8;
	[tilespmem:$0x12180] =	vst v63  }
0x5f: {  	s16 =	simm.s32 $0xB980  }
0x60: {  	[tilespmem:s16], [sflag:$0x2] =	stream.indirect_vreg.gather [hbm4b:s6+s3], $0x80, v3, vm0, $0xb8;
	[tilespmem:$0x12180] =	vst v63  }
0x61: {  	v3 =	vld [tilespmem:$0x30];
	_ =	sdelay $0x4  }
0x62: {  	v46 =	vshll.u32 v3, $0x3  }
0x63: {  	v3 =	vand.u32 $0x7, v3;
	v4 =	vand.u32 $0xFFFFFFC0, v46  }
0x64: {  	v3 =	vor.u32 v3, v4  }
0x65: {  	v4 =	vperm.xlane v3, v0;
	_ =	sdelay $0x1  }
0x66: {  	v4 =	vadd.s32 v1, v4;
	_ =	sdelay $0x3  }
0x67: {  	s0 =	simm.s32 $0xC180  }
0x68: {  	[tilespmem:s0], [sflag:$0x3] =	stream.indirect_vreg.gather [hbm4b:s2+s3], $0x80, v4, vm0, $0xb8;
	[tilespmem:$0x12180] =	vst v63  }
0x69: {  	s20 =	simm.s32 $0xC980;
	v3 =	vperm.xlane v3, v2  }
0x6a: {  	[tilespmem:s20], [sflag:$0x3] =	stream.indirect_vreg.gather [hbm4b:s4+s3], $0x80, v4, vm0, $0xb8;
	[tilespmem:$0x12180] =	vst v63  }
0x6b: {  	v3 =	vadd.s32 v1, v3;
	s20 =	simm.s32 $0xD180  }
0x6c: {  	[tilespmem:s20], [sflag:$0x3] =	stream.indirect_vreg.gather [hbm4b:s5+s3], $0x80, v4, vm0, $0xb8;
	[tilespmem:$0x12180] =	vst v63  }
0x6d: {  	s20 =	simm.s32 $0xD980  }
0x6e: {  	[tilespmem:s20], [sflag:$0x3] =	stream.indirect_vreg.gather [hbm4b:s6+s3], $0x80, v4, vm0, $0xb8;
	[tilespmem:$0x12180] =	vst v63  }
0x6f: {  	s20 =	simm.s32 $0xE180  }
0x70: {  	[tilespmem:s20], [sflag:$0x3] =	stream.indirect_vreg.gather [hbm4b:s2+s3], $0x80, v3, vm0, $0xb8;
	[tilespmem:$0x12180] =	vst v63  }
0x71: {  	s20 =	simm.s32 $0xE980  }
0x72: {  	[tilespmem:s20], [sflag:$0x3] =	stream.indirect_vreg.gather [hbm4b:s4+s3], $0x80, v3, vm0, $0xb8;
	[tilespmem:$0x12180] =	vst v63  }
0x73: {  	s20 =	simm.s32 $0xF180  }
0x74: {  	[tilespmem:s20], [sflag:$0x3] =	stream.indirect_vreg.gather [hbm4b:s5+s3], $0x80, v3, vm0, $0xb8;
	[tilespmem:$0x12180] =	vst v63  }
0x75: {  	s20 =	simm.s32 $0xF980  }
0x76: {  	[tilespmem:s20], [sflag:$0x3] =	stream.indirect_vreg.gather [hbm4b:s6+s3], $0x80, v3, vm0, $0xb8;
	[tilespmem:$0x12180] =	vst v63  }
0x77: {  	v3 =	vld.msk [tilespmem:$0x40], $0xff;
	_ =	sdelay $0x4  }
0x78: {  	v47 =	vshll.u32 v3, $0x3  }
0x79: {  	v3 =	vand.u32 $0x7, v3;
	v4 =	vand.u32 $0xFFFFFFC0, v47  }
0x7a: {  	v3 =	vor.u32 v3, v4  }
0x7b: {  	v3 =	vperm.xlane v3, v0;
	_ =	sdelay $0x1  }
0x7c: {  	v3 =	vadd.s32 v1, v3;
	_ =	sdelay $0x4  }
0x7d: {  	[tilespmem:s23], [sflag:$0x3] =	stream.indirect_vreg.gather [hbm4b:s2+s3], $0x80, v3, vm0, $0xb8;
	[tilespmem:$0x12180] =	vst v63  }
0x7e: {  	_ = 	snop  }
0x7f: {  	[tilespmem:s24], [sflag:$0x3] =	stream.indirect_vreg.gather [hbm4b:s4+s3], $0x80, v3, vm0, $0xb8;
	[tilespmem:$0x12180] =	vst v63  }
0x80: {  	_ = 	snop  }
0x81: {  	[tilespmem:s25], [sflag:$0x3] =	stream.indirect_vreg.gather [hbm4b:s5+s3], $0x80, v3, vm0, $0xb8;
	[tilespmem:$0x12180] =	vst v63  }
0x82: {  	_ = 	snop  }
0x83: {  	[tilespmem:s26], [sflag:$0x3] =	stream.indirect_vreg.gather [hbm4b:s6+s3], $0x80, v3, vm0, $0xb8;
	[tilespmem:$0x12180] =	vst v63  }
0x84: {  	_ =	swait.ge [sflag:s10], $0x6000  }
0x85: {  	[sflag:s10] =	ssyncset.done $0x0  }
0x86: {  	s20 =	rddreg [dreg:$0x4];
	[sflag:s10] =	ssyncadd.s32 $0xFFFFA000  }
0x87: {  	[hbm4b:s20+s3] =	stream.linear.scatter [tilespmem:s22], [sflag:$0x4], $0x6000, $0x38;
	[tilespmem:$0x12180] =	vst v63  }
0x88: {  	_ =	swait.ge [sflag:s11], $0x6000  }
0x89: {  	[sflag:s11] =	ssyncset.done $0x0  }
0x8a: {  	[sflag:s11] =	ssyncadd.s32 $0xFFFFA000  }
0x8b: {  	v3 =	vld [tilespmem:$0x48];
	_ =	sdelay $0x4  }
0x8c: {  	v48 =	vshll.u32 v3, $0x3  }
0x8d: {  	v3 =	vand.u32 $0x7, v3;
	v4 =	vand.u32 $0xFFFFFFC0, v48  }
0x8e: {  	v3 =	vor.u32 v3, v4  }
0x8f: {  	v4 =	vperm.xlane v3, v0;
	_ =	sdelay $0x1  }
0x90: {  	v4 =	vadd.s32 v1, v4;
	_ =	sdelay $0x4  }
0x91: {  	[tilespmem:s22], [sflag:$0x1] =	stream.indirect_vreg.gather [hbm4b:s2+s3], $0x80, v4, vm0, $0xb8;
	[tilespmem:$0x12180] =	vst v63  }
0x92: {  	s18 =	simm.s32 $0x980;
	v3 =	vperm.xlane v3, v2  }
0x93: {  	[tilespmem:s18], [sflag:$0x1] =	stream.indirect_vreg.gather [hbm4b:s4+s3], $0x80, v4, vm0, $0xb8;
	[tilespmem:$0x12180] =	vst v63  }
0x94: {  	s9 =	simm.s32 $0x1180;
	v3 =	vadd.s32 v1, v3  }
0x95: {  	[tilespmem:s9], [sflag:$0x1] =	stream.indirect_vreg.gather [hbm4b:s5+s3], $0x80, v4, vm0, $0xb8;
	[tilespmem:$0x12180] =	vst v63  }
0x96: {  	s17 =	simm.s32 $0x1980  }
0x97: {  	[tilespmem:s17], [sflag:$0x1] =	stream.indirect_vreg.gather [hbm4b:s6+s3], $0x80, v4, vm0, $0xb8;
	[tilespmem:$0x12180] =	vst v63  }
0x98: {  	s28 =	simm.s32 $0x2180  }
0x99: {  	[tilespmem:s28], [sflag:$0x1] =	stream.indirect_vreg.gather [hbm4b:s2+s3], $0x80, v3, vm0, $0xb8;
	[tilespmem:$0x12180] =	vst v63  }
0x9a: {  	s29 =	simm.s32 $0x2980  }
0x9b: {  	[tilespmem:s29], [sflag:$0x1] =	stream.indirect_vreg.gather [hbm4b:s4+s3], $0x80, v3, vm0, $0xb8;
	[tilespmem:$0x12180] =	vst v63  }
0x9c: {  	s30 =	simm.s32 $0x3180  }
0x9d: {  	[tilespmem:s30], [sflag:$0x1] =	stream.indirect_vreg.gather [hbm4b:s5+s3], $0x80, v3, vm0, $0xb8;
	[tilespmem:$0x12180] =	vst v63  }
0x9e: {  	s19 =	simm.s32 $0x3980  }
0x9f: {  	[tilespmem:s19], [sflag:$0x1] =	stream.indirect_vreg.gather [hbm4b:s6+s3], $0x80, v3, vm0, $0xb8;
	[tilespmem:$0x12180] =	vst v63  }
0xa0: {  	v3 =	vld.msk [tilespmem:$0x58], $0xff;
	_ =	sdelay $0x4  }
0xa1: {  	v49 =	vshll.u32 v3, $0x3  }
0xa2: {  	v3 =	vand.u32 $0x7, v3;
	v4 =	vand.u32 $0xFFFFFFC0, v49  }
0xa3: {  	v3 =	vor.u32 v3, v4  }
0xa4: {  	v3 =	vperm.xlane v3, v0;
	_ =	sdelay $0x1  }
0xa5: {  	v3 =	vadd.s32 v1, v3;
	_ =	sdelay $0x3  }
0xa6: {  	s31 =	simm.s32 $0x4180  }
0xa7: {  	[tilespmem:s31], [sflag:$0x1] =	stream.indirect_vreg.gather [hbm4b:s2+s3], $0x80, v3, vm0, $0xb8;
	[tilespmem:$0x12180] =	vst v63  }
0xa8: {  	s18 =	simm.s32 $0x4980  }
0xa9: {  	[tilespmem:s18], [sflag:$0x1] =	stream.indirect_vreg.gather [hbm4b:s4+s3], $0x80, v3, vm0, $0xb8;
	[tilespmem:$0x12180] =	vst v63  }
0xaa: {  	s19 =	simm.s32 $0x5180  }
0xab: {  	[tilespmem:s19], [sflag:$0x1] =	stream.indirect_vreg.gather [hbm4b:s5+s3], $0x80, v3, vm0, $0xb8;
	[tilespmem:$0x12180] =	vst v63  }
0xac: {  	s20 =	simm.s32 $0x5980  }
0xad: {  	[tilespmem:s20], [sflag:$0x1] =	stream.indirect_vreg.gather [hbm4b:s6+s3], $0x80, v3, vm0, $0xb8;
	[tilespmem:$0x12180] =	vst v63  }
0xae: {  	_ =	swait.ge [sflag:s12], $0x6000  }
0xaf: {  	[sflag:s12] =	ssyncset.done $0x0  }
0xb0: {  	s17 =	rddreg [dreg:$0x5];
	[sflag:s12] =	ssyncadd.s32 $0xFFFFA000  }
0xb1: {  	[hbm4b:s17+s3] =	stream.linear.scatter [tilespmem:s21], [sflag:$0x5], $0x6000, $0x38;
	[tilespmem:$0x12180] =	vst v63  }
0xb2: {  	_ =	swait.ge [sflag:s13], $0x6000  }
0xb3: {  	[sflag:s13] =	ssyncset.done $0x0  }
0xb4: {  	[sflag:s13] =	ssyncadd.s32 $0xFFFFA000  }
0xb5: {  	v3 =	vld [tilespmem:$0x60];
	_ =	sdelay $0x4  }
0xb6: {  	v50 =	vshll.u32 v3, $0x3  }
0xb7: {  	v3 =	vand.u32 $0x7, v3;
	v4 =	vand.u32 $0xFFFFFFC0, v50  }
0xb8: {  	v3 =	vor.u32 v3, v4  }
0xb9: {  	v4 =	vperm.xlane v3, v0;
	_ =	sdelay $0x1  }
0xba: {  	v4 =	vadd.s32 v1, v4;
	_ =	sdelay $0x4  }
0xbb: {  	[tilespmem:s21], [sflag:$0x2] =	stream.indirect_vreg.gather [hbm4b:s2+s3], $0x80, v4, vm0, $0xb8;
	[tilespmem:$0x12180] =	vst v63  }
0xbc: {  	s1 =	simm.s32 $0x6980;
	v3 =	vperm.xlane v3, v2  }
0xbd: {  	[tilespmem:s1], [sflag:$0x2] =	stream.indirect_vreg.gather [hbm4b:s4+s3], $0x80, v4, vm0, $0xb8;
	[tilespmem:$0x12180] =	vst v63  }
0xbe: {  	s9 =	simm.s32 $0x7180;
	v3 =	vadd.s32 v1, v3  }
0xbf: {  	[tilespmem:s9], [sflag:$0x2] =	stream.indirect_vreg.gather [hbm4b:s5+s3], $0x80, v4, vm0, $0xb8;
	[tilespmem:$0x12180] =	vst v63  }
0xc0: {  	s28 =	simm.s32 $0x7980  }
0xc1: {  	[tilespmem:s28], [sflag:$0x2] =	stream.indirect_vreg.gather [hbm4b:s6+s3], $0x80, v4, vm0, $0xb8;
	[tilespmem:$0x12180] =	vst v63  }
0xc2: {  	s29 =	simm.s32 $0x8180  }
0xc3: {  	[tilespmem:s29], [sflag:$0x2] =	stream.indirect_vreg.gather [hbm4b:s2+s3], $0x80, v3, vm0, $0xb8;
	[tilespmem:$0x12180] =	vst v63  }
0xc4: {  	s30 =	simm.s32 $0x8980  }
0xc5: {  	[tilespmem:s30], [sflag:$0x2] =	stream.indirect_vreg.gather [hbm4b:s4+s3], $0x80, v3, vm0, $0xb8;
	[tilespmem:$0x12180] =	vst v63  }
0xc6: {  	s31 =	simm.s32 $0x9180  }
0xc7: {  	[tilespmem:s31], [sflag:$0x2] =	stream.indirect_vreg.gather [hbm4b:s5+s3], $0x80, v3, vm0, $0xb8;
	[tilespmem:$0x12180] =	vst v63  }
0xc8: {  	s8 =	simm.s32 $0x9980  }
0xc9: {  	[tilespmem:s8], [sflag:$0x2] =	stream.indirect_vreg.gather [hbm4b:s6+s3], $0x80, v3, vm0, $0xb8;
	[tilespmem:$0x12180] =	vst v63  }
0xca: {  	v3 =	vld.msk [tilespmem:$0x70], $0xff;
	_ =	sdelay $0x4  }
0xcb: {  	v51 =	vshll.u32 v3, $0x3  }
0xcc: {  	v3 =	vand.u32 $0x7, v3;
	v4 =	vand.u32 $0xFFFFFFC0, v51  }
0xcd: {  	v3 =	vor.u32 v3, v4  }
0xce: {  	v3 =	vperm.xlane v3, v0;
	_ =	sdelay $0x1  }
0xcf: {  	v3 =	vadd.s32 v1, v3;
	_ =	sdelay $0x3  }
0xd0: {  	s1 =	simm.s32 $0xA180  }
0xd1: {  	[tilespmem:s1], [sflag:$0x2] =	stream.indirect_vreg.gather [hbm4b:s2+s3], $0x80, v3, vm0, $0xb8;
	[tilespmem:$0x12180] =	vst v63  }
0xd2: {  	s8 =	simm.s32 $0xA980  }
0xd3: {  	[tilespmem:s8], [sflag:$0x2] =	stream.indirect_vreg.gather [hbm4b:s4+s3], $0x80, v3, vm0, $0xb8;
	[tilespmem:$0x12180] =	vst v63  }
0xd4: {  	s17 =	simm.s32 $0xB180  }
0xd5: {  	[tilespmem:s17], [sflag:$0x2] =	stream.indirect_vreg.gather [hbm4b:s5+s3], $0x80, v3, vm0, $0xb8;
	[tilespmem:$0x12180] =	vst v63  }
0xd6: {  	s16 =	simm.s32 $0xB980  }
0xd7: {  	[tilespmem:s16], [sflag:$0x2] =	stream.indirect_vreg.gather [hbm4b:s6+s3], $0x80, v3, vm0, $0xb8;
	[tilespmem:$0x12180] =	vst v63  }
0xd8: {  	_ =	swait.ge [sflag:s14], $0x6000  }
0xd9: {  	[sflag:s14] =	ssyncset.done $0x0  }
0xda: {  	s16 =	rddreg [dreg:$0x6];
	[sflag:s14] =	ssyncadd.s32 $0xFFFFA000  }
0xdb: {  	[hbm4b:s16+s3] =	stream.linear.scatter [tilespmem:s0], [sflag:$0x6], $0x6000, $0x38;
	[tilespmem:$0x12180] =	vst v63  }
0xdc: {  	_ =	swait.ge [sflag:s15], $0x6000  }
0xdd: {  	[sflag:s15] =	ssyncset.done $0x0  }
0xde: {  	[sflag:s15] =	ssyncadd.s32 $0xFFFFA000  }
0xdf: {  	v3 =	vld [tilespmem:$0x78];
	_ =	sdelay $0x4  }
0xe0: {  	v52 =	vshll.u32 v3, $0x3  }
0xe1: {  	v3 =	vand.u32 $0x7, v3;
	v4 =	vand.u32 $0xFFFFFFC0, v52  }
0xe2: {  	v3 =	vor.u32 v3, v4  }
0xe3: {  	v4 =	vperm.xlane v3, v0;
	_ =	sdelay $0x1  }
0xe4: {  	v4 =	vadd.s32 v1, v4;
	_ =	sdelay $0x4  }
0xe5: {  	[tilespmem:s0], [sflag:$0x3] =	stream.indirect_vreg.gather [hbm4b:s2+s3], $0x80, v4, vm0, $0xb8;
	[tilespmem:$0x12180] =	vst v63  }
0xe6: {  	s16 =	simm.s32 $0xC980;
	v3 =	vperm.xlane v3, v2  }
0xe7: {  	[tilespmem:s16], [sflag:$0x3] =	stream.indirect_vreg.gather [hbm4b:s4+s3], $0x80, v4, vm0, $0xb8;
	[tilespmem:$0x12180] =	vst v63  }
0xe8: {  	v3 =	vadd.s32 v1, v3;
	s16 =	simm.s32 $0xD180  }
0xe9: {  	[tilespmem:s16], [sflag:$0x3] =	stream.indirect_vreg.gather [hbm4b:s5+s3], $0x80, v4, vm0, $0xb8;
	[tilespmem:$0x12180] =	vst v63  }
0xea: {  	s16 =	simm.s32 $0xD980  }
0xeb: {  	[tilespmem:s16], [sflag:$0x3] =	stream.indirect_vreg.gather [hbm4b:s6+s3], $0x80, v4, vm0, $0xb8;
	[tilespmem:$0x12180] =	vst v63  }
0xec: {  	s16 =	simm.s32 $0xE180  }
0xed: {  	[tilespmem:s16], [sflag:$0x3] =	stream.indirect_vreg.gather [hbm4b:s2+s3], $0x80, v3, vm0, $0xb8;
	[tilespmem:$0x12180] =	vst v63  }
0xee: {  	s16 =	simm.s32 $0xE980  }
0xef: {  	[tilespmem:s16], [sflag:$0x3] =	stream.indirect_vreg.gather [hbm4b:s4+s3], $0x80, v3, vm0, $0xb8;
	[tilespmem:$0x12180] =	vst v63  }
0xf0: {  	s16 =	simm.s32 $0xF180  }
0xf1: {  	[tilespmem:s16], [sflag:$0x3] =	stream.indirect_vreg.gather [hbm4b:s5+s3], $0x80, v3, vm0, $0xb8;
	[tilespmem:$0x12180] =	vst v63  }
0xf2: {  	s16 =	simm.s32 $0xF980  }
0xf3: {  	[tilespmem:s16], [sflag:$0x3] =	stream.indirect_vreg.gather [hbm4b:s6+s3], $0x80, v3, vm0, $0xb8;
	[tilespmem:$0x12180] =	vst v63  }
0xf4: {  	v3 =	vld.msk [tilespmem:$0x88], $0xff;
	_ =	sdelay $0x4  }
0xf5: {  	v53 =	vshll.u32 v3, $0x3  }
0xf6: {  	v3 =	vand.u32 $0x7, v3;
	v4 =	vand.u32 $0xFFFFFFC0, v53  }
0xf7: {  	v3 =	vor.u32 v3, v4  }
0xf8: {  	v3 =	vperm.xlane v3, v0;
	_ =	sdelay $0x1  }
0xf9: {  	v3 =	vadd.s32 v1, v3;
	_ =	sdelay $0x4  }
0xfa: {  	[tilespmem:s23], [sflag:$0x3] =	stream.indirect_vreg.gather [hbm4b:s2+s3], $0x80, v3, vm0, $0xb8;
	[tilespmem:$0x12180] =	vst v63  }
0xfb: {  	_ = 	snop  }
0xfc: {  	[tilespmem:s24], [sflag:$0x3] =	stream.indirect_vreg.gather [hbm4b:s4+s3], $0x80, v3, vm0, $0xb8;
	[tilespmem:$0x12180] =	vst v63  }
0xfd: {  	_ = 	snop  }
0xfe: {  	[tilespmem:s25], [sflag:$0x3] =	stream.indirect_vreg.gather [hbm4b:s5+s3], $0x80, v3, vm0, $0xb8;
	[tilespmem:$0x12180] =	vst v63  }
0xff: {  	_ = 	snop  }
0x100: {  	[tilespmem:s26], [sflag:$0x3] =	stream.indirect_vreg.gather [hbm4b:s6+s3], $0x80, v3, vm0, $0xb8;
	[tilespmem:$0x12180] =	vst v63  }
0x101: {  	_ =	swait.ge [sflag:s10], $0x6000  }
0x102: {  	[sflag:s10] =	ssyncset.done $0x0  }
0x103: {  	s16 =	rddreg [dreg:$0x7];
	[sflag:s10] =	ssyncadd.s32 $0xFFFFA000  }
0x104: {  	[hbm4b:s16+s3] =	stream.linear.scatter [tilespmem:s22], [sflag:$0x4], $0x6000, $0x38;
	[tilespmem:$0x12180] =	vst v63  }
0x105: {  	_ =	swait.ge [sflag:s11], $0x6000  }
0x106: {  	[sflag:s11] =	ssyncset.done $0x0  }
0x107: {  	[sflag:s11] =	ssyncadd.s32 $0xFFFFA000  }
0x108: {  	v3 =	vld [tilespmem:$0x90];
	_ =	sdelay $0x4  }
0x109: {  	v54 =	vshll.u32 v3, $0x3  }
0x10a: {  	v3 =	vand.u32 $0x7, v3;
	v4 =	vand.u32 $0xFFFFFFC0, v54  }
0x10b: {  	v3 =	vor.u32 v3, v4  }
0x10c: {  	v4 =	vperm.xlane v3, v0;
	_ =	sdelay $0x1  }
0x10d: {  	v4 =	vadd.s32 v1, v4;
	_ =	sdelay $0x4  }
0x10e: {  	[tilespmem:s22], [sflag:$0x1] =	stream.indirect_vreg.gather [hbm4b:s2+s3], $0x80, v4, vm0, $0xb8;
	[tilespmem:$0x12180] =	vst v63  }
0x10f: {  	s16 =	simm.s32 $0x980;
	v3 =	vperm.xlane v3, v2  }
0x110: {  	[tilespmem:s16], [sflag:$0x1] =	stream.indirect_vreg.gather [hbm4b:s4+s3], $0x80, v4, vm0, $0xb8;
	[tilespmem:$0x12180] =	vst v63  }
0x111: {  	v3 =	vadd.s32 v1, v3;
	s16 =	simm.s32 $0x1180  }
0x112: {  	[tilespmem:s16], [sflag:$0x1] =	stream.indirect_vreg.gather [hbm4b:s5+s3], $0x80, v4, vm0, $0xb8;
	[tilespmem:$0x12180] =	vst v63  }
0x113: {  	s16 =	simm.s32 $0x1980  }
0x114: {  	[tilespmem:s16], [sflag:$0x1] =	stream.indirect_vreg.gather [hbm4b:s6+s3], $0x80, v4, vm0, $0xb8;
	[tilespmem:$0x12180] =	vst v63  }
0x115: {  	s16 =	simm.s32 $0x2180  }
0x116: {  	[tilespmem:s16], [sflag:$0x1] =	stream.indirect_vreg.gather [hbm4b:s2+s3], $0x80, v3, vm0, $0xb8;
	[tilespmem:$0x12180] =	vst v63  }
0x117: {  	s16 =	simm.s32 $0x2980  }
0x118: {  	[tilespmem:s16], [sflag:$0x1] =	stream.indirect_vreg.gather [hbm4b:s4+s3], $0x80, v3, vm0, $0xb8;
	[tilespmem:$0x12180] =	vst v63  }
0x119: {  	s16 =	simm.s32 $0x3180  }
0x11a: {  	[tilespmem:s16], [sflag:$0x1] =	stream.indirect_vreg.gather [hbm4b:s5+s3], $0x80, v3, vm0, $0xb8;
	[tilespmem:$0x12180] =	vst v63  }
0x11b: {  	s16 =	simm.s32 $0x3980  }
0x11c: {  	[tilespmem:s16], [sflag:$0x1] =	stream.indirect_vreg.gather [hbm4b:s6+s3], $0x80, v3, vm0, $0xb8;
	[tilespmem:$0x12180] =	vst v63  }
0x11d: {  	v3 =	vld.msk [tilespmem:$0xA0], $0xff;
	_ =	sdelay $0x4  }
0x11e: {  	v55 =	vshll.u32 v3, $0x3  }
0x11f: {  	v3 =	vand.u32 $0x7, v3;
	v4 =	vand.u32 $0xFFFFFFC0, v55  }
0x120: {  	v3 =	vor.u32 v3, v4  }
0x121: {  	v3 =	vperm.xlane v3, v0;
	_ =	sdelay $0x1  }
0x122: {  	v3 =	vadd.s32 v1, v3;
	_ =	sdelay $0x3  }
0x123: {  	s16 =	simm.s32 $0x4180  }
0x124: {  	[tilespmem:s16], [sflag:$0x1] =	stream.indirect_vreg.gather [hbm4b:s2+s3], $0x80, v3, vm0, $0xb8;
	[tilespmem:$0x12180] =	vst v63  }
0x125: {  	_ = 	snop  }
0x126: {  	[tilespmem:s18], [sflag:$0x1] =	stream.indirect_vreg.gather [hbm4b:s4+s3], $0x80, v3, vm0, $0xb8;
	[tilespmem:$0x12180] =	vst v63  }
0x127: {  	_ = 	snop  }
0x128: {  	[tilespmem:s19], [sflag:$0x1] =	stream.indirect_vreg.gather [hbm4b:s5+s3], $0x80, v3, vm0, $0xb8;
	[tilespmem:$0x12180] =	vst v63  }
0x129: {  	_ = 	snop  }
0x12a: {  	[tilespmem:s20], [sflag:$0x1] =	stream.indirect_vreg.gather [hbm4b:s6+s3], $0x80, v3, vm0, $0xb8;
	[tilespmem:$0x12180] =	vst v63  }
0x12b: {  	_ =	swait.ge [sflag:s12], $0x6000  }
0x12c: {  	[sflag:s12] =	ssyncset.done $0x0  }
0x12d: {  	s16 =	rddreg [dreg:$0x8];
	[sflag:s12] =	ssyncadd.s32 $0xFFFFA000  }
0x12e: {  	[hbm4b:s16+s3] =	stream.linear.scatter [tilespmem:s21], [sflag:$0x5], $0x6000, $0x38;
	[tilespmem:$0x12180] =	vst v63  }
0x12f: {  	_ =	swait.ge [sflag:s13], $0x6000  }
0x130: {  	[sflag:s13] =	ssyncset.done $0x0  }
0x131: {  	[sflag:s13] =	ssyncadd.s32 $0xFFFFA000  }
0x132: {  	v3 =	vld [tilespmem:$0xA8];
	_ =	sdelay $0x4  }
0x133: {  	v56 =	vshll.u32 v3, $0x3  }
0x134: {  	v3 =	vand.u32 $0x7, v3;
	v4 =	vand.u32 $0xFFFFFFC0, v56  }
0x135: {  	v3 =	vor.u32 v3, v4  }
0x136: {  	v4 =	vperm.xlane v3, v0;
	_ =	sdelay $0x1  }
0x137: {  	v4 =	vadd.s32 v1, v4;
	_ =	sdelay $0x4  }
0x138: {  	[tilespmem:s21], [sflag:$0x2] =	stream.indirect_vreg.gather [hbm4b:s2+s3], $0x80, v4, vm0, $0xb8;
	[tilespmem:$0x12180] =	vst v63  }
0x139: {  	s16 =	simm.s32 $0x6980;
	v3 =	vperm.xlane v3, v2  }
0x13a: {  	[tilespmem:s16], [sflag:$0x2] =	stream.indirect_vreg.gather [hbm4b:s4+s3], $0x80, v4, vm0, $0xb8;
	[tilespmem:$0x12180] =	vst v63  }
0x13b: {  	v3 =	vadd.s32 v1, v3  }
0x13c: {  	[tilespmem:s9], [sflag:$0x2] =	stream.indirect_vreg.gather [hbm4b:s5+s3], $0x80, v4, vm0, $0xb8;
	[tilespmem:$0x12180] =	vst v63  }
0x13d: {  	_ = 	snop  }
0x13e: {  	[tilespmem:s28], [sflag:$0x2] =	stream.indirect_vreg.gather [hbm4b:s6+s3], $0x80, v4, vm0, $0xb8;
	[tilespmem:$0x12180] =	vst v63  }
0x13f: {  	_ = 	snop  }
0x140: {  	[tilespmem:s29], [sflag:$0x2] =	stream.indirect_vreg.gather [hbm4b:s2+s3], $0x80, v3, vm0, $0xb8;
	[tilespmem:$0x12180] =	vst v63  }
0x141: {  	_ = 	snop  }
0x142: {  	[tilespmem:s30], [sflag:$0x2] =	stream.indirect_vreg.gather [hbm4b:s4+s3], $0x80, v3, vm0, $0xb8;
	[tilespmem:$0x12180] =	vst v63  }
0x143: {  	_ = 	snop  }
0x144: {  	[tilespmem:s31], [sflag:$0x2] =	stream.indirect_vreg.gather [hbm4b:s5+s3], $0x80, v3, vm0, $0xb8;
	[tilespmem:$0x12180] =	vst v63  }
0x145: {  	s16 =	simm.s32 $0x9980  }
0x146: {  	[tilespmem:s16], [sflag:$0x2] =	stream.indirect_vreg.gather [hbm4b:s6+s3], $0x80, v3, vm0, $0xb8;
	[tilespmem:$0x12180] =	vst v63  }
0x147: {  	v3 =	vld.msk [tilespmem:$0xB8], $0xff;
	_ =	sdelay $0x4  }
0x148: {  	v57 =	vshll.u32 v3, $0x3  }
0x149: {  	v3 =	vand.u32 $0x7, v3;
	v4 =	vand.u32 $0xFFFFFFC0, v57  }
0x14a: {  	v3 =	vor.u32 v3, v4  }
0x14b: {  	v3 =	vperm.xlane v3, v0;
	_ =	sdelay $0x1  }
0x14c: {  	v3 =	vadd.s32 v1, v3;
	_ =	sdelay $0x4  }
0x14d: {  	[tilespmem:s1], [sflag:$0x2] =	stream.indirect_vreg.gather [hbm4b:s2+s3], $0x80, v3, vm0, $0xb8;
	[tilespmem:$0x12180] =	vst v63  }
0x14e: {  	_ = 	snop  }
0x14f: {  	[tilespmem:s8], [sflag:$0x2] =	stream.indirect_vreg.gather [hbm4b:s4+s3], $0x80, v3, vm0, $0xb8;
	[tilespmem:$0x12180] =	vst v63  }
0x150: {  	_ = 	snop  }
0x151: {  	[tilespmem:s17], [sflag:$0x2] =	stream.indirect_vreg.gather [hbm4b:s5+s3], $0x80, v3, vm0, $0xb8;
	[tilespmem:$0x12180] =	vst v63  }
0x152: {  	s16 =	simm.s32 $0xB980  }
0x153: {  	[tilespmem:s16], [sflag:$0x2] =	stream.indirect_vreg.gather [hbm4b:s6+s3], $0x80, v3, vm0, $0xb8;
	[tilespmem:$0x12180] =	vst v63  }
0x154: {  	_ =	swait.ge [sflag:s14], $0x6000  }
0x155: {  	[sflag:s14] =	ssyncset.done $0x0  }
0x156: {  	s16 =	rddreg [dreg:$0x9];
	[sflag:s14] =	ssyncadd.s32 $0xFFFFA000  }
0x157: {  	[hbm4b:s16+s3] =	stream.linear.scatter [tilespmem:s0], [sflag:$0x6], $0x6000, $0x38;
	[tilespmem:$0x12180] =	vst v63  }
0x158: {  	_ =	swait.ge [sflag:s15], $0x6000  }
0x159: {  	[sflag:s15] =	ssyncset.done $0x0  }
0x15a: {  	[sflag:s15] =	ssyncadd.s32 $0xFFFFA000  }
0x15b: {  	v3 =	vld [tilespmem:$0xC0];
	_ =	sdelay $0x4  }
0x15c: {  	v58 =	vshll.u32 v3, $0x3  }
0x15d: {  	v3 =	vand.u32 $0x7, v3;
	v4 =	vand.u32 $0xFFFFFFC0, v58  }
0x15e: {  	v3 =	vor.u32 v3, v4  }
0x15f: {  	v4 =	vperm.xlane v3, v0;
	_ =	sdelay $0x1  }
0x160: {  	v4 =	vadd.s32 v1, v4;
	_ =	sdelay $0x4  }
0x161: {  	[tilespmem:s0], [sflag:$0x3] =	stream.indirect_vreg.gather [hbm4b:s2+s3], $0x80, v4, vm0, $0xb8;
	[tilespmem:$0x12180] =	vst v63  }
0x162: {  	s16 =	simm.s32 $0xC980;
	v3 =	vperm.xlane v3, v2  }
0x163: {  	[tilespmem:s16], [sflag:$0x3] =	stream.indirect_vreg.gather [hbm4b:s4+s3], $0x80, v4, vm0, $0xb8;
	[tilespmem:$0x12180] =	vst v63  }
0x164: {  	v3 =	vadd.s32 v1, v3;
	s16 =	simm.s32 $0xD180  }
0x165: {  	[tilespmem:s16], [sflag:$0x3] =	stream.indirect_vreg.gather [hbm4b:s5+s3], $0x80, v4, vm0, $0xb8;
	[tilespmem:$0x12180] =	vst v63  }
0x166: {  	s16 =	simm.s32 $0xD980  }
0x167: {  	[tilespmem:s16], [sflag:$0x3] =	stream.indirect_vreg.gather [hbm4b:s6+s3], $0x80, v4, vm0, $0xb8;
	[tilespmem:$0x12180] =	vst v63  }
0x168: {  	s16 =	simm.s32 $0xE180  }
0x169: {  	[tilespmem:s16], [sflag:$0x3] =	stream.indirect_vreg.gather [hbm4b:s2+s3], $0x80, v3, vm0, $0xb8;
	[tilespmem:$0x12180] =	vst v63  }
0x16a: {  	s16 =	simm.s32 $0xE980  }
0x16b: {  	[tilespmem:s16], [sflag:$0x3] =	stream.indirect_vreg.gather [hbm4b:s4+s3], $0x80, v3, vm0, $0xb8;
	[tilespmem:$0x12180] =	vst v63  }
0x16c: {  	s16 =	simm.s32 $0xF180  }
0x16d: {  	[tilespmem:s16], [sflag:$0x3] =	stream.indirect_vreg.gather [hbm4b:s5+s3], $0x80, v3, vm0, $0xb8;
	[tilespmem:$0x12180] =	vst v63  }
0x16e: {  	s16 =	simm.s32 $0xF980  }
0x16f: {  	[tilespmem:s16], [sflag:$0x3] =	stream.indirect_vreg.gather [hbm4b:s6+s3], $0x80, v3, vm0, $0xb8;
	[tilespmem:$0x12180] =	vst v63  }
0x170: {  	v3 =	vld.msk [tilespmem:$0xD0], $0xff;
	_ =	sdelay $0x4  }
0x171: {  	v59 =	vshll.u32 v3, $0x3  }
0x172: {  	v3 =	vand.u32 $0x7, v3;
	v4 =	vand.u32 $0xFFFFFFC0, v59  }
0x173: {  	v3 =	vor.u32 v3, v4  }
0x174: {  	v3 =	vperm.xlane v3, v0;
	_ =	sdelay $0x1  }
0x175: {  	v3 =	vadd.s32 v1, v3;
	_ =	sdelay $0x4  }
0x176: {  	[tilespmem:s23], [sflag:$0x3] =	stream.indirect_vreg.gather [hbm4b:s2+s3], $0x80, v3, vm0, $0xb8;
	[tilespmem:$0x12180] =	vst v63  }
0x177: {  	_ = 	snop  }
0x178: {  	[tilespmem:s24], [sflag:$0x3] =	stream.indirect_vreg.gather [hbm4b:s4+s3], $0x80, v3, vm0, $0xb8;
	[tilespmem:$0x12180] =	vst v63  }
0x179: {  	_ = 	snop  }
0x17a: {  	[tilespmem:s25], [sflag:$0x3] =	stream.indirect_vreg.gather [hbm4b:s5+s3], $0x80, v3, vm0, $0xb8;
	[tilespmem:$0x12180] =	vst v63  }
0x17b: {  	_ = 	snop  }
0x17c: {  	[tilespmem:s26], [sflag:$0x3] =	stream.indirect_vreg.gather [hbm4b:s6+s3], $0x80, v3, vm0, $0xb8;
	[tilespmem:$0x12180] =	vst v63  }
0x17d: {  	_ =	swait.ge [sflag:s10], $0x6000  }
0x17e: {  	[sflag:s10] =	ssyncset.done $0x0  }
0x17f: {  	s16 =	rddreg [dreg:$0xa];
	[sflag:s10] =	ssyncadd.s32 $0xFFFFA000  }
0x180: {  	[hbm4b:s16+s3] =	stream.linear.scatter [tilespmem:s22], [sflag:$0x4], $0x6000, $0x38;
	[tilespmem:$0x12180] =	vst v63  }
0x181: {  	_ =	swait.ge [sflag:s11], $0x6000  }
0x182: {  	[sflag:s11] =	ssyncset.done $0x0  }
0x183: {  	[sflag:s11] =	ssyncadd.s32 $0xFFFFA000  }
0x184: {  	v3 =	vld [tilespmem:$0xD8];
	_ =	sdelay $0x4  }
0x185: {  	v60 =	vshll.u32 v3, $0x3  }
0x186: {  	v3 =	vand.u32 $0x7, v3;
	v4 =	vand.u32 $0xFFFFFFC0, v60  }
0x187: {  	v3 =	vor.u32 v3, v4  }
0x188: {  	v4 =	vperm.xlane v3, v0;
	_ =	sdelay $0x1  }
0x189: {  	v4 =	vadd.s32 v1, v4;
	_ =	sdelay $0x4  }
0x18a: {  	[tilespmem:s22], [sflag:$0x1] =	stream.indirect_vreg.gather [hbm4b:s2+s3], $0x80, v4, vm0, $0xb8;
	[tilespmem:$0x12180] =	vst v63  }
0x18b: {  	s16 =	simm.s32 $0x980;
	v3 =	vperm.xlane v3, v2  }
0x18c: {  	[tilespmem:s16], [sflag:$0x1] =	stream.indirect_vreg.gather [hbm4b:s4+s3], $0x80, v4, vm0, $0xb8;
	[tilespmem:$0x12180] =	vst v63  }
0x18d: {  	v3 =	vadd.s32 v1, v3;
	s16 =	simm.s32 $0x1180  }
0x18e: {  	[tilespmem:s16], [sflag:$0x1] =	stream.indirect_vreg.gather [hbm4b:s5+s3], $0x80, v4, vm0, $0xb8;
	[tilespmem:$0x12180] =	vst v63  }
0x18f: {  	s16 =	simm.s32 $0x1980  }
0x190: {  	[tilespmem:s16], [sflag:$0x1] =	stream.indirect_vreg.gather [hbm4b:s6+s3], $0x80, v4, vm0, $0xb8;
	[tilespmem:$0x12180] =	vst v63  }
0x191: {  	s16 =	simm.s32 $0x2180  }
0x192: {  	[tilespmem:s16], [sflag:$0x1] =	stream.indirect_vreg.gather [hbm4b:s2+s3], $0x80, v3, vm0, $0xb8;
	[tilespmem:$0x12180] =	vst v63  }
0x193: {  	s16 =	simm.s32 $0x2980  }
0x194: {  	[tilespmem:s16], [sflag:$0x1] =	stream.indirect_vreg.gather [hbm4b:s4+s3], $0x80, v3, vm0, $0xb8;
	[tilespmem:$0x12180] =	vst v63  }
0x195: {  	s16 =	simm.s32 $0x3180  }
0x196: {  	[tilespmem:s16], [sflag:$0x1] =	stream.indirect_vreg.gather [hbm4b:s5+s3], $0x80, v3, vm0, $0xb8;
	[tilespmem:$0x12180] =	vst v63  }
0x197: {  	s16 =	simm.s32 $0x3980  }
0x198: {  	[tilespmem:s16], [sflag:$0x1] =	stream.indirect_vreg.gather [hbm4b:s6+s3], $0x80, v3, vm0, $0xb8;
	[tilespmem:$0x12180] =	vst v63  }
0x199: {  	v3 =	vld.msk [tilespmem:$0xE8], $0xff;
	_ =	sdelay $0x4  }
0x19a: {  	v61 =	vshll.u32 v3, $0x3  }
0x19b: {  	v3 =	vand.u32 $0x7, v3;
	v4 =	vand.u32 $0xFFFFFFC0, v61  }
0x19c: {  	v3 =	vor.u32 v3, v4  }
0x19d: {  	v3 =	vperm.xlane v3, v0;
	_ =	sdelay $0x1  }
0x19e: {  	v3 =	vadd.s32 v1, v3;
	_ =	sdelay $0x3  }
0x19f: {  	s16 =	simm.s32 $0x4180  }
0x1a0: {  	[tilespmem:s16], [sflag:$0x1] =	stream.indirect_vreg.gather [hbm4b:s2+s3], $0x80, v3, vm0, $0xb8;
	[tilespmem:$0x12180] =	vst v63  }
0x1a1: {  	s18 =	simm.s32 $0x4980  }
0x1a2: {  	[tilespmem:s18], [sflag:$0x1] =	stream.indirect_vreg.gather [hbm4b:s4+s3], $0x80, v3, vm0, $0xb8;
	[tilespmem:$0x12180] =	vst v63  }
0x1a3: {  	s19 =	simm.s32 $0x5180  }
0x1a4: {  	[tilespmem:s19], [sflag:$0x1] =	stream.indirect_vreg.gather [hbm4b:s5+s3], $0x80, v3, vm0, $0xb8;
	[tilespmem:$0x12180] =	vst v63  }
0x1a5: {  	s20 =	simm.s32 $0x5980  }
0x1a6: {  	[tilespmem:s20], [sflag:$0x1] =	stream.indirect_vreg.gather [hbm4b:s6+s3], $0x80, v3, vm0, $0xb8;
	[tilespmem:$0x12180] =	vst v63  }
0x1a7: {  	_ =	swait.ge [sflag:s12], $0x6000  }
0x1a8: {  	[sflag:s12] =	ssyncset.done $0x0  }
0x1a9: {  	s18 =	rddreg [dreg:$0xb];
	[sflag:s12] =	ssyncadd.s32 $0xFFFFA000  }
0x1aa: {  	[hbm4b:s18+s3] =	stream.linear.scatter [tilespmem:s21], [sflag:$0x5], $0x6000, $0x38;
	[tilespmem:$0x12180] =	vst v63  }
0x1ab: {  	_ =	swait.ge [sflag:s13], $0x6000  }
0x1ac: {  	[sflag:s13] =	ssyncset.done $0x0  }
0x1ad: {  	[sflag:s13] =	ssyncadd.s32 $0xFFFFA000  }
0x1ae: {  	v3 =	vld [tilespmem:$0xF0];
	_ =	sdelay $0x4  }
0x1af: {  	v62 =	vshll.u32 v3, $0x3  }
0x1b0: {  	v3 =	vand.u32 $0x7, v3;
	v4 =	vand.u32 $0xFFFFFFC0, v62  }
0x1b1: {  	v3 =	vor.u32 v3, v4  }
0x1b2: {  	v4 =	vperm.xlane v3, v0;
	_ =	sdelay $0x1  }
0x1b3: {  	v4 =	vadd.s32 v1, v4;
	_ =	sdelay $0x4  }
0x1b4: {  	[tilespmem:s21], [sflag:$0x2] =	stream.indirect_vreg.gather [hbm4b:s2+s3], $0x80, v4, vm0, $0xb8;
	[tilespmem:$0x12180] =	vst v63  }
0x1b5: {  	s19 =	simm.s32 $0x6980;
	v3 =	vperm.xlane v3, v2  }
0x1b6: {  	[tilespmem:s19], [sflag:$0x2] =	stream.indirect_vreg.gather [hbm4b:s4+s3], $0x80, v4, vm0, $0xb8;
	[tilespmem:$0x12180] =	vst v63  }
0x1b7: {  	s9 =	simm.s32 $0x7180;
	v3 =	vadd.s32 v1, v3  }
0x1b8: {  	[tilespmem:s9], [sflag:$0x2] =	stream.indirect_vreg.gather [hbm4b:s5+s3], $0x80, v4, vm0, $0xb8;
	[tilespmem:$0x12180] =	vst v63  }
0x1b9: {  	s28 =	simm.s32 $0x7980  }
0x1ba: {  	[tilespmem:s28], [sflag:$0x2] =	stream.indirect_vreg.gather [hbm4b:s6+s3], $0x80, v4, vm0, $0xb8;
	[tilespmem:$0x12180] =	vst v63  }
0x1bb: {  	s29 =	simm.s32 $0x8180  }
0x1bc: {  	[tilespmem:s29], [sflag:$0x2] =	stream.indirect_vreg.gather [hbm4b:s2+s3], $0x80, v3, vm0, $0xb8;
	[tilespmem:$0x12180] =	vst v63  }
0x1bd: {  	s30 =	simm.s32 $0x8980  }
0x1be: {  	[tilespmem:s30], [sflag:$0x2] =	stream.indirect_vreg.gather [hbm4b:s4+s3], $0x80, v3, vm0, $0xb8;
	[tilespmem:$0x12180] =	vst v63  }
0x1bf: {  	s31 =	simm.s32 $0x9180  }
0x1c0: {  	[tilespmem:s31], [sflag:$0x2] =	stream.indirect_vreg.gather [hbm4b:s5+s3], $0x80, v3, vm0, $0xb8;
	[tilespmem:$0x12180] =	vst v63  }
0x1c1: {  	s20 =	simm.s32 $0x9980  }
0x1c2: {  	[tilespmem:s20], [sflag:$0x2] =	stream.indirect_vreg.gather [hbm4b:s6+s3], $0x80, v3, vm0, $0xb8;
	[tilespmem:$0x12180] =	vst v63  }
0x1c3: {  	v3 =	vld.msk [tilespmem:$0x100], $0xff;
	_ =	sdelay $0x4  }
0x1c4: {  	v63 =	vshll.u32 v3, $0x3  }
0x1c5: {  	v3 =	vand.u32 $0x7, v3;
	v4 =	vand.u32 $0xFFFFFFC0, v63  }
0x1c6: {  	v3 =	vor.u32 v3, v4  }
0x1c7: {  	v3 =	vperm.xlane v3, v0;
	_ =	sdelay $0x1  }
0x1c8: {  	v3 =	vadd.s32 v1, v3;
	_ =	sdelay $0x3  }
0x1c9: {  	s1 =	simm.s32 $0xA180  }
0x1ca: {  	[tilespmem:s1], [sflag:$0x2] =	stream.indirect_vreg.gather [hbm4b:s2+s3], $0x80, v3, vm0, $0xb8;
	[tilespmem:$0x12180] =	vst v63  }
0x1cb: {  	s8 =	simm.s32 $0xA980  }
0x1cc: {  	[tilespmem:s8], [sflag:$0x2] =	stream.indirect_vreg.gather [hbm4b:s4+s3], $0x80, v3, vm0, $0xb8;
	[tilespmem:$0x12180] =	vst v63  }
0x1cd: {  	s17 =	simm.s32 $0xB180  }
0x1ce: {  	[tilespmem:s17], [sflag:$0x2] =	stream.indirect_vreg.gather [hbm4b:s5+s3], $0x80, v3, vm0, $0xb8;
	[tilespmem:$0x12180] =	vst v63  }
0x1cf: {  	s28 =	simm.s32 $0xB980  }
0x1d0: {  	[tilespmem:s28], [sflag:$0x2] =	stream.indirect_vreg.gather [hbm4b:s6+s3], $0x80, v3, vm0, $0xb8;
	[tilespmem:$0x12180] =	vst v63  }
0x1d1: {  	_ =	swait.ge [sflag:s14], $0x6000  }
0x1d2: {  	[sflag:s14] =	ssyncset.done $0x0  }
0x1d3: {  	s29 =	rddreg [dreg:$0xc];
	[sflag:s14] =	ssyncadd.s32 $0xFFFFA000  }
0x1d4: {  	[hbm4b:s29+s3] =	stream.linear.scatter [tilespmem:s0], [sflag:$0x6], $0x6000, $0x38;
	[tilespmem:$0x12180] =	vst v63  }
0x1d5: {  	_ =	swait.ge [sflag:s10], $0x6000  }
0x1d6: {  	[sflag:s10] =	ssyncset.done $0x0  }
0x1d7: {  	s30 =	rddreg [dreg:$0xd];
	[sflag:s10] =	ssyncadd.s32 $0xFFFFA000  }
0x1d8: {  	[hbm4b:s30+s3] =	stream.linear.scatter [tilespmem:s22], [sflag:$0x4], $0x6000, $0x38;
	[tilespmem:$0x12180] =	vst v63  }
0x1d9: {  	_ =	swait.ge [sflag:s12], $0x6000  }
0x1da: {  	[sflag:s12] =	ssyncset.done $0x0  }
0x1db: {  	s31 =	rddreg [dreg:$0xe];
	[sflag:s12] =	ssyncadd.s32 $0xFFFFA000  }
0x1dc: {  	[hbm4b:s31+s3] =	stream.linear.scatter [tilespmem:s21], [sflag:$0x5], $0x6000, $0x38;
	[tilespmem:$0x12180] =	vst v63  }
0x1dd: {  	_ =	swait.ge [sflag:s15], $0x6000  }
0x1de: {  	[sflag:s15] =	ssyncset.done $0x0  }
0x1df: {  	[sflag:s15] =	ssyncadd.s32 $0xFFFFA000  }
0x1e0: {  	p0 =	sne.s32 s7, $0x1;
	_ =	swait.ge [sflag:s11], $0x6000  }
.Ltmp0:
0x1e1: {  	[sflag:s11] =	ssyncset.done $0x0;
	(pc) =	sbr.rel @p0 .LBB2_1-.Ltmp0, $4  }
0x1e2: {  	[sflag:s11] =	ssyncadd.s32 $0xFFFFA000  }
0x1e3: {  	_ =	swait.ge [sflag:s13], $0x6000  }
0x1e4: {  	[sflag:s13] =	ssyncset.done $0x0  }
0x1e5: {  	s7 =	sadd.s32 $0xFFFFFFFF, s7;
	[sflag:s13] =	ssyncadd.s32 $0xFFFFA000  }
0x1e6: {  	_ =	sfence.sel $0x180000  }
0x1e7: {  	[bflag:$0x0] =	sbarrier.arrive $0xFFFF  }
0x1e8: {  	_ =	strace $0x90000053  }
0x1e9: {  	s0 =	stileid.u32;
	[bflag:$0x2] =	sbarrier.arrive $0xFFFF  }
0x1ea: {  	p0 =	sne.s32 s0, $0x0;
	s0 =	rddreg [dreg:$0x2]  }
0x1eb: {  	s0 =	sadd.s32 @!p0 $0x100000, s0  }
0x1ec: {  	[sflag:s0] =	ssyncadd.tile.s32 @!p0 $0x1;
	_ =	shalt  }
.Lfunc_end2:
_tile_overlayer_lowered:
.L_overlay_start_2:
0x1ed: {  	(tag) =	ssettag $0x2  }
0x1ee: {  	s0 =	rddreg [dreg:$0x0];
	s2 =	stileid.u32  }
0x1ef: {  	s1 =	rddreg [dreg:$0x1];
	p0 =	sne.s32 s2, $0x0  }
0x1f0: {  	s3 =	rddreg [dreg:$0x2];
	[bflag:$0x3] =	sbarrier.arrive $0xFFFF;
	s2 =	simm.s32 @!p0 $0x1C07  }
0x1f1: {  	[timem:s3], [sflag:s2] =	dma.local @!p0 [hbm:s0], s1  }
0x1f2: {  	s0 =	simm.s32 @!p0 $0x7  }
0x1f3: {  	_ =	swait.ge @!p0 [sflag:s0], s1  }
0x1f4: {  	s1 =	ssub.s32 @!p0 $0x0, s1;
	[sflag:s0] =	ssyncset.done @!p0 $0x0  }
0x1f5: {  	[sflag:s0] =	ssyncadd.s32 @!p0 s1  }
0x1f6: {  	[bflag:$0x3] =	sbarrier.arrive $0xFFFF  }
0x1f7: {  	_ =	shalt  }

</sc_bundles>
